<compile_context>
chip_gen: v7x
topology: tpu7x:2x2x1
jax: 0.10.2.dev20260603
libtpu: 0.0.44.dev20260713+nightly
codegen_flags: <defaults>
</compile_context>

<pallas_src>
import functools

import jax
import jax.numpy as jnp
from jax import lax
from jax.experimental import pallas as pl
from jax.experimental.pallas import tpu as pltpu
from jax.experimental.pallas import tpu_sc as plsc

N = 10000
E = 320000
D = 128
H = 128
G = 64

NC = 2
NS = 16
NW = NC * NS
CB = 128
NCH = 80
EPW = NCH * CB
EP = EPW * NW
NP = 10240
RPT = NP // NS
CPT = NP // NS
NB = NP // 128


def _sc_counts(dst_hbm, out_hbm, idx_v, val_v, acc):
    cid = lax.axis_index("c")
    sid = lax.axis_index("s")
    wid = sid * NC + cid

    def zb(i, carry):
        val_v[pl.ds(i * 16, 16)] = jnp.zeros((16,), jnp.float32)
        return carry
    lax.fori_loop(0, CPT // 16, zb, 0)
    pltpu.sync_copy(val_v, acc.at[pl.ds(sid * CPT, CPT)])

    def ob(i, carry):
        val_v[pl.ds(i * 16, 16)] = jnp.ones((16,), jnp.float32)
        return carry
    lax.fori_loop(0, CB // 16, ob, 0)

    pltpu.sync_copy(dst_hbm.at[wid], idx_v)
    plsc.subcore_barrier()

    def body(j, carry):
        pltpu.sync_copy(val_v.at[pl.ds(0, CB)], acc.at[idx_v.at[j]], add=True)
        return carry
    lax.fori_loop(0, NCH, body, 0)

    plsc.subcore_barrier()
    pltpu.sync_copy(acc.at[pl.ds(sid * CPT, CPT)],
                    out_hbm.at[cid, pl.ds(sid * CPT, CPT)])


def _sc_scatter(u_hbm, src_hbm, dst_hbm, out_hbm, src_v, dst_v, row_a, row_b,
                gsem_a, gsem_b, ssem_a, ssem_b, isem, zsem, acc):
    cid = lax.axis_index("c")
    sid = lax.axis_index("s")
    wid = sid * NC + cid

    pltpu.sync_copy(src_hbm.at[wid, 0], src_v.at[0])
    pltpu.sync_copy(dst_hbm.at[wid], dst_v)
    pltpu.async_copy(u_hbm.at[src_v.at[0]], row_a, gsem_a)
    pltpu.async_copy(src_hbm.at[wid, 1], src_v.at[1], isem)

    def zb(i, carry):
        row_b[i // 8, pl.ds((i % 8) * 16, 16)] = jnp.zeros((16,), jnp.float32)
        return carry
    lax.fori_loop(0, 40 * 8, zb, 0)
    base = sid * RPT
    for k in range(RPT // 40):
        pltpu.async_copy(row_b.at[pl.ds(0, 40)],
                         acc.at[pl.ds(base + k * 40, 40)], zsem)
    for k in range(RPT // 40):
        pltpu.make_async_copy(row_b.at[pl.ds(0, 40)],
                              acc.at[pl.ds(base + k * 40, 40)], zsem).wait()
    plsc.subcore_barrier()

    def half(j, sx_slot, rx, gx, sx, ry, gy, sy):
        @pl.when(j > 0)
        def _wait_prev_scatter():
            pltpu.make_async_copy(ry, acc.at[dst_v.at[j - 1]], sy).wait()

        @pl.when(j + 1 < NCH)
        def _next_gather():
            pltpu.make_async_copy(src_hbm.at[wid, j + 1],
                                  src_v.at[1 - sx_slot], isem).wait()
            pltpu.async_copy(u_hbm.at[src_v.at[1 - sx_slot]], ry, gy)

        pltpu.make_async_copy(u_hbm.at[src_v.at[sx_slot]], rx, gx).wait()
        pltpu.async_copy(rx, acc.at[dst_v.at[j]], sx, add=True)

        @pl.when(j + 2 < NCH)
        def _next_src_load():
            pltpu.async_copy(src_hbm.at[wid, j + 2], src_v.at[sx_slot], isem)

    def body(i, carry):
        half(2 * i, 0, row_a, gsem_a, ssem_a, row_b, gsem_b, ssem_b)
        half(2 * i + 1, 1, row_b, gsem_b, ssem_b, row_a, gsem_a, ssem_a)
        return carry
    lax.fori_loop(0, NCH // 2, body, 0)
    pltpu.make_async_copy(row_b, acc.at[dst_v.at[NCH - 1]], ssem_b).wait()

    plsc.subcore_barrier()
    pltpu.sync_copy(acc.at[pl.ds(base, RPT)],
                    out_hbm.at[cid, pl.ds(base, RPT)])


@functools.cache
def _sc_kernels():
    mesh = plsc.VectorSubcoreMesh(core_axis_name="c", subcore_axis_name="s",
                                  num_cores=NC, num_subcores=NS)
    counts = pl.kernel(
        _sc_counts,
        out_type=jax.ShapeDtypeStruct((NC, NP), jnp.float32),
        mesh=mesh,
        scratch_types=[
            pltpu.VMEM((NCH, CB), jnp.int32),
            pltpu.VMEM((CPT,), jnp.float32),
            pltpu.VMEM_SHARED((NP,), jnp.float32),
        ],
    )
    scatter = pl.kernel(
        _sc_scatter,
        out_type=jax.ShapeDtypeStruct((NC, NP, H), jnp.float32),
        mesh=mesh,
        scratch_types=[
            pltpu.VMEM((2, CB), jnp.int32),
            pltpu.VMEM((NCH, CB), jnp.int32),
            pltpu.VMEM((CB, H), jnp.float32),
            pltpu.VMEM((CB, H), jnp.float32),
            pltpu.SemaphoreType.DMA,
            pltpu.SemaphoreType.DMA,
            pltpu.SemaphoreType.DMA,
            pltpu.SemaphoreType.DMA,
            pltpu.SemaphoreType.DMA,
            pltpu.SemaphoreType.DMA,
            pltpu.VMEM_SHARED((NP, H), jnp.float32),
        ],
    )
    return counts, scatter



_P = lax.Precision.HIGHEST
NRB = 1024
NGB = NP // NRB


def _tc_mm0_body(x_ref, w_ref, o_ref):
    o_ref[...] = jnp.dot(x_ref[...], w_ref[...], precision=_P,
                         preferred_element_type=jnp.float32)


_tc_mm0 = pl.pallas_call(
    _tc_mm0_body,
    grid=(NGB,),
    in_specs=[pl.BlockSpec((NRB, D), lambda i: (i, 0)),
              pl.BlockSpec((D, H), lambda i: (0, 0))],
    out_specs=pl.BlockSpec((NRB, H), lambda i: (i, 0)),
    out_shape=jax.ShapeDtypeStruct((N, H), jnp.float32),
)


def _tc_scale_body(c_ref, hw_ref, u_ref, dinvb_ref):
    d2 = lax.rsqrt(1.0 + c_ref[0] + c_ref[1])
    i0 = lax.broadcasted_iota(jnp.int32, (128, 128), 0)
    i1 = lax.broadcasted_iota(jnp.int32, (128, 128), 1)
    eye = (i0 == i1).astype(jnp.float32)
    dm = d2[:, :, None] * eye[None, :, :]
    ones = jnp.ones((128, 128), jnp.float32)
    m = lax.dot_general(dm, ones, (((2,), (0,)), ((), ())),
                        precision=_P, preferred_element_type=jnp.float32)
    dinvb = jnp.reshape(m, (NRB, 128))
    u_ref[...] = hw_ref[...] * dinvb
    dinvb_ref[...] = dinvb


_tc_scale = pl.pallas_call(
    _tc_scale_body,
    grid=(NGB,),
    in_specs=[pl.BlockSpec((NC, NRB // 128, 128), lambda i: (0, i, 0)),
              pl.BlockSpec((NRB, H), lambda i: (i, 0))],
    out_specs=[pl.BlockSpec((NRB, H), lambda i: (i, 0))] * 2,
    out_shape=[jax.ShapeDtypeStruct((N, H), jnp.float32),
               jax.ShapeDtypeStruct((N, H), jnp.float32)],
)


def _tc_mid_body(p_ref, u_ref, dinvb_ref, b_ref, w_ref, out_ref):
    s = p_ref[0] + p_ref[1] + u_ref[...]
    h = jnp.maximum(s * dinvb_ref[...] + b_ref[...], 0.0)
    out_ref[...] = jnp.dot(h, w_ref[...], precision=_P,
                           preferred_element_type=jnp.float32) * dinvb_ref[...]


_tc_mid = pl.pallas_call(
    _tc_mid_body,
    grid=(NGB,),
    in_specs=[pl.BlockSpec((NC, NRB, H), lambda i: (0, i, 0)),
              pl.BlockSpec((NRB, H), lambda i: (i, 0)),
              pl.BlockSpec((NRB, H), lambda i: (i, 0)),
              pl.BlockSpec((1, H), lambda i: (0, 0)),
              pl.BlockSpec((H, H), lambda i: (0, 0))],
    out_specs=pl.BlockSpec((NRB, H), lambda i: (i, 0)),
    out_shape=jax.ShapeDtypeStruct((N, H), jnp.float32),
)


def _tc_fin_body(p_ref, u_ref, dinvb_ref, b_ref, batch_ref, out_ref, cnt_scr):
    i = pl.program_id(0)
    s = p_ref[0] + p_ref[1] + u_ref[...]
    h = jnp.maximum(s * dinvb_ref[...] + b_ref[...], 0.0)
    rv = lax.broadcasted_iota(jnp.int32, (NRB, H), 0) + i * NRB
    h = jnp.where(rv < N, h, 0.0)
    gi = lax.broadcasted_iota(jnp.int32, (G, NRB), 0)
    cv = lax.broadcasted_iota(jnp.int32, (G, NRB), 1) + i * NRB
    pmat = ((batch_ref[...] == gi) & (cv < N)).astype(jnp.float32)
    sums = jnp.dot(pmat, h, precision=_P,
                   preferred_element_type=jnp.float32)
    cntb = jnp.dot(pmat, jnp.ones((NRB, H), jnp.float32), precision=_P,
                   preferred_element_type=jnp.float32)

    @pl.when(i == 0)
    def _init():
        out_ref[...] = sums
        cnt_scr[...] = cntb

    @pl.when(i > 0)
    def _accum():
        out_ref[...] += sums
        cnt_scr[...] += cntb

    @pl.when(i == NGB - 1)
    def _finish():
        out_ref[...] = out_ref[...] / jnp.maximum(cnt_scr[...], 1.0)


_tc_fin = pl.pallas_call(
    _tc_fin_body,
    grid=(NGB,),
    in_specs=[pl.BlockSpec((NC, NRB, H), lambda i: (0, i, 0)),
              pl.BlockSpec((NRB, H), lambda i: (i, 0)),
              pl.BlockSpec((NRB, H), lambda i: (i, 0)),
              pl.BlockSpec((1, H), lambda i: (0, 0)),
              pl.BlockSpec((1, NRB), lambda i: (0, i))],
    out_specs=pl.BlockSpec((G, H), lambda i: (0, 0)),
    out_shape=jax.ShapeDtypeStruct((G, H), jnp.float32),
    scratch_shapes=[pltpu.VMEM((G, H), jnp.float32)],
)



def kernel(x, edge_index, batch, W0, b0, W1, b1, W2, b2):
    pad = EP - E
    pad_src = (jnp.arange(pad, dtype=jnp.int32) * 13) % N
    pad_dst = N + jnp.arange(pad, dtype=jnp.int32) % (NP - N)
    src_r = jnp.concatenate([edge_index[0], pad_src]).reshape(NW, NCH, CB)
    dst_r = jnp.concatenate([edge_index[1], pad_dst]).reshape(NW, NCH, CB)
    batch2 = batch.reshape(1, N)
    sc_counts, sc_scatter = _sc_kernels()

    hw0 = _tc_mm0(x, W0)
    cpart = sc_counts(dst_r)
    c3 = cpart.reshape(NC, NB, 128)
    u0, dinvb = _tc_scale(c3, hw0)

    p = sc_scatter(u0, src_r, dst_r)
    u1 = _tc_mid(p, u0, dinvb, b0.reshape(1, H), W1)
    p = sc_scatter(u1, src_r, dst_r)
    u2 = _tc_mid(p, u1, dinvb, b1.reshape(1, H), W2)
    p = sc_scatter(u2, src_r, dst_r)
    return _tc_fin(p, u2, dinvb, b2.reshape(1, H), batch2)

# --- scband reference (transcript-rebuilt; emitter-appended) ---
"""Pipeline reference for scband-fragment-gnn-32959579030068 (READ-ONLY COPY).

The authoritative reference and input builder live on the scoring server;
editing this copy changes nothing except your own understanding.
"""

import jax, jax.numpy as jnp
import numpy as np

N = 10000
E = 320000
D = 128
H = 128
G = 64


def setup_inputs(seed: int = 0) -> dict:
    key = jax.random.key(seed)
    ks = jax.random.split(key, 8)
    x = jax.random.normal(ks[0], (N, D), dtype=jnp.float32)
    edge_index = jax.random.randint(ks[1], (2, E), 0, N, dtype=jnp.int32)
    batch = jnp.sort(jax.random.randint(ks[2], (N,), 0, G, dtype=jnp.int32))
    s0 = 1.0 / np.sqrt(D)
    s1 = 1.0 / np.sqrt(H)
    W0 = jax.random.uniform(ks[3], (D, H), jnp.float32, -s0, s0)
    b0 = jnp.zeros((H,), jnp.float32)
    W1 = jax.random.uniform(ks[4], (H, H), jnp.float32, -s1, s1)
    b1 = jnp.zeros((H,), jnp.float32)
    W2 = jax.random.uniform(ks[5], (H, H), jnp.float32, -s1, s1)
    b2 = jnp.zeros((H,), jnp.float32)
    return {"x": x, "edge_index": edge_index, "batch": batch,
            "W0": W0, "b0": b0, "W1": W1, "b1": b1, "W2": W2, "b2": b2}


def _gcn_stack(x, src, dst, norm, Ws, bs, batch):
    # 3x GCNConv (self-loops + symmetric norm, PyG-style) with ReLU, then global mean pool
    h = x
    for W, b in zip(Ws, bs):
        hw = h @ W
        msg = jnp.take(hw, src, axis=0) * norm[:, None]
        h = jax.ops.segment_sum(msg, dst, num_segments=N) + b
        h = jax.nn.relu(h)
    sums = jax.ops.segment_sum(h, batch, num_segments=G)
    cnt = jax.ops.segment_sum(jnp.ones((N,), h.dtype), batch, num_segments=G)
    return sums / jnp.clip(cnt, 1.0)[:, None]


def reference(x, edge_index, batch, W0, b0, W1, b1, W2, b2):
    loops = jnp.arange(N, dtype=edge_index.dtype)
    src = jnp.concatenate([edge_index[0], loops])
    dst = jnp.concatenate([edge_index[1], loops])
    deg = jax.ops.segment_sum(jnp.ones((E + N,), jnp.float32), dst, num_segments=N)
    dinv = jnp.where(deg > 0, 1.0 / jnp.sqrt(deg), 0.0)
    norm = dinv[src] * dinv[dst]
    return _gcn_stack(x, src, dst, norm, (W0, W1, W2), (b0, b1, b2), batch)

if __name__ == "__main__":
    import jax
    _d = setup_inputs()
    print(jax.jit(kernel)(*tuple(_d.values())))

</pallas_src>

<mosaic_0001>
#map = affine_map<(d0, d1) -> (0, 0, 0)>
#map1 = affine_map<(d0, d1) -> (0, 0)>
module attributes {stable_mosaic.version = 14 : i64} {
  func.func @_sc_counts(%arg0: i32, %arg1: i32, %arg2: memref<32x80x128xi32, #tpu.memory_space<hbm>>, %arg3: memref<2x10240xf32, #tpu.memory_space<hbm>>, %arg4: memref<80x128xi32, #tpu.memory_space<vmem>>, %arg5: memref<640xf32, #tpu.memory_space<vmem>>, %arg6: memref<10240xf32, #tpu.memory_space<vmem_shared>>) attributes {dimension_semantics = [#tpu.dimension_semantics<core_parallel>, #tpu.dimension_semantics<subcore_parallel>], iteration_bounds = array<i64: 2, 16>, scalar_prefetch = 0 : i64, scratch_operands = 3 : i64, tpu.core_type = #tpu.core_type<sc_vector_subcore>, window_params = [{transform_indices = #map}, {transform_indices = #map1}]} {
    %mul3A = arith.constant 2 : i32
    %mul3A_0 = arith.muli %arg1, %mul3A : i32
    %add3A = arith.addi %mul3A_0, %arg0 : i32
    %scan3A = arith.constant 0 : i32
    %scan3A_1 = arith.constant 0 : i32
    %scan3A_2 = arith.constant 40 : i32
    %scan3A_3 = arith.addi %scan3A_1, %scan3A_2 : i32
    %scan3A_4 = arith.constant 1 : i32
    scf.for %scan3A_25 = %scan3A_1 to %scan3A_3 step %scan3A_4  : i32 {
      %broadcast_in_dim3A = arith.constant 0.000000e+00 : f32
      %broadcast_in_dim3A_26 = vector.broadcast %broadcast_in_dim3A : f32 to vector<16xf32>
      %mul3A_27 = arith.constant 16 : i32
      %mul3A_28 = arith.muli %scan3A_25, %mul3A_27 : i32
      %swap3A = arith.index_cast %mul3A_28 : i32 to index
      %swap3A_29 = tpu.vector_load %arg5[%swap3A] {strides = array<i32>} : memref<640xf32, #tpu.memory_space<vmem>>, vector<16xf32>,
      %swap3A_30 = vector.shape_cast %swap3A_29 : vector<16xf32> to vector<16xf32>
      %swap3A_31 = vector.shape_cast %broadcast_in_dim3A_26 : vector<16xf32> to vector<16xf32>
      tpu.vector_store %arg5[%swap3A], %swap3A_31 {strides = array<i32>} : memref<640xf32, #tpu.memory_space<vmem>>, vector<16xf32>,
    }
    %scan3A_5 = arith.constant 40 : i32
    %mul3A_6 = arith.constant 640 : i32
    %mul3A_7 = arith.muli %arg1, %mul3A_6 : i32
    "tpu.region"() ({
      %run_scoped3A = tpu.sem_alloc : memref<!tpu.dma_semaphore, #tpu.memory_space<semaphore_mem>>
      %dma_start3A = tpu.memref_slice %arg6[%mul3A_7] : memref<10240xf32, #tpu.memory_space<vmem_shared>> -> memref<640xf32, #tpu.memory_space<vmem_shared>>
      %dma_start3A_25 = tpu.memref_slice %arg6[%mul3A_7] : memref<10240xf32, #tpu.memory_space<vmem_shared>> -> memref<640xf32, #tpu.memory_space<vmem_shared>>
      tpu.enqueue_dma source(%arg5 : memref<640xf32, #tpu.memory_space<vmem>>) target(%dma_start3A_25 : memref<640xf32, #tpu.memory_space<vmem_shared>>) target_semaphore(%run_scoped3A : memref<!tpu.dma_semaphore, #tpu.memory_space<semaphore_mem>>)
      %dma_wait3A = tpu.memref_slice %arg6[%mul3A_7] : memref<10240xf32, #tpu.memory_space<vmem_shared>> -> memref<640xf32, #tpu.memory_space<vmem_shared>>
      %dma_wait3A_26 = tpu.memref_slice %arg6[%mul3A_7] : memref<10240xf32, #tpu.memory_space<vmem_shared>> -> memref<640xf32, #tpu.memory_space<vmem_shared>>
      tpu.wait_dma2 semaphore(%run_scoped3A : memref<!tpu.dma_semaphore, #tpu.memory_space<semaphore_mem>>) src(%arg5 : memref<640xf32, #tpu.memory_space<vmem>>) dst(%dma_wait3A_26 : memref<640xf32, #tpu.memory_space<vmem_shared>>)
      tpu.yield
    }) : () -> ()
    %scan3A_8 = arith.constant 0 : i32
    %scan3A_9 = arith.constant 0 : i32
    %scan3A_10 = arith.constant 8 : i32
    %scan3A_11 = arith.addi %scan3A_9, %scan3A_10 : i32
    %scan3A_12 = arith.constant 1 : i32
    scf.for %scan3A_25 = %scan3A_9 to %scan3A_11 step %scan3A_12  : i32 {
      %broadcast_in_dim3A = arith.constant 1.000000e+00 : f32
      %broadcast_in_dim3A_26 = vector.broadcast %broadcast_in_dim3A : f32 to vector<16xf32>
      %mul3A_27 = arith.constant 16 : i32
      %mul3A_28 = arith.muli %scan3A_25, %mul3A_27 : i32
      %swap3A = arith.index_cast %mul3A_28 : i32 to index
      %swap3A_29 = tpu.vector_load %arg5[%swap3A] {strides = array<i32>} : memref<640xf32, #tpu.memory_space<vmem>>, vector<16xf32>,
      %swap3A_30 = vector.shape_cast %swap3A_29 : vector<16xf32> to vector<16xf32>
      %swap3A_31 = vector.shape_cast %broadcast_in_dim3A_26 : vector<16xf32> to vector<16xf32>
      tpu.vector_store %arg5[%swap3A], %swap3A_31 {strides = array<i32>} : memref<640xf32, #tpu.memory_space<vmem>>, vector<16xf32>,
    }
    %scan3A_13 = arith.constant 8 : i32
    "tpu.region"() ({
      %run_scoped3A = tpu.sem_alloc : memref<!tpu.dma_semaphore, #tpu.memory_space<semaphore_mem>>
      %dma_start3A = arith.constant 0 : i32
      %dma_start3A_25 = arith.constant 0 : i32
      %dma_start3A_26 = tpu.memref_slice %arg2[%add3A, %dma_start3A, %dma_start3A_25] : memref<32x80x128xi32, #tpu.memory_space<hbm>> -> memref<1x80x128xi32, #tpu.memory_space<hbm>>
      %dma_start3A_27 = tpu.memref_squeeze %dma_start3A_26 : memref<1x80x128xi32, #tpu.memory_space<hbm>> -> memref<80x128xi32, #tpu.memory_space<hbm>>
      %dma_start3A_28 = arith.constant 0 : i32
      %dma_start3A_29 = arith.constant 0 : i32
      %dma_start3A_30 = tpu.memref_slice %arg2[%add3A, %dma_start3A_28, %dma_start3A_29] : memref<32x80x128xi32, #tpu.memory_space<hbm>> -> memref<1x80x128xi32, #tpu.memory_space<hbm>>
      %dma_start3A_31 = tpu.memref_squeeze %dma_start3A_30 : memref<1x80x128xi32, #tpu.memory_space<hbm>> -> memref<80x128xi32, #tpu.memory_space<hbm>>
      tpu.enqueue_dma source(%dma_start3A_31 : memref<80x128xi32, #tpu.memory_space<hbm>>) target(%arg4 : memref<80x128xi32, #tpu.memory_space<vmem>>) target_semaphore(%run_scoped3A : memref<!tpu.dma_semaphore, #tpu.memory_space<semaphore_mem>>)
      %dma_wait3A = arith.constant 0 : i32
      %dma_wait3A_32 = arith.constant 0 : i32
      %dma_wait3A_33 = tpu.memref_slice %arg2[%add3A, %dma_wait3A, %dma_wait3A_32] : memref<32x80x128xi32, #tpu.memory_space<hbm>> -> memref<1x80x128xi32, #tpu.memory_space<hbm>>
      %dma_wait3A_34 = tpu.memref_squeeze %dma_wait3A_33 : memref<1x80x128xi32, #tpu.memory_space<hbm>> -> memref<80x128xi32, #tpu.memory_space<hbm>>
      %dma_wait3A_35 = arith.constant 0 : i32
      %dma_wait3A_36 = arith.constant 0 : i32
      %dma_wait3A_37 = tpu.memref_slice %arg2[%add3A, %dma_wait3A_35, %dma_wait3A_36] : memref<32x80x128xi32, #tpu.memory_space<hbm>> -> memref<1x80x128xi32, #tpu.memory_space<hbm>>
      %dma_wait3A_38 = tpu.memref_squeeze %dma_wait3A_37 : memref<1x80x128xi32, #tpu.memory_space<hbm>> -> memref<80x128xi32, #tpu.memory_space<hbm>>
      tpu.wait_dma2 semaphore(%run_scoped3A : memref<!tpu.dma_semaphore, #tpu.memory_space<semaphore_mem>>) src(%dma_wait3A_38 : memref<80x128xi32, #tpu.memory_space<hbm>>) dst(%arg4 : memref<80x128xi32, #tpu.memory_space<vmem>>)
      tpu.yield
    }) : () -> ()
    %barrier3A = arith.constant 0 : index
    tpu.barrier barrier_id(%barrier3A)
    %scan3A_14 = arith.constant 0 : i32
    %scan3A_15 = arith.constant 0 : i32
    %scan3A_16 = arith.constant 80 : i32
    %scan3A_17 = arith.addi %scan3A_15, %scan3A_16 : i32
    %scan3A_18 = arith.constant 1 : i32
    scf.for %scan3A_25 = %scan3A_15 to %scan3A_17 step %scan3A_18  : i32 {
      "tpu.region"() ({
        %run_scoped3A = tpu.sem_alloc : memref<!tpu.dma_semaphore, #tpu.memory_space<semaphore_mem>>
        %dma_start3A = arith.constant 0 : i32
        %dma_start3A_26 = tpu.memref_slice %arg5[%dma_start3A] : memref<640xf32, #tpu.memory_space<vmem>> -> memref<128xf32, #tpu.memory_space<vmem>>
        %dma_start3A_27 = arith.constant 0 : i32
        %dma_start3A_28 = tpu.memref_slice %arg4[%scan3A_25, %dma_start3A_27] : memref<80x128xi32, #tpu.memory_space<vmem>> -> memref<1x128xi32, #tpu.memory_space<vmem>>
        %dma_start3A_29 = tpu.memref_squeeze %dma_start3A_28 : memref<1x128xi32, #tpu.memory_space<vmem>> -> memref<128xi32, #tpu.memory_space<vmem>>
        %dma_start3A_30 = arith.constant 0 : i32
        %dma_start3A_31 = tpu.memref_slice %arg6[%dma_start3A_30] : memref<10240xf32, #tpu.memory_space<vmem_shared>> -> memref<10240xf32, #tpu.memory_space<vmem_shared>>
        tpu.enqueue_indirect_dma source(%dma_start3A_26 : memref<128xf32, #tpu.memory_space<vmem>>) target(%dma_start3A_31 : memref<10240xf32, #tpu.memory_space<vmem_shared>>) offsets(%dma_start3A_29 : memref<128xi32, #tpu.memory_space<vmem>>) semaphore(%run_scoped3A : memref<!tpu.dma_semaphore, #tpu.memory_space<semaphore_mem>>) {add = true}
        %dma_wait3A = arith.constant 0 : i32
        %dma_wait3A_32 = tpu.memref_slice %arg5[%dma_wait3A] : memref<640xf32, #tpu.memory_space<vmem>> -> memref<128xf32, #tpu.memory_space<vmem>>
        %dma_wait3A_33 = arith.constant 0 : i32
        %dma_wait3A_34 = tpu.memref_slice %arg4[%scan3A_25, %dma_wait3A_33] : memref<80x128xi32, #tpu.memory_space<vmem>> -> memref<1x128xi32, #tpu.memory_space<vmem>>
        %dma_wait3A_35 = tpu.memref_squeeze %dma_wait3A_34 : memref<1x128xi32, #tpu.memory_space<vmem>> -> memref<128xi32, #tpu.memory_space<vmem>>
        %dma_wait3A_36 = arith.constant 0 : i32
        %dma_wait3A_37 = tpu.memref_slice %arg6[%dma_wait3A_36] : memref<10240xf32, #tpu.memory_space<vmem_shared>> -> memref<10240xf32, #tpu.memory_space<vmem_shared>>
        tpu.wait_indirect_dma semaphore(%run_scoped3A : memref<!tpu.dma_semaphore, #tpu.memory_space<semaphore_mem>>) src(%dma_wait3A_32 : memref<128xf32, #tpu.memory_space<vmem>>) dst(%dma_wait3A_37 : memref<10240xf32, #tpu.memory_space<vmem_shared>>)
        tpu.yield
      }) : () -> ()
    }
    %scan3A_19 = arith.constant 80 : i32
    %barrier3A_20 = arith.constant 0 : index
    tpu.barrier barrier_id(%barrier3A_20)
    %mul3A_21 = arith.constant 640 : i32
    %mul3A_22 = arith.muli %arg1, %mul3A_21 : i32
    %mul3A_23 = arith.constant 640 : i32
    %mul3A_24 = arith.muli %arg1, %mul3A_23 : i32
    "tpu.region"() ({
      %run_scoped3A = tpu.sem_alloc : memref<!tpu.dma_semaphore, #tpu.memory_space<semaphore_mem>>
      %dma_start3A = tpu.memref_slice %arg3[%arg0, %mul3A_24] : memref<2x10240xf32, #tpu.memory_space<hbm>> -> memref<1x640xf32, #tpu.memory_space<hbm>>
      %dma_start3A_25 = tpu.memref_squeeze %dma_start3A : memref<1x640xf32, #tpu.memory_space<hbm>> -> memref<640xf32, #tpu.memory_space<hbm>>
      %dma_start3A_26 = tpu.memref_slice %arg6[%mul3A_22] : memref<10240xf32, #tpu.memory_space<vmem_shared>> -> memref<640xf32, #tpu.memory_space<vmem_shared>>
      tpu.enqueue_dma source(%dma_start3A_26 : memref<640xf32, #tpu.memory_space<vmem_shared>>) target(%dma_start3A_25 : memref<640xf32, #tpu.memory_space<hbm>>) target_semaphore(%run_scoped3A : memref<!tpu.dma_semaphore, #tpu.memory_space<semaphore_mem>>)
      %dma_wait3A = tpu.memref_slice %arg3[%arg0, %mul3A_24] : memref<2x10240xf32, #tpu.memory_space<hbm>> -> memref<1x640xf32, #tpu.memory_space<hbm>>
      %dma_wait3A_27 = tpu.memref_squeeze %dma_wait3A : memref<1x640xf32, #tpu.memory_space<hbm>> -> memref<640xf32, #tpu.memory_space<hbm>>
      %dma_wait3A_28 = tpu.memref_slice %arg6[%mul3A_22] : memref<10240xf32, #tpu.memory_space<vmem_shared>> -> memref<640xf32, #tpu.memory_space<vmem_shared>>
      tpu.wait_dma2 semaphore(%run_scoped3A : memref<!tpu.dma_semaphore, #tpu.memory_space<semaphore_mem>>) src(%dma_wait3A_28 : memref<640xf32, #tpu.memory_space<vmem_shared>>) dst(%dma_wait3A_27 : memref<640xf32, #tpu.memory_space<hbm>>)
      tpu.yield
    }) : () -> ()
    return
  }
}

#map = affine_map<(d0, d1) -> (0, 0)>
#map1 = affine_map<(d0, d1) -> (0, 0, 0)>
module attributes {stable_mosaic.version = 14 : i64} {
  func.func @_sc_scatter(%arg0: i32, %arg1: i32, %arg2: memref<10000x128xf32, #tpu.memory_space<hbm>>, %arg3: memref<32x80x128xi32, #tpu.memory_space<hbm>>, %arg4: memref<32x80x128xi32, #tpu.memory_space<hbm>>, %arg5: memref<2x10240x128xf32, #tpu.memory_space<hbm>>, %arg6: memref<2x128xi32, #tpu.memory_space<vmem>>, %arg7: memref<80x128xi32, #tpu.memory_space<vmem>>, %arg8: memref<128x128xf32, #tpu.memory_space<vmem>>, %arg9: memref<128x128xf32, #tpu.memory_space<vmem>>, %arg10: memref<!tpu.dma_semaphore, #tpu.memory_space<semaphore_mem>>, %arg11: memref<!tpu.dma_semaphore, #tpu.memory_space<semaphore_mem>>, %arg12: memref<!tpu.dma_semaphore, #tpu.memory_space<semaphore_mem>>, %arg13: memref<!tpu.dma_semaphore, #tpu.memory_space<semaphore_mem>>, %arg14: memref<!tpu.dma_semaphore, #tpu.memory_space<semaphore_mem>>, %arg15: memref<!tpu.dma_semaphore, #tpu.memory_space<semaphore_mem>>, %arg16: memref<10240x128xf32, #tpu.memory_space<vmem_shared>>) attributes {dimension_semantics = [#tpu.dimension_semantics<core_parallel>, #tpu.dimension_semantics<subcore_parallel>], iteration_bounds = array<i64: 2, 16>, scalar_prefetch = 0 : i64, scratch_operands = 11 : i64, tpu.core_type = #tpu.core_type<sc_vector_subcore>, window_params = [{transform_indices = #map}, {transform_indices = #map1}, {transform_indices = #map1}, {transform_indices = #map1}]} {
    %mul3A = arith.constant 2 : i32
    %mul3A_0 = arith.muli %arg1, %mul3A : i32
    %add3A = arith.addi %mul3A_0, %arg0 : i32
    %run_scoped3A = arith.constant 0 : i32
    %run_scoped3A_1 = arith.constant 0 : i32
    "tpu.region"() ({
      %run_scoped3A_426 = tpu.sem_alloc : memref<!tpu.dma_semaphore, #tpu.memory_space<semaphore_mem>>
      %dma_start3A_427 = arith.constant 0 : i32
      %dma_start3A_428 = tpu.memref_slice %arg6[%run_scoped3A_1, %dma_start3A_427] : memref<2x128xi32, #tpu.memory_space<vmem>> -> memref<1x128xi32, #tpu.memory_space<vmem>>
      %dma_start3A_429 = tpu.memref_squeeze %dma_start3A_428 : memref<1x128xi32, #tpu.memory_space<vmem>> -> memref<128xi32, #tpu.memory_space<vmem>>
      %dma_start3A_430 = arith.constant 0 : i32
      %dma_start3A_431 = tpu.memref_slice %arg3[%add3A, %run_scoped3A, %dma_start3A_430] : memref<32x80x128xi32, #tpu.memory_space<hbm>> -> memref<1x1x128xi32, #tpu.memory_space<hbm>>
      %dma_start3A_432 = tpu.memref_squeeze %dma_start3A_431 : memref<1x1x128xi32, #tpu.memory_space<hbm>> -> memref<128xi32, #tpu.memory_space<hbm>>
      %dma_start3A_433 = arith.constant 0 : i32
      %dma_start3A_434 = tpu.memref_slice %arg6[%run_scoped3A_1, %dma_start3A_433] : memref<2x128xi32, #tpu.memory_space<vmem>> -> memref<1x128xi32, #tpu.memory_space<vmem>>
      %dma_start3A_435 = tpu.memref_squeeze %dma_start3A_434 : memref<1x128xi32, #tpu.memory_space<vmem>> -> memref<128xi32, #tpu.memory_space<vmem>>
      %dma_start3A_436 = arith.constant 0 : i32
      %dma_start3A_437 = tpu.memref_slice %arg3[%add3A, %run_scoped3A, %dma_start3A_436] : memref<32x80x128xi32, #tpu.memory_space<hbm>> -> memref<1x1x128xi32, #tpu.memory_space<hbm>>
      %dma_start3A_438 = tpu.memref_squeeze %dma_start3A_437 : memref<1x1x128xi32, #tpu.memory_space<hbm>> -> memref<128xi32, #tpu.memory_space<hbm>>
      tpu.enqueue_dma source(%dma_start3A_438 : memref<128xi32, #tpu.memory_space<hbm>>) target(%dma_start3A_435 : memref<128xi32, #tpu.memory_space<vmem>>) target_semaphore(%run_scoped3A_426 : memref<!tpu.dma_semaphore, #tpu.memory_space<semaphore_mem>>)
      %dma_wait3A_439 = arith.constant 0 : i32
      %dma_wait3A_440 = tpu.memref_slice %arg6[%run_scoped3A_1, %dma_wait3A_439] : memref<2x128xi32, #tpu.memory_space<vmem>> -> memref<1x128xi32, #tpu.memory_space<vmem>>
      %dma_wait3A_441 = tpu.memref_squeeze %dma_wait3A_440 : memref<1x128xi32, #tpu.memory_space<vmem>> -> memref<128xi32, #tpu.memory_space<vmem>>
      %dma_wait3A_442 = arith.constant 0 : i32
      %dma_wait3A_443 = tpu.memref_slice %arg3[%add3A, %run_scoped3A, %dma_wait3A_442] : memref<32x80x128xi32, #tpu.memory_space<hbm>> -> memref<1x1x128xi32, #tpu.memory_space<hbm>>
      %dma_wait3A_444 = tpu.memref_squeeze %dma_wait3A_443 : memref<1x1x128xi32, #tpu.memory_space<hbm>> -> memref<128xi32, #tpu.memory_space<hbm>>
      %dma_wait3A_445 = arith.constant 0 : i32
      %dma_wait3A_446 = tpu.memref_slice %arg6[%run_scoped3A_1, %dma_wait3A_445] : memref<2x128xi32, #tpu.memory_space<vmem>> -> memref<1x128xi32, #tpu.memory_space<vmem>>
      %dma_wait3A_447 = tpu.memref_squeeze %dma_wait3A_446 : memref<1x128xi32, #tpu.memory_space<vmem>> -> memref<128xi32, #tpu.memory_space<vmem>>
      %dma_wait3A_448 = arith.constant 0 : i32
      %dma_wait3A_449 = tpu.memref_slice %arg3[%add3A, %run_scoped3A, %dma_wait3A_448] : memref<32x80x128xi32, #tpu.memory_space<hbm>> -> memref<1x1x128xi32, #tpu.memory_space<hbm>>
      %dma_wait3A_450 = tpu.memref_squeeze %dma_wait3A_449 : memref<1x1x128xi32, #tpu.memory_space<hbm>> -> memref<128xi32, #tpu.memory_space<hbm>>
      tpu.wait_dma2 semaphore(%run_scoped3A_426 : memref<!tpu.dma_semaphore, #tpu.memory_space<semaphore_mem>>) src(%dma_wait3A_450 : memref<128xi32, #tpu.memory_space<hbm>>) dst(%dma_wait3A_447 : memref<128xi32, #tpu.memory_space<vmem>>)
      tpu.yield
    }) : () -> ()
    "tpu.region"() ({
      %run_scoped3A_426 = tpu.sem_alloc : memref<!tpu.dma_semaphore, #tpu.memory_space<semaphore_mem>>
      %dma_start3A_427 = arith.constant 0 : i32
      %dma_start3A_428 = arith.constant 0 : i32
      %dma_start3A_429 = tpu.memref_slice %arg4[%add3A, %dma_start3A_427, %dma_start3A_428] : memref<32x80x128xi32, #tpu.memory_space<hbm>> -> memref<1x80x128xi32, #tpu.memory_space<hbm>>
      %dma_start3A_430 = tpu.memref_squeeze %dma_start3A_429 : memref<1x80x128xi32, #tpu.memory_space<hbm>> -> memref<80x128xi32, #tpu.memory_space<hbm>>
      %dma_start3A_431 = arith.constant 0 : i32
      %dma_start3A_432 = arith.constant 0 : i32
      %dma_start3A_433 = tpu.memref_slice %arg4[%add3A, %dma_start3A_431, %dma_start3A_432] : memref<32x80x128xi32, #tpu.memory_space<hbm>> -> memref<1x80x128xi32, #tpu.memory_space<hbm>>
      %dma_start3A_434 = tpu.memref_squeeze %dma_start3A_433 : memref<1x80x128xi32, #tpu.memory_space<hbm>> -> memref<80x128xi32, #tpu.memory_space<hbm>>
      tpu.enqueue_dma source(%dma_start3A_434 : memref<80x128xi32, #tpu.memory_space<hbm>>) target(%arg7 : memref<80x128xi32, #tpu.memory_space<vmem>>) target_semaphore(%run_scoped3A_426 : memref<!tpu.dma_semaphore, #tpu.memory_space<semaphore_mem>>)
      %dma_wait3A_435 = arith.constant 0 : i32
      %dma_wait3A_436 = arith.constant 0 : i32
      %dma_wait3A_437 = tpu.memref_slice %arg4[%add3A, %dma_wait3A_435, %dma_wait3A_436] : memref<32x80x128xi32, #tpu.memory_space<hbm>> -> memref<1x80x128xi32, #tpu.memory_space<hbm>>
      %dma_wait3A_438 = tpu.memref_squeeze %dma_wait3A_437 : memref<1x80x128xi32, #tpu.memory_space<hbm>> -> memref<80x128xi32, #tpu.memory_space<hbm>>
      %dma_wait3A_439 = arith.constant 0 : i32
      %dma_wait3A_440 = arith.constant 0 : i32
      %dma_wait3A_441 = tpu.memref_slice %arg4[%add3A, %dma_wait3A_439, %dma_wait3A_440] : memref<32x80x128xi32, #tpu.memory_space<hbm>> -> memref<1x80x128xi32, #tpu.memory_space<hbm>>
      %dma_wait3A_442 = tpu.memref_squeeze %dma_wait3A_441 : memref<1x80x128xi32, #tpu.memory_space<hbm>> -> memref<80x128xi32, #tpu.memory_space<hbm>>
      tpu.wait_dma2 semaphore(%run_scoped3A_426 : memref<!tpu.dma_semaphore, #tpu.memory_space<semaphore_mem>>) src(%dma_wait3A_442 : memref<80x128xi32, #tpu.memory_space<hbm>>) dst(%arg7 : memref<80x128xi32, #tpu.memory_space<vmem>>)
      tpu.yield
    }) : () -> ()
    %dma_start3A = arith.constant 0 : i32
    %dma_start3A_2 = arith.constant 0 : i32
    %dma_start3A_3 = tpu.memref_slice %arg6[%dma_start3A, %dma_start3A_2] : memref<2x128xi32, #tpu.memory_space<vmem>> -> memref<1x128xi32, #tpu.memory_space<vmem>>
    %dma_start3A_4 = tpu.memref_squeeze %dma_start3A_3 : memref<1x128xi32, #tpu.memory_space<vmem>> -> memref<128xi32, #tpu.memory_space<vmem>>
    %dma_start3A_5 = arith.constant 0 : i32
    %dma_start3A_6 = arith.constant 0 : i32
    %dma_start3A_7 = tpu.memref_slice %arg2[%dma_start3A_5, %dma_start3A_6] : memref<10000x128xf32, #tpu.memory_space<hbm>> -> memref<10000x128xf32, #tpu.memory_space<hbm>>
    tpu.enqueue_indirect_dma source(%dma_start3A_7 : memref<10000x128xf32, #tpu.memory_space<hbm>>) target(%arg8 : memref<128x128xf32, #tpu.memory_space<vmem>>) offsets(%dma_start3A_4 : memref<128xi32, #tpu.memory_space<vmem>>) semaphore(%arg10 : memref<!tpu.dma_semaphore, #tpu.memory_space<semaphore_mem>>)
    %dma_start3A_8 = arith.constant 1 : i32
    %dma_start3A_9 = arith.constant 1 : i32
    %dma_start3A_10 = arith.constant 0 : i32
    %dma_start3A_11 = tpu.memref_slice %arg6[%dma_start3A_9, %dma_start3A_10] : memref<2x128xi32, #tpu.memory_space<vmem>> -> memref<1x128xi32, #tpu.memory_space<vmem>>
    %dma_start3A_12 = tpu.memref_squeeze %dma_start3A_11 : memref<1x128xi32, #tpu.memory_space<vmem>> -> memref<128xi32, #tpu.memory_space<vmem>>
    %dma_start3A_13 = arith.constant 0 : i32
    %dma_start3A_14 = tpu.memref_slice %arg3[%add3A, %dma_start3A_8, %dma_start3A_13] : memref<32x80x128xi32, #tpu.memory_space<hbm>> -> memref<1x1x128xi32, #tpu.memory_space<hbm>>
    %dma_start3A_15 = tpu.memref_squeeze %dma_start3A_14 : memref<1x1x128xi32, #tpu.memory_space<hbm>> -> memref<128xi32, #tpu.memory_space<hbm>>
    %dma_start3A_16 = arith.constant 0 : i32
    %dma_start3A_17 = tpu.memref_slice %arg6[%dma_start3A_9, %dma_start3A_16] : memref<2x128xi32, #tpu.memory_space<vmem>> -> memref<1x128xi32, #tpu.memory_space<vmem>>
    %dma_start3A_18 = tpu.memref_squeeze %dma_start3A_17 : memref<1x128xi32, #tpu.memory_space<vmem>> -> memref<128xi32, #tpu.memory_space<vmem>>
    %dma_start3A_19 = arith.constant 0 : i32
    %dma_start3A_20 = tpu.memref_slice %arg3[%add3A, %dma_start3A_8, %dma_start3A_19] : memref<32x80x128xi32, #tpu.memory_space<hbm>> -> memref<1x1x128xi32, #tpu.memory_space<hbm>>
    %dma_start3A_21 = tpu.memref_squeeze %dma_start3A_20 : memref<1x1x128xi32, #tpu.memory_space<hbm>> -> memref<128xi32, #tpu.memory_space<hbm>>
    tpu.enqueue_dma source(%dma_start3A_21 : memref<128xi32, #tpu.memory_space<hbm>>) target(%dma_start3A_18 : memref<128xi32, #tpu.memory_space<vmem>>) target_semaphore(%arg14 : memref<!tpu.dma_semaphore, #tpu.memory_space<semaphore_mem>>)
    %scan3A = arith.constant 0 : i32
    %scan3A_22 = arith.constant 0 : i32
    %scan3A_23 = arith.constant 320 : i32
    %scan3A_24 = arith.addi %scan3A_22, %scan3A_23 : i32
    %scan3A_25 = arith.constant 1 : i32
    scf.for %scan3A_426 = %scan3A_22 to %scan3A_24 step %scan3A_25  : i32 {
      %broadcast_in_dim3A = arith.constant 0.000000e+00 : f32
      %broadcast_in_dim3A_427 = vector.broadcast %broadcast_in_dim3A : f32 to vector<16xf32>
      %jit3A = arith.constant 8 : i32
      %div3A = arith.divsi %scan3A_426, %jit3A : i32
      %sign3A = arith.constant 0 : i32
      %sign3A_428 = arith.cmpi sgt, %scan3A_426, %sign3A : i32
      %sign3A_429 = arith.extui %sign3A_428 : i1 to i32
      %sign3A_430 = arith.constant 0 : i32
      %sign3A_431 = arith.cmpi slt, %scan3A_426, %sign3A_430 : i32
      %sign3A_432 = arith.extui %sign3A_431 : i1 to i32
      %sign3A_433 = arith.subi %sign3A_429, %sign3A_432 : i32
      %sign3A_434 = arith.constant 0 : i32
      %sign3A_435 = arith.cmpi sgt, %jit3A, %sign3A_434 : i32
      %sign3A_436 = arith.extui %sign3A_435 : i1 to i32
      %sign3A_437 = arith.constant 0 : i32
      %sign3A_438 = arith.cmpi slt, %jit3A, %sign3A_437 : i32
      %sign3A_439 = arith.extui %sign3A_438 : i1 to i32
      %sign3A_440 = arith.subi %sign3A_436, %sign3A_439 : i32
      %ne3A = arith.cmpi ne, %sign3A_433, %sign3A_440 : i32
      %rem3A = arith.remsi %scan3A_426, %jit3A : i32
      %ne3A_441 = arith.constant 0 : i32
      %ne3A_442 = arith.cmpi ne, %rem3A, %ne3A_441 : i32
      %and3A = arith.andi %ne3A, %ne3A_442 : i1
      %sub3A = arith.constant 1 : i32
      %sub3A_443 = arith.subi %div3A, %sub3A : i32
      %select_n3A = arith.select %and3A, %sub3A_443, %div3A : i32
      %jit3A_444 = arith.constant 8 : i32
      %eq3A = arith.constant 0 : i32
      %eq3A_445 = arith.cmpi eq, %jit3A_444, %eq3A : i32
      %jit3A_446 = arith.constant 1 : i32
      %select_n3A_447 = arith.select %eq3A_445, %jit3A_446, %jit3A_444 : i32
      %rem3A_448 = arith.remsi %scan3A_426, %select_n3A_447 : i32
      %ne3A_449 = arith.constant 0 : i32
      %ne3A_450 = arith.cmpi ne, %rem3A_448, %ne3A_449 : i32
      %lt3A = arith.constant 0 : i32
      %lt3A_451 = arith.cmpi slt, %rem3A_448, %lt3A : i32
      %lt3A_452 = arith.constant 0 : i32
      %lt3A_453 = arith.cmpi slt, %select_n3A_447, %lt3A_452 : i32
      %ne3A_454 = arith.xori %lt3A_451, %lt3A_453 : i1
      %and3A_455 = arith.andi %ne3A_454, %ne3A_450 : i1
      %add3A_456 = arith.addi %rem3A_448, %select_n3A_447 : i32
      %select_n3A_457 = arith.select %and3A_455, %add3A_456, %rem3A_448 : i32
      %mul3A_458 = arith.constant 16 : i32
      %mul3A_459 = arith.muli %select_n3A_457, %mul3A_458 : i32
      %swap3A = arith.index_cast %select_n3A : i32 to index
      %swap3A_460 = arith.index_cast %mul3A_459 : i32 to index
      %swap3A_461 = tpu.vector_load %arg9[%swap3A, %swap3A_460] {strides = array<i32>} : memref<128x128xf32, #tpu.memory_space<vmem>>, vector<1x16xf32>,
      %swap3A_462 = vector.shape_cast %swap3A_461 : vector<1x16xf32> to vector<16xf32>
      %swap3A_463 = vector.shape_cast %broadcast_in_dim3A_427 : vector<16xf32> to vector<1x16xf32>
      tpu.vector_store %arg9[%swap3A, %swap3A_460], %swap3A_463 {strides = array<i32>} : memref<128x128xf32, #tpu.memory_space<vmem>>, vector<1x16xf32>,
    }
    %scan3A_26 = arith.constant 320 : i32
    %mul3A_27 = arith.constant 640 : i32
    %mul3A_28 = arith.muli %arg1, %mul3A_27 : i32
    %add3A_29 = arith.constant 0 : i32
    %add3A_30 = arith.addi %mul3A_28, %add3A_29 : i32
    %dma_start3A_31 = arith.constant 0 : i32
    %dma_start3A_32 = arith.constant 0 : i32
    %dma_start3A_33 = tpu.memref_slice %arg9[%dma_start3A_31, %dma_start3A_32] : memref<128x128xf32, #tpu.memory_space<vmem>> -> memref<40x128xf32, #tpu.memory_space<vmem>>
    %dma_start3A_34 = arith.constant 0 : i32
    %dma_start3A_35 = tpu.memref_slice %arg16[%add3A_30, %dma_start3A_34] : memref<10240x128xf32, #tpu.memory_space<vmem_shared>> -> memref<40x128xf32, #tpu.memory_space<vmem_shared>>
    %dma_start3A_36 = arith.constant 0 : i32
    %dma_start3A_37 = tpu.memref_slice %arg16[%add3A_30, %dma_start3A_36] : memref<10240x128xf32, #tpu.memory_space<vmem_shared>> -> memref<40x128xf32, #tpu.memory_space<vmem_shared>>
    %dma_start3A_38 = arith.constant 0 : i32
    %dma_start3A_39 = arith.constant 0 : i32
    %dma_start3A_40 = tpu.memref_slice %arg9[%dma_start3A_38, %dma_start3A_39] : memref<128x128xf32, #tpu.memory_space<vmem>> -> memref<40x128xf32, #tpu.memory_space<vmem>>
    tpu.enqueue_dma source(%dma_start3A_40 : memref<40x128xf32, #tpu.memory_space<vmem>>) target(%dma_start3A_37 : memref<40x128xf32, #tpu.memory_space<vmem_shared>>) target_semaphore(%arg15 : memref<!tpu.dma_semaphore, #tpu.memory_space<semaphore_mem>>)
    %add3A_41 = arith.constant 40 : i32
    %add3A_42 = arith.addi %mul3A_28, %add3A_41 : i32
    %dma_start3A_43 = arith.constant 0 : i32
    %dma_start3A_44 = arith.constant 0 : i32
    %dma_start3A_45 = tpu.memref_slice %arg9[%dma_start3A_43, %dma_start3A_44] : memref<128x128xf32, #tpu.memory_space<vmem>> -> memref<40x128xf32, #tpu.memory_space<vmem>>
    %dma_start3A_46 = arith.constant 0 : i32
    %dma_start3A_47 = tpu.memref_slice %arg16[%add3A_42, %dma_start3A_46] : memref<10240x128xf32, #tpu.memory_space<vmem_shared>> -> memref<40x128xf32, #tpu.memory_space<vmem_shared>>
    %dma_start3A_48 = arith.constant 0 : i32
    %dma_start3A_49 = tpu.memref_slice %arg16[%add3A_42, %dma_start3A_48] : memref<10240x128xf32, #tpu.memory_space<vmem_shared>> -> memref<40x128xf32, #tpu.memory_space<vmem_shared>>
    %dma_start3A_50 = arith.constant 0 : i32
    %dma_start3A_51 = arith.constant 0 : i32
    %dma_start3A_52 = tpu.memref_slice %arg9[%dma_start3A_50, %dma_start3A_51] : memref<128x128xf32, #tpu.memory_space<vmem>> -> memref<40x128xf32, #tpu.memory_space<vmem>>
    tpu.enqueue_dma source(%dma_start3A_52 : memref<40x128xf32, #tpu.memory_space<vmem>>) target(%dma_start3A_49 : memref<40x128xf32, #tpu.memory_space<vmem_shared>>) target_semaphore(%arg15 : memref<!tpu.dma_semaphore, #tpu.memory_space<semaphore_mem>>)
    %add3A_53 = arith.constant 80 : i32
    %add3A_54 = arith.addi %mul3A_28, %add3A_53 : i32
    %dma_start3A_55 = arith.constant 0 : i32
    %dma_start3A_56 = arith.constant 0 : i32
    %dma_start3A_57 = tpu.memref_slice %arg9[%dma_start3A_55, %dma_start3A_56] : memref<128x128xf32, #tpu.memory_space<vmem>> -> memref<40x128xf32, #tpu.memory_space<vmem>>
    %dma_start3A_58 = arith.constant 0 : i32
    %dma_start3A_59 = tpu.memref_slice %arg16[%add3A_54, %dma_start3A_58] : memref<10240x128xf32, #tpu.memory_space<vmem_shared>> -> memref<40x128xf32, #tpu.memory_space<vmem_shared>>
    %dma_start3A_60 = arith.constant 0 : i32
    %dma_start3A_61 = tpu.memref_slice %arg16[%add3A_54, %dma_start3A_60] : memref<10240x128xf32, #tpu.memory_space<vmem_shared>> -> memref<40x128xf32, #tpu.memory_space<vmem_shared>>
    %dma_start3A_62 = arith.constant 0 : i32
    %dma_start3A_63 = arith.constant 0 : i32
    %dma_start3A_64 = tpu.memref_slice %arg9[%dma_start3A_62, %dma_start3A_63] : memref<128x128xf32, #tpu.memory_space<vmem>> -> memref<40x128xf32, #tpu.memory_space<vmem>>
    tpu.enqueue_dma source(%dma_start3A_64 : memref<40x128xf32, #tpu.memory_space<vmem>>) target(%dma_start3A_61 : memref<40x128xf32, #tpu.memory_space<vmem_shared>>) target_semaphore(%arg15 : memref<!tpu.dma_semaphore, #tpu.memory_space<semaphore_mem>>)
    %add3A_65 = arith.constant 120 : i32
    %add3A_66 = arith.addi %mul3A_28, %add3A_65 : i32
    %dma_start3A_67 = arith.constant 0 : i32
    %dma_start3A_68 = arith.constant 0 : i32
    %dma_start3A_69 = tpu.memref_slice %arg9[%dma_start3A_67, %dma_start3A_68] : memref<128x128xf32, #tpu.memory_space<vmem>> -> memref<40x128xf32, #tpu.memory_space<vmem>>
    %dma_start3A_70 = arith.constant 0 : i32
    %dma_start3A_71 = tpu.memref_slice %arg16[%add3A_66, %dma_start3A_70] : memref<10240x128xf32, #tpu.memory_space<vmem_shared>> -> memref<40x128xf32, #tpu.memory_space<vmem_shared>>
    %dma_start3A_72 = arith.constant 0 : i32
    %dma_start3A_73 = tpu.memref_slice %arg16[%add3A_66, %dma_start3A_72] : memref<10240x128xf32, #tpu.memory_space<vmem_shared>> -> memref<40x128xf32, #tpu.memory_space<vmem_shared>>
    %dma_start3A_74 = arith.constant 0 : i32
    %dma_start3A_75 = arith.constant 0 : i32
    %dma_start3A_76 = tpu.memref_slice %arg9[%dma_start3A_74, %dma_start3A_75] : memref<128x128xf32, #tpu.memory_space<vmem>> -> memref<40x128xf32, #tpu.memory_space<vmem>>
    tpu.enqueue_dma source(%dma_start3A_76 : memref<40x128xf32, #tpu.memory_space<vmem>>) target(%dma_start3A_73 : memref<40x128xf32, #tpu.memory_space<vmem_shared>>) target_semaphore(%arg15 : memref<!tpu.dma_semaphore, #tpu.memory_space<semaphore_mem>>)
    %add3A_77 = arith.constant 160 : i32
    %add3A_78 = arith.addi %mul3A_28, %add3A_77 : i32
    %dma_start3A_79 = arith.constant 0 : i32
    %dma_start3A_80 = arith.constant 0 : i32
    %dma_start3A_81 = tpu.memref_slice %arg9[%dma_start3A_79, %dma_start3A_80] : memref<128x128xf32, #tpu.memory_space<vmem>> -> memref<40x128xf32, #tpu.memory_space<vmem>>
    %dma_start3A_82 = arith.constant 0 : i32
    %dma_start3A_83 = tpu.memref_slice %arg16[%add3A_78, %dma_start3A_82] : memref<10240x128xf32, #tpu.memory_space<vmem_shared>> -> memref<40x128xf32, #tpu.memory_space<vmem_shared>>
    %dma_start3A_84 = arith.constant 0 : i32
    %dma_start3A_85 = tpu.memref_slice %arg16[%add3A_78, %dma_start3A_84] : memref<10240x128xf32, #tpu.memory_space<vmem_shared>> -> memref<40x128xf32, #tpu.memory_space<vmem_shared>>
    %dma_start3A_86 = arith.constant 0 : i32
    %dma_start3A_87 = arith.constant 0 : i32
    %dma_start3A_88 = tpu.memref_slice %arg9[%dma_start3A_86, %dma_start3A_87] : memref<128x128xf32, #tpu.memory_space<vmem>> -> memref<40x128xf32, #tpu.memory_space<vmem>>
    tpu.enqueue_dma source(%dma_start3A_88 : memref<40x128xf32, #tpu.memory_space<vmem>>) target(%dma_start3A_85 : memref<40x128xf32, #tpu.memory_space<vmem_shared>>) target_semaphore(%arg15 : memref<!tpu.dma_semaphore, #tpu.memory_space<semaphore_mem>>)
    %add3A_89 = arith.constant 200 : i32
    %add3A_90 = arith.addi %mul3A_28, %add3A_89 : i32
    %dma_start3A_91 = arith.constant 0 : i32
    %dma_start3A_92 = arith.constant 0 : i32
    %dma_start3A_93 = tpu.memref_slice %arg9[%dma_start3A_91, %dma_start3A_92] : memref<128x128xf32, #tpu.memory_space<vmem>> -> memref<40x128xf32, #tpu.memory_space<vmem>>
    %dma_start3A_94 = arith.constant 0 : i32
    %dma_start3A_95 = tpu.memref_slice %arg16[%add3A_90, %dma_start3A_94] : memref<10240x128xf32, #tpu.memory_space<vmem_shared>> -> memref<40x128xf32, #tpu.memory_space<vmem_shared>>
    %dma_start3A_96 = arith.constant 0 : i32
    %dma_start3A_97 = tpu.memref_slice %arg16[%add3A_90, %dma_start3A_96] : memref<10240x128xf32, #tpu.memory_space<vmem_shared>> -> memref<40x128xf32, #tpu.memory_space<vmem_shared>>
    %dma_start3A_98 = arith.constant 0 : i32
    %dma_start3A_99 = arith.constant 0 : i32
    %dma_start3A_100 = tpu.memref_slice %arg9[%dma_start3A_98, %dma_start3A_99] : memref<128x128xf32, #tpu.memory_space<vmem>> -> memref<40x128xf32, #tpu.memory_space<vmem>>
    tpu.enqueue_dma source(%dma_start3A_100 : memref<40x128xf32, #tpu.memory_space<vmem>>) target(%dma_start3A_97 : memref<40x128xf32, #tpu.memory_space<vmem_shared>>) target_semaphore(%arg15 : memref<!tpu.dma_semaphore, #tpu.memory_space<semaphore_mem>>)
    %add3A_101 = arith.constant 240 : i32
    %add3A_102 = arith.addi %mul3A_28, %add3A_101 : i32
    %dma_start3A_103 = arith.constant 0 : i32
    %dma_start3A_104 = arith.constant 0 : i32
    %dma_start3A_105 = tpu.memref_slice %arg9[%dma_start3A_103, %dma_start3A_104] : memref<128x128xf32, #tpu.memory_space<vmem>> -> memref<40x128xf32, #tpu.memory_space<vmem>>
    %dma_start3A_106 = arith.constant 0 : i32
    %dma_start3A_107 = tpu.memref_slice %arg16[%add3A_102, %dma_start3A_106] : memref<10240x128xf32, #tpu.memory_space<vmem_shared>> -> memref<40x128xf32, #tpu.memory_space<vmem_shared>>
    %dma_start3A_108 = arith.constant 0 : i32
    %dma_start3A_109 = tpu.memref_slice %arg16[%add3A_102, %dma_start3A_108] : memref<10240x128xf32, #tpu.memory_space<vmem_shared>> -> memref<40x128xf32, #tpu.memory_space<vmem_shared>>
    %dma_start3A_110 = arith.constant 0 : i32
    %dma_start3A_111 = arith.constant 0 : i32
    %dma_start3A_112 = tpu.memref_slice %arg9[%dma_start3A_110, %dma_start3A_111] : memref<128x128xf32, #tpu.memory_space<vmem>> -> memref<40x128xf32, #tpu.memory_space<vmem>>
    tpu.enqueue_dma source(%dma_start3A_112 : memref<40x128xf32, #tpu.memory_space<vmem>>) target(%dma_start3A_109 : memref<40x128xf32, #tpu.memory_space<vmem_shared>>) target_semaphore(%arg15 : memref<!tpu.dma_semaphore, #tpu.memory_space<semaphore_mem>>)
    %add3A_113 = arith.constant 280 : i32
    %add3A_114 = arith.addi %mul3A_28, %add3A_113 : i32
    %dma_start3A_115 = arith.constant 0 : i32
    %dma_start3A_116 = arith.constant 0 : i32
    %dma_start3A_117 = tpu.memref_slice %arg9[%dma_start3A_115, %dma_start3A_116] : memref<128x128xf32, #tpu.memory_space<vmem>> -> memref<40x128xf32, #tpu.memory_space<vmem>>
    %dma_start3A_118 = arith.constant 0 : i32
    %dma_start3A_119 = tpu.memref_slice %arg16[%add3A_114, %dma_start3A_118] : memref<10240x128xf32, #tpu.memory_space<vmem_shared>> -> memref<40x128xf32, #tpu.memory_space<vmem_shared>>
    %dma_start3A_120 = arith.constant 0 : i32
    %dma_start3A_121 = tpu.memref_slice %arg16[%add3A_114, %dma_start3A_120] : memref<10240x128xf32, #tpu.memory_space<vmem_shared>> -> memref<40x128xf32, #tpu.memory_space<vmem_shared>>
    %dma_start3A_122 = arith.constant 0 : i32
    %dma_start3A_123 = arith.constant 0 : i32
    %dma_start3A_124 = tpu.memref_slice %arg9[%dma_start3A_122, %dma_start3A_123] : memref<128x128xf32, #tpu.memory_space<vmem>> -> memref<40x128xf32, #tpu.memory_space<vmem>>
    tpu.enqueue_dma source(%dma_start3A_124 : memref<40x128xf32, #tpu.memory_space<vmem>>) target(%dma_start3A_121 : memref<40x128xf32, #tpu.memory_space<vmem_shared>>) target_semaphore(%arg15 : memref<!tpu.dma_semaphore, #tpu.memory_space<semaphore_mem>>)
    %add3A_125 = arith.constant 320 : i32
    %add3A_126 = arith.addi %mul3A_28, %add3A_125 : i32
    %dma_start3A_127 = arith.constant 0 : i32
    %dma_start3A_128 = arith.constant 0 : i32
    %dma_start3A_129 = tpu.memref_slice %arg9[%dma_start3A_127, %dma_start3A_128] : memref<128x128xf32, #tpu.memory_space<vmem>> -> memref<40x128xf32, #tpu.memory_space<vmem>>
    %dma_start3A_130 = arith.constant 0 : i32
    %dma_start3A_131 = tpu.memref_slice %arg16[%add3A_126, %dma_start3A_130] : memref<10240x128xf32, #tpu.memory_space<vmem_shared>> -> memref<40x128xf32, #tpu.memory_space<vmem_shared>>
    %dma_start3A_132 = arith.constant 0 : i32
    %dma_start3A_133 = tpu.memref_slice %arg16[%add3A_126, %dma_start3A_132] : memref<10240x128xf32, #tpu.memory_space<vmem_shared>> -> memref<40x128xf32, #tpu.memory_space<vmem_shared>>
    %dma_start3A_134 = arith.constant 0 : i32
    %dma_start3A_135 = arith.constant 0 : i32
    %dma_start3A_136 = tpu.memref_slice %arg9[%dma_start3A_134, %dma_start3A_135] : memref<128x128xf32, #tpu.memory_space<vmem>> -> memref<40x128xf32, #tpu.memory_space<vmem>>
    tpu.enqueue_dma source(%dma_start3A_136 : memref<40x128xf32, #tpu.memory_space<vmem>>) target(%dma_start3A_133 : memref<40x128xf32, #tpu.memory_space<vmem_shared>>) target_semaphore(%arg15 : memref<!tpu.dma_semaphore, #tpu.memory_space<semaphore_mem>>)
    %add3A_137 = arith.constant 360 : i32
    %add3A_138 = arith.addi %mul3A_28, %add3A_137 : i32
    %dma_start3A_139 = arith.constant 0 : i32
    %dma_start3A_140 = arith.constant 0 : i32
    %dma_start3A_141 = tpu.memref_slice %arg9[%dma_start3A_139, %dma_start3A_140] : memref<128x128xf32, #tpu.memory_space<vmem>> -> memref<40x128xf32, #tpu.memory_space<vmem>>
    %dma_start3A_142 = arith.constant 0 : i32
    %dma_start3A_143 = tpu.memref_slice %arg16[%add3A_138, %dma_start3A_142] : memref<10240x128xf32, #tpu.memory_space<vmem_shared>> -> memref<40x128xf32, #tpu.memory_space<vmem_shared>>
    %dma_start3A_144 = arith.constant 0 : i32
    %dma_start3A_145 = tpu.memref_slice %arg16[%add3A_138, %dma_start3A_144] : memref<10240x128xf32, #tpu.memory_space<vmem_shared>> -> memref<40x128xf32, #tpu.memory_space<vmem_shared>>
    %dma_start3A_146 = arith.constant 0 : i32
    %dma_start3A_147 = arith.constant 0 : i32
    %dma_start3A_148 = tpu.memref_slice %arg9[%dma_start3A_146, %dma_start3A_147] : memref<128x128xf32, #tpu.memory_space<vmem>> -> memref<40x128xf32, #tpu.memory_space<vmem>>
    tpu.enqueue_dma source(%dma_start3A_148 : memref<40x128xf32, #tpu.memory_space<vmem>>) target(%dma_start3A_145 : memref<40x128xf32, #tpu.memory_space<vmem_shared>>) target_semaphore(%arg15 : memref<!tpu.dma_semaphore, #tpu.memory_space<semaphore_mem>>)
    %add3A_149 = arith.constant 400 : i32
    %add3A_150 = arith.addi %mul3A_28, %add3A_149 : i32
    %dma_start3A_151 = arith.constant 0 : i32
    %dma_start3A_152 = arith.constant 0 : i32
    %dma_start3A_153 = tpu.memref_slice %arg9[%dma_start3A_151, %dma_start3A_152] : memref<128x128xf32, #tpu.memory_space<vmem>> -> memref<40x128xf32, #tpu.memory_space<vmem>>
    %dma_start3A_154 = arith.constant 0 : i32
    %dma_start3A_155 = tpu.memref_slice %arg16[%add3A_150, %dma_start3A_154] : memref<10240x128xf32, #tpu.memory_space<vmem_shared>> -> memref<40x128xf32, #tpu.memory_space<vmem_shared>>
    %dma_start3A_156 = arith.constant 0 : i32
    %dma_start3A_157 = tpu.memref_slice %arg16[%add3A_150, %dma_start3A_156] : memref<10240x128xf32, #tpu.memory_space<vmem_shared>> -> memref<40x128xf32, #tpu.memory_space<vmem_shared>>
    %dma_start3A_158 = arith.constant 0 : i32
    %dma_start3A_159 = arith.constant 0 : i32
    %dma_start3A_160 = tpu.memref_slice %arg9[%dma_start3A_158, %dma_start3A_159] : memref<128x128xf32, #tpu.memory_space<vmem>> -> memref<40x128xf32, #tpu.memory_space<vmem>>
    tpu.enqueue_dma source(%dma_start3A_160 : memref<40x128xf32, #tpu.memory_space<vmem>>) target(%dma_start3A_157 : memref<40x128xf32, #tpu.memory_space<vmem_shared>>) target_semaphore(%arg15 : memref<!tpu.dma_semaphore, #tpu.memory_space<semaphore_mem>>)
    %add3A_161 = arith.constant 440 : i32
    %add3A_162 = arith.addi %mul3A_28, %add3A_161 : i32
    %dma_start3A_163 = arith.constant 0 : i32
    %dma_start3A_164 = arith.constant 0 : i32
    %dma_start3A_165 = tpu.memref_slice %arg9[%dma_start3A_163, %dma_start3A_164] : memref<128x128xf32, #tpu.memory_space<vmem>> -> memref<40x128xf32, #tpu.memory_space<vmem>>
    %dma_start3A_166 = arith.constant 0 : i32
    %dma_start3A_167 = tpu.memref_slice %arg16[%add3A_162, %dma_start3A_166] : memref<10240x128xf32, #tpu.memory_space<vmem_shared>> -> memref<40x128xf32, #tpu.memory_space<vmem_shared>>
    %dma_start3A_168 = arith.constant 0 : i32
    %dma_start3A_169 = tpu.memref_slice %arg16[%add3A_162, %dma_start3A_168] : memref<10240x128xf32, #tpu.memory_space<vmem_shared>> -> memref<40x128xf32, #tpu.memory_space<vmem_shared>>
    %dma_start3A_170 = arith.constant 0 : i32
    %dma_start3A_171 = arith.constant 0 : i32
    %dma_start3A_172 = tpu.memref_slice %arg9[%dma_start3A_170, %dma_start3A_171] : memref<128x128xf32, #tpu.memory_space<vmem>> -> memref<40x128xf32, #tpu.memory_space<vmem>>
    tpu.enqueue_dma source(%dma_start3A_172 : memref<40x128xf32, #tpu.memory_space<vmem>>) target(%dma_start3A_169 : memref<40x128xf32, #tpu.memory_space<vmem_shared>>) target_semaphore(%arg15 : memref<!tpu.dma_semaphore, #tpu.memory_space<semaphore_mem>>)
    %add3A_173 = arith.constant 480 : i32
    %add3A_174 = arith.addi %mul3A_28, %add3A_173 : i32
    %dma_start3A_175 = arith.constant 0 : i32
    %dma_start3A_176 = arith.constant 0 : i32
    %dma_start3A_177 = tpu.memref_slice %arg9[%dma_start3A_175, %dma_start3A_176] : memref<128x128xf32, #tpu.memory_space<vmem>> -> memref<40x128xf32, #tpu.memory_space<vmem>>
    %dma_start3A_178 = arith.constant 0 : i32
    %dma_start3A_179 = tpu.memref_slice %arg16[%add3A_174, %dma_start3A_178] : memref<10240x128xf32, #tpu.memory_space<vmem_shared>> -> memref<40x128xf32, #tpu.memory_space<vmem_shared>>
    %dma_start3A_180 = arith.constant 0 : i32
    %dma_start3A_181 = tpu.memref_slice %arg16[%add3A_174, %dma_start3A_180] : memref<10240x128xf32, #tpu.memory_space<vmem_shared>> -> memref<40x128xf32, #tpu.memory_space<vmem_shared>>
    %dma_start3A_182 = arith.constant 0 : i32
    %dma_start3A_183 = arith.constant 0 : i32
    %dma_start3A_184 = tpu.memref_slice %arg9[%dma_start3A_182, %dma_start3A_183] : memref<128x128xf32, #tpu.memory_space<vmem>> -> memref<40x128xf32, #tpu.memory_space<vmem>>
    tpu.enqueue_dma source(%dma_start3A_184 : memref<40x128xf32, #tpu.memory_space<vmem>>) target(%dma_start3A_181 : memref<40x128xf32, #tpu.memory_space<vmem_shared>>) target_semaphore(%arg15 : memref<!tpu.dma_semaphore, #tpu.memory_space<semaphore_mem>>)
    %add3A_185 = arith.constant 520 : i32
    %add3A_186 = arith.addi %mul3A_28, %add3A_185 : i32
    %dma_start3A_187 = arith.constant 0 : i32
    %dma_start3A_188 = arith.constant 0 : i32
    %dma_start3A_189 = tpu.memref_slice %arg9[%dma_start3A_187, %dma_start3A_188] : memref<128x128xf32, #tpu.memory_space<vmem>> -> memref<40x128xf32, #tpu.memory_space<vmem>>
    %dma_start3A_190 = arith.constant 0 : i32
    %dma_start3A_191 = tpu.memref_slice %arg16[%add3A_186, %dma_start3A_190] : memref<10240x128xf32, #tpu.memory_space<vmem_shared>> -> memref<40x128xf32, #tpu.memory_space<vmem_shared>>
    %dma_start3A_192 = arith.constant 0 : i32
    %dma_start3A_193 = tpu.memref_slice %arg16[%add3A_186, %dma_start3A_192] : memref<10240x128xf32, #tpu.memory_space<vmem_shared>> -> memref<40x128xf32, #tpu.memory_space<vmem_shared>>
    %dma_start3A_194 = arith.constant 0 : i32
    %dma_start3A_195 = arith.constant 0 : i32
    %dma_start3A_196 = tpu.memref_slice %arg9[%dma_start3A_194, %dma_start3A_195] : memref<128x128xf32, #tpu.memory_space<vmem>> -> memref<40x128xf32, #tpu.memory_space<vmem>>
    tpu.enqueue_dma source(%dma_start3A_196 : memref<40x128xf32, #tpu.memory_space<vmem>>) target(%dma_start3A_193 : memref<40x128xf32, #tpu.memory_space<vmem_shared>>) target_semaphore(%arg15 : memref<!tpu.dma_semaphore, #tpu.memory_space<semaphore_mem>>)
    %add3A_197 = arith.constant 560 : i32
    %add3A_198 = arith.addi %mul3A_28, %add3A_197 : i32
    %dma_start3A_199 = arith.constant 0 : i32
    %dma_start3A_200 = arith.constant 0 : i32
    %dma_start3A_201 = tpu.memref_slice %arg9[%dma_start3A_199, %dma_start3A_200] : memref<128x128xf32, #tpu.memory_space<vmem>> -> memref<40x128xf32, #tpu.memory_space<vmem>>
    %dma_start3A_202 = arith.constant 0 : i32
    %dma_start3A_203 = tpu.memref_slice %arg16[%add3A_198, %dma_start3A_202] : memref<10240x128xf32, #tpu.memory_space<vmem_shared>> -> memref<40x128xf32, #tpu.memory_space<vmem_shared>>
    %dma_start3A_204 = arith.constant 0 : i32
    %dma_start3A_205 = tpu.memref_slice %arg16[%add3A_198, %dma_start3A_204] : memref<10240x128xf32, #tpu.memory_space<vmem_shared>> -> memref<40x128xf32, #tpu.memory_space<vmem_shared>>
    %dma_start3A_206 = arith.constant 0 : i32
    %dma_start3A_207 = arith.constant 0 : i32
    %dma_start3A_208 = tpu.memref_slice %arg9[%dma_start3A_206, %dma_start3A_207] : memref<128x128xf32, #tpu.memory_space<vmem>> -> memref<40x128xf32, #tpu.memory_space<vmem>>
    tpu.enqueue_dma source(%dma_start3A_208 : memref<40x128xf32, #tpu.memory_space<vmem>>) target(%dma_start3A_205 : memref<40x128xf32, #tpu.memory_space<vmem_shared>>) target_semaphore(%arg15 : memref<!tpu.dma_semaphore, #tpu.memory_space<semaphore_mem>>)
    %add3A_209 = arith.constant 600 : i32
    %add3A_210 = arith.addi %mul3A_28, %add3A_209 : i32
    %dma_start3A_211 = arith.constant 0 : i32
    %dma_start3A_212 = arith.constant 0 : i32
    %dma_start3A_213 = tpu.memref_slice %arg9[%dma_start3A_211, %dma_start3A_212] : memref<128x128xf32, #tpu.memory_space<vmem>> -> memref<40x128xf32, #tpu.memory_space<vmem>>
    %dma_start3A_214 = arith.constant 0 : i32
    %dma_start3A_215 = tpu.memref_slice %arg16[%add3A_210, %dma_start3A_214] : memref<10240x128xf32, #tpu.memory_space<vmem_shared>> -> memref<40x128xf32, #tpu.memory_space<vmem_shared>>
    %dma_start3A_216 = arith.constant 0 : i32
    %dma_start3A_217 = tpu.memref_slice %arg16[%add3A_210, %dma_start3A_216] : memref<10240x128xf32, #tpu.memory_space<vmem_shared>> -> memref<40x128xf32, #tpu.memory_space<vmem_shared>>
    %dma_start3A_218 = arith.constant 0 : i32
    %dma_start3A_219 = arith.constant 0 : i32
    %dma_start3A_220 = tpu.memref_slice %arg9[%dma_start3A_218, %dma_start3A_219] : memref<128x128xf32, #tpu.memory_space<vmem>> -> memref<40x128xf32, #tpu.memory_space<vmem>>
    tpu.enqueue_dma source(%dma_start3A_220 : memref<40x128xf32, #tpu.memory_space<vmem>>) target(%dma_start3A_217 : memref<40x128xf32, #tpu.memory_space<vmem_shared>>) target_semaphore(%arg15 : memref<!tpu.dma_semaphore, #tpu.memory_space<semaphore_mem>>)
    %add3A_221 = arith.constant 0 : i32
    %add3A_222 = arith.addi %mul3A_28, %add3A_221 : i32
    %dma_wait3A = arith.constant 0 : i32
    %dma_wait3A_223 = arith.constant 0 : i32
    %dma_wait3A_224 = tpu.memref_slice %arg9[%dma_wait3A, %dma_wait3A_223] : memref<128x128xf32, #tpu.memory_space<vmem>> -> memref<40x128xf32, #tpu.memory_space<vmem>>
    %dma_wait3A_225 = arith.constant 0 : i32
    %dma_wait3A_226 = tpu.memref_slice %arg16[%add3A_222, %dma_wait3A_225] : memref<10240x128xf32, #tpu.memory_space<vmem_shared>> -> memref<40x128xf32, #tpu.memory_space<vmem_shared>>
    %dma_wait3A_227 = arith.constant 0 : i32
    %dma_wait3A_228 = tpu.memref_slice %arg16[%add3A_222, %dma_wait3A_227] : memref<10240x128xf32, #tpu.memory_space<vmem_shared>> -> memref<40x128xf32, #tpu.memory_space<vmem_shared>>
    %dma_wait3A_229 = arith.constant 0 : i32
    %dma_wait3A_230 = arith.constant 0 : i32
    %dma_wait3A_231 = tpu.memref_slice %arg9[%dma_wait3A_229, %dma_wait3A_230] : memref<128x128xf32, #tpu.memory_space<vmem>> -> memref<40x128xf32, #tpu.memory_space<vmem>>
    tpu.wait_dma2 semaphore(%arg15 : memref<!tpu.dma_semaphore, #tpu.memory_space<semaphore_mem>>) src(%dma_wait3A_231 : memref<40x128xf32, #tpu.memory_space<vmem>>) dst(%dma_wait3A_228 : memref<40x128xf32, #tpu.memory_space<vmem_shared>>)
    %add3A_232 = arith.constant 40 : i32
    %add3A_233 = arith.addi %mul3A_28, %add3A_232 : i32
    %dma_wait3A_234 = arith.constant 0 : i32
    %dma_wait3A_235 = arith.constant 0 : i32
    %dma_wait3A_236 = tpu.memref_slice %arg9[%dma_wait3A_234, %dma_wait3A_235] : memref<128x128xf32, #tpu.memory_space<vmem>> -> memref<40x128xf32, #tpu.memory_space<vmem>>
    %dma_wait3A_237 = arith.constant 0 : i32
    %dma_wait3A_238 = tpu.memref_slice %arg16[%add3A_233, %dma_wait3A_237] : memref<10240x128xf32, #tpu.memory_space<vmem_shared>> -> memref<40x128xf32, #tpu.memory_space<vmem_shared>>
    %dma_wait3A_239 = arith.constant 0 : i32
    %dma_wait3A_240 = tpu.memref_slice %arg16[%add3A_233, %dma_wait3A_239] : memref<10240x128xf32, #tpu.memory_space<vmem_shared>> -> memref<40x128xf32, #tpu.memory_space<vmem_shared>>
    %dma_wait3A_241 = arith.constant 0 : i32
    %dma_wait3A_242 = arith.constant 0 : i32
    %dma_wait3A_243 = tpu.memref_slice %arg9[%dma_wait3A_241, %dma_wait3A_242] : memref<128x128xf32, #tpu.memory_space<vmem>> -> memref<40x128xf32, #tpu.memory_space<vmem>>
    tpu.wait_dma2 semaphore(%arg15 : memref<!tpu.dma_semaphore, #tpu.memory_space<semaphore_mem>>) src(%dma_wait3A_243 : memref<40x128xf32, #tpu.memory_space<vmem>>) dst(%dma_wait3A_240 : memref<40x128xf32, #tpu.memory_space<vmem_shared>>)
    %add3A_244 = arith.constant 80 : i32
    %add3A_245 = arith.addi %mul3A_28, %add3A_244 : i32
    %dma_wait3A_246 = arith.constant 0 : i32
    %dma_wait3A_247 = arith.constant 0 : i32
    %dma_wait3A_248 = tpu.memref_slice %arg9[%dma_wait3A_246, %dma_wait3A_247] : memref<128x128xf32, #tpu.memory_space<vmem>> -> memref<40x128xf32, #tpu.memory_space<vmem>>
    %dma_wait3A_249 = arith.constant 0 : i32
    %dma_wait3A_250 = tpu.memref_slice %arg16[%add3A_245, %dma_wait3A_249] : memref<10240x128xf32, #tpu.memory_space<vmem_shared>> -> memref<40x128xf32, #tpu.memory_space<vmem_shared>>
    %dma_wait3A_251 = arith.constant 0 : i32
    %dma_wait3A_252 = tpu.memref_slice %arg16[%add3A_245, %dma_wait3A_251] : memref<10240x128xf32, #tpu.memory_space<vmem_shared>> -> memref<40x128xf32, #tpu.memory_space<vmem_shared>>
    %dma_wait3A_253 = arith.constant 0 : i32
    %dma_wait3A_254 = arith.constant 0 : i32
    %dma_wait3A_255 = tpu.memref_slice %arg9[%dma_wait3A_253, %dma_wait3A_254] : memref<128x128xf32, #tpu.memory_space<vmem>> -> memref<40x128xf32, #tpu.memory_space<vmem>>
    tpu.wait_dma2 semaphore(%arg15 : memref<!tpu.dma_semaphore, #tpu.memory_space<semaphore_mem>>) src(%dma_wait3A_255 : memref<40x128xf32, #tpu.memory_space<vmem>>) dst(%dma_wait3A_252 : memref<40x128xf32, #tpu.memory_space<vmem_shared>>)
    %add3A_256 = arith.constant 120 : i32
    %add3A_257 = arith.addi %mul3A_28, %add3A_256 : i32
    %dma_wait3A_258 = arith.constant 0 : i32
    %dma_wait3A_259 = arith.constant 0 : i32
    %dma_wait3A_260 = tpu.memref_slice %arg9[%dma_wait3A_258, %dma_wait3A_259] : memref<128x128xf32, #tpu.memory_space<vmem>> -> memref<40x128xf32, #tpu.memory_space<vmem>>
    %dma_wait3A_261 = arith.constant 0 : i32
    %dma_wait3A_262 = tpu.memref_slice %arg16[%add3A_257, %dma_wait3A_261] : memref<10240x128xf32, #tpu.memory_space<vmem_shared>> -> memref<40x128xf32, #tpu.memory_space<vmem_shared>>
    %dma_wait3A_263 = arith.constant 0 : i32
    %dma_wait3A_264 = tpu.memref_slice %arg16[%add3A_257, %dma_wait3A_263] : memref<10240x128xf32, #tpu.memory_space<vmem_shared>> -> memref<40x128xf32, #tpu.memory_space<vmem_shared>>
    %dma_wait3A_265 = arith.constant 0 : i32
    %dma_wait3A_266 = arith.constant 0 : i32
    %dma_wait3A_267 = tpu.memref_slice %arg9[%dma_wait3A_265, %dma_wait3A_266] : memref<128x128xf32, #tpu.memory_space<vmem>> -> memref<40x128xf32, #tpu.memory_space<vmem>>
    tpu.wait_dma2 semaphore(%arg15 : memref<!tpu.dma_semaphore, #tpu.memory_space<semaphore_mem>>) src(%dma_wait3A_267 : memref<40x128xf32, #tpu.memory_space<vmem>>) dst(%dma_wait3A_264 : memref<40x128xf32, #tpu.memory_space<vmem_shared>>)
    %add3A_268 = arith.constant 160 : i32
    %add3A_269 = arith.addi %mul3A_28, %add3A_268 : i32
    %dma_wait3A_270 = arith.constant 0 : i32
    %dma_wait3A_271 = arith.constant 0 : i32
    %dma_wait3A_272 = tpu.memref_slice %arg9[%dma_wait3A_270, %dma_wait3A_271] : memref<128x128xf32, #tpu.memory_space<vmem>> -> memref<40x128xf32, #tpu.memory_space<vmem>>
    %dma_wait3A_273 = arith.constant 0 : i32
    %dma_wait3A_274 = tpu.memref_slice %arg16[%add3A_269, %dma_wait3A_273] : memref<10240x128xf32, #tpu.memory_space<vmem_shared>> -> memref<40x128xf32, #tpu.memory_space<vmem_shared>>
    %dma_wait3A_275 = arith.constant 0 : i32
    %dma_wait3A_276 = tpu.memref_slice %arg16[%add3A_269, %dma_wait3A_275] : memref<10240x128xf32, #tpu.memory_space<vmem_shared>> -> memref<40x128xf32, #tpu.memory_space<vmem_shared>>
    %dma_wait3A_277 = arith.constant 0 : i32
    %dma_wait3A_278 = arith.constant 0 : i32
    %dma_wait3A_279 = tpu.memref_slice %arg9[%dma_wait3A_277, %dma_wait3A_278] : memref<128x128xf32, #tpu.memory_space<vmem>> -> memref<40x128xf32, #tpu.memory_space<vmem>>
    tpu.wait_dma2 semaphore(%arg15 : memref<!tpu.dma_semaphore, #tpu.memory_space<semaphore_mem>>) src(%dma_wait3A_279 : memref<40x128xf32, #tpu.memory_space<vmem>>) dst(%dma_wait3A_276 : memref<40x128xf32, #tpu.memory_space<vmem_shared>>)
    %add3A_280 = arith.constant 200 : i32
    %add3A_281 = arith.addi %mul3A_28, %add3A_280 : i32
    %dma_wait3A_282 = arith.constant 0 : i32
    %dma_wait3A_283 = arith.constant 0 : i32
    %dma_wait3A_284 = tpu.memref_slice %arg9[%dma_wait3A_282, %dma_wait3A_283] : memref<128x128xf32, #tpu.memory_space<vmem>> -> memref<40x128xf32, #tpu.memory_space<vmem>>
    %dma_wait3A_285 = arith.constant 0 : i32
    %dma_wait3A_286 = tpu.memref_slice %arg16[%add3A_281, %dma_wait3A_285] : memref<10240x128xf32, #tpu.memory_space<vmem_shared>> -> memref<40x128xf32, #tpu.memory_space<vmem_shared>>
    %dma_wait3A_287 = arith.constant 0 : i32
    %dma_wait3A_288 = tpu.memref_slice %arg16[%add3A_281, %dma_wait3A_287] : memref<10240x128xf32, #tpu.memory_space<vmem_shared>> -> memref<40x128xf32, #tpu.memory_space<vmem_shared>>
    %dma_wait3A_289 = arith.constant 0 : i32
    %dma_wait3A_290 = arith.constant 0 : i32
    %dma_wait3A_291 = tpu.memref_slice %arg9[%dma_wait3A_289, %dma_wait3A_290] : memref<128x128xf32, #tpu.memory_space<vmem>> -> memref<40x128xf32, #tpu.memory_space<vmem>>
    tpu.wait_dma2 semaphore(%arg15 : memref<!tpu.dma_semaphore, #tpu.memory_space<semaphore_mem>>) src(%dma_wait3A_291 : memref<40x128xf32, #tpu.memory_space<vmem>>) dst(%dma_wait3A_288 : memref<40x128xf32, #tpu.memory_space<vmem_shared>>)
    %add3A_292 = arith.constant 240 : i32
    %add3A_293 = arith.addi %mul3A_28, %add3A_292 : i32
    %dma_wait3A_294 = arith.constant 0 : i32
    %dma_wait3A_295 = arith.constant 0 : i32
    %dma_wait3A_296 = tpu.memref_slice %arg9[%dma_wait3A_294, %dma_wait3A_295] : memref<128x128xf32, #tpu.memory_space<vmem>> -> memref<40x128xf32, #tpu.memory_space<vmem>>
    %dma_wait3A_297 = arith.constant 0 : i32
    %dma_wait3A_298 = tpu.memref_slice %arg16[%add3A_293, %dma_wait3A_297] : memref<10240x128xf32, #tpu.memory_space<vmem_shared>> -> memref<40x128xf32, #tpu.memory_space<vmem_shared>>
    %dma_wait3A_299 = arith.constant 0 : i32
    %dma_wait3A_300 = tpu.memref_slice %arg16[%add3A_293, %dma_wait3A_299] : memref<10240x128xf32, #tpu.memory_space<vmem_shared>> -> memref<40x128xf32, #tpu.memory_space<vmem_shared>>
    %dma_wait3A_301 = arith.constant 0 : i32
    %dma_wait3A_302 = arith.constant 0 : i32
    %dma_wait3A_303 = tpu.memref_slice %arg9[%dma_wait3A_301, %dma_wait3A_302] : memref<128x128xf32, #tpu.memory_space<vmem>> -> memref<40x128xf32, #tpu.memory_space<vmem>>
    tpu.wait_dma2 semaphore(%arg15 : memref<!tpu.dma_semaphore, #tpu.memory_space<semaphore_mem>>) src(%dma_wait3A_303 : memref<40x128xf32, #tpu.memory_space<vmem>>) dst(%dma_wait3A_300 : memref<40x128xf32, #tpu.memory_space<vmem_shared>>)
    %add3A_304 = arith.constant 280 : i32
    %add3A_305 = arith.addi %mul3A_28, %add3A_304 : i32
    %dma_wait3A_306 = arith.constant 0 : i32
    %dma_wait3A_307 = arith.constant 0 : i32
    %dma_wait3A_308 = tpu.memref_slice %arg9[%dma_wait3A_306, %dma_wait3A_307] : memref<128x128xf32, #tpu.memory_space<vmem>> -> memref<40x128xf32, #tpu.memory_space<vmem>>
    %dma_wait3A_309 = arith.constant 0 : i32
    %dma_wait3A_310 = tpu.memref_slice %arg16[%add3A_305, %dma_wait3A_309] : memref<10240x128xf32, #tpu.memory_space<vmem_shared>> -> memref<40x128xf32, #tpu.memory_space<vmem_shared>>
    %dma_wait3A_311 = arith.constant 0 : i32
    %dma_wait3A_312 = tpu.memref_slice %arg16[%add3A_305, %dma_wait3A_311] : memref<10240x128xf32, #tpu.memory_space<vmem_shared>> -> memref<40x128xf32, #tpu.memory_space<vmem_shared>>
    %dma_wait3A_313 = arith.constant 0 : i32
    %dma_wait3A_314 = arith.constant 0 : i32
    %dma_wait3A_315 = tpu.memref_slice %arg9[%dma_wait3A_313, %dma_wait3A_314] : memref<128x128xf32, #tpu.memory_space<vmem>> -> memref<40x128xf32, #tpu.memory_space<vmem>>
    tpu.wait_dma2 semaphore(%arg15 : memref<!tpu.dma_semaphore, #tpu.memory_space<semaphore_mem>>) src(%dma_wait3A_315 : memref<40x128xf32, #tpu.memory_space<vmem>>) dst(%dma_wait3A_312 : memref<40x128xf32, #tpu.memory_space<vmem_shared>>)
    %add3A_316 = arith.constant 320 : i32
    %add3A_317 = arith.addi %mul3A_28, %add3A_316 : i32
    %dma_wait3A_318 = arith.constant 0 : i32
    %dma_wait3A_319 = arith.constant 0 : i32
    %dma_wait3A_320 = tpu.memref_slice %arg9[%dma_wait3A_318, %dma_wait3A_319] : memref<128x128xf32, #tpu.memory_space<vmem>> -> memref<40x128xf32, #tpu.memory_space<vmem>>
    %dma_wait3A_321 = arith.constant 0 : i32
    %dma_wait3A_322 = tpu.memref_slice %arg16[%add3A_317, %dma_wait3A_321] : memref<10240x128xf32, #tpu.memory_space<vmem_shared>> -> memref<40x128xf32, #tpu.memory_space<vmem_shared>>
    %dma_wait3A_323 = arith.constant 0 : i32
    %dma_wait3A_324 = tpu.memref_slice %arg16[%add3A_317, %dma_wait3A_323] : memref<10240x128xf32, #tpu.memory_space<vmem_shared>> -> memref<40x128xf32, #tpu.memory_space<vmem_shared>>
    %dma_wait3A_325 = arith.constant 0 : i32
    %dma_wait3A_326 = arith.constant 0 : i32
    %dma_wait3A_327 = tpu.memref_slice %arg9[%dma_wait3A_325, %dma_wait3A_326] : memref<128x128xf32, #tpu.memory_space<vmem>> -> memref<40x128xf32, #tpu.memory_space<vmem>>
    tpu.wait_dma2 semaphore(%arg15 : memref<!tpu.dma_semaphore, #tpu.memory_space<semaphore_mem>>) src(%dma_wait3A_327 : memref<40x128xf32, #tpu.memory_space<vmem>>) dst(%dma_wait3A_324 : memref<40x128xf32, #tpu.memory_space<vmem_shared>>)
    %add3A_328 = arith.constant 360 : i32
    %add3A_329 = arith.addi %mul3A_28, %add3A_328 : i32
    %dma_wait3A_330 = arith.constant 0 : i32
    %dma_wait3A_331 = arith.constant 0 : i32
    %dma_wait3A_332 = tpu.memref_slice %arg9[%dma_wait3A_330, %dma_wait3A_331] : memref<128x128xf32, #tpu.memory_space<vmem>> -> memref<40x128xf32, #tpu.memory_space<vmem>>
    %dma_wait3A_333 = arith.constant 0 : i32
    %dma_wait3A_334 = tpu.memref_slice %arg16[%add3A_329, %dma_wait3A_333] : memref<10240x128xf32, #tpu.memory_space<vmem_shared>> -> memref<40x128xf32, #tpu.memory_space<vmem_shared>>
    %dma_wait3A_335 = arith.constant 0 : i32
    %dma_wait3A_336 = tpu.memref_slice %arg16[%add3A_329, %dma_wait3A_335] : memref<10240x128xf32, #tpu.memory_space<vmem_shared>> -> memref<40x128xf32, #tpu.memory_space<vmem_shared>>
    %dma_wait3A_337 = arith.constant 0 : i32
    %dma_wait3A_338 = arith.constant 0 : i32
    %dma_wait3A_339 = tpu.memref_slice %arg9[%dma_wait3A_337, %dma_wait3A_338] : memref<128x128xf32, #tpu.memory_space<vmem>> -> memref<40x128xf32, #tpu.memory_space<vmem>>
    tpu.wait_dma2 semaphore(%arg15 : memref<!tpu.dma_semaphore, #tpu.memory_space<semaphore_mem>>) src(%dma_wait3A_339 : memref<40x128xf32, #tpu.memory_space<vmem>>) dst(%dma_wait3A_336 : memref<40x128xf32, #tpu.memory_space<vmem_shared>>)
    %add3A_340 = arith.constant 400 : i32
    %add3A_341 = arith.addi %mul3A_28, %add3A_340 : i32
    %dma_wait3A_342 = arith.constant 0 : i32
    %dma_wait3A_343 = arith.constant 0 : i32
    %dma_wait3A_344 = tpu.memref_slice %arg9[%dma_wait3A_342, %dma_wait3A_343] : memref<128x128xf32, #tpu.memory_space<vmem>> -> memref<40x128xf32, #tpu.memory_space<vmem>>
    %dma_wait3A_345 = arith.constant 0 : i32
    %dma_wait3A_346 = tpu.memref_slice %arg16[%add3A_341, %dma_wait3A_345] : memref<10240x128xf32, #tpu.memory_space<vmem_shared>> -> memref<40x128xf32, #tpu.memory_space<vmem_shared>>
    %dma_wait3A_347 = arith.constant 0 : i32
    %dma_wait3A_348 = tpu.memref_slice %arg16[%add3A_341, %dma_wait3A_347] : memref<10240x128xf32, #tpu.memory_space<vmem_shared>> -> memref<40x128xf32, #tpu.memory_space<vmem_shared>>
    %dma_wait3A_349 = arith.constant 0 : i32
    %dma_wait3A_350 = arith.constant 0 : i32
    %dma_wait3A_351 = tpu.memref_slice %arg9[%dma_wait3A_349, %dma_wait3A_350] : memref<128x128xf32, #tpu.memory_space<vmem>> -> memref<40x128xf32, #tpu.memory_space<vmem>>
    tpu.wait_dma2 semaphore(%arg15 : memref<!tpu.dma_semaphore, #tpu.memory_space<semaphore_mem>>) src(%dma_wait3A_351 : memref<40x128xf32, #tpu.memory_space<vmem>>) dst(%dma_wait3A_348 : memref<40x128xf32, #tpu.memory_space<vmem_shared>>)
    %add3A_352 = arith.constant 440 : i32
    %add3A_353 = arith.addi %mul3A_28, %add3A_352 : i32
    %dma_wait3A_354 = arith.constant 0 : i32
    %dma_wait3A_355 = arith.constant 0 : i32
    %dma_wait3A_356 = tpu.memref_slice %arg9[%dma_wait3A_354, %dma_wait3A_355] : memref<128x128xf32, #tpu.memory_space<vmem>> -> memref<40x128xf32, #tpu.memory_space<vmem>>
    %dma_wait3A_357 = arith.constant 0 : i32
    %dma_wait3A_358 = tpu.memref_slice %arg16[%add3A_353, %dma_wait3A_357] : memref<10240x128xf32, #tpu.memory_space<vmem_shared>> -> memref<40x128xf32, #tpu.memory_space<vmem_shared>>
    %dma_wait3A_359 = arith.constant 0 : i32
    %dma_wait3A_360 = tpu.memref_slice %arg16[%add3A_353, %dma_wait3A_359] : memref<10240x128xf32, #tpu.memory_space<vmem_shared>> -> memref<40x128xf32, #tpu.memory_space<vmem_shared>>
    %dma_wait3A_361 = arith.constant 0 : i32
    %dma_wait3A_362 = arith.constant 0 : i32
    %dma_wait3A_363 = tpu.memref_slice %arg9[%dma_wait3A_361, %dma_wait3A_362] : memref<128x128xf32, #tpu.memory_space<vmem>> -> memref<40x128xf32, #tpu.memory_space<vmem>>
    tpu.wait_dma2 semaphore(%arg15 : memref<!tpu.dma_semaphore, #tpu.memory_space<semaphore_mem>>) src(%dma_wait3A_363 : memref<40x128xf32, #tpu.memory_space<vmem>>) dst(%dma_wait3A_360 : memref<40x128xf32, #tpu.memory_space<vmem_shared>>)
    %add3A_364 = arith.constant 480 : i32
    %add3A_365 = arith.addi %mul3A_28, %add3A_364 : i32
    %dma_wait3A_366 = arith.constant 0 : i32
    %dma_wait3A_367 = arith.constant 0 : i32
    %dma_wait3A_368 = tpu.memref_slice %arg9[%dma_wait3A_366, %dma_wait3A_367] : memref<128x128xf32, #tpu.memory_space<vmem>> -> memref<40x128xf32, #tpu.memory_space<vmem>>
    %dma_wait3A_369 = arith.constant 0 : i32
    %dma_wait3A_370 = tpu.memref_slice %arg16[%add3A_365, %dma_wait3A_369] : memref<10240x128xf32, #tpu.memory_space<vmem_shared>> -> memref<40x128xf32, #tpu.memory_space<vmem_shared>>
    %dma_wait3A_371 = arith.constant 0 : i32
    %dma_wait3A_372 = tpu.memref_slice %arg16[%add3A_365, %dma_wait3A_371] : memref<10240x128xf32, #tpu.memory_space<vmem_shared>> -> memref<40x128xf32, #tpu.memory_space<vmem_shared>>
    %dma_wait3A_373 = arith.constant 0 : i32
    %dma_wait3A_374 = arith.constant 0 : i32
    %dma_wait3A_375 = tpu.memref_slice %arg9[%dma_wait3A_373, %dma_wait3A_374] : memref<128x128xf32, #tpu.memory_space<vmem>> -> memref<40x128xf32, #tpu.memory_space<vmem>>
    tpu.wait_dma2 semaphore(%arg15 : memref<!tpu.dma_semaphore, #tpu.memory_space<semaphore_mem>>) src(%dma_wait3A_375 : memref<40x128xf32, #tpu.memory_space<vmem>>) dst(%dma_wait3A_372 : memref<40x128xf32, #tpu.memory_space<vmem_shared>>)
    %add3A_376 = arith.constant 520 : i32
    %add3A_377 = arith.addi %mul3A_28, %add3A_376 : i32
    %dma_wait3A_378 = arith.constant 0 : i32
    %dma_wait3A_379 = arith.constant 0 : i32
    %dma_wait3A_380 = tpu.memref_slice %arg9[%dma_wait3A_378, %dma_wait3A_379] : memref<128x128xf32, #tpu.memory_space<vmem>> -> memref<40x128xf32, #tpu.memory_space<vmem>>
    %dma_wait3A_381 = arith.constant 0 : i32
    %dma_wait3A_382 = tpu.memref_slice %arg16[%add3A_377, %dma_wait3A_381] : memref<10240x128xf32, #tpu.memory_space<vmem_shared>> -> memref<40x128xf32, #tpu.memory_space<vmem_shared>>
    %dma_wait3A_383 = arith.constant 0 : i32
    %dma_wait3A_384 = tpu.memref_slice %arg16[%add3A_377, %dma_wait3A_383] : memref<10240x128xf32, #tpu.memory_space<vmem_shared>> -> memref<40x128xf32, #tpu.memory_space<vmem_shared>>
    %dma_wait3A_385 = arith.constant 0 : i32
    %dma_wait3A_386 = arith.constant 0 : i32
    %dma_wait3A_387 = tpu.memref_slice %arg9[%dma_wait3A_385, %dma_wait3A_386] : memref<128x128xf32, #tpu.memory_space<vmem>> -> memref<40x128xf32, #tpu.memory_space<vmem>>
    tpu.wait_dma2 semaphore(%arg15 : memref<!tpu.dma_semaphore, #tpu.memory_space<semaphore_mem>>) src(%dma_wait3A_387 : memref<40x128xf32, #tpu.memory_space<vmem>>) dst(%dma_wait3A_384 : memref<40x128xf32, #tpu.memory_space<vmem_shared>>)
    %add3A_388 = arith.constant 560 : i32
    %add3A_389 = arith.addi %mul3A_28, %add3A_388 : i32
    %dma_wait3A_390 = arith.constant 0 : i32
    %dma_wait3A_391 = arith.constant 0 : i32
    %dma_wait3A_392 = tpu.memref_slice %arg9[%dma_wait3A_390, %dma_wait3A_391] : memref<128x128xf32, #tpu.memory_space<vmem>> -> memref<40x128xf32, #tpu.memory_space<vmem>>
    %dma_wait3A_393 = arith.constant 0 : i32
    %dma_wait3A_394 = tpu.memref_slice %arg16[%add3A_389, %dma_wait3A_393] : memref<10240x128xf32, #tpu.memory_space<vmem_shared>> -> memref<40x128xf32, #tpu.memory_space<vmem_shared>>
    %dma_wait3A_395 = arith.constant 0 : i32
    %dma_wait3A_396 = tpu.memref_slice %arg16[%add3A_389, %dma_wait3A_395] : memref<10240x128xf32, #tpu.memory_space<vmem_shared>> -> memref<40x128xf32, #tpu.memory_space<vmem_shared>>
    %dma_wait3A_397 = arith.constant 0 : i32
    %dma_wait3A_398 = arith.constant 0 : i32
    %dma_wait3A_399 = tpu.memref_slice %arg9[%dma_wait3A_397, %dma_wait3A_398] : memref<128x128xf32, #tpu.memory_space<vmem>> -> memref<40x128xf32, #tpu.memory_space<vmem>>
    tpu.wait_dma2 semaphore(%arg15 : memref<!tpu.dma_semaphore, #tpu.memory_space<semaphore_mem>>) src(%dma_wait3A_399 : memref<40x128xf32, #tpu.memory_space<vmem>>) dst(%dma_wait3A_396 : memref<40x128xf32, #tpu.memory_space<vmem_shared>>)
    %add3A_400 = arith.constant 600 : i32
    %add3A_401 = arith.addi %mul3A_28, %add3A_400 : i32
    %dma_wait3A_402 = arith.constant 0 : i32
    %dma_wait3A_403 = arith.constant 0 : i32
    %dma_wait3A_404 = tpu.memref_slice %arg9[%dma_wait3A_402, %dma_wait3A_403] : memref<128x128xf32, #tpu.memory_space<vmem>> -> memref<40x128xf32, #tpu.memory_space<vmem>>
    %dma_wait3A_405 = arith.constant 0 : i32
    %dma_wait3A_406 = tpu.memref_slice %arg16[%add3A_401, %dma_wait3A_405] : memref<10240x128xf32, #tpu.memory_space<vmem_shared>> -> memref<40x128xf32, #tpu.memory_space<vmem_shared>>
    %dma_wait3A_407 = arith.constant 0 : i32
    %dma_wait3A_408 = tpu.memref_slice %arg16[%add3A_401, %dma_wait3A_407] : memref<10240x128xf32, #tpu.memory_space<vmem_shared>> -> memref<40x128xf32, #tpu.memory_space<vmem_shared>>
    %dma_wait3A_409 = arith.constant 0 : i32
    %dma_wait3A_410 = arith.constant 0 : i32
    %dma_wait3A_411 = tpu.memref_slice %arg9[%dma_wait3A_409, %dma_wait3A_410] : memref<128x128xf32, #tpu.memory_space<vmem>> -> memref<40x128xf32, #tpu.memory_space<vmem>>
    tpu.wait_dma2 semaphore(%arg15 : memref<!tpu.dma_semaphore, #tpu.memory_space<semaphore_mem>>) src(%dma_wait3A_411 : memref<40x128xf32, #tpu.memory_space<vmem>>) dst(%dma_wait3A_408 : memref<40x128xf32, #tpu.memory_space<vmem_shared>>)
    %barrier3A = arith.constant 0 : index
    tpu.barrier barrier_id(%barrier3A)
    %scan3A_412 = arith.constant 0 : i32
    %scan3A_413 = arith.constant 0 : i32
    %scan3A_414 = arith.constant 40 : i32
    %scan3A_415 = arith.addi %scan3A_413, %scan3A_414 : i32
    %scan3A_416 = arith.constant 1 : i32
    scf.for %scan3A_426 = %scan3A_413 to %scan3A_415 step %scan3A_416  : i32 {
      %mul3A_427 = arith.constant 2 : i32
      %mul3A_428 = arith.muli %mul3A_427, %scan3A_426 : i32
      %gt3A = arith.constant 0 : i32
      %gt3A_429 = arith.cmpi sgt, %mul3A_428, %gt3A : i32
      %convert_element_type3A = arith.extui %gt3A_429 : i1 to i32
      %cond3A = arith.constant 0 : i32
      %cond3A_430 = arith.cmpi ne, %convert_element_type3A, %cond3A : i32
      scf.if %cond3A_430 {
        %sub3A = arith.constant 1 : i32
        %sub3A_493 = arith.subi %mul3A_428, %sub3A : i32
        %dma_wait3A_494 = arith.constant 0 : i32
        %dma_wait3A_495 = tpu.memref_slice %arg7[%sub3A_493, %dma_wait3A_494] : memref<80x128xi32, #tpu.memory_space<vmem>> -> memref<1x128xi32, #tpu.memory_space<vmem>>
        %dma_wait3A_496 = tpu.memref_squeeze %dma_wait3A_495 : memref<1x128xi32, #tpu.memory_space<vmem>> -> memref<128xi32, #tpu.memory_space<vmem>>
        %dma_wait3A_497 = arith.constant 0 : i32
        %dma_wait3A_498 = arith.constant 0 : i32
        %dma_wait3A_499 = tpu.memref_slice %arg16[%dma_wait3A_497, %dma_wait3A_498] : memref<10240x128xf32, #tpu.memory_space<vmem_shared>> -> memref<10240x128xf32, #tpu.memory_space<vmem_shared>>
        tpu.wait_indirect_dma semaphore(%arg13 : memref<!tpu.dma_semaphore, #tpu.memory_space<semaphore_mem>>) src(%arg9 : memref<128x128xf32, #tpu.memory_space<vmem>>) dst(%dma_wait3A_499 : memref<10240x128xf32, #tpu.memory_space<vmem_shared>>)
      } else {
      }
      %add3A_431 = arith.constant 1 : i32
      %add3A_432 = arith.addi %mul3A_428, %add3A_431 : i32
      %lt3A = arith.constant 80 : i32
      %lt3A_433 = arith.cmpi slt, %add3A_432, %lt3A : i32
      %convert_element_type3A_434 = arith.extui %lt3A_433 : i1 to i32
      %cond3A_435 = arith.constant 0 : i32
      %cond3A_436 = arith.cmpi ne, %convert_element_type3A_434, %cond3A_435 : i32
      scf.if %cond3A_436 {
        %add3A_493 = arith.constant 1 : i32
        %add3A_494 = arith.addi %mul3A_428, %add3A_493 : i32
        %dma_wait3A_495 = arith.constant 1 : i32
        %dma_wait3A_496 = arith.constant 0 : i32
        %dma_wait3A_497 = tpu.memref_slice %arg6[%dma_wait3A_495, %dma_wait3A_496] : memref<2x128xi32, #tpu.memory_space<vmem>> -> memref<1x128xi32, #tpu.memory_space<vmem>>
        %dma_wait3A_498 = tpu.memref_squeeze %dma_wait3A_497 : memref<1x128xi32, #tpu.memory_space<vmem>> -> memref<128xi32, #tpu.memory_space<vmem>>
        %dma_wait3A_499 = arith.constant 0 : i32
        %dma_wait3A_500 = tpu.memref_slice %arg3[%add3A, %add3A_494, %dma_wait3A_499] : memref<32x80x128xi32, #tpu.memory_space<hbm>> -> memref<1x1x128xi32, #tpu.memory_space<hbm>>
        %dma_wait3A_501 = tpu.memref_squeeze %dma_wait3A_500 : memref<1x1x128xi32, #tpu.memory_space<hbm>> -> memref<128xi32, #tpu.memory_space<hbm>>
        %dma_wait3A_502 = arith.constant 0 : i32
        %dma_wait3A_503 = tpu.memref_slice %arg6[%dma_wait3A_495, %dma_wait3A_502] : memref<2x128xi32, #tpu.memory_space<vmem>> -> memref<1x128xi32, #tpu.memory_space<vmem>>
        %dma_wait3A_504 = tpu.memref_squeeze %dma_wait3A_503 : memref<1x128xi32, #tpu.memory_space<vmem>> -> memref<128xi32, #tpu.memory_space<vmem>>
        %dma_wait3A_505 = arith.constant 0 : i32
        %dma_wait3A_506 = tpu.memref_slice %arg3[%add3A, %add3A_494, %dma_wait3A_505] : memref<32x80x128xi32, #tpu.memory_space<hbm>> -> memref<1x1x128xi32, #tpu.memory_space<hbm>>
        %dma_wait3A_507 = tpu.memref_squeeze %dma_wait3A_506 : memref<1x1x128xi32, #tpu.memory_space<hbm>> -> memref<128xi32, #tpu.memory_space<hbm>>
        tpu.wait_dma2 semaphore(%arg14 : memref<!tpu.dma_semaphore, #tpu.memory_space<semaphore_mem>>) src(%dma_wait3A_507 : memref<128xi32, #tpu.memory_space<hbm>>) dst(%dma_wait3A_504 : memref<128xi32, #tpu.memory_space<vmem>>)
        %dma_start3A_508 = arith.constant 1 : i32
        %dma_start3A_509 = arith.constant 0 : i32
        %dma_start3A_510 = tpu.memref_slice %arg6[%dma_start3A_508, %dma_start3A_509] : memref<2x128xi32, #tpu.memory_space<vmem>> -> memref<1x128xi32, #tpu.memory_space<vmem>>
        %dma_start3A_511 = tpu.memref_squeeze %dma_start3A_510 : memref<1x128xi32, #tpu.memory_space<vmem>> -> memref<128xi32, #tpu.memory_space<vmem>>
        %dma_start3A_512 = arith.constant 0 : i32
        %dma_start3A_513 = arith.constant 0 : i32
        %dma_start3A_514 = tpu.memref_slice %arg2[%dma_start3A_512, %dma_start3A_513] : memref<10000x128xf32, #tpu.memory_space<hbm>> -> memref<10000x128xf32, #tpu.memory_space<hbm>>
        tpu.enqueue_indirect_dma source(%dma_start3A_514 : memref<10000x128xf32, #tpu.memory_space<hbm>>) target(%arg9 : memref<128x128xf32, #tpu.memory_space<vmem>>) offsets(%dma_start3A_511 : memref<128xi32, #tpu.memory_space<vmem>>) semaphore(%arg11 : memref<!tpu.dma_semaphore, #tpu.memory_space<semaphore_mem>>)
      } else {
      }
      %dma_wait3A_437 = arith.constant 0 : i32
      %dma_wait3A_438 = arith.constant 0 : i32
      %dma_wait3A_439 = tpu.memref_slice %arg6[%dma_wait3A_437, %dma_wait3A_438] : memref<2x128xi32, #tpu.memory_space<vmem>> -> memref<1x128xi32, #tpu.memory_space<vmem>>
      %dma_wait3A_440 = tpu.memref_squeeze %dma_wait3A_439 : memref<1x128xi32, #tpu.memory_space<vmem>> -> memref<128xi32, #tpu.memory_space<vmem>>
      %dma_wait3A_441 = arith.constant 0 : i32
      %dma_wait3A_442 = arith.constant 0 : i32
      %dma_wait3A_443 = tpu.memref_slice %arg2[%dma_wait3A_441, %dma_wait3A_442] : memref<10000x128xf32, #tpu.memory_space<hbm>> -> memref<10000x128xf32, #tpu.memory_space<hbm>>
      tpu.wait_indirect_dma semaphore(%arg10 : memref<!tpu.dma_semaphore, #tpu.memory_space<semaphore_mem>>) src(%dma_wait3A_443 : memref<10000x128xf32, #tpu.memory_space<hbm>>) dst(%arg8 : memref<128x128xf32, #tpu.memory_space<vmem>>)
      %dma_start3A_444 = arith.constant 0 : i32
      %dma_start3A_445 = tpu.memref_slice %arg7[%mul3A_428, %dma_start3A_444] : memref<80x128xi32, #tpu.memory_space<vmem>> -> memref<1x128xi32, #tpu.memory_space<vmem>>
      %dma_start3A_446 = tpu.memref_squeeze %dma_start3A_445 : memref<1x128xi32, #tpu.memory_space<vmem>> -> memref<128xi32, #tpu.memory_space<vmem>>
      %dma_start3A_447 = arith.constant 0 : i32
      %dma_start3A_448 = arith.constant 0 : i32
      %dma_start3A_449 = tpu.memref_slice %arg16[%dma_start3A_447, %dma_start3A_448] : memref<10240x128xf32, #tpu.memory_space<vmem_shared>> -> memref<10240x128xf32, #tpu.memory_space<vmem_shared>>
      tpu.enqueue_indirect_dma source(%arg8 : memref<128x128xf32, #tpu.memory_space<vmem>>) target(%dma_start3A_449 : memref<10240x128xf32, #tpu.memory_space<vmem_shared>>) offsets(%dma_start3A_446 : memref<128xi32, #tpu.memory_space<vmem>>) semaphore(%arg12 : memref<!tpu.dma_semaphore, #tpu.memory_space<semaphore_mem>>) {add = true}
      %add3A_450 = arith.constant 2 : i32
      %add3A_451 = arith.addi %mul3A_428, %add3A_450 : i32
      %lt3A_452 = arith.constant 80 : i32
      %lt3A_453 = arith.cmpi slt, %add3A_451, %lt3A_452 : i32
      %convert_element_type3A_454 = arith.extui %lt3A_453 : i1 to i32
      %cond3A_455 = arith.constant 0 : i32
      %cond3A_456 = arith.cmpi ne, %convert_element_type3A_454, %cond3A_455 : i32
      scf.if %cond3A_456 {
        %add3A_493 = arith.constant 2 : i32
        %add3A_494 = arith.addi %mul3A_428, %add3A_493 : i32
        %dma_start3A_495 = arith.constant 0 : i32
        %dma_start3A_496 = arith.constant 0 : i32
        %dma_start3A_497 = tpu.memref_slice %arg6[%dma_start3A_495, %dma_start3A_496] : memref<2x128xi32, #tpu.memory_space<vmem>> -> memref<1x128xi32, #tpu.memory_space<vmem>>
        %dma_start3A_498 = tpu.memref_squeeze %dma_start3A_497 : memref<1x128xi32, #tpu.memory_space<vmem>> -> memref<128xi32, #tpu.memory_space<vmem>>
        %dma_start3A_499 = arith.constant 0 : i32
        %dma_start3A_500 = tpu.memref_slice %arg3[%add3A, %add3A_494, %dma_start3A_499] : memref<32x80x128xi32, #tpu.memory_space<hbm>> -> memref<1x1x128xi32, #tpu.memory_space<hbm>>
        %dma_start3A_501 = tpu.memref_squeeze %dma_start3A_500 : memref<1x1x128xi32, #tpu.memory_space<hbm>> -> memref<128xi32, #tpu.memory_space<hbm>>
        %dma_start3A_502 = arith.constant 0 : i32
        %dma_start3A_503 = tpu.memref_slice %arg6[%dma_start3A_495, %dma_start3A_502] : memref<2x128xi32, #tpu.memory_space<vmem>> -> memref<1x128xi32, #tpu.memory_space<vmem>>
        %dma_start3A_504 = tpu.memref_squeeze %dma_start3A_503 : memref<1x128xi32, #tpu.memory_space<vmem>> -> memref<128xi32, #tpu.memory_space<vmem>>
        %dma_start3A_505 = arith.constant 0 : i32
        %dma_start3A_506 = tpu.memref_slice %arg3[%add3A, %add3A_494, %dma_start3A_505] : memref<32x80x128xi32, #tpu.memory_space<hbm>> -> memref<1x1x128xi32, #tpu.memory_space<hbm>>
        %dma_start3A_507 = tpu.memref_squeeze %dma_start3A_506 : memref<1x1x128xi32, #tpu.memory_space<hbm>> -> memref<128xi32, #tpu.memory_space<hbm>>
        tpu.enqueue_dma source(%dma_start3A_507 : memref<128xi32, #tpu.memory_space<hbm>>) target(%dma_start3A_504 : memref<128xi32, #tpu.memory_space<vmem>>) target_semaphore(%arg14 : memref<!tpu.dma_semaphore, #tpu.memory_space<semaphore_mem>>)
      } else {
      }
      %mul3A_457 = arith.constant 2 : i32
      %mul3A_458 = arith.muli %mul3A_457, %scan3A_426 : i32
      %add3A_459 = arith.constant 1 : i32
      %add3A_460 = arith.addi %mul3A_458, %add3A_459 : i32
      %gt3A_461 = arith.constant 0 : i32
      %gt3A_462 = arith.cmpi sgt, %add3A_460, %gt3A_461 : i32
      %convert_element_type3A_463 = arith.extui %gt3A_462 : i1 to i32
      %cond3A_464 = arith.constant 0 : i32
      %cond3A_465 = arith.cmpi ne, %convert_element_type3A_463, %cond3A_464 : i32
      scf.if %cond3A_465 {
        %sub3A = arith.constant 1 : i32
        %sub3A_493 = arith.subi %add3A_460, %sub3A : i32
        %dma_wait3A_494 = arith.constant 0 : i32
        %dma_wait3A_495 = tpu.memref_slice %arg7[%sub3A_493, %dma_wait3A_494] : memref<80x128xi32, #tpu.memory_space<vmem>> -> memref<1x128xi32, #tpu.memory_space<vmem>>
        %dma_wait3A_496 = tpu.memref_squeeze %dma_wait3A_495 : memref<1x128xi32, #tpu.memory_space<vmem>> -> memref<128xi32, #tpu.memory_space<vmem>>
        %dma_wait3A_497 = arith.constant 0 : i32
        %dma_wait3A_498 = arith.constant 0 : i32
        %dma_wait3A_499 = tpu.memref_slice %arg16[%dma_wait3A_497, %dma_wait3A_498] : memref<10240x128xf32, #tpu.memory_space<vmem_shared>> -> memref<10240x128xf32, #tpu.memory_space<vmem_shared>>
        tpu.wait_indirect_dma semaphore(%arg12 : memref<!tpu.dma_semaphore, #tpu.memory_space<semaphore_mem>>) src(%arg8 : memref<128x128xf32, #tpu.memory_space<vmem>>) dst(%dma_wait3A_499 : memref<10240x128xf32, #tpu.memory_space<vmem_shared>>)
      } else {
      }
      %add3A_466 = arith.constant 1 : i32
      %add3A_467 = arith.addi %add3A_460, %add3A_466 : i32
      %lt3A_468 = arith.constant 80 : i32
      %lt3A_469 = arith.cmpi slt, %add3A_467, %lt3A_468 : i32
      %convert_element_type3A_470 = arith.extui %lt3A_469 : i1 to i32
      %cond3A_471 = arith.constant 0 : i32
      %cond3A_472 = arith.cmpi ne, %convert_element_type3A_470, %cond3A_471 : i32
      scf.if %cond3A_472 {
        %add3A_493 = arith.constant 1 : i32
        %add3A_494 = arith.addi %add3A_460, %add3A_493 : i32
        %dma_wait3A_495 = arith.constant 0 : i32
        %dma_wait3A_496 = arith.constant 0 : i32
        %dma_wait3A_497 = tpu.memref_slice %arg6[%dma_wait3A_495, %dma_wait3A_496] : memref<2x128xi32, #tpu.memory_space<vmem>> -> memref<1x128xi32, #tpu.memory_space<vmem>>
        %dma_wait3A_498 = tpu.memref_squeeze %dma_wait3A_497 : memref<1x128xi32, #tpu.memory_space<vmem>> -> memref<128xi32, #tpu.memory_space<vmem>>
        %dma_wait3A_499 = arith.constant 0 : i32
        %dma_wait3A_500 = tpu.memref_slice %arg3[%add3A, %add3A_494, %dma_wait3A_499] : memref<32x80x128xi32, #tpu.memory_space<hbm>> -> memref<1x1x128xi32, #tpu.memory_space<hbm>>
        %dma_wait3A_501 = tpu.memref_squeeze %dma_wait3A_500 : memref<1x1x128xi32, #tpu.memory_space<hbm>> -> memref<128xi32, #tpu.memory_space<hbm>>
        %dma_wait3A_502 = arith.constant 0 : i32
        %dma_wait3A_503 = tpu.memref_slice %arg6[%dma_wait3A_495, %dma_wait3A_502] : memref<2x128xi32, #tpu.memory_space<vmem>> -> memref<1x128xi32, #tpu.memory_space<vmem>>
        %dma_wait3A_504 = tpu.memref_squeeze %dma_wait3A_503 : memref<1x128xi32, #tpu.memory_space<vmem>> -> memref<128xi32, #tpu.memory_space<vmem>>
        %dma_wait3A_505 = arith.constant 0 : i32
        %dma_wait3A_506 = tpu.memref_slice %arg3[%add3A, %add3A_494, %dma_wait3A_505] : memref<32x80x128xi32, #tpu.memory_space<hbm>> -> memref<1x1x128xi32, #tpu.memory_space<hbm>>
        %dma_wait3A_507 = tpu.memref_squeeze %dma_wait3A_506 : memref<1x1x128xi32, #tpu.memory_space<hbm>> -> memref<128xi32, #tpu.memory_space<hbm>>
        tpu.wait_dma2 semaphore(%arg14 : memref<!tpu.dma_semaphore, #tpu.memory_space<semaphore_mem>>) src(%dma_wait3A_507 : memref<128xi32, #tpu.memory_space<hbm>>) dst(%dma_wait3A_504 : memref<128xi32, #tpu.memory_space<vmem>>)
        %dma_start3A_508 = arith.constant 0 : i32
        %dma_start3A_509 = arith.constant 0 : i32
        %dma_start3A_510 = tpu.memref_slice %arg6[%dma_start3A_508, %dma_start3A_509] : memref<2x128xi32, #tpu.memory_space<vmem>> -> memref<1x128xi32, #tpu.memory_space<vmem>>
        %dma_start3A_511 = tpu.memref_squeeze %dma_start3A_510 : memref<1x128xi32, #tpu.memory_space<vmem>> -> memref<128xi32, #tpu.memory_space<vmem>>
        %dma_start3A_512 = arith.constant 0 : i32
        %dma_start3A_513 = arith.constant 0 : i32
        %dma_start3A_514 = tpu.memref_slice %arg2[%dma_start3A_512, %dma_start3A_513] : memref<10000x128xf32, #tpu.memory_space<hbm>> -> memref<10000x128xf32, #tpu.memory_space<hbm>>
        tpu.enqueue_indirect_dma source(%dma_start3A_514 : memref<10000x128xf32, #tpu.memory_space<hbm>>) target(%arg8 : memref<128x128xf32, #tpu.memory_space<vmem>>) offsets(%dma_start3A_511 : memref<128xi32, #tpu.memory_space<vmem>>) semaphore(%arg10 : memref<!tpu.dma_semaphore, #tpu.memory_space<semaphore_mem>>)
      } else {
      }
      %dma_wait3A_473 = arith.constant 1 : i32
      %dma_wait3A_474 = arith.constant 0 : i32
      %dma_wait3A_475 = tpu.memref_slice %arg6[%dma_wait3A_473, %dma_wait3A_474] : memref<2x128xi32, #tpu.memory_space<vmem>> -> memref<1x128xi32, #tpu.memory_space<vmem>>
      %dma_wait3A_476 = tpu.memref_squeeze %dma_wait3A_475 : memref<1x128xi32, #tpu.memory_space<vmem>> -> memref<128xi32, #tpu.memory_space<vmem>>
      %dma_wait3A_477 = arith.constant 0 : i32
      %dma_wait3A_478 = arith.constant 0 : i32
      %dma_wait3A_479 = tpu.memref_slice %arg2[%dma_wait3A_477, %dma_wait3A_478] : memref<10000x128xf32, #tpu.memory_space<hbm>> -> memref<10000x128xf32, #tpu.memory_space<hbm>>
      tpu.wait_indirect_dma semaphore(%arg11 : memref<!tpu.dma_semaphore, #tpu.memory_space<semaphore_mem>>) src(%dma_wait3A_479 : memref<10000x128xf32, #tpu.memory_space<hbm>>) dst(%arg9 : memref<128x128xf32, #tpu.memory_space<vmem>>)
      %dma_start3A_480 = arith.constant 0 : i32
      %dma_start3A_481 = tpu.memref_slice %arg7[%add3A_460, %dma_start3A_480] : memref<80x128xi32, #tpu.memory_space<vmem>> -> memref<1x128xi32, #tpu.memory_space<vmem>>
      %dma_start3A_482 = tpu.memref_squeeze %dma_start3A_481 : memref<1x128xi32, #tpu.memory_space<vmem>> -> memref<128xi32, #tpu.memory_space<vmem>>
      %dma_start3A_483 = arith.constant 0 : i32
      %dma_start3A_484 = arith.constant 0 : i32
      %dma_start3A_485 = tpu.memref_slice %arg16[%dma_start3A_483, %dma_start3A_484] : memref<10240x128xf32, #tpu.memory_space<vmem_shared>> -> memref<10240x128xf32, #tpu.memory_space<vmem_shared>>
      tpu.enqueue_indirect_dma source(%arg9 : memref<128x128xf32, #tpu.memory_space<vmem>>) target(%dma_start3A_485 : memref<10240x128xf32, #tpu.memory_space<vmem_shared>>) offsets(%dma_start3A_482 : memref<128xi32, #tpu.memory_space<vmem>>) semaphore(%arg13 : memref<!tpu.dma_semaphore, #tpu.memory_space<semaphore_mem>>) {add = true}
      %add3A_486 = arith.constant 2 : i32
      %add3A_487 = arith.addi %add3A_460, %add3A_486 : i32
      %lt3A_488 = arith.constant 80 : i32
      %lt3A_489 = arith.cmpi slt, %add3A_487, %lt3A_488 : i32
      %convert_element_type3A_490 = arith.extui %lt3A_489 : i1 to i32
      %cond3A_491 = arith.constant 0 : i32
      %cond3A_492 = arith.cmpi ne, %convert_element_type3A_490, %cond3A_491 : i32
      scf.if %cond3A_492 {
        %add3A_493 = arith.constant 2 : i32
        %add3A_494 = arith.addi %add3A_460, %add3A_493 : i32
        %dma_start3A_495 = arith.constant 1 : i32
        %dma_start3A_496 = arith.constant 0 : i32
        %dma_start3A_497 = tpu.memref_slice %arg6[%dma_start3A_495, %dma_start3A_496] : memref<2x128xi32, #tpu.memory_space<vmem>> -> memref<1x128xi32, #tpu.memory_space<vmem>>
        %dma_start3A_498 = tpu.memref_squeeze %dma_start3A_497 : memref<1x128xi32, #tpu.memory_space<vmem>> -> memref<128xi32, #tpu.memory_space<vmem>>
        %dma_start3A_499 = arith.constant 0 : i32
        %dma_start3A_500 = tpu.memref_slice %arg3[%add3A, %add3A_494, %dma_start3A_499] : memref<32x80x128xi32, #tpu.memory_space<hbm>> -> memref<1x1x128xi32, #tpu.memory_space<hbm>>
        %dma_start3A_501 = tpu.memref_squeeze %dma_start3A_500 : memref<1x1x128xi32, #tpu.memory_space<hbm>> -> memref<128xi32, #tpu.memory_space<hbm>>
        %dma_start3A_502 = arith.constant 0 : i32
        %dma_start3A_503 = tpu.memref_slice %arg6[%dma_start3A_495, %dma_start3A_502] : memref<2x128xi32, #tpu.memory_space<vmem>> -> memref<1x128xi32, #tpu.memory_space<vmem>>
        %dma_start3A_504 = tpu.memref_squeeze %dma_start3A_503 : memref<1x128xi32, #tpu.memory_space<vmem>> -> memref<128xi32, #tpu.memory_space<vmem>>
        %dma_start3A_505 = arith.constant 0 : i32
        %dma_start3A_506 = tpu.memref_slice %arg3[%add3A, %add3A_494, %dma_start3A_505] : memref<32x80x128xi32, #tpu.memory_space<hbm>> -> memref<1x1x128xi32, #tpu.memory_space<hbm>>
        %dma_start3A_507 = tpu.memref_squeeze %dma_start3A_506 : memref<1x1x128xi32, #tpu.memory_space<hbm>> -> memref<128xi32, #tpu.memory_space<hbm>>
        tpu.enqueue_dma source(%dma_start3A_507 : memref<128xi32, #tpu.memory_space<hbm>>) target(%dma_start3A_504 : memref<128xi32, #tpu.memory_space<vmem>>) target_semaphore(%arg14 : memref<!tpu.dma_semaphore, #tpu.memory_space<semaphore_mem>>)
      } else {
      }
    }
    %scan3A_417 = arith.constant 40 : i32
    %dma_wait3A_418 = arith.constant 79 : i32
    %dma_wait3A_419 = arith.constant 0 : i32
    %dma_wait3A_420 = tpu.memref_slice %arg7[%dma_wait3A_418, %dma_wait3A_419] : memref<80x128xi32, #tpu.memory_space<vmem>> -> memref<1x128xi32, #tpu.memory_space<vmem>>
    %dma_wait3A_421 = tpu.memref_squeeze %dma_wait3A_420 : memref<1x128xi32, #tpu.memory_space<vmem>> -> memref<128xi32, #tpu.memory_space<vmem>>
    %dma_wait3A_422 = arith.constant 0 : i32
    %dma_wait3A_423 = arith.constant 0 : i32
    %dma_wait3A_424 = tpu.memref_slice %arg16[%dma_wait3A_422, %dma_wait3A_423] : memref<10240x128xf32, #tpu.memory_space<vmem_shared>> -> memref<10240x128xf32, #tpu.memory_space<vmem_shared>>
    tpu.wait_indirect_dma semaphore(%arg13 : memref<!tpu.dma_semaphore, #tpu.memory_space<semaphore_mem>>) src(%arg9 : memref<128x128xf32, #tpu.memory_space<vmem>>) dst(%dma_wait3A_424 : memref<10240x128xf32, #tpu.memory_space<vmem_shared>>)
    %barrier3A_425 = arith.constant 0 : index
    tpu.barrier barrier_id(%barrier3A_425)
    "tpu.region"() ({
      %run_scoped3A_426 = tpu.sem_alloc : memref<!tpu.dma_semaphore, #tpu.memory_space<semaphore_mem>>
      %dma_start3A_427 = arith.constant 0 : i32
      %dma_start3A_428 = tpu.memref_slice %arg5[%arg0, %mul3A_28, %dma_start3A_427] : memref<2x10240x128xf32, #tpu.memory_space<hbm>> -> memref<1x640x128xf32, #tpu.memory_space<hbm>>
      %dma_start3A_429 = tpu.memref_squeeze %dma_start3A_428 : memref<1x640x128xf32, #tpu.memory_space<hbm>> -> memref<640x128xf32, #tpu.memory_space<hbm>>
      %dma_start3A_430 = arith.constant 0 : i32
      %dma_start3A_431 = tpu.memref_slice %arg16[%mul3A_28, %dma_start3A_430] : memref<10240x128xf32, #tpu.memory_space<vmem_shared>> -> memref<640x128xf32, #tpu.memory_space<vmem_shared>>
      tpu.enqueue_dma source(%dma_start3A_431 : memref<640x128xf32, #tpu.memory_space<vmem_shared>>) target(%dma_start3A_429 : memref<640x128xf32, #tpu.memory_space<hbm>>) target_semaphore(%run_scoped3A_426 : memref<!tpu.dma_semaphore, #tpu.memory_space<semaphore_mem>>)
      %dma_wait3A_432 = arith.constant 0 : i32
      %dma_wait3A_433 = tpu.memref_slice %arg5[%arg0, %mul3A_28, %dma_wait3A_432] : memref<2x10240x128xf32, #tpu.memory_space<hbm>> -> memref<1x640x128xf32, #tpu.memory_space<hbm>>
      %dma_wait3A_434 = tpu.memref_squeeze %dma_wait3A_433 : memref<1x640x128xf32, #tpu.memory_space<hbm>> -> memref<640x128xf32, #tpu.memory_space<hbm>>
      %dma_wait3A_435 = arith.constant 0 : i32
      %dma_wait3A_436 = tpu.memref_slice %arg16[%mul3A_28, %dma_wait3A_435] : memref<10240x128xf32, #tpu.memory_space<vmem_shared>> -> memref<640x128xf32, #tpu.memory_space<vmem_shared>>
      tpu.wait_dma2 semaphore(%run_scoped3A_426 : memref<!tpu.dma_semaphore, #tpu.memory_space<semaphore_mem>>) src(%dma_wait3A_436 : memref<640x128xf32, #tpu.memory_space<vmem_shared>>) dst(%dma_wait3A_434 : memref<640x128xf32, #tpu.memory_space<hbm>>)
      tpu.yield
    }) : () -> ()
    return
  }
}

#map = affine_map<(d0, d1) -> (0, 0)>
#map1 = affine_map<(d0, d1) -> (0, 0, 0)>
module attributes {stable_mosaic.version = 14 : i64} {
  func.func @_sc_scatter(%arg0: i32, %arg1: i32, %arg2: memref<10000x128xf32, #tpu.memory_space<hbm>>, %arg3: memref<32x80x128xi32, #tpu.memory_space<hbm>>, %arg4: memref<32x80x128xi32, #tpu.memory_space<hbm>>, %arg5: memref<2x10240x128xf32, #tpu.memory_space<hbm>>, %arg6: memref<2x128xi32, #tpu.memory_space<vmem>>, %arg7: memref<80x128xi32, #tpu.memory_space<vmem>>, %arg8: memref<128x128xf32, #tpu.memory_space<vmem>>, %arg9: memref<128x128xf32, #tpu.memory_space<vmem>>, %arg10: memref<!tpu.dma_semaphore, #tpu.memory_space<semaphore_mem>>, %arg11: memref<!tpu.dma_semaphore, #tpu.memory_space<semaphore_mem>>, %arg12: memref<!tpu.dma_semaphore, #tpu.memory_space<semaphore_mem>>, %arg13: memref<!tpu.dma_semaphore, #tpu.memory_space<semaphore_mem>>, %arg14: memref<!tpu.dma_semaphore, #tpu.memory_space<semaphore_mem>>, %arg15: memref<!tpu.dma_semaphore, #tpu.memory_space<semaphore_mem>>, %arg16: memref<10240x128xf32, #tpu.memory_space<vmem_shared>>) attributes {dimension_semantics = [#tpu.dimension_semantics<core_parallel>, #tpu.dimension_semantics<subcore_parallel>], iteration_bounds = array<i64: 2, 16>, scalar_prefetch = 0 : i64, scratch_operands = 11 : i64, tpu.core_type = #tpu.core_type<sc_vector_subcore>, window_params = [{transform_indices = #map}, {transform_indices = #map1}, {transform_indices = #map1}, {transform_indices = #map1}]} {
    %mul3A = arith.constant 2 : i32
    %mul3A_0 = arith.muli %arg1, %mul3A : i32
    %add3A = arith.addi %mul3A_0, %arg0 : i32
    %run_scoped3A = arith.constant 0 : i32
    %run_scoped3A_1 = arith.constant 0 : i32
    "tpu.region"() ({
      %run_scoped3A_426 = tpu.sem_alloc : memref<!tpu.dma_semaphore, #tpu.memory_space<semaphore_mem>>
      %dma_start3A_427 = arith.constant 0 : i32
      %dma_start3A_428 = tpu.memref_slice %arg6[%run_scoped3A_1, %dma_start3A_427] : memref<2x128xi32, #tpu.memory_space<vmem>> -> memref<1x128xi32, #tpu.memory_space<vmem>>
      %dma_start3A_429 = tpu.memref_squeeze %dma_start3A_428 : memref<1x128xi32, #tpu.memory_space<vmem>> -> memref<128xi32, #tpu.memory_space<vmem>>
      %dma_start3A_430 = arith.constant 0 : i32
      %dma_start3A_431 = tpu.memref_slice %arg3[%add3A, %run_scoped3A, %dma_start3A_430] : memref<32x80x128xi32, #tpu.memory_space<hbm>> -> memref<1x1x128xi32, #tpu.memory_space<hbm>>
      %dma_start3A_432 = tpu.memref_squeeze %dma_start3A_431 : memref<1x1x128xi32, #tpu.memory_space<hbm>> -> memref<128xi32, #tpu.memory_space<hbm>>
      %dma_start3A_433 = arith.constant 0 : i32
      %dma_start3A_434 = tpu.memref_slice %arg6[%run_scoped3A_1, %dma_start3A_433] : memref<2x128xi32, #tpu.memory_space<vmem>> -> memref<1x128xi32, #tpu.memory_space<vmem>>
      %dma_start3A_435 = tpu.memref_squeeze %dma_start3A_434 : memref<1x128xi32, #tpu.memory_space<vmem>> -> memref<128xi32, #tpu.memory_space<vmem>>
      %dma_start3A_436 = arith.constant 0 : i32
      %dma_start3A_437 = tpu.memref_slice %arg3[%add3A, %run_scoped3A, %dma_start3A_436] : memref<32x80x128xi32, #tpu.memory_space<hbm>> -> memref<1x1x128xi32, #tpu.memory_space<hbm>>
      %dma_start3A_438 = tpu.memref_squeeze %dma_start3A_437 : memref<1x1x128xi32, #tpu.memory_space<hbm>> -> memref<128xi32, #tpu.memory_space<hbm>>
      tpu.enqueue_dma source(%dma_start3A_438 : memref<128xi32, #tpu.memory_space<hbm>>) target(%dma_start3A_435 : memref<128xi32, #tpu.memory_space<vmem>>) target_semaphore(%run_scoped3A_426 : memref<!tpu.dma_semaphore, #tpu.memory_space<semaphore_mem>>)
      %dma_wait3A_439 = arith.constant 0 : i32
      %dma_wait3A_440 = tpu.memref_slice %arg6[%run_scoped3A_1, %dma_wait3A_439] : memref<2x128xi32, #tpu.memory_space<vmem>> -> memref<1x128xi32, #tpu.memory_space<vmem>>
      %dma_wait3A_441 = tpu.memref_squeeze %dma_wait3A_440 : memref<1x128xi32, #tpu.memory_space<vmem>> -> memref<128xi32, #tpu.memory_space<vmem>>
      %dma_wait3A_442 = arith.constant 0 : i32
      %dma_wait3A_443 = tpu.memref_slice %arg3[%add3A, %run_scoped3A, %dma_wait3A_442] : memref<32x80x128xi32, #tpu.memory_space<hbm>> -> memref<1x1x128xi32, #tpu.memory_space<hbm>>
      %dma_wait3A_444 = tpu.memref_squeeze %dma_wait3A_443 : memref<1x1x128xi32, #tpu.memory_space<hbm>> -> memref<128xi32, #tpu.memory_space<hbm>>
      %dma_wait3A_445 = arith.constant 0 : i32
      %dma_wait3A_446 = tpu.memref_slice %arg6[%run_scoped3A_1, %dma_wait3A_445] : memref<2x128xi32, #tpu.memory_space<vmem>> -> memref<1x128xi32, #tpu.memory_space<vmem>>
      %dma_wait3A_447 = tpu.memref_squeeze %dma_wait3A_446 : memref<1x128xi32, #tpu.memory_space<vmem>> -> memref<128xi32, #tpu.memory_space<vmem>>
      %dma_wait3A_448 = arith.constant 0 : i32
      %dma_wait3A_449 = tpu.memref_slice %arg3[%add3A, %run_scoped3A, %dma_wait3A_448] : memref<32x80x128xi32, #tpu.memory_space<hbm>> -> memref<1x1x128xi32, #tpu.memory_space<hbm>>
      %dma_wait3A_450 = tpu.memref_squeeze %dma_wait3A_449 : memref<1x1x128xi32, #tpu.memory_space<hbm>> -> memref<128xi32, #tpu.memory_space<hbm>>
      tpu.wait_dma2 semaphore(%run_scoped3A_426 : memref<!tpu.dma_semaphore, #tpu.memory_space<semaphore_mem>>) src(%dma_wait3A_450 : memref<128xi32, #tpu.memory_space<hbm>>) dst(%dma_wait3A_447 : memref<128xi32, #tpu.memory_space<vmem>>)
      tpu.yield
    }) : () -> ()
    "tpu.region"() ({
      %run_scoped3A_426 = tpu.sem_alloc : memref<!tpu.dma_semaphore, #tpu.memory_space<semaphore_mem>>
      %dma_start3A_427 = arith.constant 0 : i32
      %dma_start3A_428 = arith.constant 0 : i32
      %dma_start3A_429 = tpu.memref_slice %arg4[%add3A, %dma_start3A_427, %dma_start3A_428] : memref<32x80x128xi32, #tpu.memory_space<hbm>> -> memref<1x80x128xi32, #tpu.memory_space<hbm>>
      %dma_start3A_430 = tpu.memref_squeeze %dma_start3A_429 : memref<1x80x128xi32, #tpu.memory_space<hbm>> -> memref<80x128xi32, #tpu.memory_space<hbm>>
      %dma_start3A_431 = arith.constant 0 : i32
      %dma_start3A_432 = arith.constant 0 : i32
      %dma_start3A_433 = tpu.memref_slice %arg4[%add3A, %dma_start3A_431, %dma_start3A_432] : memref<32x80x128xi32, #tpu.memory_space<hbm>> -> memref<1x80x128xi32, #tpu.memory_space<hbm>>
      %dma_start3A_434 = tpu.memref_squeeze %dma_start3A_433 : memref<1x80x128xi32, #tpu.memory_space<hbm>> -> memref<80x128xi32, #tpu.memory_space<hbm>>
      tpu.enqueue_dma source(%dma_start3A_434 : memref<80x128xi32, #tpu.memory_space<hbm>>) target(%arg7 : memref<80x128xi32, #tpu.memory_space<vmem>>) target_semaphore(%run_scoped3A_426 : memref<!tpu.dma_semaphore, #tpu.memory_space<semaphore_mem>>)
      %dma_wait3A_435 = arith.constant 0 : i32
      %dma_wait3A_436 = arith.constant 0 : i32
      %dma_wait3A_437 = tpu.memref_slice %arg4[%add3A, %dma_wait3A_435, %dma_wait3A_436] : memref<32x80x128xi32, #tpu.memory_space<hbm>> -> memref<1x80x128xi32, #tpu.memory_space<hbm>>
      %dma_wait3A_438 = tpu.memref_squeeze %dma_wait3A_437 : memref<1x80x128xi32, #tpu.memory_space<hbm>> -> memref<80x128xi32, #tpu.memory_space<hbm>>
      %dma_wait3A_439 = arith.constant 0 : i32
      %dma_wait3A_440 = arith.constant 0 : i32
      %dma_wait3A_441 = tpu.memref_slice %arg4[%add3A, %dma_wait3A_439, %dma_wait3A_440] : memref<32x80x128xi32, #tpu.memory_space<hbm>> -> memref<1x80x128xi32, #tpu.memory_space<hbm>>
      %dma_wait3A_442 = tpu.memref_squeeze %dma_wait3A_441 : memref<1x80x128xi32, #tpu.memory_space<hbm>> -> memref<80x128xi32, #tpu.memory_space<hbm>>
      tpu.wait_dma2 semaphore(%run_scoped3A_426 : memref<!tpu.dma_semaphore, #tpu.memory_space<semaphore_mem>>) src(%dma_wait3A_442 : memref<80x128xi32, #tpu.memory_space<hbm>>) dst(%arg7 : memref<80x128xi32, #tpu.memory_space<vmem>>)
      tpu.yield
    }) : () -> ()
    %dma_start3A = arith.constant 0 : i32
    %dma_start3A_2 = arith.constant 0 : i32
    %dma_start3A_3 = tpu.memref_slice %arg6[%dma_start3A, %dma_start3A_2] : memref<2x128xi32, #tpu.memory_space<vmem>> -> memref<1x128xi32, #tpu.memory_space<vmem>>
    %dma_start3A_4 = tpu.memref_squeeze %dma_start3A_3 : memref<1x128xi32, #tpu.memory_space<vmem>> -> memref<128xi32, #tpu.memory_space<vmem>>
    %dma_start3A_5 = arith.constant 0 : i32
    %dma_start3A_6 = arith.constant 0 : i32
    %dma_start3A_7 = tpu.memref_slice %arg2[%dma_start3A_5, %dma_start3A_6] : memref<10000x128xf32, #tpu.memory_space<hbm>> -> memref<10000x128xf32, #tpu.memory_space<hbm>>
    tpu.enqueue_indirect_dma source(%dma_start3A_7 : memref<10000x128xf32, #tpu.memory_space<hbm>>) target(%arg8 : memref<128x128xf32, #tpu.memory_space<vmem>>) offsets(%dma_start3A_4 : memref<128xi32, #tpu.memory_space<vmem>>) semaphore(%arg10 : memref<!tpu.dma_semaphore, #tpu.memory_space<semaphore_mem>>)
    %dma_start3A_8 = arith.constant 1 : i32
    %dma_start3A_9 = arith.constant 1 : i32
    %dma_start3A_10 = arith.constant 0 : i32
    %dma_start3A_11 = tpu.memref_slice %arg6[%dma_start3A_9, %dma_start3A_10] : memref<2x128xi32, #tpu.memory_space<vmem>> -> memref<1x128xi32, #tpu.memory_space<vmem>>
    %dma_start3A_12 = tpu.memref_squeeze %dma_start3A_11 : memref<1x128xi32, #tpu.memory_space<vmem>> -> memref<128xi32, #tpu.memory_space<vmem>>
    %dma_start3A_13 = arith.constant 0 : i32
    %dma_start3A_14 = tpu.memref_slice %arg3[%add3A, %dma_start3A_8, %dma_start3A_13] : memref<32x80x128xi32, #tpu.memory_space<hbm>> -> memref<1x1x128xi32, #tpu.memory_space<hbm>>
    %dma_start3A_15 = tpu.memref_squeeze %dma_start3A_14 : memref<1x1x128xi32, #tpu.memory_space<hbm>> -> memref<128xi32, #tpu.memory_space<hbm>>
    %dma_start3A_16 = arith.constant 0 : i32
    %dma_start3A_17 = tpu.memref_slice %arg6[%dma_start3A_9, %dma_start3A_16] : memref<2x128xi32, #tpu.memory_space<vmem>> -> memref<1x128xi32, #tpu.memory_space<vmem>>
    %dma_start3A_18 = tpu.memref_squeeze %dma_start3A_17 : memref<1x128xi32, #tpu.memory_space<vmem>> -> memref<128xi32, #tpu.memory_space<vmem>>
    %dma_start3A_19 = arith.constant 0 : i32
    %dma_start3A_20 = tpu.memref_slice %arg3[%add3A, %dma_start3A_8, %dma_start3A_19] : memref<32x80x128xi32, #tpu.memory_space<hbm>> -> memref<1x1x128xi32, #tpu.memory_space<hbm>>
    %dma_start3A_21 = tpu.memref_squeeze %dma_start3A_20 : memref<1x1x128xi32, #tpu.memory_space<hbm>> -> memref<128xi32, #tpu.memory_space<hbm>>
    tpu.enqueue_dma source(%dma_start3A_21 : memref<128xi32, #tpu.memory_space<hbm>>) target(%dma_start3A_18 : memref<128xi32, #tpu.memory_space<vmem>>) target_semaphore(%arg14 : memref<!tpu.dma_semaphore, #tpu.memory_space<semaphore_mem>>)
    %scan3A = arith.constant 0 : i32
    %scan3A_22 = arith.constant 0 : i32
    %scan3A_23 = arith.constant 320 : i32
    %scan3A_24 = arith.addi %scan3A_22, %scan3A_23 : i32
    %scan3A_25 = arith.constant 1 : i32
    scf.for %scan3A_426 = %scan3A_22 to %scan3A_24 step %scan3A_25  : i32 {
      %broadcast_in_dim3A = arith.constant 0.000000e+00 : f32
      %broadcast_in_dim3A_427 = vector.broadcast %broadcast_in_dim3A : f32 to vector<16xf32>
      %jit3A = arith.constant 8 : i32
      %div3A = arith.divsi %scan3A_426, %jit3A : i32
      %sign3A = arith.constant 0 : i32
      %sign3A_428 = arith.cmpi sgt, %scan3A_426, %sign3A : i32
      %sign3A_429 = arith.extui %sign3A_428 : i1 to i32
      %sign3A_430 = arith.constant 0 : i32
      %sign3A_431 = arith.cmpi slt, %scan3A_426, %sign3A_430 : i32
      %sign3A_432 = arith.extui %sign3A_431 : i1 to i32
      %sign3A_433 = arith.subi %sign3A_429, %sign3A_432 : i32
      %sign3A_434 = arith.constant 0 : i32
      %sign3A_435 = arith.cmpi sgt, %jit3A, %sign3A_434 : i32
      %sign3A_436 = arith.extui %sign3A_435 : i1 to i32
      %sign3A_437 = arith.constant 0 : i32
      %sign3A_438 = arith.cmpi slt, %jit3A, %sign3A_437 : i32
      %sign3A_439 = arith.extui %sign3A_438 : i1 to i32
      %sign3A_440 = arith.subi %sign3A_436, %sign3A_439 : i32
      %ne3A = arith.cmpi ne, %sign3A_433, %sign3A_440 : i32
      %rem3A = arith.remsi %scan3A_426, %jit3A : i32
      %ne3A_441 = arith.constant 0 : i32
      %ne3A_442 = arith.cmpi ne, %rem3A, %ne3A_441 : i32
      %and3A = arith.andi %ne3A, %ne3A_442 : i1
      %sub3A = arith.constant 1 : i32
      %sub3A_443 = arith.subi %div3A, %sub3A : i32
      %select_n3A = arith.select %and3A, %sub3A_443, %div3A : i32
      %jit3A_444 = arith.constant 8 : i32
      %eq3A = arith.constant 0 : i32
      %eq3A_445 = arith.cmpi eq, %jit3A_444, %eq3A : i32
      %jit3A_446 = arith.constant 1 : i32
      %select_n3A_447 = arith.select %eq3A_445, %jit3A_446, %jit3A_444 : i32
      %rem3A_448 = arith.remsi %scan3A_426, %select_n3A_447 : i32
      %ne3A_449 = arith.constant 0 : i32
      %ne3A_450 = arith.cmpi ne, %rem3A_448, %ne3A_449 : i32
      %lt3A = arith.constant 0 : i32
      %lt3A_451 = arith.cmpi slt, %rem3A_448, %lt3A : i32
      %lt3A_452 = arith.constant 0 : i32
      %lt3A_453 = arith.cmpi slt, %select_n3A_447, %lt3A_452 : i32
      %ne3A_454 = arith.xori %lt3A_451, %lt3A_453 : i1
      %and3A_455 = arith.andi %ne3A_454, %ne3A_450 : i1
      %add3A_456 = arith.addi %rem3A_448, %select_n3A_447 : i32
      %select_n3A_457 = arith.select %and3A_455, %add3A_456, %rem3A_448 : i32
      %mul3A_458 = arith.constant 16 : i32
      %mul3A_459 = arith.muli %select_n3A_457, %mul3A_458 : i32
      %swap3A = arith.index_cast %select_n3A : i32 to index
      %swap3A_460 = arith.index_cast %mul3A_459 : i32 to index
      %swap3A_461 = tpu.vector_load %arg9[%swap3A, %swap3A_460] {strides = array<i32>} : memref<128x128xf32, #tpu.memory_space<vmem>>, vector<1x16xf32>,
      %swap3A_462 = vector.shape_cast %swap3A_461 : vector<1x16xf32> to vector<16xf32>
      %swap3A_463 = vector.shape_cast %broadcast_in_dim3A_427 : vector<16xf32> to vector<1x16xf32>
      tpu.vector_store %arg9[%swap3A, %swap3A_460], %swap3A_463 {strides = array<i32>} : memref<128x128xf32, #tpu.memory_space<vmem>>, vector<1x16xf32>,
    }
    %scan3A_26 = arith.constant 320 : i32
    %mul3A_27 = arith.constant 640 : i32
    %mul3A_28 = arith.muli %arg1, %mul3A_27 : i32
    %add3A_29 = arith.constant 0 : i32
    %add3A_30 = arith.addi %mul3A_28, %add3A_29 : i32
    %dma_start3A_31 = arith.constant 0 : i32
    %dma_start3A_32 = arith.constant 0 : i32
    %dma_start3A_33 = tpu.memref_slice %arg9[%dma_start3A_31, %dma_start3A_32] : memref<128x128xf32, #tpu.memory_space<vmem>> -> memref<40x128xf32, #tpu.memory_space<vmem>>
    %dma_start3A_34 = arith.constant 0 : i32
    %dma_start3A_35 = tpu.memref_slice %arg16[%add3A_30, %dma_start3A_34] : memref<10240x128xf32, #tpu.memory_space<vmem_shared>> -> memref<40x128xf32, #tpu.memory_space<vmem_shared>>
    %dma_start3A_36 = arith.constant 0 : i32
    %dma_start3A_37 = tpu.memref_slice %arg16[%add3A_30, %dma_start3A_36] : memref<10240x128xf32, #tpu.memory_space<vmem_shared>> -> memref<40x128xf32, #tpu.memory_space<vmem_shared>>
    %dma_start3A_38 = arith.constant 0 : i32
    %dma_start3A_39 = arith.constant 0 : i32
    %dma_start3A_40 = tpu.memref_slice %arg9[%dma_start3A_38, %dma_start3A_39] : memref<128x128xf32, #tpu.memory_space<vmem>> -> memref<40x128xf32, #tpu.memory_space<vmem>>
    tpu.enqueue_dma source(%dma_start3A_40 : memref<40x128xf32, #tpu.memory_space<vmem>>) target(%dma_start3A_37 : memref<40x128xf32, #tpu.memory_space<vmem_shared>>) target_semaphore(%arg15 : memref<!tpu.dma_semaphore, #tpu.memory_space<semaphore_mem>>)
    %add3A_41 = arith.constant 40 : i32
    %add3A_42 = arith.addi %mul3A_28, %add3A_41 : i32
    %dma_start3A_43 = arith.constant 0 : i32
    %dma_start3A_44 = arith.constant 0 : i32
    %dma_start3A_45 = tpu.memref_slice %arg9[%dma_start3A_43, %dma_start3A_44] : memref<128x128xf32, #tpu.memory_space<vmem>> -> memref<40x128xf32, #tpu.memory_space<vmem>>
    %dma_start3A_46 = arith.constant 0 : i32
    %dma_start3A_47 = tpu.memref_slice %arg16[%add3A_42, %dma_start3A_46] : memref<10240x128xf32, #tpu.memory_space<vmem_shared>> -> memref<40x128xf32, #tpu.memory_space<vmem_shared>>
    %dma_start3A_48 = arith.constant 0 : i32
    %dma_start3A_49 = tpu.memref_slice %arg16[%add3A_42, %dma_start3A_48] : memref<10240x128xf32, #tpu.memory_space<vmem_shared>> -> memref<40x128xf32, #tpu.memory_space<vmem_shared>>
    %dma_start3A_50 = arith.constant 0 : i32
    %dma_start3A_51 = arith.constant 0 : i32
    %dma_start3A_52 = tpu.memref_slice %arg9[%dma_start3A_50, %dma_start3A_51] : memref<128x128xf32, #tpu.memory_space<vmem>> -> memref<40x128xf32, #tpu.memory_space<vmem>>
    tpu.enqueue_dma source(%dma_start3A_52 : memref<40x128xf32, #tpu.memory_space<vmem>>) target(%dma_start3A_49 : memref<40x128xf32, #tpu.memory_space<vmem_shared>>) target_semaphore(%arg15 : memref<!tpu.dma_semaphore, #tpu.memory_space<semaphore_mem>>)
    %add3A_53 = arith.constant 80 : i32
    %add3A_54 = arith.addi %mul3A_28, %add3A_53 : i32
    %dma_start3A_55 = arith.constant 0 : i32
    %dma_start3A_56 = arith.constant 0 : i32
    %dma_start3A_57 = tpu.memref_slice %arg9[%dma_start3A_55, %dma_start3A_56] : memref<128x128xf32, #tpu.memory_space<vmem>> -> memref<40x128xf32, #tpu.memory_space<vmem>>
    %dma_start3A_58 = arith.constant 0 : i32
    %dma_start3A_59 = tpu.memref_slice %arg16[%add3A_54, %dma_start3A_58] : memref<10240x128xf32, #tpu.memory_space<vmem_shared>> -> memref<40x128xf32, #tpu.memory_space<vmem_shared>>
    %dma_start3A_60 = arith.constant 0 : i32
    %dma_start3A_61 = tpu.memref_slice %arg16[%add3A_54, %dma_start3A_60] : memref<10240x128xf32, #tpu.memory_space<vmem_shared>> -> memref<40x128xf32, #tpu.memory_space<vmem_shared>>
    %dma_start3A_62 = arith.constant 0 : i32
    %dma_start3A_63 = arith.constant 0 : i32
    %dma_start3A_64 = tpu.memref_slice %arg9[%dma_start3A_62, %dma_start3A_63] : memref<128x128xf32, #tpu.memory_space<vmem>> -> memref<40x128xf32, #tpu.memory_space<vmem>>
    tpu.enqueue_dma source(%dma_start3A_64 : memref<40x128xf32, #tpu.memory_space<vmem>>) target(%dma_start3A_61 : memref<40x128xf32, #tpu.memory_space<vmem_shared>>) target_semaphore(%arg15 : memref<!tpu.dma_semaphore, #tpu.memory_space<semaphore_mem>>)
    %add3A_65 = arith.constant 120 : i32
    %add3A_66 = arith.addi %mul3A_28, %add3A_65 : i32
    %dma_start3A_67 = arith.constant 0 : i32
    %dma_start3A_68 = arith.constant 0 : i32
    %dma_start3A_69 = tpu.memref_slice %arg9[%dma_start3A_67, %dma_start3A_68] : memref<128x128xf32, #tpu.memory_space<vmem>> -> memref<40x128xf32, #tpu.memory_space<vmem>>
    %dma_start3A_70 = arith.constant 0 : i32
    %dma_start3A_71 = tpu.memref_slice %arg16[%add3A_66, %dma_start3A_70] : memref<10240x128xf32, #tpu.memory_space<vmem_shared>> -> memref<40x128xf32, #tpu.memory_space<vmem_shared>>
    %dma_start3A_72 = arith.constant 0 : i32
    %dma_start3A_73 = tpu.memref_slice %arg16[%add3A_66, %dma_start3A_72] : memref<10240x128xf32, #tpu.memory_space<vmem_shared>> -> memref<40x128xf32, #tpu.memory_space<vmem_shared>>
    %dma_start3A_74 = arith.constant 0 : i32
    %dma_start3A_75 = arith.constant 0 : i32
    %dma_start3A_76 = tpu.memref_slice %arg9[%dma_start3A_74, %dma_start3A_75] : memref<128x128xf32, #tpu.memory_space<vmem>> -> memref<40x128xf32, #tpu.memory_space<vmem>>
    tpu.enqueue_dma source(%dma_start3A_76 : memref<40x128xf32, #tpu.memory_space<vmem>>) target(%dma_start3A_73 : memref<40x128xf32, #tpu.memory_space<vmem_shared>>) target_semaphore(%arg15 : memref<!tpu.dma_semaphore, #tpu.memory_space<semaphore_mem>>)
    %add3A_77 = arith.constant 160 : i32
    %add3A_78 = arith.addi %mul3A_28, %add3A_77 : i32
    %dma_start3A_79 = arith.constant 0 : i32
    %dma_start3A_80 = arith.constant 0 : i32
    %dma_start3A_81 = tpu.memref_slice %arg9[%dma_start3A_79, %dma_start3A_80] : memref<128x128xf32, #tpu.memory_space<vmem>> -> memref<40x128xf32, #tpu.memory_space<vmem>>
    %dma_start3A_82 = arith.constant 0 : i32
    %dma_start3A_83 = tpu.memref_slice %arg16[%add3A_78, %dma_start3A_82] : memref<10240x128xf32, #tpu.memory_space<vmem_shared>> -> memref<40x128xf32, #tpu.memory_space<vmem_shared>>
    %dma_start3A_84 = arith.constant 0 : i32
    %dma_start3A_85 = tpu.memref_slice %arg16[%add3A_78, %dma_start3A_84] : memref<10240x128xf32, #tpu.memory_space<vmem_shared>> -> memref<40x128xf32, #tpu.memory_space<vmem_shared>>
    %dma_start3A_86 = arith.constant 0 : i32
    %dma_start3A_87 = arith.constant 0 : i32
    %dma_start3A_88 = tpu.memref_slice %arg9[%dma_start3A_86, %dma_start3A_87] : memref<128x128xf32, #tpu.memory_space<vmem>> -> memref<40x128xf32, #tpu.memory_space<vmem>>
    tpu.enqueue_dma source(%dma_start3A_88 : memref<40x128xf32, #tpu.memory_space<vmem>>) target(%dma_start3A_85 : memref<40x128xf32, #tpu.memory_space<vmem_shared>>) target_semaphore(%arg15 : memref<!tpu.dma_semaphore, #tpu.memory_space<semaphore_mem>>)
    %add3A_89 = arith.constant 200 : i32
    %add3A_90 = arith.addi %mul3A_28, %add3A_89 : i32
    %dma_start3A_91 = arith.constant 0 : i32
    %dma_start3A_92 = arith.constant 0 : i32
    %dma_start3A_93 = tpu.memref_slice %arg9[%dma_start3A_91, %dma_start3A_92] : memref<128x128xf32, #tpu.memory_space<vmem>> -> memref<40x128xf32, #tpu.memory_space<vmem>>
    %dma_start3A_94 = arith.constant 0 : i32
    %dma_start3A_95 = tpu.memref_slice %arg16[%add3A_90, %dma_start3A_94] : memref<10240x128xf32, #tpu.memory_space<vmem_shared>> -> memref<40x128xf32, #tpu.memory_space<vmem_shared>>
    %dma_start3A_96 = arith.constant 0 : i32
    %dma_start3A_97 = tpu.memref_slice %arg16[%add3A_90, %dma_start3A_96] : memref<10240x128xf32, #tpu.memory_space<vmem_shared>> -> memref<40x128xf32, #tpu.memory_space<vmem_shared>>
    %dma_start3A_98 = arith.constant 0 : i32
    %dma_start3A_99 = arith.constant 0 : i32
    %dma_start3A_100 = tpu.memref_slice %arg9[%dma_start3A_98, %dma_start3A_99] : memref<128x128xf32, #tpu.memory_space<vmem>> -> memref<40x128xf32, #tpu.memory_space<vmem>>
    tpu.enqueue_dma source(%dma_start3A_100 : memref<40x128xf32, #tpu.memory_space<vmem>>) target(%dma_start3A_97 : memref<40x128xf32, #tpu.memory_space<vmem_shared>>) target_semaphore(%arg15 : memref<!tpu.dma_semaphore, #tpu.memory_space<semaphore_mem>>)
    %add3A_101 = arith.constant 240 : i32
    %add3A_102 = arith.addi %mul3A_28, %add3A_101 : i32
    %dma_start3A_103 = arith.constant 0 : i32
    %dma_start3A_104 = arith.constant 0 : i32
    %dma_start3A_105 = tpu.memref_slice %arg9[%dma_start3A_103, %dma_start3A_104] : memref<128x128xf32, #tpu.memory_space<vmem>> -> memref<40x128xf32, #tpu.memory_space<vmem>>
    %dma_start3A_106 = arith.constant 0 : i32
    %dma_start3A_107 = tpu.memref_slice %arg16[%add3A_102, %dma_start3A_106] : memref<10240x128xf32, #tpu.memory_space<vmem_shared>> -> memref<40x128xf32, #tpu.memory_space<vmem_shared>>
    %dma_start3A_108 = arith.constant 0 : i32
    %dma_start3A_109 = tpu.memref_slice %arg16[%add3A_102, %dma_start3A_108] : memref<10240x128xf32, #tpu.memory_space<vmem_shared>> -> memref<40x128xf32, #tpu.memory_space<vmem_shared>>
    %dma_start3A_110 = arith.constant 0 : i32
    %dma_start3A_111 = arith.constant 0 : i32
    %dma_start3A_112 = tpu.memref_slice %arg9[%dma_start3A_110, %dma_start3A_111] : memref<128x128xf32, #tpu.memory_space<vmem>> -> memref<40x128xf32, #tpu.memory_space<vmem>>
    tpu.enqueue_dma source(%dma_start3A_112 : memref<40x128xf32, #tpu.memory_space<vmem>>) target(%dma_start3A_109 : memref<40x128xf32, #tpu.memory_space<vmem_shared>>) target_semaphore(%arg15 : memref<!tpu.dma_semaphore, #tpu.memory_space<semaphore_mem>>)
    %add3A_113 = arith.constant 280 : i32
    %add3A_114 = arith.addi %mul3A_28, %add3A_113 : i32
    %dma_start3A_115 = arith.constant 0 : i32
    %dma_start3A_116 = arith.constant 0 : i32
    %dma_start3A_117 = tpu.memref_slice %arg9[%dma_start3A_115, %dma_start3A_116] : memref<128x128xf32, #tpu.memory_space<vmem>> -> memref<40x128xf32, #tpu.memory_space<vmem>>
    %dma_start3A_118 = arith.constant 0 : i32
    %dma_start3A_119 = tpu.memref_slice %arg16[%add3A_114, %dma_start3A_118] : memref<10240x128xf32, #tpu.memory_space<vmem_shared>> -> memref<40x128xf32, #tpu.memory_space<vmem_shared>>
    %dma_start3A_120 = arith.constant 0 : i32
    %dma_start3A_121 = tpu.memref_slice %arg16[%add3A_114, %dma_start3A_120] : memref<10240x128xf32, #tpu.memory_space<vmem_shared>> -> memref<40x128xf32, #tpu.memory_space<vmem_shared>>
    %dma_start3A_122 = arith.constant 0 : i32
    %dma_start3A_123 = arith.constant 0 : i32
    %dma_start3A_124 = tpu.memref_slice %arg9[%dma_start3A_122, %dma_start3A_123] : memref<128x128xf32, #tpu.memory_space<vmem>> -> memref<40x128xf32, #tpu.memory_space<vmem>>
    tpu.enqueue_dma source(%dma_start3A_124 : memref<40x128xf32, #tpu.memory_space<vmem>>) target(%dma_start3A_121 : memref<40x128xf32, #tpu.memory_space<vmem_shared>>) target_semaphore(%arg15 : memref<!tpu.dma_semaphore, #tpu.memory_space<semaphore_mem>>)
    %add3A_125 = arith.constant 320 : i32
    %add3A_126 = arith.addi %mul3A_28, %add3A_125 : i32
    %dma_start3A_127 = arith.constant 0 : i32
    %dma_start3A_128 = arith.constant 0 : i32
    %dma_start3A_129 = tpu.memref_slice %arg9[%dma_start3A_127, %dma_start3A_128] : memref<128x128xf32, #tpu.memory_space<vmem>> -> memref<40x128xf32, #tpu.memory_space<vmem>>
    %dma_start3A_130 = arith.constant 0 : i32
    %dma_start3A_131 = tpu.memref_slice %arg16[%add3A_126, %dma_start3A_130] : memref<10240x128xf32, #tpu.memory_space<vmem_shared>> -> memref<40x128xf32, #tpu.memory_space<vmem_shared>>
    %dma_start3A_132 = arith.constant 0 : i32
    %dma_start3A_133 = tpu.memref_slice %arg16[%add3A_126, %dma_start3A_132] : memref<10240x128xf32, #tpu.memory_space<vmem_shared>> -> memref<40x128xf32, #tpu.memory_space<vmem_shared>>
    %dma_start3A_134 = arith.constant 0 : i32
    %dma_start3A_135 = arith.constant 0 : i32
    %dma_start3A_136 = tpu.memref_slice %arg9[%dma_start3A_134, %dma_start3A_135] : memref<128x128xf32, #tpu.memory_space<vmem>> -> memref<40x128xf32, #tpu.memory_space<vmem>>
    tpu.enqueue_dma source(%dma_start3A_136 : memref<40x128xf32, #tpu.memory_space<vmem>>) target(%dma_start3A_133 : memref<40x128xf32, #tpu.memory_space<vmem_shared>>) target_semaphore(%arg15 : memref<!tpu.dma_semaphore, #tpu.memory_space<semaphore_mem>>)
    %add3A_137 = arith.constant 360 : i32
    %add3A_138 = arith.addi %mul3A_28, %add3A_137 : i32
    %dma_start3A_139 = arith.constant 0 : i32
    %dma_start3A_140 = arith.constant 0 : i32
    %dma_start3A_141 = tpu.memref_slice %arg9[%dma_start3A_139, %dma_start3A_140] : memref<128x128xf32, #tpu.memory_space<vmem>> -> memref<40x128xf32, #tpu.memory_space<vmem>>
    %dma_start3A_142 = arith.constant 0 : i32
    %dma_start3A_143 = tpu.memref_slice %arg16[%add3A_138, %dma_start3A_142] : memref<10240x128xf32, #tpu.memory_space<vmem_shared>> -> memref<40x128xf32, #tpu.memory_space<vmem_shared>>
    %dma_start3A_144 = arith.constant 0 : i32
    %dma_start3A_145 = tpu.memref_slice %arg16[%add3A_138, %dma_start3A_144] : memref<10240x128xf32, #tpu.memory_space<vmem_shared>> -> memref<40x128xf32, #tpu.memory_space<vmem_shared>>
    %dma_start3A_146 = arith.constant 0 : i32
    %dma_start3A_147 = arith.constant 0 : i32
    %dma_start3A_148 = tpu.memref_slice %arg9[%dma_start3A_146, %dma_start3A_147] : memref<128x128xf32, #tpu.memory_space<vmem>> -> memref<40x128xf32, #tpu.memory_space<vmem>>
    tpu.enqueue_dma source(%dma_start3A_148 : memref<40x128xf32, #tpu.memory_space<vmem>>) target(%dma_start3A_145 : memref<40x128xf32, #tpu.memory_space<vmem_shared>>) target_semaphore(%arg15 : memref<!tpu.dma_semaphore, #tpu.memory_space<semaphore_mem>>)
    %add3A_149 = arith.constant 400 : i32
    %add3A_150 = arith.addi %mul3A_28, %add3A_149 : i32
    %dma_start3A_151 = arith.constant 0 : i32
    %dma_start3A_152 = arith.constant 0 : i32
    %dma_start3A_153 = tpu.memref_slice %arg9[%dma_start3A_151, %dma_start3A_152] : memref<128x128xf32, #tpu.memory_space<vmem>> -> memref<40x128xf32, #tpu.memory_space<vmem>>
    %dma_start3A_154 = arith.constant 0 : i32
    %dma_start3A_155 = tpu.memref_slice %arg16[%add3A_150, %dma_start3A_154] : memref<10240x128xf32, #tpu.memory_space<vmem_shared>> -> memref<40x128xf32, #tpu.memory_space<vmem_shared>>
    %dma_start3A_156 = arith.constant 0 : i32
    %dma_start3A_157 = tpu.memref_slice %arg16[%add3A_150, %dma_start3A_156] : memref<10240x128xf32, #tpu.memory_space<vmem_shared>> -> memref<40x128xf32, #tpu.memory_space<vmem_shared>>
    %dma_start3A_158 = arith.constant 0 : i32
    %dma_start3A_159 = arith.constant 0 : i32
    %dma_start3A_160 = tpu.memref_slice %arg9[%dma_start3A_158, %dma_start3A_159] : memref<128x128xf32, #tpu.memory_space<vmem>> -> memref<40x128xf32, #tpu.memory_space<vmem>>
    tpu.enqueue_dma source(%dma_start3A_160 : memref<40x128xf32, #tpu.memory_space<vmem>>) target(%dma_start3A_157 : memref<40x128xf32, #tpu.memory_space<vmem_shared>>) target_semaphore(%arg15 : memref<!tpu.dma_semaphore, #tpu.memory_space<semaphore_mem>>)
    %add3A_161 = arith.constant 440 : i32
    %add3A_162 = arith.addi %mul3A_28, %add3A_161 : i32
    %dma_start3A_163 = arith.constant 0 : i32
    %dma_start3A_164 = arith.constant 0 : i32
    %dma_start3A_165 = tpu.memref_slice %arg9[%dma_start3A_163, %dma_start3A_164] : memref<128x128xf32, #tpu.memory_space<vmem>> -> memref<40x128xf32, #tpu.memory_space<vmem>>
    %dma_start3A_166 = arith.constant 0 : i32
    %dma_start3A_167 = tpu.memref_slice %arg16[%add3A_162, %dma_start3A_166] : memref<10240x128xf32, #tpu.memory_space<vmem_shared>> -> memref<40x128xf32, #tpu.memory_space<vmem_shared>>
    %dma_start3A_168 = arith.constant 0 : i32
    %dma_start3A_169 = tpu.memref_slice %arg16[%add3A_162, %dma_start3A_168] : memref<10240x128xf32, #tpu.memory_space<vmem_shared>> -> memref<40x128xf32, #tpu.memory_space<vmem_shared>>
    %dma_start3A_170 = arith.constant 0 : i32
    %dma_start3A_171 = arith.constant 0 : i32
    %dma_start3A_172 = tpu.memref_slice %arg9[%dma_start3A_170, %dma_start3A_171] : memref<128x128xf32, #tpu.memory_space<vmem>> -> memref<40x128xf32, #tpu.memory_space<vmem>>
    tpu.enqueue_dma source(%dma_start3A_172 : memref<40x128xf32, #tpu.memory_space<vmem>>) target(%dma_start3A_169 : memref<40x128xf32, #tpu.memory_space<vmem_shared>>) target_semaphore(%arg15 : memref<!tpu.dma_semaphore, #tpu.memory_space<semaphore_mem>>)
    %add3A_173 = arith.constant 480 : i32
    %add3A_174 = arith.addi %mul3A_28, %add3A_173 : i32
    %dma_start3A_175 = arith.constant 0 : i32
    %dma_start3A_176 = arith.constant 0 : i32
    %dma_start3A_177 = tpu.memref_slice %arg9[%dma_start3A_175, %dma_start3A_176] : memref<128x128xf32, #tpu.memory_space<vmem>> -> memref<40x128xf32, #tpu.memory_space<vmem>>
    %dma_start3A_178 = arith.constant 0 : i32
    %dma_start3A_179 = tpu.memref_slice %arg16[%add3A_174, %dma_start3A_178] : memref<10240x128xf32, #tpu.memory_space<vmem_shared>> -> memref<40x128xf32, #tpu.memory_space<vmem_shared>>
    %dma_start3A_180 = arith.constant 0 : i32
    %dma_start3A_181 = tpu.memref_slice %arg16[%add3A_174, %dma_start3A_180] : memref<10240x128xf32, #tpu.memory_space<vmem_shared>> -> memref<40x128xf32, #tpu.memory_space<vmem_shared>>
    %dma_start3A_182 = arith.constant 0 : i32
    %dma_start3A_183 = arith.constant 0 : i32
    %dma_start3A_184 = tpu.memref_slice %arg9[%dma_start3A_182, %dma_start3A_183] : memref<128x128xf32, #tpu.memory_space<vmem>> -> memref<40x128xf32, #tpu.memory_space<vmem>>
    tpu.enqueue_dma source(%dma_start3A_184 : memref<40x128xf32, #tpu.memory_space<vmem>>) target(%dma_start3A_181 : memref<40x128xf32, #tpu.memory_space<vmem_shared>>) target_semaphore(%arg15 : memref<!tpu.dma_semaphore, #tpu.memory_space<semaphore_mem>>)
    %add3A_185 = arith.constant 520 : i32
    %add3A_186 = arith.addi %mul3A_28, %add3A_185 : i32
    %dma_start3A_187 = arith.constant 0 : i32
    %dma_start3A_188 = arith.constant 0 : i32
    %dma_start3A_189 = tpu.memref_slice %arg9[%dma_start3A_187, %dma_start3A_188] : memref<128x128xf32, #tpu.memory_space<vmem>> -> memref<40x128xf32, #tpu.memory_space<vmem>>
    %dma_start3A_190 = arith.constant 0 : i32
    %dma_start3A_191 = tpu.memref_slice %arg16[%add3A_186, %dma_start3A_190] : memref<10240x128xf32, #tpu.memory_space<vmem_shared>> -> memref<40x128xf32, #tpu.memory_space<vmem_shared>>
    %dma_start3A_192 = arith.constant 0 : i32
    %dma_start3A_193 = tpu.memref_slice %arg16[%add3A_186, %dma_start3A_192] : memref<10240x128xf32, #tpu.memory_space<vmem_shared>> -> memref<40x128xf32, #tpu.memory_space<vmem_shared>>
    %dma_start3A_194 = arith.constant 0 : i32
    %dma_start3A_195 = arith.constant 0 : i32
    %dma_start3A_196 = tpu.memref_slice %arg9[%dma_start3A_194, %dma_start3A_195] : memref<128x128xf32, #tpu.memory_space<vmem>> -> memref<40x128xf32, #tpu.memory_space<vmem>>
    tpu.enqueue_dma source(%dma_start3A_196 : memref<40x128xf32, #tpu.memory_space<vmem>>) target(%dma_start3A_193 : memref<40x128xf32, #tpu.memory_space<vmem_shared>>) target_semaphore(%arg15 : memref<!tpu.dma_semaphore, #tpu.memory_space<semaphore_mem>>)
    %add3A_197 = arith.constant 560 : i32
    %add3A_198 = arith.addi %mul3A_28, %add3A_197 : i32
    %dma_start3A_199 = arith.constant 0 : i32
    %dma_start3A_200 = arith.constant 0 : i32
    %dma_start3A_201 = tpu.memref_slice %arg9[%dma_start3A_199, %dma_start3A_200] : memref<128x128xf32, #tpu.memory_space<vmem>> -> memref<40x128xf32, #tpu.memory_space<vmem>>
    %dma_start3A_202 = arith.constant 0 : i32
    %dma_start3A_203 = tpu.memref_slice %arg16[%add3A_198, %dma_start3A_202] : memref<10240x128xf32, #tpu.memory_space<vmem_shared>> -> memref<40x128xf32, #tpu.memory_space<vmem_shared>>
    %dma_start3A_204 = arith.constant 0 : i32
    %dma_start3A_205 = tpu.memref_slice %arg16[%add3A_198, %dma_start3A_204] : memref<10240x128xf32, #tpu.memory_space<vmem_shared>> -> memref<40x128xf32, #tpu.memory_space<vmem_shared>>
    %dma_start3A_206 = arith.constant 0 : i32
    %dma_start3A_207 = arith.constant 0 : i32
    %dma_start3A_208 = tpu.memref_slice %arg9[%dma_start3A_206, %dma_start3A_207] : memref<128x128xf32, #tpu.memory_space<vmem>> -> memref<40x128xf32, #tpu.memory_space<vmem>>
    tpu.enqueue_dma source(%dma_start3A_208 : memref<40x128xf32, #tpu.memory_space<vmem>>) target(%dma_start3A_205 : memref<40x128xf32, #tpu.memory_space<vmem_shared>>) target_semaphore(%arg15 : memref<!tpu.dma_semaphore, #tpu.memory_space<semaphore_mem>>)
    %add3A_209 = arith.constant 600 : i32
    %add3A_210 = arith.addi %mul3A_28, %add3A_209 : i32
    %dma_start3A_211 = arith.constant 0 : i32
    %dma_start3A_212 = arith.constant 0 : i32
    %dma_start3A_213 = tpu.memref_slice %arg9[%dma_start3A_211, %dma_start3A_212] : memref<128x128xf32, #tpu.memory_space<vmem>> -> memref<40x128xf32, #tpu.memory_space<vmem>>
    %dma_start3A_214 = arith.constant 0 : i32
    %dma_start3A_215 = tpu.memref_slice %arg16[%add3A_210, %dma_start3A_214] : memref<10240x128xf32, #tpu.memory_space<vmem_shared>> -> memref<40x128xf32, #tpu.memory_space<vmem_shared>>
    %dma_start3A_216 = arith.constant 0 : i32
    %dma_start3A_217 = tpu.memref_slice %arg16[%add3A_210, %dma_start3A_216] : memref<10240x128xf32, #tpu.memory_space<vmem_shared>> -> memref<40x128xf32, #tpu.memory_space<vmem_shared>>
    %dma_start3A_218 = arith.constant 0 : i32
    %dma_start3A_219 = arith.constant 0 : i32
    %dma_start3A_220 = tpu.memref_slice %arg9[%dma_start3A_218, %dma_start3A_219] : memref<128x128xf32, #tpu.memory_space<vmem>> -> memref<40x128xf32, #tpu.memory_space<vmem>>
    tpu.enqueue_dma source(%dma_start3A_220 : memref<40x128xf32, #tpu.memory_space<vmem>>) target(%dma_start3A_217 : memref<40x128xf32, #tpu.memory_space<vmem_shared>>) target_semaphore(%arg15 : memref<!tpu.dma_semaphore, #tpu.memory_space<semaphore_mem>>)
    %add3A_221 = arith.constant 0 : i32
    %add3A_222 = arith.addi %mul3A_28, %add3A_221 : i32
    %dma_wait3A = arith.constant 0 : i32
    %dma_wait3A_223 = arith.constant 0 : i32
    %dma_wait3A_224 = tpu.memref_slice %arg9[%dma_wait3A, %dma_wait3A_223] : memref<128x128xf32, #tpu.memory_space<vmem>> -> memref<40x128xf32, #tpu.memory_space<vmem>>
    %dma_wait3A_225 = arith.constant 0 : i32
    %dma_wait3A_226 = tpu.memref_slice %arg16[%add3A_222, %dma_wait3A_225] : memref<10240x128xf32, #tpu.memory_space<vmem_shared>> -> memref<40x128xf32, #tpu.memory_space<vmem_shared>>
    %dma_wait3A_227 = arith.constant 0 : i32
    %dma_wait3A_228 = tpu.memref_slice %arg16[%add3A_222, %dma_wait3A_227] : memref<10240x128xf32, #tpu.memory_space<vmem_shared>> -> memref<40x128xf32, #tpu.memory_space<vmem_shared>>
    %dma_wait3A_229 = arith.constant 0 : i32
    %dma_wait3A_230 = arith.constant 0 : i32
    %dma_wait3A_231 = tpu.memref_slice %arg9[%dma_wait3A_229, %dma_wait3A_230] : memref<128x128xf32, #tpu.memory_space<vmem>> -> memref<40x128xf32, #tpu.memory_space<vmem>>
    tpu.wait_dma2 semaphore(%arg15 : memref<!tpu.dma_semaphore, #tpu.memory_space<semaphore_mem>>) src(%dma_wait3A_231 : memref<40x128xf32, #tpu.memory_space<vmem>>) dst(%dma_wait3A_228 : memref<40x128xf32, #tpu.memory_space<vmem_shared>>)
    %add3A_232 = arith.constant 40 : i32
    %add3A_233 = arith.addi %mul3A_28, %add3A_232 : i32
    %dma_wait3A_234 = arith.constant 0 : i32
    %dma_wait3A_235 = arith.constant 0 : i32
    %dma_wait3A_236 = tpu.memref_slice %arg9[%dma_wait3A_234, %dma_wait3A_235] : memref<128x128xf32, #tpu.memory_space<vmem>> -> memref<40x128xf32, #tpu.memory_space<vmem>>
    %dma_wait3A_237 = arith.constant 0 : i32
    %dma_wait3A_238 = tpu.memref_slice %arg16[%add3A_233, %dma_wait3A_237] : memref<10240x128xf32, #tpu.memory_space<vmem_shared>> -> memref<40x128xf32, #tpu.memory_space<vmem_shared>>
    %dma_wait3A_239 = arith.constant 0 : i32
    %dma_wait3A_240 = tpu.memref_slice %arg16[%add3A_233, %dma_wait3A_239] : memref<10240x128xf32, #tpu.memory_space<vmem_shared>> -> memref<40x128xf32, #tpu.memory_space<vmem_shared>>
    %dma_wait3A_241 = arith.constant 0 : i32
    %dma_wait3A_242 = arith.constant 0 : i32
    %dma_wait3A_243 = tpu.memref_slice %arg9[%dma_wait3A_241, %dma_wait3A_242] : memref<128x128xf32, #tpu.memory_space<vmem>> -> memref<40x128xf32, #tpu.memory_space<vmem>>
    tpu.wait_dma2 semaphore(%arg15 : memref<!tpu.dma_semaphore, #tpu.memory_space<semaphore_mem>>) src(%dma_wait3A_243 : memref<40x128xf32, #tpu.memory_space<vmem>>) dst(%dma_wait3A_240 : memref<40x128xf32, #tpu.memory_space<vmem_shared>>)
    %add3A_244 = arith.constant 80 : i32
    %add3A_245 = arith.addi %mul3A_28, %add3A_244 : i32
    %dma_wait3A_246 = arith.constant 0 : i32
    %dma_wait3A_247 = arith.constant 0 : i32
    %dma_wait3A_248 = tpu.memref_slice %arg9[%dma_wait3A_246, %dma_wait3A_247] : memref<128x128xf32, #tpu.memory_space<vmem>> -> memref<40x128xf32, #tpu.memory_space<vmem>>
    %dma_wait3A_249 = arith.constant 0 : i32
    %dma_wait3A_250 = tpu.memref_slice %arg16[%add3A_245, %dma_wait3A_249] : memref<10240x128xf32, #tpu.memory_space<vmem_shared>> -> memref<40x128xf32, #tpu.memory_space<vmem_shared>>
    %dma_wait3A_251 = arith.constant 0 : i32
    %dma_wait3A_252 = tpu.memref_slice %arg16[%add3A_245, %dma_wait3A_251] : memref<10240x128xf32, #tpu.memory_space<vmem_shared>> -> memref<40x128xf32, #tpu.memory_space<vmem_shared>>
    %dma_wait3A_253 = arith.constant 0 : i32
    %dma_wait3A_254 = arith.constant 0 : i32
    %dma_wait3A_255 = tpu.memref_slice %arg9[%dma_wait3A_253, %dma_wait3A_254] : memref<128x128xf32, #tpu.memory_space<vmem>> -> memref<40x128xf32, #tpu.memory_space<vmem>>
    tpu.wait_dma2 semaphore(%arg15 : memref<!tpu.dma_semaphore, #tpu.memory_space<semaphore_mem>>) src(%dma_wait3A_255 : memref<40x128xf32, #tpu.memory_space<vmem>>) dst(%dma_wait3A_252 : memref<40x128xf32, #tpu.memory_space<vmem_shared>>)
    %add3A_256 = arith.constant 120 : i32
    %add3A_257 = arith.addi %mul3A_28, %add3A_256 : i32
    %dma_wait3A_258 = arith.constant 0 : i32
    %dma_wait3A_259 = arith.constant 0 : i32
    %dma_wait3A_260 = tpu.memref_slice %arg9[%dma_wait3A_258, %dma_wait3A_259] : memref<128x128xf32, #tpu.memory_space<vmem>> -> memref<40x128xf32, #tpu.memory_space<vmem>>
    %dma_wait3A_261 = arith.constant 0 : i32
    %dma_wait3A_262 = tpu.memref_slice %arg16[%add3A_257, %dma_wait3A_261] : memref<10240x128xf32, #tpu.memory_space<vmem_shared>> -> memref<40x128xf32, #tpu.memory_space<vmem_shared>>
    %dma_wait3A_263 = arith.constant 0 : i32
    %dma_wait3A_264 = tpu.memref_slice %arg16[%add3A_257, %dma_wait3A_263] : memref<10240x128xf32, #tpu.memory_space<vmem_shared>> -> memref<40x128xf32, #tpu.memory_space<vmem_shared>>
    %dma_wait3A_265 = arith.constant 0 : i32
    %dma_wait3A_266 = arith.constant 0 : i32
    %dma_wait3A_267 = tpu.memref_slice %arg9[%dma_wait3A_265, %dma_wait3A_266] : memref<128x128xf32, #tpu.memory_space<vmem>> -> memref<40x128xf32, #tpu.memory_space<vmem>>
    tpu.wait_dma2 semaphore(%arg15 : memref<!tpu.dma_semaphore, #tpu.memory_space<semaphore_mem>>) src(%dma_wait3A_267 : memref<40x128xf32, #tpu.memory_space<vmem>>) dst(%dma_wait3A_264 : memref<40x128xf32, #tpu.memory_space<vmem_shared>>)
    %add3A_268 = arith.constant 160 : i32
    %add3A_269 = arith.addi %mul3A_28, %add3A_268 : i32
    %dma_wait3A_270 = arith.constant 0 : i32
    %dma_wait3A_271 = arith.constant 0 : i32
    %dma_wait3A_272 = tpu.memref_slice %arg9[%dma_wait3A_270, %dma_wait3A_271] : memref<128x128xf32, #tpu.memory_space<vmem>> -> memref<40x128xf32, #tpu.memory_space<vmem>>
    %dma_wait3A_273 = arith.constant 0 : i32
    %dma_wait3A_274 = tpu.memref_slice %arg16[%add3A_269, %dma_wait3A_273] : memref<10240x128xf32, #tpu.memory_space<vmem_shared>> -> memref<40x128xf32, #tpu.memory_space<vmem_shared>>
    %dma_wait3A_275 = arith.constant 0 : i32
    %dma_wait3A_276 = tpu.memref_slice %arg16[%add3A_269, %dma_wait3A_275] : memref<10240x128xf32, #tpu.memory_space<vmem_shared>> -> memref<40x128xf32, #tpu.memory_space<vmem_shared>>
    %dma_wait3A_277 = arith.constant 0 : i32
    %dma_wait3A_278 = arith.constant 0 : i32
    %dma_wait3A_279 = tpu.memref_slice %arg9[%dma_wait3A_277, %dma_wait3A_278] : memref<128x128xf32, #tpu.memory_space<vmem>> -> memref<40x128xf32, #tpu.memory_space<vmem>>
    tpu.wait_dma2 semaphore(%arg15 : memref<!tpu.dma_semaphore, #tpu.memory_space<semaphore_mem>>) src(%dma_wait3A_279 : memref<40x128xf32, #tpu.memory_space<vmem>>) dst(%dma_wait3A_276 : memref<40x128xf32, #tpu.memory_space<vmem_shared>>)
    %add3A_280 = arith.constant 200 : i32
    %add3A_281 = arith.addi %mul3A_28, %add3A_280 : i32
    %dma_wait3A_282 = arith.constant 0 : i32
    %dma_wait3A_283 = arith.constant 0 : i32
    %dma_wait3A_284 = tpu.memref_slice %arg9[%dma_wait3A_282, %dma_wait3A_283] : memref<128x128xf32, #tpu.memory_space<vmem>> -> memref<40x128xf32, #tpu.memory_space<vmem>>
    %dma_wait3A_285 = arith.constant 0 : i32
    %dma_wait3A_286 = tpu.memref_slice %arg16[%add3A_281, %dma_wait3A_285] : memref<10240x128xf32, #tpu.memory_space<vmem_shared>> -> memref<40x128xf32, #tpu.memory_space<vmem_shared>>
    %dma_wait3A_287 = arith.constant 0 : i32
    %dma_wait3A_288 = tpu.memref_slice %arg16[%add3A_281, %dma_wait3A_287] : memref<10240x128xf32, #tpu.memory_space<vmem_shared>> -> memref<40x128xf32, #tpu.memory_space<vmem_shared>>
    %dma_wait3A_289 = arith.constant 0 : i32
    %dma_wait3A_290 = arith.constant 0 : i32
    %dma_wait3A_291 = tpu.memref_slice %arg9[%dma_wait3A_289, %dma_wait3A_290] : memref<128x128xf32, #tpu.memory_space<vmem>> -> memref<40x128xf32, #tpu.memory_space<vmem>>
    tpu.wait_dma2 semaphore(%arg15 : memref<!tpu.dma_semaphore, #tpu.memory_space<semaphore_mem>>) src(%dma_wait3A_291 : memref<40x128xf32, #tpu.memory_space<vmem>>) dst(%dma_wait3A_288 : memref<40x128xf32, #tpu.memory_space<vmem_shared>>)
    %add3A_292 = arith.constant 240 : i32
    %add3A_293 = arith.addi %mul3A_28, %add3A_292 : i32
    %dma_wait3A_294 = arith.constant 0 : i32
    %dma_wait3A_295 = arith.constant 0 : i32
    %dma_wait3A_296 = tpu.memref_slice %arg9[%dma_wait3A_294, %dma_wait3A_295] : memref<128x128xf32, #tpu.memory_space<vmem>> -> memref<40x128xf32, #tpu.memory_space<vmem>>
    %dma_wait3A_297 = arith.constant 0 : i32
    %dma_wait3A_298 = tpu.memref_slice %arg16[%add3A_293, %dma_wait3A_297] : memref<10240x128xf32, #tpu.memory_space<vmem_shared>> -> memref<40x128xf32, #tpu.memory_space<vmem_shared>>
    %dma_wait3A_299 = arith.constant 0 : i32
    %dma_wait3A_300 = tpu.memref_slice %arg16[%add3A_293, %dma_wait3A_299] : memref<10240x128xf32, #tpu.memory_space<vmem_shared>> -> memref<40x128xf32, #tpu.memory_space<vmem_shared>>
    %dma_wait3A_301 = arith.constant 0 : i32
    %dma_wait3A_302 = arith.constant 0 : i32
    %dma_wait3A_303 = tpu.memref_slice %arg9[%dma_wait3A_301, %dma_wait3A_302] : memref<128x128xf32, #tpu.memory_space<vmem>> -> memref<40x128xf32, #tpu.memory_space<vmem>>
    tpu.wait_dma2 semaphore(%arg15 : memref<!tpu.dma_semaphore, #tpu.memory_space<semaphore_mem>>) src(%dma_wait3A_303 : memref<40x128xf32, #tpu.memory_space<vmem>>) dst(%dma_wait3A_300 : memref<40x128xf32, #tpu.memory_space<vmem_shared>>)
    %add3A_304 = arith.constant 280 : i32
    %add3A_305 = arith.addi %mul3A_28, %add3A_304 : i32
    %dma_wait3A_306 = arith.constant 0 : i32
    %dma_wait3A_307 = arith.constant 0 : i32
    %dma_wait3A_308 = tpu.memref_slice %arg9[%dma_wait3A_306, %dma_wait3A_307] : memref<128x128xf32, #tpu.memory_space<vmem>> -> memref<40x128xf32, #tpu.memory_space<vmem>>
    %dma_wait3A_309 = arith.constant 0 : i32
    %dma_wait3A_310 = tpu.memref_slice %arg16[%add3A_305, %dma_wait3A_309] : memref<10240x128xf32, #tpu.memory_space<vmem_shared>> -> memref<40x128xf32, #tpu.memory_space<vmem_shared>>
    %dma_wait3A_311 = arith.constant 0 : i32
    %dma_wait3A_312 = tpu.memref_slice %arg16[%add3A_305, %dma_wait3A_311] : memref<10240x128xf32, #tpu.memory_space<vmem_shared>> -> memref<40x128xf32, #tpu.memory_space<vmem_shared>>
    %dma_wait3A_313 = arith.constant 0 : i32
    %dma_wait3A_314 = arith.constant 0 : i32
    %dma_wait3A_315 = tpu.memref_slice %arg9[%dma_wait3A_313, %dma_wait3A_314] : memref<128x128xf32, #tpu.memory_space<vmem>> -> memref<40x128xf32, #tpu.memory_space<vmem>>
    tpu.wait_dma2 semaphore(%arg15 : memref<!tpu.dma_semaphore, #tpu.memory_space<semaphore_mem>>) src(%dma_wait3A_315 : memref<40x128xf32, #tpu.memory_space<vmem>>) dst(%dma_wait3A_312 : memref<40x128xf32, #tpu.memory_space<vmem_shared>>)
    %add3A_316 = arith.constant 320 : i32
    %add3A_317 = arith.addi %mul3A_28, %add3A_316 : i32
    %dma_wait3A_318 = arith.constant 0 : i32
    %dma_wait3A_319 = arith.constant 0 : i32
    %dma_wait3A_320 = tpu.memref_slice %arg9[%dma_wait3A_318, %dma_wait3A_319] : memref<128x128xf32, #tpu.memory_space<vmem>> -> memref<40x128xf32, #tpu.memory_space<vmem>>
    %dma_wait3A_321 = arith.constant 0 : i32
    %dma_wait3A_322 = tpu.memref_slice %arg16[%add3A_317, %dma_wait3A_321] : memref<10240x128xf32, #tpu.memory_space<vmem_shared>> -> memref<40x128xf32, #tpu.memory_space<vmem_shared>>
    %dma_wait3A_323 = arith.constant 0 : i32
    %dma_wait3A_324 = tpu.memref_slice %arg16[%add3A_317, %dma_wait3A_323] : memref<10240x128xf32, #tpu.memory_space<vmem_shared>> -> memref<40x128xf32, #tpu.memory_space<vmem_shared>>
    %dma_wait3A_325 = arith.constant 0 : i32
    %dma_wait3A_326 = arith.constant 0 : i32
    %dma_wait3A_327 = tpu.memref_slice %arg9[%dma_wait3A_325, %dma_wait3A_326] : memref<128x128xf32, #tpu.memory_space<vmem>> -> memref<40x128xf32, #tpu.memory_space<vmem>>
    tpu.wait_dma2 semaphore(%arg15 : memref<!tpu.dma_semaphore, #tpu.memory_space<semaphore_mem>>) src(%dma_wait3A_327 : memref<40x128xf32, #tpu.memory_space<vmem>>) dst(%dma_wait3A_324 : memref<40x128xf32, #tpu.memory_space<vmem_shared>>)
    %add3A_328 = arith.constant 360 : i32
    %add3A_329 = arith.addi %mul3A_28, %add3A_328 : i32
    %dma_wait3A_330 = arith.constant 0 : i32
    %dma_wait3A_331 = arith.constant 0 : i32
    %dma_wait3A_332 = tpu.memref_slice %arg9[%dma_wait3A_330, %dma_wait3A_331] : memref<128x128xf32, #tpu.memory_space<vmem>> -> memref<40x128xf32, #tpu.memory_space<vmem>>
    %dma_wait3A_333 = arith.constant 0 : i32
    %dma_wait3A_334 = tpu.memref_slice %arg16[%add3A_329, %dma_wait3A_333] : memref<10240x128xf32, #tpu.memory_space<vmem_shared>> -> memref<40x128xf32, #tpu.memory_space<vmem_shared>>
    %dma_wait3A_335 = arith.constant 0 : i32
    %dma_wait3A_336 = tpu.memref_slice %arg16[%add3A_329, %dma_wait3A_335] : memref<10240x128xf32, #tpu.memory_space<vmem_shared>> -> memref<40x128xf32, #tpu.memory_space<vmem_shared>>
    %dma_wait3A_337 = arith.constant 0 : i32
    %dma_wait3A_338 = arith.constant 0 : i32
    %dma_wait3A_339 = tpu.memref_slice %arg9[%dma_wait3A_337, %dma_wait3A_338] : memref<128x128xf32, #tpu.memory_space<vmem>> -> memref<40x128xf32, #tpu.memory_space<vmem>>
    tpu.wait_dma2 semaphore(%arg15 : memref<!tpu.dma_semaphore, #tpu.memory_space<semaphore_mem>>) src(%dma_wait3A_339 : memref<40x128xf32, #tpu.memory_space<vmem>>) dst(%dma_wait3A_336 : memref<40x128xf32, #tpu.memory_space<vmem_shared>>)
    %add3A_340 = arith.constant 400 : i32
    %add3A_341 = arith.addi %mul3A_28, %add3A_340 : i32
    %dma_wait3A_342 = arith.constant 0 : i32
    %dma_wait3A_343 = arith.constant 0 : i32
    %dma_wait3A_344 = tpu.memref_slice %arg9[%dma_wait3A_342, %dma_wait3A_343] : memref<128x128xf32, #tpu.memory_space<vmem>> -> memref<40x128xf32, #tpu.memory_space<vmem>>
    %dma_wait3A_345 = arith.constant 0 : i32
    %dma_wait3A_346 = tpu.memref_slice %arg16[%add3A_341, %dma_wait3A_345] : memref<10240x128xf32, #tpu.memory_space<vmem_shared>> -> memref<40x128xf32, #tpu.memory_space<vmem_shared>>
    %dma_wait3A_347 = arith.constant 0 : i32
    %dma_wait3A_348 = tpu.memref_slice %arg16[%add3A_341, %dma_wait3A_347] : memref<10240x128xf32, #tpu.memory_space<vmem_shared>> -> memref<40x128xf32, #tpu.memory_space<vmem_shared>>
    %dma_wait3A_349 = arith.constant 0 : i32
    %dma_wait3A_350 = arith.constant 0 : i32
    %dma_wait3A_351 = tpu.memref_slice %arg9[%dma_wait3A_349, %dma_wait3A_350] : memref<128x128xf32, #tpu.memory_space<vmem>> -> memref<40x128xf32, #tpu.memory_space<vmem>>
    tpu.wait_dma2 semaphore(%arg15 : memref<!tpu.dma_semaphore, #tpu.memory_space<semaphore_mem>>) src(%dma_wait3A_351 : memref<40x128xf32, #tpu.memory_space<vmem>>) dst(%dma_wait3A_348 : memref<40x128xf32, #tpu.memory_space<vmem_shared>>)
    %add3A_352 = arith.constant 440 : i32
    %add3A_353 = arith.addi %mul3A_28, %add3A_352 : i32
    %dma_wait3A_354 = arith.constant 0 : i32
    %dma_wait3A_355 = arith.constant 0 : i32
    %dma_wait3A_356 = tpu.memref_slice %arg9[%dma_wait3A_354, %dma_wait3A_355] : memref<128x128xf32, #tpu.memory_space<vmem>> -> memref<40x128xf32, #tpu.memory_space<vmem>>
    %dma_wait3A_357 = arith.constant 0 : i32
    %dma_wait3A_358 = tpu.memref_slice %arg16[%add3A_353, %dma_wait3A_357] : memref<10240x128xf32, #tpu.memory_space<vmem_shared>> -> memref<40x128xf32, #tpu.memory_space<vmem_shared>>
    %dma_wait3A_359 = arith.constant 0 : i32
    %dma_wait3A_360 = tpu.memref_slice %arg16[%add3A_353, %dma_wait3A_359] : memref<10240x128xf32, #tpu.memory_space<vmem_shared>> -> memref<40x128xf32, #tpu.memory_space<vmem_shared>>
    %dma_wait3A_361 = arith.constant 0 : i32
    %dma_wait3A_362 = arith.constant 0 : i32
    %dma_wait3A_363 = tpu.memref_slice %arg9[%dma_wait3A_361, %dma_wait3A_362] : memref<128x128xf32, #tpu.memory_space<vmem>> -> memref<40x128xf32, #tpu.memory_space<vmem>>
    tpu.wait_dma2 semaphore(%arg15 : memref<!tpu.dma_semaphore, #tpu.memory_space<semaphore_mem>>) src(%dma_wait3A_363 : memref<40x128xf32, #tpu.memory_space<vmem>>) dst(%dma_wait3A_360 : memref<40x128xf32, #tpu.memory_space<vmem_shared>>)
    %add3A_364 = arith.constant 480 : i32
    %add3A_365 = arith.addi %mul3A_28, %add3A_364 : i32
    %dma_wait3A_366 = arith.constant 0 : i32
    %dma_wait3A_367 = arith.constant 0 : i32
    %dma_wait3A_368 = tpu.memref_slice %arg9[%dma_wait3A_366, %dma_wait3A_367] : memref<128x128xf32, #tpu.memory_space<vmem>> -> memref<40x128xf32, #tpu.memory_space<vmem>>
    %dma_wait3A_369 = arith.constant 0 : i32
    %dma_wait3A_370 = tpu.memref_slice %arg16[%add3A_365, %dma_wait3A_369] : memref<10240x128xf32, #tpu.memory_space<vmem_shared>> -> memref<40x128xf32, #tpu.memory_space<vmem_shared>>
    %dma_wait3A_371 = arith.constant 0 : i32
    %dma_wait3A_372 = tpu.memref_slice %arg16[%add3A_365, %dma_wait3A_371] : memref<10240x128xf32, #tpu.memory_space<vmem_shared>> -> memref<40x128xf32, #tpu.memory_space<vmem_shared>>
    %dma_wait3A_373 = arith.constant 0 : i32
    %dma_wait3A_374 = arith.constant 0 : i32
    %dma_wait3A_375 = tpu.memref_slice %arg9[%dma_wait3A_373, %dma_wait3A_374] : memref<128x128xf32, #tpu.memory_space<vmem>> -> memref<40x128xf32, #tpu.memory_space<vmem>>
    tpu.wait_dma2 semaphore(%arg15 : memref<!tpu.dma_semaphore, #tpu.memory_space<semaphore_mem>>) src(%dma_wait3A_375 : memref<40x128xf32, #tpu.memory_space<vmem>>) dst(%dma_wait3A_372 : memref<40x128xf32, #tpu.memory_space<vmem_shared>>)
    %add3A_376 = arith.constant 520 : i32
    %add3A_377 = arith.addi %mul3A_28, %add3A_376 : i32
    %dma_wait3A_378 = arith.constant 0 : i32
    %dma_wait3A_379 = arith.constant 0 : i32
    %dma_wait3A_380 = tpu.memref_slice %arg9[%dma_wait3A_378, %dma_wait3A_379] : memref<128x128xf32, #tpu.memory_space<vmem>> -> memref<40x128xf32, #tpu.memory_space<vmem>>
    %dma_wait3A_381 = arith.constant 0 : i32
    %dma_wait3A_382 = tpu.memref_slice %arg16[%add3A_377, %dma_wait3A_381] : memref<10240x128xf32, #tpu.memory_space<vmem_shared>> -> memref<40x128xf32, #tpu.memory_space<vmem_shared>>
    %dma_wait3A_383 = arith.constant 0 : i32
    %dma_wait3A_384 = tpu.memref_slice %arg16[%add3A_377, %dma_wait3A_383] : memref<10240x128xf32, #tpu.memory_space<vmem_shared>> -> memref<40x128xf32, #tpu.memory_space<vmem_shared>>
    %dma_wait3A_385 = arith.constant 0 : i32
    %dma_wait3A_386 = arith.constant 0 : i32
    %dma_wait3A_387 = tpu.memref_slice %arg9[%dma_wait3A_385, %dma_wait3A_386] : memref<128x128xf32, #tpu.memory_space<vmem>> -> memref<40x128xf32, #tpu.memory_space<vmem>>
    tpu.wait_dma2 semaphore(%arg15 : memref<!tpu.dma_semaphore, #tpu.memory_space<semaphore_mem>>) src(%dma_wait3A_387 : memref<40x128xf32, #tpu.memory_space<vmem>>) dst(%dma_wait3A_384 : memref<40x128xf32, #tpu.memory_space<vmem_shared>>)
    %add3A_388 = arith.constant 560 : i32
    %add3A_389 = arith.addi %mul3A_28, %add3A_388 : i32
    %dma_wait3A_390 = arith.constant 0 : i32
    %dma_wait3A_391 = arith.constant 0 : i32
    %dma_wait3A_392 = tpu.memref_slice %arg9[%dma_wait3A_390, %dma_wait3A_391] : memref<128x128xf32, #tpu.memory_space<vmem>> -> memref<40x128xf32, #tpu.memory_space<vmem>>
    %dma_wait3A_393 = arith.constant 0 : i32
    %dma_wait3A_394 = tpu.memref_slice %arg16[%add3A_389, %dma_wait3A_393] : memref<10240x128xf32, #tpu.memory_space<vmem_shared>> -> memref<40x128xf32, #tpu.memory_space<vmem_shared>>
    %dma_wait3A_395 = arith.constant 0 : i32
    %dma_wait3A_396 = tpu.memref_slice %arg16[%add3A_389, %dma_wait3A_395] : memref<10240x128xf32, #tpu.memory_space<vmem_shared>> -> memref<40x128xf32, #tpu.memory_space<vmem_shared>>
    %dma_wait3A_397 = arith.constant 0 : i32
    %dma_wait3A_398 = arith.constant 0 : i32
    %dma_wait3A_399 = tpu.memref_slice %arg9[%dma_wait3A_397, %dma_wait3A_398] : memref<128x128xf32, #tpu.memory_space<vmem>> -> memref<40x128xf32, #tpu.memory_space<vmem>>
    tpu.wait_dma2 semaphore(%arg15 : memref<!tpu.dma_semaphore, #tpu.memory_space<semaphore_mem>>) src(%dma_wait3A_399 : memref<40x128xf32, #tpu.memory_space<vmem>>) dst(%dma_wait3A_396 : memref<40x128xf32, #tpu.memory_space<vmem_shared>>)
    %add3A_400 = arith.constant 600 : i32
    %add3A_401 = arith.addi %mul3A_28, %add3A_400 : i32
    %dma_wait3A_402 = arith.constant 0 : i32
    %dma_wait3A_403 = arith.constant 0 : i32
    %dma_wait3A_404 = tpu.memref_slice %arg9[%dma_wait3A_402, %dma_wait3A_403] : memref<128x128xf32, #tpu.memory_space<vmem>> -> memref<40x128xf32, #tpu.memory_space<vmem>>
    %dma_wait3A_405 = arith.constant 0 : i32
    %dma_wait3A_406 = tpu.memref_slice %arg16[%add3A_401, %dma_wait3A_405] : memref<10240x128xf32, #tpu.memory_space<vmem_shared>> -> memref<40x128xf32, #tpu.memory_space<vmem_shared>>
    %dma_wait3A_407 = arith.constant 0 : i32
    %dma_wait3A_408 = tpu.memref_slice %arg16[%add3A_401, %dma_wait3A_407] : memref<10240x128xf32, #tpu.memory_space<vmem_shared>> -> memref<40x128xf32, #tpu.memory_space<vmem_shared>>
    %dma_wait3A_409 = arith.constant 0 : i32
    %dma_wait3A_410 = arith.constant 0 : i32
    %dma_wait3A_411 = tpu.memref_slice %arg9[%dma_wait3A_409, %dma_wait3A_410] : memref<128x128xf32, #tpu.memory_space<vmem>> -> memref<40x128xf32, #tpu.memory_space<vmem>>
    tpu.wait_dma2 semaphore(%arg15 : memref<!tpu.dma_semaphore, #tpu.memory_space<semaphore_mem>>) src(%dma_wait3A_411 : memref<40x128xf32, #tpu.memory_space<vmem>>) dst(%dma_wait3A_408 : memref<40x128xf32, #tpu.memory_space<vmem_shared>>)
    %barrier3A = arith.constant 0 : index
    tpu.barrier barrier_id(%barrier3A)
    %scan3A_412 = arith.constant 0 : i32
    %scan3A_413 = arith.constant 0 : i32
    %scan3A_414 = arith.constant 40 : i32
    %scan3A_415 = arith.addi %scan3A_413, %scan3A_414 : i32
    %scan3A_416 = arith.constant 1 : i32
    scf.for %scan3A_426 = %scan3A_413 to %scan3A_415 step %scan3A_416  : i32 {
      %mul3A_427 = arith.constant 2 : i32
      %mul3A_428 = arith.muli %mul3A_427, %scan3A_426 : i32
      %gt3A = arith.constant 0 : i32
      %gt3A_429 = arith.cmpi sgt, %mul3A_428, %gt3A : i32
      %convert_element_type3A = arith.extui %gt3A_429 : i1 to i32
      %cond3A = arith.constant 0 : i32
      %cond3A_430 = arith.cmpi ne, %convert_element_type3A, %cond3A : i32
      scf.if %cond3A_430 {
        %sub3A = arith.constant 1 : i32
        %sub3A_493 = arith.subi %mul3A_428, %sub3A : i32
        %dma_wait3A_494 = arith.constant 0 : i32
        %dma_wait3A_495 = tpu.memref_slice %arg7[%sub3A_493, %dma_wait3A_494] : memref<80x128xi32, #tpu.memory_space<vmem>> -> memref<1x128xi32, #tpu.memory_space<vmem>>
        %dma_wait3A_496 = tpu.memref_squeeze %dma_wait3A_495 : memref<1x128xi32, #tpu.memory_space<vmem>> -> memref<128xi32, #tpu.memory_space<vmem>>
        %dma_wait3A_497 = arith.constant 0 : i32
        %dma_wait3A_498 = arith.constant 0 : i32
        %dma_wait3A_499 = tpu.memref_slice %arg16[%dma_wait3A_497, %dma_wait3A_498] : memref<10240x128xf32, #tpu.memory_space<vmem_shared>> -> memref<10240x128xf32, #tpu.memory_space<vmem_shared>>
        tpu.wait_indirect_dma semaphore(%arg13 : memref<!tpu.dma_semaphore, #tpu.memory_space<semaphore_mem>>) src(%arg9 : memref<128x128xf32, #tpu.memory_space<vmem>>) dst(%dma_wait3A_499 : memref<10240x128xf32, #tpu.memory_space<vmem_shared>>)
      } else {
      }
      %add3A_431 = arith.constant 1 : i32
      %add3A_432 = arith.addi %mul3A_428, %add3A_431 : i32
      %lt3A = arith.constant 80 : i32
      %lt3A_433 = arith.cmpi slt, %add3A_432, %lt3A : i32
      %convert_element_type3A_434 = arith.extui %lt3A_433 : i1 to i32
      %cond3A_435 = arith.constant 0 : i32
      %cond3A_436 = arith.cmpi ne, %convert_element_type3A_434, %cond3A_435 : i32
      scf.if %cond3A_436 {
        %add3A_493 = arith.constant 1 : i32
        %add3A_494 = arith.addi %mul3A_428, %add3A_493 : i32
        %dma_wait3A_495 = arith.constant 1 : i32
        %dma_wait3A_496 = arith.constant 0 : i32
        %dma_wait3A_497 = tpu.memref_slice %arg6[%dma_wait3A_495, %dma_wait3A_496] : memref<2x128xi32, #tpu.memory_space<vmem>> -> memref<1x128xi32, #tpu.memory_space<vmem>>
        %dma_wait3A_498 = tpu.memref_squeeze %dma_wait3A_497 : memref<1x128xi32, #tpu.memory_space<vmem>> -> memref<128xi32, #tpu.memory_space<vmem>>
        %dma_wait3A_499 = arith.constant 0 : i32
        %dma_wait3A_500 = tpu.memref_slice %arg3[%add3A, %add3A_494, %dma_wait3A_499] : memref<32x80x128xi32, #tpu.memory_space<hbm>> -> memref<1x1x128xi32, #tpu.memory_space<hbm>>
        %dma_wait3A_501 = tpu.memref_squeeze %dma_wait3A_500 : memref<1x1x128xi32, #tpu.memory_space<hbm>> -> memref<128xi32, #tpu.memory_space<hbm>>
        %dma_wait3A_502 = arith.constant 0 : i32
        %dma_wait3A_503 = tpu.memref_slice %arg6[%dma_wait3A_495, %dma_wait3A_502] : memref<2x128xi32, #tpu.memory_space<vmem>> -> memref<1x128xi32, #tpu.memory_space<vmem>>
        %dma_wait3A_504 = tpu.memref_squeeze %dma_wait3A_503 : memref<1x128xi32, #tpu.memory_space<vmem>> -> memref<128xi32, #tpu.memory_space<vmem>>
        %dma_wait3A_505 = arith.constant 0 : i32
        %dma_wait3A_506 = tpu.memref_slice %arg3[%add3A, %add3A_494, %dma_wait3A_505] : memref<32x80x128xi32, #tpu.memory_space<hbm>> -> memref<1x1x128xi32, #tpu.memory_space<hbm>>
        %dma_wait3A_507 = tpu.memref_squeeze %dma_wait3A_506 : memref<1x1x128xi32, #tpu.memory_space<hbm>> -> memref<128xi32, #tpu.memory_space<hbm>>
        tpu.wait_dma2 semaphore(%arg14 : memref<!tpu.dma_semaphore, #tpu.memory_space<semaphore_mem>>) src(%dma_wait3A_507 : memref<128xi32, #tpu.memory_space<hbm>>) dst(%dma_wait3A_504 : memref<128xi32, #tpu.memory_space<vmem>>)
        %dma_start3A_508 = arith.constant 1 : i32
        %dma_start3A_509 = arith.constant 0 : i32
        %dma_start3A_510 = tpu.memref_slice %arg6[%dma_start3A_508, %dma_start3A_509] : memref<2x128xi32, #tpu.memory_space<vmem>> -> memref<1x128xi32, #tpu.memory_space<vmem>>
        %dma_start3A_511 = tpu.memref_squeeze %dma_start3A_510 : memref<1x128xi32, #tpu.memory_space<vmem>> -> memref<128xi32, #tpu.memory_space<vmem>>
        %dma_start3A_512 = arith.constant 0 : i32
        %dma_start3A_513 = arith.constant 0 : i32
        %dma_start3A_514 = tpu.memref_slice %arg2[%dma_start3A_512, %dma_start3A_513] : memref<10000x128xf32, #tpu.memory_space<hbm>> -> memref<10000x128xf32, #tpu.memory_space<hbm>>
        tpu.enqueue_indirect_dma source(%dma_start3A_514 : memref<10000x128xf32, #tpu.memory_space<hbm>>) target(%arg9 : memref<128x128xf32, #tpu.memory_space<vmem>>) offsets(%dma_start3A_511 : memref<128xi32, #tpu.memory_space<vmem>>) semaphore(%arg11 : memref<!tpu.dma_semaphore, #tpu.memory_space<semaphore_mem>>)
      } else {
      }
      %dma_wait3A_437 = arith.constant 0 : i32
      %dma_wait3A_438 = arith.constant 0 : i32
      %dma_wait3A_439 = tpu.memref_slice %arg6[%dma_wait3A_437, %dma_wait3A_438] : memref<2x128xi32, #tpu.memory_space<vmem>> -> memref<1x128xi32, #tpu.memory_space<vmem>>
      %dma_wait3A_440 = tpu.memref_squeeze %dma_wait3A_439 : memref<1x128xi32, #tpu.memory_space<vmem>> -> memref<128xi32, #tpu.memory_space<vmem>>
      %dma_wait3A_441 = arith.constant 0 : i32
      %dma_wait3A_442 = arith.constant 0 : i32
      %dma_wait3A_443 = tpu.memref_slice %arg2[%dma_wait3A_441, %dma_wait3A_442] : memref<10000x128xf32, #tpu.memory_space<hbm>> -> memref<10000x128xf32, #tpu.memory_space<hbm>>
      tpu.wait_indirect_dma semaphore(%arg10 : memref<!tpu.dma_semaphore, #tpu.memory_space<semaphore_mem>>) src(%dma_wait3A_443 : memref<10000x128xf32, #tpu.memory_space<hbm>>) dst(%arg8 : memref<128x128xf32, #tpu.memory_space<vmem>>)
      %dma_start3A_444 = arith.constant 0 : i32
      %dma_start3A_445 = tpu.memref_slice %arg7[%mul3A_428, %dma_start3A_444] : memref<80x128xi32, #tpu.memory_space<vmem>> -> memref<1x128xi32, #tpu.memory_space<vmem>>
      %dma_start3A_446 = tpu.memref_squeeze %dma_start3A_445 : memref<1x128xi32, #tpu.memory_space<vmem>> -> memref<128xi32, #tpu.memory_space<vmem>>
      %dma_start3A_447 = arith.constant 0 : i32
      %dma_start3A_448 = arith.constant 0 : i32
      %dma_start3A_449 = tpu.memref_slice %arg16[%dma_start3A_447, %dma_start3A_448] : memref<10240x128xf32, #tpu.memory_space<vmem_shared>> -> memref<10240x128xf32, #tpu.memory_space<vmem_shared>>
      tpu.enqueue_indirect_dma source(%arg8 : memref<128x128xf32, #tpu.memory_space<vmem>>) target(%dma_start3A_449 : memref<10240x128xf32, #tpu.memory_space<vmem_shared>>) offsets(%dma_start3A_446 : memref<128xi32, #tpu.memory_space<vmem>>) semaphore(%arg12 : memref<!tpu.dma_semaphore, #tpu.memory_space<semaphore_mem>>) {add = true}
      %add3A_450 = arith.constant 2 : i32
      %add3A_451 = arith.addi %mul3A_428, %add3A_450 : i32
      %lt3A_452 = arith.constant 80 : i32
      %lt3A_453 = arith.cmpi slt, %add3A_451, %lt3A_452 : i32
      %convert_element_type3A_454 = arith.extui %lt3A_453 : i1 to i32
      %cond3A_455 = arith.constant 0 : i32
      %cond3A_456 = arith.cmpi ne, %convert_element_type3A_454, %cond3A_455 : i32
      scf.if %cond3A_456 {
        %add3A_493 = arith.constant 2 : i32
        %add3A_494 = arith.addi %mul3A_428, %add3A_493 : i32
        %dma_start3A_495 = arith.constant 0 : i32
        %dma_start3A_496 = arith.constant 0 : i32
        %dma_start3A_497 = tpu.memref_slice %arg6[%dma_start3A_495, %dma_start3A_496] : memref<2x128xi32, #tpu.memory_space<vmem>> -> memref<1x128xi32, #tpu.memory_space<vmem>>
        %dma_start3A_498 = tpu.memref_squeeze %dma_start3A_497 : memref<1x128xi32, #tpu.memory_space<vmem>> -> memref<128xi32, #tpu.memory_space<vmem>>
        %dma_start3A_499 = arith.constant 0 : i32
        %dma_start3A_500 = tpu.memref_slice %arg3[%add3A, %add3A_494, %dma_start3A_499] : memref<32x80x128xi32, #tpu.memory_space<hbm>> -> memref<1x1x128xi32, #tpu.memory_space<hbm>>
        %dma_start3A_501 = tpu.memref_squeeze %dma_start3A_500 : memref<1x1x128xi32, #tpu.memory_space<hbm>> -> memref<128xi32, #tpu.memory_space<hbm>>
        %dma_start3A_502 = arith.constant 0 : i32
        %dma_start3A_503 = tpu.memref_slice %arg6[%dma_start3A_495, %dma_start3A_502] : memref<2x128xi32, #tpu.memory_space<vmem>> -> memref<1x128xi32, #tpu.memory_space<vmem>>
        %dma_start3A_504 = tpu.memref_squeeze %dma_start3A_503 : memref<1x128xi32, #tpu.memory_space<vmem>> -> memref<128xi32, #tpu.memory_space<vmem>>
        %dma_start3A_505 = arith.constant 0 : i32
        %dma_start3A_506 = tpu.memref_slice %arg3[%add3A, %add3A_494, %dma_start3A_505] : memref<32x80x128xi32, #tpu.memory_space<hbm>> -> memref<1x1x128xi32, #tpu.memory_space<hbm>>
        %dma_start3A_507 = tpu.memref_squeeze %dma_start3A_506 : memref<1x1x128xi32, #tpu.memory_space<hbm>> -> memref<128xi32, #tpu.memory_space<hbm>>
        tpu.enqueue_dma source(%dma_start3A_507 : memref<128xi32, #tpu.memory_space<hbm>>) target(%dma_start3A_504 : memref<128xi32, #tpu.memory_space<vmem>>) target_semaphore(%arg14 : memref<!tpu.dma_semaphore, #tpu.memory_space<semaphore_mem>>)
      } else {
      }
      %mul3A_457 = arith.constant 2 : i32
      %mul3A_458 = arith.muli %mul3A_457, %scan3A_426 : i32
      %add3A_459 = arith.constant 1 : i32
      %add3A_460 = arith.addi %mul3A_458, %add3A_459 : i32
      %gt3A_461 = arith.constant 0 : i32
      %gt3A_462 = arith.cmpi sgt, %add3A_460, %gt3A_461 : i32
      %convert_element_type3A_463 = arith.extui %gt3A_462 : i1 to i32
      %cond3A_464 = arith.constant 0 : i32
      %cond3A_465 = arith.cmpi ne, %convert_element_type3A_463, %cond3A_464 : i32
      scf.if %cond3A_465 {
        %sub3A = arith.constant 1 : i32
        %sub3A_493 = arith.subi %add3A_460, %sub3A : i32
        %dma_wait3A_494 = arith.constant 0 : i32
        %dma_wait3A_495 = tpu.memref_slice %arg7[%sub3A_493, %dma_wait3A_494] : memref<80x128xi32, #tpu.memory_space<vmem>> -> memref<1x128xi32, #tpu.memory_space<vmem>>
        %dma_wait3A_496 = tpu.memref_squeeze %dma_wait3A_495 : memref<1x128xi32, #tpu.memory_space<vmem>> -> memref<128xi32, #tpu.memory_space<vmem>>
        %dma_wait3A_497 = arith.constant 0 : i32
        %dma_wait3A_498 = arith.constant 0 : i32
        %dma_wait3A_499 = tpu.memref_slice %arg16[%dma_wait3A_497, %dma_wait3A_498] : memref<10240x128xf32, #tpu.memory_space<vmem_shared>> -> memref<10240x128xf32, #tpu.memory_space<vmem_shared>>
        tpu.wait_indirect_dma semaphore(%arg12 : memref<!tpu.dma_semaphore, #tpu.memory_space<semaphore_mem>>) src(%arg8 : memref<128x128xf32, #tpu.memory_space<vmem>>) dst(%dma_wait3A_499 : memref<10240x128xf32, #tpu.memory_space<vmem_shared>>)
      } else {
      }
      %add3A_466 = arith.constant 1 : i32
      %add3A_467 = arith.addi %add3A_460, %add3A_466 : i32
      %lt3A_468 = arith.constant 80 : i32
      %lt3A_469 = arith.cmpi slt, %add3A_467, %lt3A_468 : i32
      %convert_element_type3A_470 = arith.extui %lt3A_469 : i1 to i32
      %cond3A_471 = arith.constant 0 : i32
      %cond3A_472 = arith.cmpi ne, %convert_element_type3A_470, %cond3A_471 : i32
      scf.if %cond3A_472 {
        %add3A_493 = arith.constant 1 : i32
        %add3A_494 = arith.addi %add3A_460, %add3A_493 : i32
        %dma_wait3A_495 = arith.constant 0 : i32
        %dma_wait3A_496 = arith.constant 0 : i32
        %dma_wait3A_497 = tpu.memref_slice %arg6[%dma_wait3A_495, %dma_wait3A_496] : memref<2x128xi32, #tpu.memory_space<vmem>> -> memref<1x128xi32, #tpu.memory_space<vmem>>
        %dma_wait3A_498 = tpu.memref_squeeze %dma_wait3A_497 : memref<1x128xi32, #tpu.memory_space<vmem>> -> memref<128xi32, #tpu.memory_space<vmem>>
        %dma_wait3A_499 = arith.constant 0 : i32
        %dma_wait3A_500 = tpu.memref_slice %arg3[%add3A, %add3A_494, %dma_wait3A_499] : memref<32x80x128xi32, #tpu.memory_space<hbm>> -> memref<1x1x128xi32, #tpu.memory_space<hbm>>
        %dma_wait3A_501 = tpu.memref_squeeze %dma_wait3A_500 : memref<1x1x128xi32, #tpu.memory_space<hbm>> -> memref<128xi32, #tpu.memory_space<hbm>>
        %dma_wait3A_502 = arith.constant 0 : i32
        %dma_wait3A_503 = tpu.memref_slice %arg6[%dma_wait3A_495, %dma_wait3A_502] : memref<2x128xi32, #tpu.memory_space<vmem>> -> memref<1x128xi32, #tpu.memory_space<vmem>>
        %dma_wait3A_504 = tpu.memref_squeeze %dma_wait3A_503 : memref<1x128xi32, #tpu.memory_space<vmem>> -> memref<128xi32, #tpu.memory_space<vmem>>
        %dma_wait3A_505 = arith.constant 0 : i32
        %dma_wait3A_506 = tpu.memref_slice %arg3[%add3A, %add3A_494, %dma_wait3A_505] : memref<32x80x128xi32, #tpu.memory_space<hbm>> -> memref<1x1x128xi32, #tpu.memory_space<hbm>>
        %dma_wait3A_507 = tpu.memref_squeeze %dma_wait3A_506 : memref<1x1x128xi32, #tpu.memory_space<hbm>> -> memref<128xi32, #tpu.memory_space<hbm>>
        tpu.wait_dma2 semaphore(%arg14 : memref<!tpu.dma_semaphore, #tpu.memory_space<semaphore_mem>>) src(%dma_wait3A_507 : memref<128xi32, #tpu.memory_space<hbm>>) dst(%dma_wait3A_504 : memref<128xi32, #tpu.memory_space<vmem>>)
        %dma_start3A_508 = arith.constant 0 : i32
        %dma_start3A_509 = arith.constant 0 : i32
        %dma_start3A_510 = tpu.memref_slice %arg6[%dma_start3A_508, %dma_start3A_509] : memref<2x128xi32, #tpu.memory_space<vmem>> -> memref<1x128xi32, #tpu.memory_space<vmem>>
        %dma_start3A_511 = tpu.memref_squeeze %dma_start3A_510 : memref<1x128xi32, #tpu.memory_space<vmem>> -> memref<128xi32, #tpu.memory_space<vmem>>
        %dma_start3A_512 = arith.constant 0 : i32
        %dma_start3A_513 = arith.constant 0 : i32
        %dma_start3A_514 = tpu.memref_slice %arg2[%dma_start3A_512, %dma_start3A_513] : memref<10000x128xf32, #tpu.memory_space<hbm>> -> memref<10000x128xf32, #tpu.memory_space<hbm>>
        tpu.enqueue_indirect_dma source(%dma_start3A_514 : memref<10000x128xf32, #tpu.memory_space<hbm>>) target(%arg8 : memref<128x128xf32, #tpu.memory_space<vmem>>) offsets(%dma_start3A_511 : memref<128xi32, #tpu.memory_space<vmem>>) semaphore(%arg10 : memref<!tpu.dma_semaphore, #tpu.memory_space<semaphore_mem>>)
      } else {
      }
      %dma_wait3A_473 = arith.constant 1 : i32
      %dma_wait3A_474 = arith.constant 0 : i32
      %dma_wait3A_475 = tpu.memref_slice %arg6[%dma_wait3A_473, %dma_wait3A_474] : memref<2x128xi32, #tpu.memory_space<vmem>> -> memref<1x128xi32, #tpu.memory_space<vmem>>
      %dma_wait3A_476 = tpu.memref_squeeze %dma_wait3A_475 : memref<1x128xi32, #tpu.memory_space<vmem>> -> memref<128xi32, #tpu.memory_space<vmem>>
      %dma_wait3A_477 = arith.constant 0 : i32
      %dma_wait3A_478 = arith.constant 0 : i32
      %dma_wait3A_479 = tpu.memref_slice %arg2[%dma_wait3A_477, %dma_wait3A_478] : memref<10000x128xf32, #tpu.memory_space<hbm>> -> memref<10000x128xf32, #tpu.memory_space<hbm>>
      tpu.wait_indirect_dma semaphore(%arg11 : memref<!tpu.dma_semaphore, #tpu.memory_space<semaphore_mem>>) src(%dma_wait3A_479 : memref<10000x128xf32, #tpu.memory_space<hbm>>) dst(%arg9 : memref<128x128xf32, #tpu.memory_space<vmem>>)
      %dma_start3A_480 = arith.constant 0 : i32
      %dma_start3A_481 = tpu.memref_slice %arg7[%add3A_460, %dma_start3A_480] : memref<80x128xi32, #tpu.memory_space<vmem>> -> memref<1x128xi32, #tpu.memory_space<vmem>>
      %dma_start3A_482 = tpu.memref_squeeze %dma_start3A_481 : memref<1x128xi32, #tpu.memory_space<vmem>> -> memref<128xi32, #tpu.memory_space<vmem>>
      %dma_start3A_483 = arith.constant 0 : i32
      %dma_start3A_484 = arith.constant 0 : i32
      %dma_start3A_485 = tpu.memref_slice %arg16[%dma_start3A_483, %dma_start3A_484] : memref<10240x128xf32, #tpu.memory_space<vmem_shared>> -> memref<10240x128xf32, #tpu.memory_space<vmem_shared>>
      tpu.enqueue_indirect_dma source(%arg9 : memref<128x128xf32, #tpu.memory_space<vmem>>) target(%dma_start3A_485 : memref<10240x128xf32, #tpu.memory_space<vmem_shared>>) offsets(%dma_start3A_482 : memref<128xi32, #tpu.memory_space<vmem>>) semaphore(%arg13 : memref<!tpu.dma_semaphore, #tpu.memory_space<semaphore_mem>>) {add = true}
      %add3A_486 = arith.constant 2 : i32
      %add3A_487 = arith.addi %add3A_460, %add3A_486 : i32
      %lt3A_488 = arith.constant 80 : i32
      %lt3A_489 = arith.cmpi slt, %add3A_487, %lt3A_488 : i32
      %convert_element_type3A_490 = arith.extui %lt3A_489 : i1 to i32
      %cond3A_491 = arith.constant 0 : i32
      %cond3A_492 = arith.cmpi ne, %convert_element_type3A_490, %cond3A_491 : i32
      scf.if %cond3A_492 {
        %add3A_493 = arith.constant 2 : i32
        %add3A_494 = arith.addi %add3A_460, %add3A_493 : i32
        %dma_start3A_495 = arith.constant 1 : i32
        %dma_start3A_496 = arith.constant 0 : i32
        %dma_start3A_497 = tpu.memref_slice %arg6[%dma_start3A_495, %dma_start3A_496] : memref<2x128xi32, #tpu.memory_space<vmem>> -> memref<1x128xi32, #tpu.memory_space<vmem>>
        %dma_start3A_498 = tpu.memref_squeeze %dma_start3A_497 : memref<1x128xi32, #tpu.memory_space<vmem>> -> memref<128xi32, #tpu.memory_space<vmem>>
        %dma_start3A_499 = arith.constant 0 : i32
        %dma_start3A_500 = tpu.memref_slice %arg3[%add3A, %add3A_494, %dma_start3A_499] : memref<32x80x128xi32, #tpu.memory_space<hbm>> -> memref<1x1x128xi32, #tpu.memory_space<hbm>>
        %dma_start3A_501 = tpu.memref_squeeze %dma_start3A_500 : memref<1x1x128xi32, #tpu.memory_space<hbm>> -> memref<128xi32, #tpu.memory_space<hbm>>
        %dma_start3A_502 = arith.constant 0 : i32
        %dma_start3A_503 = tpu.memref_slice %arg6[%dma_start3A_495, %dma_start3A_502] : memref<2x128xi32, #tpu.memory_space<vmem>> -> memref<1x128xi32, #tpu.memory_space<vmem>>
        %dma_start3A_504 = tpu.memref_squeeze %dma_start3A_503 : memref<1x128xi32, #tpu.memory_space<vmem>> -> memref<128xi32, #tpu.memory_space<vmem>>
        %dma_start3A_505 = arith.constant 0 : i32
        %dma_start3A_506 = tpu.memref_slice %arg3[%add3A, %add3A_494, %dma_start3A_505] : memref<32x80x128xi32, #tpu.memory_space<hbm>> -> memref<1x1x128xi32, #tpu.memory_space<hbm>>
        %dma_start3A_507 = tpu.memref_squeeze %dma_start3A_506 : memref<1x1x128xi32, #tpu.memory_space<hbm>> -> memref<128xi32, #tpu.memory_space<hbm>>
        tpu.enqueue_dma source(%dma_start3A_507 : memref<128xi32, #tpu.memory_space<hbm>>) target(%dma_start3A_504 : memref<128xi32, #tpu.memory_space<vmem>>) target_semaphore(%arg14 : memref<!tpu.dma_semaphore, #tpu.memory_space<semaphore_mem>>)
      } else {
      }
    }
    %scan3A_417 = arith.constant 40 : i32
    %dma_wait3A_418 = arith.constant 79 : i32
    %dma_wait3A_419 = arith.constant 0 : i32
    %dma_wait3A_420 = tpu.memref_slice %arg7[%dma_wait3A_418, %dma_wait3A_419] : memref<80x128xi32, #tpu.memory_space<vmem>> -> memref<1x128xi32, #tpu.memory_space<vmem>>
    %dma_wait3A_421 = tpu.memref_squeeze %dma_wait3A_420 : memref<1x128xi32, #tpu.memory_space<vmem>> -> memref<128xi32, #tpu.memory_space<vmem>>
    %dma_wait3A_422 = arith.constant 0 : i32
    %dma_wait3A_423 = arith.constant 0 : i32
    %dma_wait3A_424 = tpu.memref_slice %arg16[%dma_wait3A_422, %dma_wait3A_423] : memref<10240x128xf32, #tpu.memory_space<vmem_shared>> -> memref<10240x128xf32, #tpu.memory_space<vmem_shared>>
    tpu.wait_indirect_dma semaphore(%arg13 : memref<!tpu.dma_semaphore, #tpu.memory_space<semaphore_mem>>) src(%arg9 : memref<128x128xf32, #tpu.memory_space<vmem>>) dst(%dma_wait3A_424 : memref<10240x128xf32, #tpu.memory_space<vmem_shared>>)
    %barrier3A_425 = arith.constant 0 : index
    tpu.barrier barrier_id(%barrier3A_425)
    "tpu.region"() ({
      %run_scoped3A_426 = tpu.sem_alloc : memref<!tpu.dma_semaphore, #tpu.memory_space<semaphore_mem>>
      %dma_start3A_427 = arith.constant 0 : i32
      %dma_start3A_428 = tpu.memref_slice %arg5[%arg0, %mul3A_28, %dma_start3A_427] : memref<2x10240x128xf32, #tpu.memory_space<hbm>> -> memref<1x640x128xf32, #tpu.memory_space<hbm>>
      %dma_start3A_429 = tpu.memref_squeeze %dma_start3A_428 : memref<1x640x128xf32, #tpu.memory_space<hbm>> -> memref<640x128xf32, #tpu.memory_space<hbm>>
      %dma_start3A_430 = arith.constant 0 : i32
      %dma_start3A_431 = tpu.memref_slice %arg16[%mul3A_28, %dma_start3A_430] : memref<10240x128xf32, #tpu.memory_space<vmem_shared>> -> memref<640x128xf32, #tpu.memory_space<vmem_shared>>
      tpu.enqueue_dma source(%dma_start3A_431 : memref<640x128xf32, #tpu.memory_space<vmem_shared>>) target(%dma_start3A_429 : memref<640x128xf32, #tpu.memory_space<hbm>>) target_semaphore(%run_scoped3A_426 : memref<!tpu.dma_semaphore, #tpu.memory_space<semaphore_mem>>)
      %dma_wait3A_432 = arith.constant 0 : i32
      %dma_wait3A_433 = tpu.memref_slice %arg5[%arg0, %mul3A_28, %dma_wait3A_432] : memref<2x10240x128xf32, #tpu.memory_space<hbm>> -> memref<1x640x128xf32, #tpu.memory_space<hbm>>
      %dma_wait3A_434 = tpu.memref_squeeze %dma_wait3A_433 : memref<1x640x128xf32, #tpu.memory_space<hbm>> -> memref<640x128xf32, #tpu.memory_space<hbm>>
      %dma_wait3A_435 = arith.constant 0 : i32
      %dma_wait3A_436 = tpu.memref_slice %arg16[%mul3A_28, %dma_wait3A_435] : memref<10240x128xf32, #tpu.memory_space<vmem_shared>> -> memref<640x128xf32, #tpu.memory_space<vmem_shared>>
      tpu.wait_dma2 semaphore(%run_scoped3A_426 : memref<!tpu.dma_semaphore, #tpu.memory_space<semaphore_mem>>) src(%dma_wait3A_436 : memref<640x128xf32, #tpu.memory_space<vmem_shared>>) dst(%dma_wait3A_434 : memref<640x128xf32, #tpu.memory_space<hbm>>)
      tpu.yield
    }) : () -> ()
    return
  }
}

#map = affine_map<(d0, d1) -> (0, 0)>
#map1 = affine_map<(d0, d1) -> (0, 0, 0)>
module attributes {stable_mosaic.version = 14 : i64} {
  func.func @_sc_scatter(%arg0: i32, %arg1: i32, %arg2: memref<10000x128xf32, #tpu.memory_space<hbm>>, %arg3: memref<32x80x128xi32, #tpu.memory_space<hbm>>, %arg4: memref<32x80x128xi32, #tpu.memory_space<hbm>>, %arg5: memref<2x10240x128xf32, #tpu.memory_space<hbm>>, %arg6: memref<2x128xi32, #tpu.memory_space<vmem>>, %arg7: memref<80x128xi32, #tpu.memory_space<vmem>>, %arg8: memref<128x128xf32, #tpu.memory_space<vmem>>, %arg9: memref<128x128xf32, #tpu.memory_space<vmem>>, %arg10: memref<!tpu.dma_semaphore, #tpu.memory_space<semaphore_mem>>, %arg11: memref<!tpu.dma_semaphore, #tpu.memory_space<semaphore_mem>>, %arg12: memref<!tpu.dma_semaphore, #tpu.memory_space<semaphore_mem>>, %arg13: memref<!tpu.dma_semaphore, #tpu.memory_space<semaphore_mem>>, %arg14: memref<!tpu.dma_semaphore, #tpu.memory_space<semaphore_mem>>, %arg15: memref<!tpu.dma_semaphore, #tpu.memory_space<semaphore_mem>>, %arg16: memref<10240x128xf32, #tpu.memory_space<vmem_shared>>) attributes {dimension_semantics = [#tpu.dimension_semantics<core_parallel>, #tpu.dimension_semantics<subcore_parallel>], iteration_bounds = array<i64: 2, 16>, scalar_prefetch = 0 : i64, scratch_operands = 11 : i64, tpu.core_type = #tpu.core_type<sc_vector_subcore>, window_params = [{transform_indices = #map}, {transform_indices = #map1}, {transform_indices = #map1}, {transform_indices = #map1}]} {
    %mul3A = arith.constant 2 : i32
    %mul3A_0 = arith.muli %arg1, %mul3A : i32
    %add3A = arith.addi %mul3A_0, %arg0 : i32
    %run_scoped3A = arith.constant 0 : i32
    %run_scoped3A_1 = arith.constant 0 : i32
    "tpu.region"() ({
      %run_scoped3A_426 = tpu.sem_alloc : memref<!tpu.dma_semaphore, #tpu.memory_space<semaphore_mem>>
      %dma_start3A_427 = arith.constant 0 : i32
      %dma_start3A_428 = tpu.memref_slice %arg6[%run_scoped3A_1, %dma_start3A_427] : memref<2x128xi32, #tpu.memory_space<vmem>> -> memref<1x128xi32, #tpu.memory_space<vmem>>
      %dma_start3A_429 = tpu.memref_squeeze %dma_start3A_428 : memref<1x128xi32, #tpu.memory_space<vmem>> -> memref<128xi32, #tpu.memory_space<vmem>>
      %dma_start3A_430 = arith.constant 0 : i32
      %dma_start3A_431 = tpu.memref_slice %arg3[%add3A, %run_scoped3A, %dma_start3A_430] : memref<32x80x128xi32, #tpu.memory_space<hbm>> -> memref<1x1x128xi32, #tpu.memory_space<hbm>>
      %dma_start3A_432 = tpu.memref_squeeze %dma_start3A_431 : memref<1x1x128xi32, #tpu.memory_space<hbm>> -> memref<128xi32, #tpu.memory_space<hbm>>
      %dma_start3A_433 = arith.constant 0 : i32
      %dma_start3A_434 = tpu.memref_slice %arg6[%run_scoped3A_1, %dma_start3A_433] : memref<2x128xi32, #tpu.memory_space<vmem>> -> memref<1x128xi32, #tpu.memory_space<vmem>>
      %dma_start3A_435 = tpu.memref_squeeze %dma_start3A_434 : memref<1x128xi32, #tpu.memory_space<vmem>> -> memref<128xi32, #tpu.memory_space<vmem>>
      %dma_start3A_436 = arith.constant 0 : i32
      %dma_start3A_437 = tpu.memref_slice %arg3[%add3A, %run_scoped3A, %dma_start3A_436] : memref<32x80x128xi32, #tpu.memory_space<hbm>> -> memref<1x1x128xi32, #tpu.memory_space<hbm>>
      %dma_start3A_438 = tpu.memref_squeeze %dma_start3A_437 : memref<1x1x128xi32, #tpu.memory_space<hbm>> -> memref<128xi32, #tpu.memory_space<hbm>>
      tpu.enqueue_dma source(%dma_start3A_438 : memref<128xi32, #tpu.memory_space<hbm>>) target(%dma_start3A_435 : memref<128xi32, #tpu.memory_space<vmem>>) target_semaphore(%run_scoped3A_426 : memref<!tpu.dma_semaphore, #tpu.memory_space<semaphore_mem>>)
      %dma_wait3A_439 = arith.constant 0 : i32
      %dma_wait3A_440 = tpu.memref_slice %arg6[%run_scoped3A_1, %dma_wait3A_439] : memref<2x128xi32, #tpu.memory_space<vmem>> -> memref<1x128xi32, #tpu.memory_space<vmem>>
      %dma_wait3A_441 = tpu.memref_squeeze %dma_wait3A_440 : memref<1x128xi32, #tpu.memory_space<vmem>> -> memref<128xi32, #tpu.memory_space<vmem>>
      %dma_wait3A_442 = arith.constant 0 : i32
      %dma_wait3A_443 = tpu.memref_slice %arg3[%add3A, %run_scoped3A, %dma_wait3A_442] : memref<32x80x128xi32, #tpu.memory_space<hbm>> -> memref<1x1x128xi32, #tpu.memory_space<hbm>>
      %dma_wait3A_444 = tpu.memref_squeeze %dma_wait3A_443 : memref<1x1x128xi32, #tpu.memory_space<hbm>> -> memref<128xi32, #tpu.memory_space<hbm>>
      %dma_wait3A_445 = arith.constant 0 : i32
      %dma_wait3A_446 = tpu.memref_slice %arg6[%run_scoped3A_1, %dma_wait3A_445] : memref<2x128xi32, #tpu.memory_space<vmem>> -> memref<1x128xi32, #tpu.memory_space<vmem>>
      %dma_wait3A_447 = tpu.memref_squeeze %dma_wait3A_446 : memref<1x128xi32, #tpu.memory_space<vmem>> -> memref<128xi32, #tpu.memory_space<vmem>>
      %dma_wait3A_448 = arith.constant 0 : i32
      %dma_wait3A_449 = tpu.memref_slice %arg3[%add3A, %run_scoped3A, %dma_wait3A_448] : memref<32x80x128xi32, #tpu.memory_space<hbm>> -> memref<1x1x128xi32, #tpu.memory_space<hbm>>
      %dma_wait3A_450 = tpu.memref_squeeze %dma_wait3A_449 : memref<1x1x128xi32, #tpu.memory_space<hbm>> -> memref<128xi32, #tpu.memory_space<hbm>>
      tpu.wait_dma2 semaphore(%run_scoped3A_426 : memref<!tpu.dma_semaphore, #tpu.memory_space<semaphore_mem>>) src(%dma_wait3A_450 : memref<128xi32, #tpu.memory_space<hbm>>) dst(%dma_wait3A_447 : memref<128xi32, #tpu.memory_space<vmem>>)
      tpu.yield
    }) : () -> ()
    "tpu.region"() ({
      %run_scoped3A_426 = tpu.sem_alloc : memref<!tpu.dma_semaphore, #tpu.memory_space<semaphore_mem>>
      %dma_start3A_427 = arith.constant 0 : i32
      %dma_start3A_428 = arith.constant 0 : i32
      %dma_start3A_429 = tpu.memref_slice %arg4[%add3A, %dma_start3A_427, %dma_start3A_428] : memref<32x80x128xi32, #tpu.memory_space<hbm>> -> memref<1x80x128xi32, #tpu.memory_space<hbm>>
      %dma_start3A_430 = tpu.memref_squeeze %dma_start3A_429 : memref<1x80x128xi32, #tpu.memory_space<hbm>> -> memref<80x128xi32, #tpu.memory_space<hbm>>
      %dma_start3A_431 = arith.constant 0 : i32
      %dma_start3A_432 = arith.constant 0 : i32
      %dma_start3A_433 = tpu.memref_slice %arg4[%add3A, %dma_start3A_431, %dma_start3A_432] : memref<32x80x128xi32, #tpu.memory_space<hbm>> -> memref<1x80x128xi32, #tpu.memory_space<hbm>>
      %dma_start3A_434 = tpu.memref_squeeze %dma_start3A_433 : memref<1x80x128xi32, #tpu.memory_space<hbm>> -> memref<80x128xi32, #tpu.memory_space<hbm>>
      tpu.enqueue_dma source(%dma_start3A_434 : memref<80x128xi32, #tpu.memory_space<hbm>>) target(%arg7 : memref<80x128xi32, #tpu.memory_space<vmem>>) target_semaphore(%run_scoped3A_426 : memref<!tpu.dma_semaphore, #tpu.memory_space<semaphore_mem>>)
      %dma_wait3A_435 = arith.constant 0 : i32
      %dma_wait3A_436 = arith.constant 0 : i32
      %dma_wait3A_437 = tpu.memref_slice %arg4[%add3A, %dma_wait3A_435, %dma_wait3A_436] : memref<32x80x128xi32, #tpu.memory_space<hbm>> -> memref<1x80x128xi32, #tpu.memory_space<hbm>>
      %dma_wait3A_438 = tpu.memref_squeeze %dma_wait3A_437 : memref<1x80x128xi32, #tpu.memory_space<hbm>> -> memref<80x128xi32, #tpu.memory_space<hbm>>
      %dma_wait3A_439 = arith.constant 0 : i32
      %dma_wait3A_440 = arith.constant 0 : i32
      %dma_wait3A_441 = tpu.memref_slice %arg4[%add3A, %dma_wait3A_439, %dma_wait3A_440] : memref<32x80x128xi32, #tpu.memory_space<hbm>> -> memref<1x80x128xi32, #tpu.memory_space<hbm>>
      %dma_wait3A_442 = tpu.memref_squeeze %dma_wait3A_441 : memref<1x80x128xi32, #tpu.memory_space<hbm>> -> memref<80x128xi32, #tpu.memory_space<hbm>>
      tpu.wait_dma2 semaphore(%run_scoped3A_426 : memref<!tpu.dma_semaphore, #tpu.memory_space<semaphore_mem>>) src(%dma_wait3A_442 : memref<80x128xi32, #tpu.memory_space<hbm>>) dst(%arg7 : memref<80x128xi32, #tpu.memory_space<vmem>>)
      tpu.yield
    }) : () -> ()
    %dma_start3A = arith.constant 0 : i32
    %dma_start3A_2 = arith.constant 0 : i32
    %dma_start3A_3 = tpu.memref_slice %arg6[%dma_start3A, %dma_start3A_2] : memref<2x128xi32, #tpu.memory_space<vmem>> -> memref<1x128xi32, #tpu.memory_space<vmem>>
    %dma_start3A_4 = tpu.memref_squeeze %dma_start3A_3 : memref<1x128xi32, #tpu.memory_space<vmem>> -> memref<128xi32, #tpu.memory_space<vmem>>
    %dma_start3A_5 = arith.constant 0 : i32
    %dma_start3A_6 = arith.constant 0 : i32
    %dma_start3A_7 = tpu.memref_slice %arg2[%dma_start3A_5, %dma_start3A_6] : memref<10000x128xf32, #tpu.memory_space<hbm>> -> memref<10000x128xf32, #tpu.memory_space<hbm>>
    tpu.enqueue_indirect_dma source(%dma_start3A_7 : memref<10000x128xf32, #tpu.memory_space<hbm>>) target(%arg8 : memref<128x128xf32, #tpu.memory_space<vmem>>) offsets(%dma_start3A_4 : memref<128xi32, #tpu.memory_space<vmem>>) semaphore(%arg10 : memref<!tpu.dma_semaphore, #tpu.memory_space<semaphore_mem>>)
    %dma_start3A_8 = arith.constant 1 : i32
    %dma_start3A_9 = arith.constant 1 : i32
    %dma_start3A_10 = arith.constant 0 : i32
    %dma_start3A_11 = tpu.memref_slice %arg6[%dma_start3A_9, %dma_start3A_10] : memref<2x128xi32, #tpu.memory_space<vmem>> -> memref<1x128xi32, #tpu.memory_space<vmem>>
    %dma_start3A_12 = tpu.memref_squeeze %dma_start3A_11 : memref<1x128xi32, #tpu.memory_space<vmem>> -> memref<128xi32, #tpu.memory_space<vmem>>
    %dma_start3A_13 = arith.constant 0 : i32
    %dma_start3A_14 = tpu.memref_slice %arg3[%add3A, %dma_start3A_8, %dma_start3A_13] : memref<32x80x128xi32, #tpu.memory_space<hbm>> -> memref<1x1x128xi32, #tpu.memory_space<hbm>>
    %dma_start3A_15 = tpu.memref_squeeze %dma_start3A_14 : memref<1x1x128xi32, #tpu.memory_space<hbm>> -> memref<128xi32, #tpu.memory_space<hbm>>
    %dma_start3A_16 = arith.constant 0 : i32
    %dma_start3A_17 = tpu.memref_slice %arg6[%dma_start3A_9, %dma_start3A_16] : memref<2x128xi32, #tpu.memory_space<vmem>> -> memref<1x128xi32, #tpu.memory_space<vmem>>
    %dma_start3A_18 = tpu.memref_squeeze %dma_start3A_17 : memref<1x128xi32, #tpu.memory_space<vmem>> -> memref<128xi32, #tpu.memory_space<vmem>>
    %dma_start3A_19 = arith.constant 0 : i32
    %dma_start3A_20 = tpu.memref_slice %arg3[%add3A, %dma_start3A_8, %dma_start3A_19] : memref<32x80x128xi32, #tpu.memory_space<hbm>> -> memref<1x1x128xi32, #tpu.memory_space<hbm>>
    %dma_start3A_21 = tpu.memref_squeeze %dma_start3A_20 : memref<1x1x128xi32, #tpu.memory_space<hbm>> -> memref<128xi32, #tpu.memory_space<hbm>>
    tpu.enqueue_dma source(%dma_start3A_21 : memref<128xi32, #tpu.memory_space<hbm>>) target(%dma_start3A_18 : memref<128xi32, #tpu.memory_space<vmem>>) target_semaphore(%arg14 : memref<!tpu.dma_semaphore, #tpu.memory_space<semaphore_mem>>)
    %scan3A = arith.constant 0 : i32
    %scan3A_22 = arith.constant 0 : i32
    %scan3A_23 = arith.constant 320 : i32
    %scan3A_24 = arith.addi %scan3A_22, %scan3A_23 : i32
    %scan3A_25 = arith.constant 1 : i32
    scf.for %scan3A_426 = %scan3A_22 to %scan3A_24 step %scan3A_25  : i32 {
      %broadcast_in_dim3A = arith.constant 0.000000e+00 : f32
      %broadcast_in_dim3A_427 = vector.broadcast %broadcast_in_dim3A : f32 to vector<16xf32>
      %jit3A = arith.constant 8 : i32
      %div3A = arith.divsi %scan3A_426, %jit3A : i32
      %sign3A = arith.constant 0 : i32
      %sign3A_428 = arith.cmpi sgt, %scan3A_426, %sign3A : i32
      %sign3A_429 = arith.extui %sign3A_428 : i1 to i32
      %sign3A_430 = arith.constant 0 : i32
      %sign3A_431 = arith.cmpi slt, %scan3A_426, %sign3A_430 : i32
      %sign3A_432 = arith.extui %sign3A_431 : i1 to i32
      %sign3A_433 = arith.subi %sign3A_429, %sign3A_432 : i32
      %sign3A_434 = arith.constant 0 : i32
      %sign3A_435 = arith.cmpi sgt, %jit3A, %sign3A_434 : i32
      %sign3A_436 = arith.extui %sign3A_435 : i1 to i32
      %sign3A_437 = arith.constant 0 : i32
      %sign3A_438 = arith.cmpi slt, %jit3A, %sign3A_437 : i32
      %sign3A_439 = arith.extui %sign3A_438 : i1 to i32
      %sign3A_440 = arith.subi %sign3A_436, %sign3A_439 : i32
      %ne3A = arith.cmpi ne, %sign3A_433, %sign3A_440 : i32
      %rem3A = arith.remsi %scan3A_426, %jit3A : i32
      %ne3A_441 = arith.constant 0 : i32
      %ne3A_442 = arith.cmpi ne, %rem3A, %ne3A_441 : i32
      %and3A = arith.andi %ne3A, %ne3A_442 : i1
      %sub3A = arith.constant 1 : i32
      %sub3A_443 = arith.subi %div3A, %sub3A : i32
      %select_n3A = arith.select %and3A, %sub3A_443, %div3A : i32
      %jit3A_444 = arith.constant 8 : i32
      %eq3A = arith.constant 0 : i32
      %eq3A_445 = arith.cmpi eq, %jit3A_444, %eq3A : i32
      %jit3A_446 = arith.constant 1 : i32
      %select_n3A_447 = arith.select %eq3A_445, %jit3A_446, %jit3A_444 : i32
      %rem3A_448 = arith.remsi %scan3A_426, %select_n3A_447 : i32
      %ne3A_449 = arith.constant 0 : i32
      %ne3A_450 = arith.cmpi ne, %rem3A_448, %ne3A_449 : i32
      %lt3A = arith.constant 0 : i32
      %lt3A_451 = arith.cmpi slt, %rem3A_448, %lt3A : i32
      %lt3A_452 = arith.constant 0 : i32
      %lt3A_453 = arith.cmpi slt, %select_n3A_447, %lt3A_452 : i32
      %ne3A_454 = arith.xori %lt3A_451, %lt3A_453 : i1
      %and3A_455 = arith.andi %ne3A_454, %ne3A_450 : i1
      %add3A_456 = arith.addi %rem3A_448, %select_n3A_447 : i32
      %select_n3A_457 = arith.select %and3A_455, %add3A_456, %rem3A_448 : i32
      %mul3A_458 = arith.constant 16 : i32
      %mul3A_459 = arith.muli %select_n3A_457, %mul3A_458 : i32
      %swap3A = arith.index_cast %select_n3A : i32 to index
      %swap3A_460 = arith.index_cast %mul3A_459 : i32 to index
      %swap3A_461 = tpu.vector_load %arg9[%swap3A, %swap3A_460] {strides = array<i32>} : memref<128x128xf32, #tpu.memory_space<vmem>>, vector<1x16xf32>,
      %swap3A_462 = vector.shape_cast %swap3A_461 : vector<1x16xf32> to vector<16xf32>
      %swap3A_463 = vector.shape_cast %broadcast_in_dim3A_427 : vector<16xf32> to vector<1x16xf32>
      tpu.vector_store %arg9[%swap3A, %swap3A_460], %swap3A_463 {strides = array<i32>} : memref<128x128xf32, #tpu.memory_space<vmem>>, vector<1x16xf32>,
    }
    %scan3A_26 = arith.constant 320 : i32
    %mul3A_27 = arith.constant 640 : i32
    %mul3A_28 = arith.muli %arg1, %mul3A_27 : i32
    %add3A_29 = arith.constant 0 : i32
    %add3A_30 = arith.addi %mul3A_28, %add3A_29 : i32
    %dma_start3A_31 = arith.constant 0 : i32
    %dma_start3A_32 = arith.constant 0 : i32
    %dma_start3A_33 = tpu.memref_slice %arg9[%dma_start3A_31, %dma_start3A_32] : memref<128x128xf32, #tpu.memory_space<vmem>> -> memref<40x128xf32, #tpu.memory_space<vmem>>
    %dma_start3A_34 = arith.constant 0 : i32
    %dma_start3A_35 = tpu.memref_slice %arg16[%add3A_30, %dma_start3A_34] : memref<10240x128xf32, #tpu.memory_space<vmem_shared>> -> memref<40x128xf32, #tpu.memory_space<vmem_shared>>
    %dma_start3A_36 = arith.constant 0 : i32
    %dma_start3A_37 = tpu.memref_slice %arg16[%add3A_30, %dma_start3A_36] : memref<10240x128xf32, #tpu.memory_space<vmem_shared>> -> memref<40x128xf32, #tpu.memory_space<vmem_shared>>
    %dma_start3A_38 = arith.constant 0 : i32
    %dma_start3A_39 = arith.constant 0 : i32
    %dma_start3A_40 = tpu.memref_slice %arg9[%dma_start3A_38, %dma_start3A_39] : memref<128x128xf32, #tpu.memory_space<vmem>> -> memref<40x128xf32, #tpu.memory_space<vmem>>
    tpu.enqueue_dma source(%dma_start3A_40 : memref<40x128xf32, #tpu.memory_space<vmem>>) target(%dma_start3A_37 : memref<40x128xf32, #tpu.memory_space<vmem_shared>>) target_semaphore(%arg15 : memref<!tpu.dma_semaphore, #tpu.memory_space<semaphore_mem>>)
    %add3A_41 = arith.constant 40 : i32
    %add3A_42 = arith.addi %mul3A_28, %add3A_41 : i32
    %dma_start3A_43 = arith.constant 0 : i32
    %dma_start3A_44 = arith.constant 0 : i32
    %dma_start3A_45 = tpu.memref_slice %arg9[%dma_start3A_43, %dma_start3A_44] : memref<128x128xf32, #tpu.memory_space<vmem>> -> memref<40x128xf32, #tpu.memory_space<vmem>>
    %dma_start3A_46 = arith.constant 0 : i32
    %dma_start3A_47 = tpu.memref_slice %arg16[%add3A_42, %dma_start3A_46] : memref<10240x128xf32, #tpu.memory_space<vmem_shared>> -> memref<40x128xf32, #tpu.memory_space<vmem_shared>>
    %dma_start3A_48 = arith.constant 0 : i32
    %dma_start3A_49 = tpu.memref_slice %arg16[%add3A_42, %dma_start3A_48] : memref<10240x128xf32, #tpu.memory_space<vmem_shared>> -> memref<40x128xf32, #tpu.memory_space<vmem_shared>>
    %dma_start3A_50 = arith.constant 0 : i32
    %dma_start3A_51 = arith.constant 0 : i32
    %dma_start3A_52 = tpu.memref_slice %arg9[%dma_start3A_50, %dma_start3A_51] : memref<128x128xf32, #tpu.memory_space<vmem>> -> memref<40x128xf32, #tpu.memory_space<vmem>>
    tpu.enqueue_dma source(%dma_start3A_52 : memref<40x128xf32, #tpu.memory_space<vmem>>) target(%dma_start3A_49 : memref<40x128xf32, #tpu.memory_space<vmem_shared>>) target_semaphore(%arg15 : memref<!tpu.dma_semaphore, #tpu.memory_space<semaphore_mem>>)
    %add3A_53 = arith.constant 80 : i32
    %add3A_54 = arith.addi %mul3A_28, %add3A_53 : i32
    %dma_start3A_55 = arith.constant 0 : i32
    %dma_start3A_56 = arith.constant 0 : i32
    %dma_start3A_57 = tpu.memref_slice %arg9[%dma_start3A_55, %dma_start3A_56] : memref<128x128xf32, #tpu.memory_space<vmem>> -> memref<40x128xf32, #tpu.memory_space<vmem>>
    %dma_start3A_58 = arith.constant 0 : i32
    %dma_start3A_59 = tpu.memref_slice %arg16[%add3A_54, %dma_start3A_58] : memref<10240x128xf32, #tpu.memory_space<vmem_shared>> -> memref<40x128xf32, #tpu.memory_space<vmem_shared>>
    %dma_start3A_60 = arith.constant 0 : i32
    %dma_start3A_61 = tpu.memref_slice %arg16[%add3A_54, %dma_start3A_60] : memref<10240x128xf32, #tpu.memory_space<vmem_shared>> -> memref<40x128xf32, #tpu.memory_space<vmem_shared>>
    %dma_start3A_62 = arith.constant 0 : i32
    %dma_start3A_63 = arith.constant 0 : i32
    %dma_start3A_64 = tpu.memref_slice %arg9[%dma_start3A_62, %dma_start3A_63] : memref<128x128xf32, #tpu.memory_space<vmem>> -> memref<40x128xf32, #tpu.memory_space<vmem>>
    tpu.enqueue_dma source(%dma_start3A_64 : memref<40x128xf32, #tpu.memory_space<vmem>>) target(%dma_start3A_61 : memref<40x128xf32, #tpu.memory_space<vmem_shared>>) target_semaphore(%arg15 : memref<!tpu.dma_semaphore, #tpu.memory_space<semaphore_mem>>)
    %add3A_65 = arith.constant 120 : i32
    %add3A_66 = arith.addi %mul3A_28, %add3A_65 : i32
    %dma_start3A_67 = arith.constant 0 : i32
    %dma_start3A_68 = arith.constant 0 : i32
    %dma_start3A_69 = tpu.memref_slice %arg9[%dma_start3A_67, %dma_start3A_68] : memref<128x128xf32, #tpu.memory_space<vmem>> -> memref<40x128xf32, #tpu.memory_space<vmem>>
    %dma_start3A_70 = arith.constant 0 : i32
    %dma_start3A_71 = tpu.memref_slice %arg16[%add3A_66, %dma_start3A_70] : memref<10240x128xf32, #tpu.memory_space<vmem_shared>> -> memref<40x128xf32, #tpu.memory_space<vmem_shared>>
    %dma_start3A_72 = arith.constant 0 : i32
    %dma_start3A_73 = tpu.memref_slice %arg16[%add3A_66, %dma_start3A_72] : memref<10240x128xf32, #tpu.memory_space<vmem_shared>> -> memref<40x128xf32, #tpu.memory_space<vmem_shared>>
    %dma_start3A_74 = arith.constant 0 : i32
    %dma_start3A_75 = arith.constant 0 : i32
    %dma_start3A_76 = tpu.memref_slice %arg9[%dma_start3A_74, %dma_start3A_75] : memref<128x128xf32, #tpu.memory_space<vmem>> -> memref<40x128xf32, #tpu.memory_space<vmem>>
    tpu.enqueue_dma source(%dma_start3A_76 : memref<40x128xf32, #tpu.memory_space<vmem>>) target(%dma_start3A_73 : memref<40x128xf32, #tpu.memory_space<vmem_shared>>) target_semaphore(%arg15 : memref<!tpu.dma_semaphore, #tpu.memory_space<semaphore_mem>>)
    %add3A_77 = arith.constant 160 : i32
    %add3A_78 = arith.addi %mul3A_28, %add3A_77 : i32
    %dma_start3A_79 = arith.constant 0 : i32
    %dma_start3A_80 = arith.constant 0 : i32
    %dma_start3A_81 = tpu.memref_slice %arg9[%dma_start3A_79, %dma_start3A_80] : memref<128x128xf32, #tpu.memory_space<vmem>> -> memref<40x128xf32, #tpu.memory_space<vmem>>
    %dma_start3A_82 = arith.constant 0 : i32
    %dma_start3A_83 = tpu.memref_slice %arg16[%add3A_78, %dma_start3A_82] : memref<10240x128xf32, #tpu.memory_space<vmem_shared>> -> memref<40x128xf32, #tpu.memory_space<vmem_shared>>
    %dma_start3A_84 = arith.constant 0 : i32
    %dma_start3A_85 = tpu.memref_slice %arg16[%add3A_78, %dma_start3A_84] : memref<10240x128xf32, #tpu.memory_space<vmem_shared>> -> memref<40x128xf32, #tpu.memory_space<vmem_shared>>
    %dma_start3A_86 = arith.constant 0 : i32
    %dma_start3A_87 = arith.constant 0 : i32
    %dma_start3A_88 = tpu.memref_slice %arg9[%dma_start3A_86, %dma_start3A_87] : memref<128x128xf32, #tpu.memory_space<vmem>> -> memref<40x128xf32, #tpu.memory_space<vmem>>
    tpu.enqueue_dma source(%dma_start3A_88 : memref<40x128xf32, #tpu.memory_space<vmem>>) target(%dma_start3A_85 : memref<40x128xf32, #tpu.memory_space<vmem_shared>>) target_semaphore(%arg15 : memref<!tpu.dma_semaphore, #tpu.memory_space<semaphore_mem>>)
    %add3A_89 = arith.constant 200 : i32
    %add3A_90 = arith.addi %mul3A_28, %add3A_89 : i32
    %dma_start3A_91 = arith.constant 0 : i32
    %dma_start3A_92 = arith.constant 0 : i32
    %dma_start3A_93 = tpu.memref_slice %arg9[%dma_start3A_91, %dma_start3A_92] : memref<128x128xf32, #tpu.memory_space<vmem>> -> memref<40x128xf32, #tpu.memory_space<vmem>>
    %dma_start3A_94 = arith.constant 0 : i32
    %dma_start3A_95 = tpu.memref_slice %arg16[%add3A_90, %dma_start3A_94] : memref<10240x128xf32, #tpu.memory_space<vmem_shared>> -> memref<40x128xf32, #tpu.memory_space<vmem_shared>>
    %dma_start3A_96 = arith.constant 0 : i32
    %dma_start3A_97 = tpu.memref_slice %arg16[%add3A_90, %dma_start3A_96] : memref<10240x128xf32, #tpu.memory_space<vmem_shared>> -> memref<40x128xf32, #tpu.memory_space<vmem_shared>>
    %dma_start3A_98 = arith.constant 0 : i32
    %dma_start3A_99 = arith.constant 0 : i32
    %dma_start3A_100 = tpu.memref_slice %arg9[%dma_start3A_98, %dma_start3A_99] : memref<128x128xf32, #tpu.memory_space<vmem>> -> memref<40x128xf32, #tpu.memory_space<vmem>>
    tpu.enqueue_dma source(%dma_start3A_100 : memref<40x128xf32, #tpu.memory_space<vmem>>) target(%dma_start3A_97 : memref<40x128xf32, #tpu.memory_space<vmem_shared>>) target_semaphore(%arg15 : memref<!tpu.dma_semaphore, #tpu.memory_space<semaphore_mem>>)
    %add3A_101 = arith.constant 240 : i32
    %add3A_102 = arith.addi %mul3A_28, %add3A_101 : i32
    %dma_start3A_103 = arith.constant 0 : i32
    %dma_start3A_104 = arith.constant 0 : i32
    %dma_start3A_105 = tpu.memref_slice %arg9[%dma_start3A_103, %dma_start3A_104] : memref<128x128xf32, #tpu.memory_space<vmem>> -> memref<40x128xf32, #tpu.memory_space<vmem>>
    %dma_start3A_106 = arith.constant 0 : i32
    %dma_start3A_107 = tpu.memref_slice %arg16[%add3A_102, %dma_start3A_106] : memref<10240x128xf32, #tpu.memory_space<vmem_shared>> -> memref<40x128xf32, #tpu.memory_space<vmem_shared>>
    %dma_start3A_108 = arith.constant 0 : i32
    %dma_start3A_109 = tpu.memref_slice %arg16[%add3A_102, %dma_start3A_108] : memref<10240x128xf32, #tpu.memory_space<vmem_shared>> -> memref<40x128xf32, #tpu.memory_space<vmem_shared>>
    %dma_start3A_110 = arith.constant 0 : i32
    %dma_start3A_111 = arith.constant 0 : i32
    %dma_start3A_112 = tpu.memref_slice %arg9[%dma_start3A_110, %dma_start3A_111] : memref<128x128xf32, #tpu.memory_space<vmem>> -> memref<40x128xf32, #tpu.memory_space<vmem>>
    tpu.enqueue_dma source(%dma_start3A_112 : memref<40x128xf32, #tpu.memory_space<vmem>>) target(%dma_start3A_109 : memref<40x128xf32, #tpu.memory_space<vmem_shared>>) target_semaphore(%arg15 : memref<!tpu.dma_semaphore, #tpu.memory_space<semaphore_mem>>)
    %add3A_113 = arith.constant 280 : i32
    %add3A_114 = arith.addi %mul3A_28, %add3A_113 : i32
    %dma_start3A_115 = arith.constant 0 : i32
    %dma_start3A_116 = arith.constant 0 : i32
    %dma_start3A_117 = tpu.memref_slice %arg9[%dma_start3A_115, %dma_start3A_116] : memref<128x128xf32, #tpu.memory_space<vmem>> -> memref<40x128xf32, #tpu.memory_space<vmem>>
    %dma_start3A_118 = arith.constant 0 : i32
    %dma_start3A_119 = tpu.memref_slice %arg16[%add3A_114, %dma_start3A_118] : memref<10240x128xf32, #tpu.memory_space<vmem_shared>> -> memref<40x128xf32, #tpu.memory_space<vmem_shared>>
    %dma_start3A_120 = arith.constant 0 : i32
    %dma_start3A_121 = tpu.memref_slice %arg16[%add3A_114, %dma_start3A_120] : memref<10240x128xf32, #tpu.memory_space<vmem_shared>> -> memref<40x128xf32, #tpu.memory_space<vmem_shared>>
    %dma_start3A_122 = arith.constant 0 : i32
    %dma_start3A_123 = arith.constant 0 : i32
    %dma_start3A_124 = tpu.memref_slice %arg9[%dma_start3A_122, %dma_start3A_123] : memref<128x128xf32, #tpu.memory_space<vmem>> -> memref<40x128xf32, #tpu.memory_space<vmem>>
    tpu.enqueue_dma source(%dma_start3A_124 : memref<40x128xf32, #tpu.memory_space<vmem>>) target(%dma_start3A_121 : memref<40x128xf32, #tpu.memory_space<vmem_shared>>) target_semaphore(%arg15 : memref<!tpu.dma_semaphore, #tpu.memory_space<semaphore_mem>>)
    %add3A_125 = arith.constant 320 : i32
    %add3A_126 = arith.addi %mul3A_28, %add3A_125 : i32
    %dma_start3A_127 = arith.constant 0 : i32
    %dma_start3A_128 = arith.constant 0 : i32
    %dma_start3A_129 = tpu.memref_slice %arg9[%dma_start3A_127, %dma_start3A_128] : memref<128x128xf32, #tpu.memory_space<vmem>> -> memref<40x128xf32, #tpu.memory_space<vmem>>
    %dma_start3A_130 = arith.constant 0 : i32
    %dma_start3A_131 = tpu.memref_slice %arg16[%add3A_126, %dma_start3A_130] : memref<10240x128xf32, #tpu.memory_space<vmem_shared>> -> memref<40x128xf32, #tpu.memory_space<vmem_shared>>
    %dma_start3A_132 = arith.constant 0 : i32
    %dma_start3A_133 = tpu.memref_slice %arg16[%add3A_126, %dma_start3A_132] : memref<10240x128xf32, #tpu.memory_space<vmem_shared>> -> memref<40x128xf32, #tpu.memory_space<vmem_shared>>
    %dma_start3A_134 = arith.constant 0 : i32
    %dma_start3A_135 = arith.constant 0 : i32
    %dma_start3A_136 = tpu.memref_slice %arg9[%dma_start3A_134, %dma_start3A_135] : memref<128x128xf32, #tpu.memory_space<vmem>> -> memref<40x128xf32, #tpu.memory_space<vmem>>
    tpu.enqueue_dma source(%dma_start3A_136 : memref<40x128xf32, #tpu.memory_space<vmem>>) target(%dma_start3A_133 : memref<40x128xf32, #tpu.memory_space<vmem_shared>>) target_semaphore(%arg15 : memref<!tpu.dma_semaphore, #tpu.memory_space<semaphore_mem>>)
    %add3A_137 = arith.constant 360 : i32
    %add3A_138 = arith.addi %mul3A_28, %add3A_137 : i32
    %dma_start3A_139 = arith.constant 0 : i32
    %dma_start3A_140 = arith.constant 0 : i32
    %dma_start3A_141 = tpu.memref_slice %arg9[%dma_start3A_139, %dma_start3A_140] : memref<128x128xf32, #tpu.memory_space<vmem>> -> memref<40x128xf32, #tpu.memory_space<vmem>>
    %dma_start3A_142 = arith.constant 0 : i32
    %dma_start3A_143 = tpu.memref_slice %arg16[%add3A_138, %dma_start3A_142] : memref<10240x128xf32, #tpu.memory_space<vmem_shared>> -> memref<40x128xf32, #tpu.memory_space<vmem_shared>>
    %dma_start3A_144 = arith.constant 0 : i32
    %dma_start3A_145 = tpu.memref_slice %arg16[%add3A_138, %dma_start3A_144] : memref<10240x128xf32, #tpu.memory_space<vmem_shared>> -> memref<40x128xf32, #tpu.memory_space<vmem_shared>>
    %dma_start3A_146 = arith.constant 0 : i32
    %dma_start3A_147 = arith.constant 0 : i32
    %dma_start3A_148 = tpu.memref_slice %arg9[%dma_start3A_146, %dma_start3A_147] : memref<128x128xf32, #tpu.memory_space<vmem>> -> memref<40x128xf32, #tpu.memory_space<vmem>>
    tpu.enqueue_dma source(%dma_start3A_148 : memref<40x128xf32, #tpu.memory_space<vmem>>) target(%dma_start3A_145 : memref<40x128xf32, #tpu.memory_space<vmem_shared>>) target_semaphore(%arg15 : memref<!tpu.dma_semaphore, #tpu.memory_space<semaphore_mem>>)
    %add3A_149 = arith.constant 400 : i32
    %add3A_150 = arith.addi %mul3A_28, %add3A_149 : i32
    %dma_start3A_151 = arith.constant 0 : i32
    %dma_start3A_152 = arith.constant 0 : i32
    %dma_start3A_153 = tpu.memref_slice %arg9[%dma_start3A_151, %dma_start3A_152] : memref<128x128xf32, #tpu.memory_space<vmem>> -> memref<40x128xf32, #tpu.memory_space<vmem>>
    %dma_start3A_154 = arith.constant 0 : i32
    %dma_start3A_155 = tpu.memref_slice %arg16[%add3A_150, %dma_start3A_154] : memref<10240x128xf32, #tpu.memory_space<vmem_shared>> -> memref<40x128xf32, #tpu.memory_space<vmem_shared>>
    %dma_start3A_156 = arith.constant 0 : i32
    %dma_start3A_157 = tpu.memref_slice %arg16[%add3A_150, %dma_start3A_156] : memref<10240x128xf32, #tpu.memory_space<vmem_shared>> -> memref<40x128xf32, #tpu.memory_space<vmem_shared>>
    %dma_start3A_158 = arith.constant 0 : i32
    %dma_start3A_159 = arith.constant 0 : i32
    %dma_start3A_160 = tpu.memref_slice %arg9[%dma_start3A_158, %dma_start3A_159] : memref<128x128xf32, #tpu.memory_space<vmem>> -> memref<40x128xf32, #tpu.memory_space<vmem>>
    tpu.enqueue_dma source(%dma_start3A_160 : memref<40x128xf32, #tpu.memory_space<vmem>>) target(%dma_start3A_157 : memref<40x128xf32, #tpu.memory_space<vmem_shared>>) target_semaphore(%arg15 : memref<!tpu.dma_semaphore, #tpu.memory_space<semaphore_mem>>)
    %add3A_161 = arith.constant 440 : i32
    %add3A_162 = arith.addi %mul3A_28, %add3A_161 : i32
    %dma_start3A_163 = arith.constant 0 : i32
    %dma_start3A_164 = arith.constant 0 : i32
    %dma_start3A_165 = tpu.memref_slice %arg9[%dma_start3A_163, %dma_start3A_164] : memref<128x128xf32, #tpu.memory_space<vmem>> -> memref<40x128xf32, #tpu.memory_space<vmem>>
    %dma_start3A_166 = arith.constant 0 : i32
    %dma_start3A_167 = tpu.memref_slice %arg16[%add3A_162, %dma_start3A_166] : memref<10240x128xf32, #tpu.memory_space<vmem_shared>> -> memref<40x128xf32, #tpu.memory_space<vmem_shared>>
    %dma_start3A_168 = arith.constant 0 : i32
    %dma_start3A_169 = tpu.memref_slice %arg16[%add3A_162, %dma_start3A_168] : memref<10240x128xf32, #tpu.memory_space<vmem_shared>> -> memref<40x128xf32, #tpu.memory_space<vmem_shared>>
    %dma_start3A_170 = arith.constant 0 : i32
    %dma_start3A_171 = arith.constant 0 : i32
    %dma_start3A_172 = tpu.memref_slice %arg9[%dma_start3A_170, %dma_start3A_171] : memref<128x128xf32, #tpu.memory_space<vmem>> -> memref<40x128xf32, #tpu.memory_space<vmem>>
    tpu.enqueue_dma source(%dma_start3A_172 : memref<40x128xf32, #tpu.memory_space<vmem>>) target(%dma_start3A_169 : memref<40x128xf32, #tpu.memory_space<vmem_shared>>) target_semaphore(%arg15 : memref<!tpu.dma_semaphore, #tpu.memory_space<semaphore_mem>>)
    %add3A_173 = arith.constant 480 : i32
    %add3A_174 = arith.addi %mul3A_28, %add3A_173 : i32
    %dma_start3A_175 = arith.constant 0 : i32
    %dma_start3A_176 = arith.constant 0 : i32
    %dma_start3A_177 = tpu.memref_slice %arg9[%dma_start3A_175, %dma_start3A_176] : memref<128x128xf32, #tpu.memory_space<vmem>> -> memref<40x128xf32, #tpu.memory_space<vmem>>
    %dma_start3A_178 = arith.constant 0 : i32
    %dma_start3A_179 = tpu.memref_slice %arg16[%add3A_174, %dma_start3A_178] : memref<10240x128xf32, #tpu.memory_space<vmem_shared>> -> memref<40x128xf32, #tpu.memory_space<vmem_shared>>
    %dma_start3A_180 = arith.constant 0 : i32
    %dma_start3A_181 = tpu.memref_slice %arg16[%add3A_174, %dma_start3A_180] : memref<10240x128xf32, #tpu.memory_space<vmem_shared>> -> memref<40x128xf32, #tpu.memory_space<vmem_shared>>
    %dma_start3A_182 = arith.constant 0 : i32
    %dma_start3A_183 = arith.constant 0 : i32
    %dma_start3A_184 = tpu.memref_slice %arg9[%dma_start3A_182, %dma_start3A_183] : memref<128x128xf32, #tpu.memory_space<vmem>> -> memref<40x128xf32, #tpu.memory_space<vmem>>
    tpu.enqueue_dma source(%dma_start3A_184 : memref<40x128xf32, #tpu.memory_space<vmem>>) target(%dma_start3A_181 : memref<40x128xf32, #tpu.memory_space<vmem_shared>>) target_semaphore(%arg15 : memref<!tpu.dma_semaphore, #tpu.memory_space<semaphore_mem>>)
    %add3A_185 = arith.constant 520 : i32
    %add3A_186 = arith.addi %mul3A_28, %add3A_185 : i32
    %dma_start3A_187 = arith.constant 0 : i32
    %dma_start3A_188 = arith.constant 0 : i32
    %dma_start3A_189 = tpu.memref_slice %arg9[%dma_start3A_187, %dma_start3A_188] : memref<128x128xf32, #tpu.memory_space<vmem>> -> memref<40x128xf32, #tpu.memory_space<vmem>>
    %dma_start3A_190 = arith.constant 0 : i32
    %dma_start3A_191 = tpu.memref_slice %arg16[%add3A_186, %dma_start3A_190] : memref<10240x128xf32, #tpu.memory_space<vmem_shared>> -> memref<40x128xf32, #tpu.memory_space<vmem_shared>>
    %dma_start3A_192 = arith.constant 0 : i32
    %dma_start3A_193 = tpu.memref_slice %arg16[%add3A_186, %dma_start3A_192] : memref<10240x128xf32, #tpu.memory_space<vmem_shared>> -> memref<40x128xf32, #tpu.memory_space<vmem_shared>>
    %dma_start3A_194 = arith.constant 0 : i32
    %dma_start3A_195 = arith.constant 0 : i32
    %dma_start3A_196 = tpu.memref_slice %arg9[%dma_start3A_194, %dma_start3A_195] : memref<128x128xf32, #tpu.memory_space<vmem>> -> memref<40x128xf32, #tpu.memory_space<vmem>>
    tpu.enqueue_dma source(%dma_start3A_196 : memref<40x128xf32, #tpu.memory_space<vmem>>) target(%dma_start3A_193 : memref<40x128xf32, #tpu.memory_space<vmem_shared>>) target_semaphore(%arg15 : memref<!tpu.dma_semaphore, #tpu.memory_space<semaphore_mem>>)
    %add3A_197 = arith.constant 560 : i32
    %add3A_198 = arith.addi %mul3A_28, %add3A_197 : i32
    %dma_start3A_199 = arith.constant 0 : i32
    %dma_start3A_200 = arith.constant 0 : i32
    %dma_start3A_201 = tpu.memref_slice %arg9[%dma_start3A_199, %dma_start3A_200] : memref<128x128xf32, #tpu.memory_space<vmem>> -> memref<40x128xf32, #tpu.memory_space<vmem>>
    %dma_start3A_202 = arith.constant 0 : i32
    %dma_start3A_203 = tpu.memref_slice %arg16[%add3A_198, %dma_start3A_202] : memref<10240x128xf32, #tpu.memory_space<vmem_shared>> -> memref<40x128xf32, #tpu.memory_space<vmem_shared>>
    %dma_start3A_204 = arith.constant 0 : i32
    %dma_start3A_205 = tpu.memref_slice %arg16[%add3A_198, %dma_start3A_204] : memref<10240x128xf32, #tpu.memory_space<vmem_shared>> -> memref<40x128xf32, #tpu.memory_space<vmem_shared>>
    %dma_start3A_206 = arith.constant 0 : i32
    %dma_start3A_207 = arith.constant 0 : i32
    %dma_start3A_208 = tpu.memref_slice %arg9[%dma_start3A_206, %dma_start3A_207] : memref<128x128xf32, #tpu.memory_space<vmem>> -> memref<40x128xf32, #tpu.memory_space<vmem>>
    tpu.enqueue_dma source(%dma_start3A_208 : memref<40x128xf32, #tpu.memory_space<vmem>>) target(%dma_start3A_205 : memref<40x128xf32, #tpu.memory_space<vmem_shared>>) target_semaphore(%arg15 : memref<!tpu.dma_semaphore, #tpu.memory_space<semaphore_mem>>)
    %add3A_209 = arith.constant 600 : i32
    %add3A_210 = arith.addi %mul3A_28, %add3A_209 : i32
    %dma_start3A_211 = arith.constant 0 : i32
    %dma_start3A_212 = arith.constant 0 : i32
    %dma_start3A_213 = tpu.memref_slice %arg9[%dma_start3A_211, %dma_start3A_212] : memref<128x128xf32, #tpu.memory_space<vmem>> -> memref<40x128xf32, #tpu.memory_space<vmem>>
    %dma_start3A_214 = arith.constant 0 : i32
    %dma_start3A_215 = tpu.memref_slice %arg16[%add3A_210, %dma_start3A_214] : memref<10240x128xf32, #tpu.memory_space<vmem_shared>> -> memref<40x128xf32, #tpu.memory_space<vmem_shared>>
    %dma_start3A_216 = arith.constant 0 : i32
    %dma_start3A_217 = tpu.memref_slice %arg16[%add3A_210, %dma_start3A_216] : memref<10240x128xf32, #tpu.memory_space<vmem_shared>> -> memref<40x128xf32, #tpu.memory_space<vmem_shared>>
    %dma_start3A_218 = arith.constant 0 : i32
    %dma_start3A_219 = arith.constant 0 : i32
    %dma_start3A_220 = tpu.memref_slice %arg9[%dma_start3A_218, %dma_start3A_219] : memref<128x128xf32, #tpu.memory_space<vmem>> -> memref<40x128xf32, #tpu.memory_space<vmem>>
    tpu.enqueue_dma source(%dma_start3A_220 : memref<40x128xf32, #tpu.memory_space<vmem>>) target(%dma_start3A_217 : memref<40x128xf32, #tpu.memory_space<vmem_shared>>) target_semaphore(%arg15 : memref<!tpu.dma_semaphore, #tpu.memory_space<semaphore_mem>>)
    %add3A_221 = arith.constant 0 : i32
    %add3A_222 = arith.addi %mul3A_28, %add3A_221 : i32
    %dma_wait3A = arith.constant 0 : i32
    %dma_wait3A_223 = arith.constant 0 : i32
    %dma_wait3A_224 = tpu.memref_slice %arg9[%dma_wait3A, %dma_wait3A_223] : memref<128x128xf32, #tpu.memory_space<vmem>> -> memref<40x128xf32, #tpu.memory_space<vmem>>
    %dma_wait3A_225 = arith.constant 0 : i32
    %dma_wait3A_226 = tpu.memref_slice %arg16[%add3A_222, %dma_wait3A_225] : memref<10240x128xf32, #tpu.memory_space<vmem_shared>> -> memref<40x128xf32, #tpu.memory_space<vmem_shared>>
    %dma_wait3A_227 = arith.constant 0 : i32
    %dma_wait3A_228 = tpu.memref_slice %arg16[%add3A_222, %dma_wait3A_227] : memref<10240x128xf32, #tpu.memory_space<vmem_shared>> -> memref<40x128xf32, #tpu.memory_space<vmem_shared>>
    %dma_wait3A_229 = arith.constant 0 : i32
    %dma_wait3A_230 = arith.constant 0 : i32
    %dma_wait3A_231 = tpu.memref_slice %arg9[%dma_wait3A_229, %dma_wait3A_230] : memref<128x128xf32, #tpu.memory_space<vmem>> -> memref<40x128xf32, #tpu.memory_space<vmem>>
    tpu.wait_dma2 semaphore(%arg15 : memref<!tpu.dma_semaphore, #tpu.memory_space<semaphore_mem>>) src(%dma_wait3A_231 : memref<40x128xf32, #tpu.memory_space<vmem>>) dst(%dma_wait3A_228 : memref<40x128xf32, #tpu.memory_space<vmem_shared>>)
    %add3A_232 = arith.constant 40 : i32
    %add3A_233 = arith.addi %mul3A_28, %add3A_232 : i32
    %dma_wait3A_234 = arith.constant 0 : i32
    %dma_wait3A_235 = arith.constant 0 : i32
    %dma_wait3A_236 = tpu.memref_slice %arg9[%dma_wait3A_234, %dma_wait3A_235] : memref<128x128xf32, #tpu.memory_space<vmem>> -> memref<40x128xf32, #tpu.memory_space<vmem>>
    %dma_wait3A_237 = arith.constant 0 : i32
    %dma_wait3A_238 = tpu.memref_slice %arg16[%add3A_233, %dma_wait3A_237] : memref<10240x128xf32, #tpu.memory_space<vmem_shared>> -> memref<40x128xf32, #tpu.memory_space<vmem_shared>>
    %dma_wait3A_239 = arith.constant 0 : i32
    %dma_wait3A_240 = tpu.memref_slice %arg16[%add3A_233, %dma_wait3A_239] : memref<10240x128xf32, #tpu.memory_space<vmem_shared>> -> memref<40x128xf32, #tpu.memory_space<vmem_shared>>
    %dma_wait3A_241 = arith.constant 0 : i32
    %dma_wait3A_242 = arith.constant 0 : i32
    %dma_wait3A_243 = tpu.memref_slice %arg9[%dma_wait3A_241, %dma_wait3A_242] : memref<128x128xf32, #tpu.memory_space<vmem>> -> memref<40x128xf32, #tpu.memory_space<vmem>>
    tpu.wait_dma2 semaphore(%arg15 : memref<!tpu.dma_semaphore, #tpu.memory_space<semaphore_mem>>) src(%dma_wait3A_243 : memref<40x128xf32, #tpu.memory_space<vmem>>) dst(%dma_wait3A_240 : memref<40x128xf32, #tpu.memory_space<vmem_shared>>)
    %add3A_244 = arith.constant 80 : i32
    %add3A_245 = arith.addi %mul3A_28, %add3A_244 : i32
    %dma_wait3A_246 = arith.constant 0 : i32
    %dma_wait3A_247 = arith.constant 0 : i32
    %dma_wait3A_248 = tpu.memref_slice %arg9[%dma_wait3A_246, %dma_wait3A_247] : memref<128x128xf32, #tpu.memory_space<vmem>> -> memref<40x128xf32, #tpu.memory_space<vmem>>
    %dma_wait3A_249 = arith.constant 0 : i32
    %dma_wait3A_250 = tpu.memref_slice %arg16[%add3A_245, %dma_wait3A_249] : memref<10240x128xf32, #tpu.memory_space<vmem_shared>> -> memref<40x128xf32, #tpu.memory_space<vmem_shared>>
    %dma_wait3A_251 = arith.constant 0 : i32
    %dma_wait3A_252 = tpu.memref_slice %arg16[%add3A_245, %dma_wait3A_251] : memref<10240x128xf32, #tpu.memory_space<vmem_shared>> -> memref<40x128xf32, #tpu.memory_space<vmem_shared>>
    %dma_wait3A_253 = arith.constant 0 : i32
    %dma_wait3A_254 = arith.constant 0 : i32
    %dma_wait3A_255 = tpu.memref_slice %arg9[%dma_wait3A_253, %dma_wait3A_254] : memref<128x128xf32, #tpu.memory_space<vmem>> -> memref<40x128xf32, #tpu.memory_space<vmem>>
    tpu.wait_dma2 semaphore(%arg15 : memref<!tpu.dma_semaphore, #tpu.memory_space<semaphore_mem>>) src(%dma_wait3A_255 : memref<40x128xf32, #tpu.memory_space<vmem>>) dst(%dma_wait3A_252 : memref<40x128xf32, #tpu.memory_space<vmem_shared>>)
    %add3A_256 = arith.constant 120 : i32
    %add3A_257 = arith.addi %mul3A_28, %add3A_256 : i32
    %dma_wait3A_258 = arith.constant 0 : i32
    %dma_wait3A_259 = arith.constant 0 : i32
    %dma_wait3A_260 = tpu.memref_slice %arg9[%dma_wait3A_258, %dma_wait3A_259] : memref<128x128xf32, #tpu.memory_space<vmem>> -> memref<40x128xf32, #tpu.memory_space<vmem>>
    %dma_wait3A_261 = arith.constant 0 : i32
    %dma_wait3A_262 = tpu.memref_slice %arg16[%add3A_257, %dma_wait3A_261] : memref<10240x128xf32, #tpu.memory_space<vmem_shared>> -> memref<40x128xf32, #tpu.memory_space<vmem_shared>>
    %dma_wait3A_263 = arith.constant 0 : i32
    %dma_wait3A_264 = tpu.memref_slice %arg16[%add3A_257, %dma_wait3A_263] : memref<10240x128xf32, #tpu.memory_space<vmem_shared>> -> memref<40x128xf32, #tpu.memory_space<vmem_shared>>
    %dma_wait3A_265 = arith.constant 0 : i32
    %dma_wait3A_266 = arith.constant 0 : i32
    %dma_wait3A_267 = tpu.memref_slice %arg9[%dma_wait3A_265, %dma_wait3A_266] : memref<128x128xf32, #tpu.memory_space<vmem>> -> memref<40x128xf32, #tpu.memory_space<vmem>>
    tpu.wait_dma2 semaphore(%arg15 : memref<!tpu.dma_semaphore, #tpu.memory_space<semaphore_mem>>) src(%dma_wait3A_267 : memref<40x128xf32, #tpu.memory_space<vmem>>) dst(%dma_wait3A_264 : memref<40x128xf32, #tpu.memory_space<vmem_shared>>)
    %add3A_268 = arith.constant 160 : i32
    %add3A_269 = arith.addi %mul3A_28, %add3A_268 : i32
    %dma_wait3A_270 = arith.constant 0 : i32
    %dma_wait3A_271 = arith.constant 0 : i32
    %dma_wait3A_272 = tpu.memref_slice %arg9[%dma_wait3A_270, %dma_wait3A_271] : memref<128x128xf32, #tpu.memory_space<vmem>> -> memref<40x128xf32, #tpu.memory_space<vmem>>
    %dma_wait3A_273 = arith.constant 0 : i32
    %dma_wait3A_274 = tpu.memref_slice %arg16[%add3A_269, %dma_wait3A_273] : memref<10240x128xf32, #tpu.memory_space<vmem_shared>> -> memref<40x128xf32, #tpu.memory_space<vmem_shared>>
    %dma_wait3A_275 = arith.constant 0 : i32
    %dma_wait3A_276 = tpu.memref_slice %arg16[%add3A_269, %dma_wait3A_275] : memref<10240x128xf32, #tpu.memory_space<vmem_shared>> -> memref<40x128xf32, #tpu.memory_space<vmem_shared>>
    %dma_wait3A_277 = arith.constant 0 : i32
    %dma_wait3A_278 = arith.constant 0 : i32
    %dma_wait3A_279 = tpu.memref_slice %arg9[%dma_wait3A_277, %dma_wait3A_278] : memref<128x128xf32, #tpu.memory_space<vmem>> -> memref<40x128xf32, #tpu.memory_space<vmem>>
    tpu.wait_dma2 semaphore(%arg15 : memref<!tpu.dma_semaphore, #tpu.memory_space<semaphore_mem>>) src(%dma_wait3A_279 : memref<40x128xf32, #tpu.memory_space<vmem>>) dst(%dma_wait3A_276 : memref<40x128xf32, #tpu.memory_space<vmem_shared>>)
    %add3A_280 = arith.constant 200 : i32
    %add3A_281 = arith.addi %mul3A_28, %add3A_280 : i32
    %dma_wait3A_282 = arith.constant 0 : i32
    %dma_wait3A_283 = arith.constant 0 : i32
    %dma_wait3A_284 = tpu.memref_slice %arg9[%dma_wait3A_282, %dma_wait3A_283] : memref<128x128xf32, #tpu.memory_space<vmem>> -> memref<40x128xf32, #tpu.memory_space<vmem>>
    %dma_wait3A_285 = arith.constant 0 : i32
    %dma_wait3A_286 = tpu.memref_slice %arg16[%add3A_281, %dma_wait3A_285] : memref<10240x128xf32, #tpu.memory_space<vmem_shared>> -> memref<40x128xf32, #tpu.memory_space<vmem_shared>>
    %dma_wait3A_287 = arith.constant 0 : i32
    %dma_wait3A_288 = tpu.memref_slice %arg16[%add3A_281, %dma_wait3A_287] : memref<10240x128xf32, #tpu.memory_space<vmem_shared>> -> memref<40x128xf32, #tpu.memory_space<vmem_shared>>
    %dma_wait3A_289 = arith.constant 0 : i32
    %dma_wait3A_290 = arith.constant 0 : i32
    %dma_wait3A_291 = tpu.memref_slice %arg9[%dma_wait3A_289, %dma_wait3A_290] : memref<128x128xf32, #tpu.memory_space<vmem>> -> memref<40x128xf32, #tpu.memory_space<vmem>>
    tpu.wait_dma2 semaphore(%arg15 : memref<!tpu.dma_semaphore, #tpu.memory_space<semaphore_mem>>) src(%dma_wait3A_291 : memref<40x128xf32, #tpu.memory_space<vmem>>) dst(%dma_wait3A_288 : memref<40x128xf32, #tpu.memory_space<vmem_shared>>)
    %add3A_292 = arith.constant 240 : i32
    %add3A_293 = arith.addi %mul3A_28, %add3A_292 : i32
    %dma_wait3A_294 = arith.constant 0 : i32
    %dma_wait3A_295 = arith.constant 0 : i32
    %dma_wait3A_296 = tpu.memref_slice %arg9[%dma_wait3A_294, %dma_wait3A_295] : memref<128x128xf32, #tpu.memory_space<vmem>> -> memref<40x128xf32, #tpu.memory_space<vmem>>
    %dma_wait3A_297 = arith.constant 0 : i32
    %dma_wait3A_298 = tpu.memref_slice %arg16[%add3A_293, %dma_wait3A_297] : memref<10240x128xf32, #tpu.memory_space<vmem_shared>> -> memref<40x128xf32, #tpu.memory_space<vmem_shared>>
    %dma_wait3A_299 = arith.constant 0 : i32
    %dma_wait3A_300 = tpu.memref_slice %arg16[%add3A_293, %dma_wait3A_299] : memref<10240x128xf32, #tpu.memory_space<vmem_shared>> -> memref<40x128xf32, #tpu.memory_space<vmem_shared>>
    %dma_wait3A_301 = arith.constant 0 : i32
    %dma_wait3A_302 = arith.constant 0 : i32
    %dma_wait3A_303 = tpu.memref_slice %arg9[%dma_wait3A_301, %dma_wait3A_302] : memref<128x128xf32, #tpu.memory_space<vmem>> -> memref<40x128xf32, #tpu.memory_space<vmem>>
    tpu.wait_dma2 semaphore(%arg15 : memref<!tpu.dma_semaphore, #tpu.memory_space<semaphore_mem>>) src(%dma_wait3A_303 : memref<40x128xf32, #tpu.memory_space<vmem>>) dst(%dma_wait3A_300 : memref<40x128xf32, #tpu.memory_space<vmem_shared>>)
    %add3A_304 = arith.constant 280 : i32
    %add3A_305 = arith.addi %mul3A_28, %add3A_304 : i32
    %dma_wait3A_306 = arith.constant 0 : i32
    %dma_wait3A_307 = arith.constant 0 : i32
    %dma_wait3A_308 = tpu.memref_slice %arg9[%dma_wait3A_306, %dma_wait3A_307] : memref<128x128xf32, #tpu.memory_space<vmem>> -> memref<40x128xf32, #tpu.memory_space<vmem>>
    %dma_wait3A_309 = arith.constant 0 : i32
    %dma_wait3A_310 = tpu.memref_slice %arg16[%add3A_305, %dma_wait3A_309] : memref<10240x128xf32, #tpu.memory_space<vmem_shared>> -> memref<40x128xf32, #tpu.memory_space<vmem_shared>>
    %dma_wait3A_311 = arith.constant 0 : i32
    %dma_wait3A_312 = tpu.memref_slice %arg16[%add3A_305, %dma_wait3A_311] : memref<10240x128xf32, #tpu.memory_space<vmem_shared>> -> memref<40x128xf32, #tpu.memory_space<vmem_shared>>
    %dma_wait3A_313 = arith.constant 0 : i32
    %dma_wait3A_314 = arith.constant 0 : i32
    %dma_wait3A_315 = tpu.memref_slice %arg9[%dma_wait3A_313, %dma_wait3A_314] : memref<128x128xf32, #tpu.memory_space<vmem>> -> memref<40x128xf32, #tpu.memory_space<vmem>>
    tpu.wait_dma2 semaphore(%arg15 : memref<!tpu.dma_semaphore, #tpu.memory_space<semaphore_mem>>) src(%dma_wait3A_315 : memref<40x128xf32, #tpu.memory_space<vmem>>) dst(%dma_wait3A_312 : memref<40x128xf32, #tpu.memory_space<vmem_shared>>)
    %add3A_316 = arith.constant 320 : i32
    %add3A_317 = arith.addi %mul3A_28, %add3A_316 : i32
    %dma_wait3A_318 = arith.constant 0 : i32
    %dma_wait3A_319 = arith.constant 0 : i32
    %dma_wait3A_320 = tpu.memref_slice %arg9[%dma_wait3A_318, %dma_wait3A_319] : memref<128x128xf32, #tpu.memory_space<vmem>> -> memref<40x128xf32, #tpu.memory_space<vmem>>
    %dma_wait3A_321 = arith.constant 0 : i32
    %dma_wait3A_322 = tpu.memref_slice %arg16[%add3A_317, %dma_wait3A_321] : memref<10240x128xf32, #tpu.memory_space<vmem_shared>> -> memref<40x128xf32, #tpu.memory_space<vmem_shared>>
    %dma_wait3A_323 = arith.constant 0 : i32
    %dma_wait3A_324 = tpu.memref_slice %arg16[%add3A_317, %dma_wait3A_323] : memref<10240x128xf32, #tpu.memory_space<vmem_shared>> -> memref<40x128xf32, #tpu.memory_space<vmem_shared>>
    %dma_wait3A_325 = arith.constant 0 : i32
    %dma_wait3A_326 = arith.constant 0 : i32
    %dma_wait3A_327 = tpu.memref_slice %arg9[%dma_wait3A_325, %dma_wait3A_326] : memref<128x128xf32, #tpu.memory_space<vmem>> -> memref<40x128xf32, #tpu.memory_space<vmem>>
    tpu.wait_dma2 semaphore(%arg15 : memref<!tpu.dma_semaphore, #tpu.memory_space<semaphore_mem>>) src(%dma_wait3A_327 : memref<40x128xf32, #tpu.memory_space<vmem>>) dst(%dma_wait3A_324 : memref<40x128xf32, #tpu.memory_space<vmem_shared>>)
    %add3A_328 = arith.constant 360 : i32
    %add3A_329 = arith.addi %mul3A_28, %add3A_328 : i32
    %dma_wait3A_330 = arith.constant 0 : i32
    %dma_wait3A_331 = arith.constant 0 : i32
    %dma_wait3A_332 = tpu.memref_slice %arg9[%dma_wait3A_330, %dma_wait3A_331] : memref<128x128xf32, #tpu.memory_space<vmem>> -> memref<40x128xf32, #tpu.memory_space<vmem>>
    %dma_wait3A_333 = arith.constant 0 : i32
    %dma_wait3A_334 = tpu.memref_slice %arg16[%add3A_329, %dma_wait3A_333] : memref<10240x128xf32, #tpu.memory_space<vmem_shared>> -> memref<40x128xf32, #tpu.memory_space<vmem_shared>>
    %dma_wait3A_335 = arith.constant 0 : i32
    %dma_wait3A_336 = tpu.memref_slice %arg16[%add3A_329, %dma_wait3A_335] : memref<10240x128xf32, #tpu.memory_space<vmem_shared>> -> memref<40x128xf32, #tpu.memory_space<vmem_shared>>
    %dma_wait3A_337 = arith.constant 0 : i32
    %dma_wait3A_338 = arith.constant 0 : i32
    %dma_wait3A_339 = tpu.memref_slice %arg9[%dma_wait3A_337, %dma_wait3A_338] : memref<128x128xf32, #tpu.memory_space<vmem>> -> memref<40x128xf32, #tpu.memory_space<vmem>>
    tpu.wait_dma2 semaphore(%arg15 : memref<!tpu.dma_semaphore, #tpu.memory_space<semaphore_mem>>) src(%dma_wait3A_339 : memref<40x128xf32, #tpu.memory_space<vmem>>) dst(%dma_wait3A_336 : memref<40x128xf32, #tpu.memory_space<vmem_shared>>)
    %add3A_340 = arith.constant 400 : i32
    %add3A_341 = arith.addi %mul3A_28, %add3A_340 : i32
    %dma_wait3A_342 = arith.constant 0 : i32
    %dma_wait3A_343 = arith.constant 0 : i32
    %dma_wait3A_344 = tpu.memref_slice %arg9[%dma_wait3A_342, %dma_wait3A_343] : memref<128x128xf32, #tpu.memory_space<vmem>> -> memref<40x128xf32, #tpu.memory_space<vmem>>
    %dma_wait3A_345 = arith.constant 0 : i32
    %dma_wait3A_346 = tpu.memref_slice %arg16[%add3A_341, %dma_wait3A_345] : memref<10240x128xf32, #tpu.memory_space<vmem_shared>> -> memref<40x128xf32, #tpu.memory_space<vmem_shared>>
    %dma_wait3A_347 = arith.constant 0 : i32
    %dma_wait3A_348 = tpu.memref_slice %arg16[%add3A_341, %dma_wait3A_347] : memref<10240x128xf32, #tpu.memory_space<vmem_shared>> -> memref<40x128xf32, #tpu.memory_space<vmem_shared>>
    %dma_wait3A_349 = arith.constant 0 : i32
    %dma_wait3A_350 = arith.constant 0 : i32
    %dma_wait3A_351 = tpu.memref_slice %arg9[%dma_wait3A_349, %dma_wait3A_350] : memref<128x128xf32, #tpu.memory_space<vmem>> -> memref<40x128xf32, #tpu.memory_space<vmem>>
    tpu.wait_dma2 semaphore(%arg15 : memref<!tpu.dma_semaphore, #tpu.memory_space<semaphore_mem>>) src(%dma_wait3A_351 : memref<40x128xf32, #tpu.memory_space<vmem>>) dst(%dma_wait3A_348 : memref<40x128xf32, #tpu.memory_space<vmem_shared>>)
    %add3A_352 = arith.constant 440 : i32
    %add3A_353 = arith.addi %mul3A_28, %add3A_352 : i32
    %dma_wait3A_354 = arith.constant 0 : i32
    %dma_wait3A_355 = arith.constant 0 : i32
    %dma_wait3A_356 = tpu.memref_slice %arg9[%dma_wait3A_354, %dma_wait3A_355] : memref<128x128xf32, #tpu.memory_space<vmem>> -> memref<40x128xf32, #tpu.memory_space<vmem>>
    %dma_wait3A_357 = arith.constant 0 : i32
    %dma_wait3A_358 = tpu.memref_slice %arg16[%add3A_353, %dma_wait3A_357] : memref<10240x128xf32, #tpu.memory_space<vmem_shared>> -> memref<40x128xf32, #tpu.memory_space<vmem_shared>>
    %dma_wait3A_359 = arith.constant 0 : i32
    %dma_wait3A_360 = tpu.memref_slice %arg16[%add3A_353, %dma_wait3A_359] : memref<10240x128xf32, #tpu.memory_space<vmem_shared>> -> memref<40x128xf32, #tpu.memory_space<vmem_shared>>
    %dma_wait3A_361 = arith.constant 0 : i32
    %dma_wait3A_362 = arith.constant 0 : i32
    %dma_wait3A_363 = tpu.memref_slice %arg9[%dma_wait3A_361, %dma_wait3A_362] : memref<128x128xf32, #tpu.memory_space<vmem>> -> memref<40x128xf32, #tpu.memory_space<vmem>>
    tpu.wait_dma2 semaphore(%arg15 : memref<!tpu.dma_semaphore, #tpu.memory_space<semaphore_mem>>) src(%dma_wait3A_363 : memref<40x128xf32, #tpu.memory_space<vmem>>) dst(%dma_wait3A_360 : memref<40x128xf32, #tpu.memory_space<vmem_shared>>)
    %add3A_364 = arith.constant 480 : i32
    %add3A_365 = arith.addi %mul3A_28, %add3A_364 : i32
    %dma_wait3A_366 = arith.constant 0 : i32
    %dma_wait3A_367 = arith.constant 0 : i32
    %dma_wait3A_368 = tpu.memref_slice %arg9[%dma_wait3A_366, %dma_wait3A_367] : memref<128x128xf32, #tpu.memory_space<vmem>> -> memref<40x128xf32, #tpu.memory_space<vmem>>
    %dma_wait3A_369 = arith.constant 0 : i32
    %dma_wait3A_370 = tpu.memref_slice %arg16[%add3A_365, %dma_wait3A_369] : memref<10240x128xf32, #tpu.memory_space<vmem_shared>> -> memref<40x128xf32, #tpu.memory_space<vmem_shared>>
    %dma_wait3A_371 = arith.constant 0 : i32
    %dma_wait3A_372 = tpu.memref_slice %arg16[%add3A_365, %dma_wait3A_371] : memref<10240x128xf32, #tpu.memory_space<vmem_shared>> -> memref<40x128xf32, #tpu.memory_space<vmem_shared>>
    %dma_wait3A_373 = arith.constant 0 : i32
    %dma_wait3A_374 = arith.constant 0 : i32
    %dma_wait3A_375 = tpu.memref_slice %arg9[%dma_wait3A_373, %dma_wait3A_374] : memref<128x128xf32, #tpu.memory_space<vmem>> -> memref<40x128xf32, #tpu.memory_space<vmem>>
    tpu.wait_dma2 semaphore(%arg15 : memref<!tpu.dma_semaphore, #tpu.memory_space<semaphore_mem>>) src(%dma_wait3A_375 : memref<40x128xf32, #tpu.memory_space<vmem>>) dst(%dma_wait3A_372 : memref<40x128xf32, #tpu.memory_space<vmem_shared>>)
    %add3A_376 = arith.constant 520 : i32
    %add3A_377 = arith.addi %mul3A_28, %add3A_376 : i32
    %dma_wait3A_378 = arith.constant 0 : i32
    %dma_wait3A_379 = arith.constant 0 : i32
    %dma_wait3A_380 = tpu.memref_slice %arg9[%dma_wait3A_378, %dma_wait3A_379] : memref<128x128xf32, #tpu.memory_space<vmem>> -> memref<40x128xf32, #tpu.memory_space<vmem>>
    %dma_wait3A_381 = arith.constant 0 : i32
    %dma_wait3A_382 = tpu.memref_slice %arg16[%add3A_377, %dma_wait3A_381] : memref<10240x128xf32, #tpu.memory_space<vmem_shared>> -> memref<40x128xf32, #tpu.memory_space<vmem_shared>>
    %dma_wait3A_383 = arith.constant 0 : i32
    %dma_wait3A_384 = tpu.memref_slice %arg16[%add3A_377, %dma_wait3A_383] : memref<10240x128xf32, #tpu.memory_space<vmem_shared>> -> memref<40x128xf32, #tpu.memory_space<vmem_shared>>
    %dma_wait3A_385 = arith.constant 0 : i32
    %dma_wait3A_386 = arith.constant 0 : i32
    %dma_wait3A_387 = tpu.memref_slice %arg9[%dma_wait3A_385, %dma_wait3A_386] : memref<128x128xf32, #tpu.memory_space<vmem>> -> memref<40x128xf32, #tpu.memory_space<vmem>>
    tpu.wait_dma2 semaphore(%arg15 : memref<!tpu.dma_semaphore, #tpu.memory_space<semaphore_mem>>) src(%dma_wait3A_387 : memref<40x128xf32, #tpu.memory_space<vmem>>) dst(%dma_wait3A_384 : memref<40x128xf32, #tpu.memory_space<vmem_shared>>)
    %add3A_388 = arith.constant 560 : i32
    %add3A_389 = arith.addi %mul3A_28, %add3A_388 : i32
    %dma_wait3A_390 = arith.constant 0 : i32
    %dma_wait3A_391 = arith.constant 0 : i32
    %dma_wait3A_392 = tpu.memref_slice %arg9[%dma_wait3A_390, %dma_wait3A_391] : memref<128x128xf32, #tpu.memory_space<vmem>> -> memref<40x128xf32, #tpu.memory_space<vmem>>
    %dma_wait3A_393 = arith.constant 0 : i32
    %dma_wait3A_394 = tpu.memref_slice %arg16[%add3A_389, %dma_wait3A_393] : memref<10240x128xf32, #tpu.memory_space<vmem_shared>> -> memref<40x128xf32, #tpu.memory_space<vmem_shared>>
    %dma_wait3A_395 = arith.constant 0 : i32
    %dma_wait3A_396 = tpu.memref_slice %arg16[%add3A_389, %dma_wait3A_395] : memref<10240x128xf32, #tpu.memory_space<vmem_shared>> -> memref<40x128xf32, #tpu.memory_space<vmem_shared>>
    %dma_wait3A_397 = arith.constant 0 : i32
    %dma_wait3A_398 = arith.constant 0 : i32
    %dma_wait3A_399 = tpu.memref_slice %arg9[%dma_wait3A_397, %dma_wait3A_398] : memref<128x128xf32, #tpu.memory_space<vmem>> -> memref<40x128xf32, #tpu.memory_space<vmem>>
    tpu.wait_dma2 semaphore(%arg15 : memref<!tpu.dma_semaphore, #tpu.memory_space<semaphore_mem>>) src(%dma_wait3A_399 : memref<40x128xf32, #tpu.memory_space<vmem>>) dst(%dma_wait3A_396 : memref<40x128xf32, #tpu.memory_space<vmem_shared>>)
    %add3A_400 = arith.constant 600 : i32
    %add3A_401 = arith.addi %mul3A_28, %add3A_400 : i32
    %dma_wait3A_402 = arith.constant 0 : i32
    %dma_wait3A_403 = arith.constant 0 : i32
    %dma_wait3A_404 = tpu.memref_slice %arg9[%dma_wait3A_402, %dma_wait3A_403] : memref<128x128xf32, #tpu.memory_space<vmem>> -> memref<40x128xf32, #tpu.memory_space<vmem>>
    %dma_wait3A_405 = arith.constant 0 : i32
    %dma_wait3A_406 = tpu.memref_slice %arg16[%add3A_401, %dma_wait3A_405] : memref<10240x128xf32, #tpu.memory_space<vmem_shared>> -> memref<40x128xf32, #tpu.memory_space<vmem_shared>>
    %dma_wait3A_407 = arith.constant 0 : i32
    %dma_wait3A_408 = tpu.memref_slice %arg16[%add3A_401, %dma_wait3A_407] : memref<10240x128xf32, #tpu.memory_space<vmem_shared>> -> memref<40x128xf32, #tpu.memory_space<vmem_shared>>
    %dma_wait3A_409 = arith.constant 0 : i32
    %dma_wait3A_410 = arith.constant 0 : i32
    %dma_wait3A_411 = tpu.memref_slice %arg9[%dma_wait3A_409, %dma_wait3A_410] : memref<128x128xf32, #tpu.memory_space<vmem>> -> memref<40x128xf32, #tpu.memory_space<vmem>>
    tpu.wait_dma2 semaphore(%arg15 : memref<!tpu.dma_semaphore, #tpu.memory_space<semaphore_mem>>) src(%dma_wait3A_411 : memref<40x128xf32, #tpu.memory_space<vmem>>) dst(%dma_wait3A_408 : memref<40x128xf32, #tpu.memory_space<vmem_shared>>)
    %barrier3A = arith.constant 0 : index
    tpu.barrier barrier_id(%barrier3A)
    %scan3A_412 = arith.constant 0 : i32
    %scan3A_413 = arith.constant 0 : i32
    %scan3A_414 = arith.constant 40 : i32
    %scan3A_415 = arith.addi %scan3A_413, %scan3A_414 : i32
    %scan3A_416 = arith.constant 1 : i32
    scf.for %scan3A_426 = %scan3A_413 to %scan3A_415 step %scan3A_416  : i32 {
      %mul3A_427 = arith.constant 2 : i32
      %mul3A_428 = arith.muli %mul3A_427, %scan3A_426 : i32
      %gt3A = arith.constant 0 : i32
      %gt3A_429 = arith.cmpi sgt, %mul3A_428, %gt3A : i32
      %convert_element_type3A = arith.extui %gt3A_429 : i1 to i32
      %cond3A = arith.constant 0 : i32
      %cond3A_430 = arith.cmpi ne, %convert_element_type3A, %cond3A : i32
      scf.if %cond3A_430 {
        %sub3A = arith.constant 1 : i32
        %sub3A_493 = arith.subi %mul3A_428, %sub3A : i32
        %dma_wait3A_494 = arith.constant 0 : i32
        %dma_wait3A_495 = tpu.memref_slice %arg7[%sub3A_493, %dma_wait3A_494] : memref<80x128xi32, #tpu.memory_space<vmem>> -> memref<1x128xi32, #tpu.memory_space<vmem>>
        %dma_wait3A_496 = tpu.memref_squeeze %dma_wait3A_495 : memref<1x128xi32, #tpu.memory_space<vmem>> -> memref<128xi32, #tpu.memory_space<vmem>>
        %dma_wait3A_497 = arith.constant 0 : i32
        %dma_wait3A_498 = arith.constant 0 : i32
        %dma_wait3A_499 = tpu.memref_slice %arg16[%dma_wait3A_497, %dma_wait3A_498] : memref<10240x128xf32, #tpu.memory_space<vmem_shared>> -> memref<10240x128xf32, #tpu.memory_space<vmem_shared>>
        tpu.wait_indirect_dma semaphore(%arg13 : memref<!tpu.dma_semaphore, #tpu.memory_space<semaphore_mem>>) src(%arg9 : memref<128x128xf32, #tpu.memory_space<vmem>>) dst(%dma_wait3A_499 : memref<10240x128xf32, #tpu.memory_space<vmem_shared>>)
      } else {
      }
      %add3A_431 = arith.constant 1 : i32
      %add3A_432 = arith.addi %mul3A_428, %add3A_431 : i32
      %lt3A = arith.constant 80 : i32
      %lt3A_433 = arith.cmpi slt, %add3A_432, %lt3A : i32
      %convert_element_type3A_434 = arith.extui %lt3A_433 : i1 to i32
      %cond3A_435 = arith.constant 0 : i32
      %cond3A_436 = arith.cmpi ne, %convert_element_type3A_434, %cond3A_435 : i32
      scf.if %cond3A_436 {
        %add3A_493 = arith.constant 1 : i32
        %add3A_494 = arith.addi %mul3A_428, %add3A_493 : i32
        %dma_wait3A_495 = arith.constant 1 : i32
        %dma_wait3A_496 = arith.constant 0 : i32
        %dma_wait3A_497 = tpu.memref_slice %arg6[%dma_wait3A_495, %dma_wait3A_496] : memref<2x128xi32, #tpu.memory_space<vmem>> -> memref<1x128xi32, #tpu.memory_space<vmem>>
        %dma_wait3A_498 = tpu.memref_squeeze %dma_wait3A_497 : memref<1x128xi32, #tpu.memory_space<vmem>> -> memref<128xi32, #tpu.memory_space<vmem>>
        %dma_wait3A_499 = arith.constant 0 : i32
        %dma_wait3A_500 = tpu.memref_slice %arg3[%add3A, %add3A_494, %dma_wait3A_499] : memref<32x80x128xi32, #tpu.memory_space<hbm>> -> memref<1x1x128xi32, #tpu.memory_space<hbm>>
        %dma_wait3A_501 = tpu.memref_squeeze %dma_wait3A_500 : memref<1x1x128xi32, #tpu.memory_space<hbm>> -> memref<128xi32, #tpu.memory_space<hbm>>
        %dma_wait3A_502 = arith.constant 0 : i32
        %dma_wait3A_503 = tpu.memref_slice %arg6[%dma_wait3A_495, %dma_wait3A_502] : memref<2x128xi32, #tpu.memory_space<vmem>> -> memref<1x128xi32, #tpu.memory_space<vmem>>
        %dma_wait3A_504 = tpu.memref_squeeze %dma_wait3A_503 : memref<1x128xi32, #tpu.memory_space<vmem>> -> memref<128xi32, #tpu.memory_space<vmem>>
        %dma_wait3A_505 = arith.constant 0 : i32
        %dma_wait3A_506 = tpu.memref_slice %arg3[%add3A, %add3A_494, %dma_wait3A_505] : memref<32x80x128xi32, #tpu.memory_space<hbm>> -> memref<1x1x128xi32, #tpu.memory_space<hbm>>
        %dma_wait3A_507 = tpu.memref_squeeze %dma_wait3A_506 : memref<1x1x128xi32, #tpu.memory_space<hbm>> -> memref<128xi32, #tpu.memory_space<hbm>>
        tpu.wait_dma2 semaphore(%arg14 : memref<!tpu.dma_semaphore, #tpu.memory_space<semaphore_mem>>) src(%dma_wait3A_507 : memref<128xi32, #tpu.memory_space<hbm>>) dst(%dma_wait3A_504 : memref<128xi32, #tpu.memory_space<vmem>>)
        %dma_start3A_508 = arith.constant 1 : i32
        %dma_start3A_509 = arith.constant 0 : i32
        %dma_start3A_510 = tpu.memref_slice %arg6[%dma_start3A_508, %dma_start3A_509] : memref<2x128xi32, #tpu.memory_space<vmem>> -> memref<1x128xi32, #tpu.memory_space<vmem>>
        %dma_start3A_511 = tpu.memref_squeeze %dma_start3A_510 : memref<1x128xi32, #tpu.memory_space<vmem>> -> memref<128xi32, #tpu.memory_space<vmem>>
        %dma_start3A_512 = arith.constant 0 : i32
        %dma_start3A_513 = arith.constant 0 : i32
        %dma_start3A_514 = tpu.memref_slice %arg2[%dma_start3A_512, %dma_start3A_513] : memref<10000x128xf32, #tpu.memory_space<hbm>> -> memref<10000x128xf32, #tpu.memory_space<hbm>>
        tpu.enqueue_indirect_dma source(%dma_start3A_514 : memref<10000x128xf32, #tpu.memory_space<hbm>>) target(%arg9 : memref<128x128xf32, #tpu.memory_space<vmem>>) offsets(%dma_start3A_511 : memref<128xi32, #tpu.memory_space<vmem>>) semaphore(%arg11 : memref<!tpu.dma_semaphore, #tpu.memory_space<semaphore_mem>>)
      } else {
      }
      %dma_wait3A_437 = arith.constant 0 : i32
      %dma_wait3A_438 = arith.constant 0 : i32
      %dma_wait3A_439 = tpu.memref_slice %arg6[%dma_wait3A_437, %dma_wait3A_438] : memref<2x128xi32, #tpu.memory_space<vmem>> -> memref<1x128xi32, #tpu.memory_space<vmem>>
      %dma_wait3A_440 = tpu.memref_squeeze %dma_wait3A_439 : memref<1x128xi32, #tpu.memory_space<vmem>> -> memref<128xi32, #tpu.memory_space<vmem>>
      %dma_wait3A_441 = arith.constant 0 : i32
      %dma_wait3A_442 = arith.constant 0 : i32
      %dma_wait3A_443 = tpu.memref_slice %arg2[%dma_wait3A_441, %dma_wait3A_442] : memref<10000x128xf32, #tpu.memory_space<hbm>> -> memref<10000x128xf32, #tpu.memory_space<hbm>>
      tpu.wait_indirect_dma semaphore(%arg10 : memref<!tpu.dma_semaphore, #tpu.memory_space<semaphore_mem>>) src(%dma_wait3A_443 : memref<10000x128xf32, #tpu.memory_space<hbm>>) dst(%arg8 : memref<128x128xf32, #tpu.memory_space<vmem>>)
      %dma_start3A_444 = arith.constant 0 : i32
      %dma_start3A_445 = tpu.memref_slice %arg7[%mul3A_428, %dma_start3A_444] : memref<80x128xi32, #tpu.memory_space<vmem>> -> memref<1x128xi32, #tpu.memory_space<vmem>>
      %dma_start3A_446 = tpu.memref_squeeze %dma_start3A_445 : memref<1x128xi32, #tpu.memory_space<vmem>> -> memref<128xi32, #tpu.memory_space<vmem>>
      %dma_start3A_447 = arith.constant 0 : i32
      %dma_start3A_448 = arith.constant 0 : i32
      %dma_start3A_449 = tpu.memref_slice %arg16[%dma_start3A_447, %dma_start3A_448] : memref<10240x128xf32, #tpu.memory_space<vmem_shared>> -> memref<10240x128xf32, #tpu.memory_space<vmem_shared>>
      tpu.enqueue_indirect_dma source(%arg8 : memref<128x128xf32, #tpu.memory_space<vmem>>) target(%dma_start3A_449 : memref<10240x128xf32, #tpu.memory_space<vmem_shared>>) offsets(%dma_start3A_446 : memref<128xi32, #tpu.memory_space<vmem>>) semaphore(%arg12 : memref<!tpu.dma_semaphore, #tpu.memory_space<semaphore_mem>>) {add = true}
      %add3A_450 = arith.constant 2 : i32
      %add3A_451 = arith.addi %mul3A_428, %add3A_450 : i32
      %lt3A_452 = arith.constant 80 : i32
      %lt3A_453 = arith.cmpi slt, %add3A_451, %lt3A_452 : i32
      %convert_element_type3A_454 = arith.extui %lt3A_453 : i1 to i32
      %cond3A_455 = arith.constant 0 : i32
      %cond3A_456 = arith.cmpi ne, %convert_element_type3A_454, %cond3A_455 : i32
      scf.if %cond3A_456 {
        %add3A_493 = arith.constant 2 : i32
        %add3A_494 = arith.addi %mul3A_428, %add3A_493 : i32
        %dma_start3A_495 = arith.constant 0 : i32
        %dma_start3A_496 = arith.constant 0 : i32
        %dma_start3A_497 = tpu.memref_slice %arg6[%dma_start3A_495, %dma_start3A_496] : memref<2x128xi32, #tpu.memory_space<vmem>> -> memref<1x128xi32, #tpu.memory_space<vmem>>
        %dma_start3A_498 = tpu.memref_squeeze %dma_start3A_497 : memref<1x128xi32, #tpu.memory_space<vmem>> -> memref<128xi32, #tpu.memory_space<vmem>>
        %dma_start3A_499 = arith.constant 0 : i32
        %dma_start3A_500 = tpu.memref_slice %arg3[%add3A, %add3A_494, %dma_start3A_499] : memref<32x80x128xi32, #tpu.memory_space<hbm>> -> memref<1x1x128xi32, #tpu.memory_space<hbm>>
        %dma_start3A_501 = tpu.memref_squeeze %dma_start3A_500 : memref<1x1x128xi32, #tpu.memory_space<hbm>> -> memref<128xi32, #tpu.memory_space<hbm>>
        %dma_start3A_502 = arith.constant 0 : i32
        %dma_start3A_503 = tpu.memref_slice %arg6[%dma_start3A_495, %dma_start3A_502] : memref<2x128xi32, #tpu.memory_space<vmem>> -> memref<1x128xi32, #tpu.memory_space<vmem>>
        %dma_start3A_504 = tpu.memref_squeeze %dma_start3A_503 : memref<1x128xi32, #tpu.memory_space<vmem>> -> memref<128xi32, #tpu.memory_space<vmem>>
        %dma_start3A_505 = arith.constant 0 : i32
        %dma_start3A_506 = tpu.memref_slice %arg3[%add3A, %add3A_494, %dma_start3A_505] : memref<32x80x128xi32, #tpu.memory_space<hbm>> -> memref<1x1x128xi32, #tpu.memory_space<hbm>>
        %dma_start3A_507 = tpu.memref_squeeze %dma_start3A_506 : memref<1x1x128xi32, #tpu.memory_space<hbm>> -> memref<128xi32, #tpu.memory_space<hbm>>
        tpu.enqueue_dma source(%dma_start3A_507 : memref<128xi32, #tpu.memory_space<hbm>>) target(%dma_start3A_504 : memref<128xi32, #tpu.memory_space<vmem>>) target_semaphore(%arg14 : memref<!tpu.dma_semaphore, #tpu.memory_space<semaphore_mem>>)
      } else {
      }
      %mul3A_457 = arith.constant 2 : i32
      %mul3A_458 = arith.muli %mul3A_457, %scan3A_426 : i32
      %add3A_459 = arith.constant 1 : i32
      %add3A_460 = arith.addi %mul3A_458, %add3A_459 : i32
      %gt3A_461 = arith.constant 0 : i32
      %gt3A_462 = arith.cmpi sgt, %add3A_460, %gt3A_461 : i32
      %convert_element_type3A_463 = arith.extui %gt3A_462 : i1 to i32
      %cond3A_464 = arith.constant 0 : i32
      %cond3A_465 = arith.cmpi ne, %convert_element_type3A_463, %cond3A_464 : i32
      scf.if %cond3A_465 {
        %sub3A = arith.constant 1 : i32
        %sub3A_493 = arith.subi %add3A_460, %sub3A : i32
        %dma_wait3A_494 = arith.constant 0 : i32
        %dma_wait3A_495 = tpu.memref_slice %arg7[%sub3A_493, %dma_wait3A_494] : memref<80x128xi32, #tpu.memory_space<vmem>> -> memref<1x128xi32, #tpu.memory_space<vmem>>
        %dma_wait3A_496 = tpu.memref_squeeze %dma_wait3A_495 : memref<1x128xi32, #tpu.memory_space<vmem>> -> memref<128xi32, #tpu.memory_space<vmem>>
        %dma_wait3A_497 = arith.constant 0 : i32
        %dma_wait3A_498 = arith.constant 0 : i32
        %dma_wait3A_499 = tpu.memref_slice %arg16[%dma_wait3A_497, %dma_wait3A_498] : memref<10240x128xf32, #tpu.memory_space<vmem_shared>> -> memref<10240x128xf32, #tpu.memory_space<vmem_shared>>
        tpu.wait_indirect_dma semaphore(%arg12 : memref<!tpu.dma_semaphore, #tpu.memory_space<semaphore_mem>>) src(%arg8 : memref<128x128xf32, #tpu.memory_space<vmem>>) dst(%dma_wait3A_499 : memref<10240x128xf32, #tpu.memory_space<vmem_shared>>)
      } else {
      }
      %add3A_466 = arith.constant 1 : i32
      %add3A_467 = arith.addi %add3A_460, %add3A_466 : i32
      %lt3A_468 = arith.constant 80 : i32
      %lt3A_469 = arith.cmpi slt, %add3A_467, %lt3A_468 : i32
      %convert_element_type3A_470 = arith.extui %lt3A_469 : i1 to i32
      %cond3A_471 = arith.constant 0 : i32
      %cond3A_472 = arith.cmpi ne, %convert_element_type3A_470, %cond3A_471 : i32
      scf.if %cond3A_472 {
        %add3A_493 = arith.constant 1 : i32
        %add3A_494 = arith.addi %add3A_460, %add3A_493 : i32
        %dma_wait3A_495 = arith.constant 0 : i32
        %dma_wait3A_496 = arith.constant 0 : i32
        %dma_wait3A_497 = tpu.memref_slice %arg6[%dma_wait3A_495, %dma_wait3A_496] : memref<2x128xi32, #tpu.memory_space<vmem>> -> memref<1x128xi32, #tpu.memory_space<vmem>>
        %dma_wait3A_498 = tpu.memref_squeeze %dma_wait3A_497 : memref<1x128xi32, #tpu.memory_space<vmem>> -> memref<128xi32, #tpu.memory_space<vmem>>
        %dma_wait3A_499 = arith.constant 0 : i32
        %dma_wait3A_500 = tpu.memref_slice %arg3[%add3A, %add3A_494, %dma_wait3A_499] : memref<32x80x128xi32, #tpu.memory_space<hbm>> -> memref<1x1x128xi32, #tpu.memory_space<hbm>>
        %dma_wait3A_501 = tpu.memref_squeeze %dma_wait3A_500 : memref<1x1x128xi32, #tpu.memory_space<hbm>> -> memref<128xi32, #tpu.memory_space<hbm>>
        %dma_wait3A_502 = arith.constant 0 : i32
        %dma_wait3A_503 = tpu.memref_slice %arg6[%dma_wait3A_495, %dma_wait3A_502] : memref<2x128xi32, #tpu.memory_space<vmem>> -> memref<1x128xi32, #tpu.memory_space<vmem>>
        %dma_wait3A_504 = tpu.memref_squeeze %dma_wait3A_503 : memref<1x128xi32, #tpu.memory_space<vmem>> -> memref<128xi32, #tpu.memory_space<vmem>>
        %dma_wait3A_505 = arith.constant 0 : i32
        %dma_wait3A_506 = tpu.memref_slice %arg3[%add3A, %add3A_494, %dma_wait3A_505] : memref<32x80x128xi32, #tpu.memory_space<hbm>> -> memref<1x1x128xi32, #tpu.memory_space<hbm>>
        %dma_wait3A_507 = tpu.memref_squeeze %dma_wait3A_506 : memref<1x1x128xi32, #tpu.memory_space<hbm>> -> memref<128xi32, #tpu.memory_space<hbm>>
        tpu.wait_dma2 semaphore(%arg14 : memref<!tpu.dma_semaphore, #tpu.memory_space<semaphore_mem>>) src(%dma_wait3A_507 : memref<128xi32, #tpu.memory_space<hbm>>) dst(%dma_wait3A_504 : memref<128xi32, #tpu.memory_space<vmem>>)
        %dma_start3A_508 = arith.constant 0 : i32
        %dma_start3A_509 = arith.constant 0 : i32
        %dma_start3A_510 = tpu.memref_slice %arg6[%dma_start3A_508, %dma_start3A_509] : memref<2x128xi32, #tpu.memory_space<vmem>> -> memref<1x128xi32, #tpu.memory_space<vmem>>
        %dma_start3A_511 = tpu.memref_squeeze %dma_start3A_510 : memref<1x128xi32, #tpu.memory_space<vmem>> -> memref<128xi32, #tpu.memory_space<vmem>>
        %dma_start3A_512 = arith.constant 0 : i32
        %dma_start3A_513 = arith.constant 0 : i32
        %dma_start3A_514 = tpu.memref_slice %arg2[%dma_start3A_512, %dma_start3A_513] : memref<10000x128xf32, #tpu.memory_space<hbm>> -> memref<10000x128xf32, #tpu.memory_space<hbm>>
        tpu.enqueue_indirect_dma source(%dma_start3A_514 : memref<10000x128xf32, #tpu.memory_space<hbm>>) target(%arg8 : memref<128x128xf32, #tpu.memory_space<vmem>>) offsets(%dma_start3A_511 : memref<128xi32, #tpu.memory_space<vmem>>) semaphore(%arg10 : memref<!tpu.dma_semaphore, #tpu.memory_space<semaphore_mem>>)
      } else {
      }
      %dma_wait3A_473 = arith.constant 1 : i32
      %dma_wait3A_474 = arith.constant 0 : i32
      %dma_wait3A_475 = tpu.memref_slice %arg6[%dma_wait3A_473, %dma_wait3A_474] : memref<2x128xi32, #tpu.memory_space<vmem>> -> memref<1x128xi32, #tpu.memory_space<vmem>>
      %dma_wait3A_476 = tpu.memref_squeeze %dma_wait3A_475 : memref<1x128xi32, #tpu.memory_space<vmem>> -> memref<128xi32, #tpu.memory_space<vmem>>
      %dma_wait3A_477 = arith.constant 0 : i32
      %dma_wait3A_478 = arith.constant 0 : i32
      %dma_wait3A_479 = tpu.memref_slice %arg2[%dma_wait3A_477, %dma_wait3A_478] : memref<10000x128xf32, #tpu.memory_space<hbm>> -> memref<10000x128xf32, #tpu.memory_space<hbm>>
      tpu.wait_indirect_dma semaphore(%arg11 : memref<!tpu.dma_semaphore, #tpu.memory_space<semaphore_mem>>) src(%dma_wait3A_479 : memref<10000x128xf32, #tpu.memory_space<hbm>>) dst(%arg9 : memref<128x128xf32, #tpu.memory_space<vmem>>)
      %dma_start3A_480 = arith.constant 0 : i32
      %dma_start3A_481 = tpu.memref_slice %arg7[%add3A_460, %dma_start3A_480] : memref<80x128xi32, #tpu.memory_space<vmem>> -> memref<1x128xi32, #tpu.memory_space<vmem>>
      %dma_start3A_482 = tpu.memref_squeeze %dma_start3A_481 : memref<1x128xi32, #tpu.memory_space<vmem>> -> memref<128xi32, #tpu.memory_space<vmem>>
      %dma_start3A_483 = arith.constant 0 : i32
      %dma_start3A_484 = arith.constant 0 : i32
      %dma_start3A_485 = tpu.memref_slice %arg16[%dma_start3A_483, %dma_start3A_484] : memref<10240x128xf32, #tpu.memory_space<vmem_shared>> -> memref<10240x128xf32, #tpu.memory_space<vmem_shared>>
      tpu.enqueue_indirect_dma source(%arg9 : memref<128x128xf32, #tpu.memory_space<vmem>>) target(%dma_start3A_485 : memref<10240x128xf32, #tpu.memory_space<vmem_shared>>) offsets(%dma_start3A_482 : memref<128xi32, #tpu.memory_space<vmem>>) semaphore(%arg13 : memref<!tpu.dma_semaphore, #tpu.memory_space<semaphore_mem>>) {add = true}
      %add3A_486 = arith.constant 2 : i32
      %add3A_487 = arith.addi %add3A_460, %add3A_486 : i32
      %lt3A_488 = arith.constant 80 : i32
      %lt3A_489 = arith.cmpi slt, %add3A_487, %lt3A_488 : i32
      %convert_element_type3A_490 = arith.extui %lt3A_489 : i1 to i32
      %cond3A_491 = arith.constant 0 : i32
      %cond3A_492 = arith.cmpi ne, %convert_element_type3A_490, %cond3A_491 : i32
      scf.if %cond3A_492 {
        %add3A_493 = arith.constant 2 : i32
        %add3A_494 = arith.addi %add3A_460, %add3A_493 : i32
        %dma_start3A_495 = arith.constant 1 : i32
        %dma_start3A_496 = arith.constant 0 : i32
        %dma_start3A_497 = tpu.memref_slice %arg6[%dma_start3A_495, %dma_start3A_496] : memref<2x128xi32, #tpu.memory_space<vmem>> -> memref<1x128xi32, #tpu.memory_space<vmem>>
        %dma_start3A_498 = tpu.memref_squeeze %dma_start3A_497 : memref<1x128xi32, #tpu.memory_space<vmem>> -> memref<128xi32, #tpu.memory_space<vmem>>
        %dma_start3A_499 = arith.constant 0 : i32
        %dma_start3A_500 = tpu.memref_slice %arg3[%add3A, %add3A_494, %dma_start3A_499] : memref<32x80x128xi32, #tpu.memory_space<hbm>> -> memref<1x1x128xi32, #tpu.memory_space<hbm>>
        %dma_start3A_501 = tpu.memref_squeeze %dma_start3A_500 : memref<1x1x128xi32, #tpu.memory_space<hbm>> -> memref<128xi32, #tpu.memory_space<hbm>>
        %dma_start3A_502 = arith.constant 0 : i32
        %dma_start3A_503 = tpu.memref_slice %arg6[%dma_start3A_495, %dma_start3A_502] : memref<2x128xi32, #tpu.memory_space<vmem>> -> memref<1x128xi32, #tpu.memory_space<vmem>>
        %dma_start3A_504 = tpu.memref_squeeze %dma_start3A_503 : memref<1x128xi32, #tpu.memory_space<vmem>> -> memref<128xi32, #tpu.memory_space<vmem>>
        %dma_start3A_505 = arith.constant 0 : i32
        %dma_start3A_506 = tpu.memref_slice %arg3[%add3A, %add3A_494, %dma_start3A_505] : memref<32x80x128xi32, #tpu.memory_space<hbm>> -> memref<1x1x128xi32, #tpu.memory_space<hbm>>
        %dma_start3A_507 = tpu.memref_squeeze %dma_start3A_506 : memref<1x1x128xi32, #tpu.memory_space<hbm>> -> memref<128xi32, #tpu.memory_space<hbm>>
        tpu.enqueue_dma source(%dma_start3A_507 : memref<128xi32, #tpu.memory_space<hbm>>) target(%dma_start3A_504 : memref<128xi32, #tpu.memory_space<vmem>>) target_semaphore(%arg14 : memref<!tpu.dma_semaphore, #tpu.memory_space<semaphore_mem>>)
      } else {
      }
    }
    %scan3A_417 = arith.constant 40 : i32
    %dma_wait3A_418 = arith.constant 79 : i32
    %dma_wait3A_419 = arith.constant 0 : i32
    %dma_wait3A_420 = tpu.memref_slice %arg7[%dma_wait3A_418, %dma_wait3A_419] : memref<80x128xi32, #tpu.memory_space<vmem>> -> memref<1x128xi32, #tpu.memory_space<vmem>>
    %dma_wait3A_421 = tpu.memref_squeeze %dma_wait3A_420 : memref<1x128xi32, #tpu.memory_space<vmem>> -> memref<128xi32, #tpu.memory_space<vmem>>
    %dma_wait3A_422 = arith.constant 0 : i32
    %dma_wait3A_423 = arith.constant 0 : i32
    %dma_wait3A_424 = tpu.memref_slice %arg16[%dma_wait3A_422, %dma_wait3A_423] : memref<10240x128xf32, #tpu.memory_space<vmem_shared>> -> memref<10240x128xf32, #tpu.memory_space<vmem_shared>>
    tpu.wait_indirect_dma semaphore(%arg13 : memref<!tpu.dma_semaphore, #tpu.memory_space<semaphore_mem>>) src(%arg9 : memref<128x128xf32, #tpu.memory_space<vmem>>) dst(%dma_wait3A_424 : memref<10240x128xf32, #tpu.memory_space<vmem_shared>>)
    %barrier3A_425 = arith.constant 0 : index
    tpu.barrier barrier_id(%barrier3A_425)
    "tpu.region"() ({
      %run_scoped3A_426 = tpu.sem_alloc : memref<!tpu.dma_semaphore, #tpu.memory_space<semaphore_mem>>
      %dma_start3A_427 = arith.constant 0 : i32
      %dma_start3A_428 = tpu.memref_slice %arg5[%arg0, %mul3A_28, %dma_start3A_427] : memref<2x10240x128xf32, #tpu.memory_space<hbm>> -> memref<1x640x128xf32, #tpu.memory_space<hbm>>
      %dma_start3A_429 = tpu.memref_squeeze %dma_start3A_428 : memref<1x640x128xf32, #tpu.memory_space<hbm>> -> memref<640x128xf32, #tpu.memory_space<hbm>>
      %dma_start3A_430 = arith.constant 0 : i32
      %dma_start3A_431 = tpu.memref_slice %arg16[%mul3A_28, %dma_start3A_430] : memref<10240x128xf32, #tpu.memory_space<vmem_shared>> -> memref<640x128xf32, #tpu.memory_space<vmem_shared>>
      tpu.enqueue_dma source(%dma_start3A_431 : memref<640x128xf32, #tpu.memory_space<vmem_shared>>) target(%dma_start3A_429 : memref<640x128xf32, #tpu.memory_space<hbm>>) target_semaphore(%run_scoped3A_426 : memref<!tpu.dma_semaphore, #tpu.memory_space<semaphore_mem>>)
      %dma_wait3A_432 = arith.constant 0 : i32
      %dma_wait3A_433 = tpu.memref_slice %arg5[%arg0, %mul3A_28, %dma_wait3A_432] : memref<2x10240x128xf32, #tpu.memory_space<hbm>> -> memref<1x640x128xf32, #tpu.memory_space<hbm>>
      %dma_wait3A_434 = tpu.memref_squeeze %dma_wait3A_433 : memref<1x640x128xf32, #tpu.memory_space<hbm>> -> memref<640x128xf32, #tpu.memory_space<hbm>>
      %dma_wait3A_435 = arith.constant 0 : i32
      %dma_wait3A_436 = tpu.memref_slice %arg16[%mul3A_28, %dma_wait3A_435] : memref<10240x128xf32, #tpu.memory_space<vmem_shared>> -> memref<640x128xf32, #tpu.memory_space<vmem_shared>>
      tpu.wait_dma2 semaphore(%run_scoped3A_426 : memref<!tpu.dma_semaphore, #tpu.memory_space<semaphore_mem>>) src(%dma_wait3A_436 : memref<640x128xf32, #tpu.memory_space<vmem_shared>>) dst(%dma_wait3A_434 : memref<640x128xf32, #tpu.memory_space<hbm>>)
      tpu.yield
    }) : () -> ()
    return
  }
}

module attributes {stable_mosaic.version = 14 : i64} {
  func.func @_tc_mm0_body(%arg0: i32, %arg1: memref<1024x128xf32, #tpu.memory_space<vmem>>, %arg2: memref<128x128xf32, #tpu.memory_space<vmem>>, %arg3: memref<1024x128xf32, #tpu.memory_space<vmem>>) attributes {dimension_semantics = [#tpu.dimension_semantics<arbitrary>], iteration_bounds = array<i64: 10>, scalar_prefetch = 0 : i64, scratch_operands = 0 : i64, tpu.core_type = #tpu.core_type<tc>, window_params = [{transform_indices = @transform_0, window_bounds = array<i64: 1024, 128>}, {pipeline_mode = #tpu.pipeline_mode<synchronous>, transform_indices = @transform_1, window_bounds = array<i64: 128, 128>}, {transform_indices = @transform_2, window_bounds = array<i64: 1024, 128>}]} {
    %get3A = arith.constant 0 : index
    %get3A_0 = arith.constant 0 : index
    %get3A_1 = vector.load %arg1[%get3A, %get3A_0] : memref<1024x128xf32, #tpu.memory_space<vmem>>, vector<1024x128xf32>
    %get3A_2 = arith.constant 0 : index
    %get3A_3 = arith.constant 0 : index
    %get3A_4 = vector.load %arg2[%get3A_2, %get3A_3] : memref<128x128xf32, #tpu.memory_space<vmem>>, vector<128x128xf32>
    %dot_general3A = arith.constant dense<0.000000e+00> : vector<1024x128xf32>
    %dot_general3A_5 = tpu.matmul %get3A_1, %get3A_4, %dot_general3A {dimension_numbers = #tpu.dot_dimension_numbers<[1], [0], [0], [1], [0, 0, 1, 1], [], []>, precision = #tpu.contract_precision<fp32>, transpose_lhs_hint = false} : vector<1024x128xf32>, vector<128x128xf32>, vector<1024x128xf32> -> vector<1024x128xf32>
    %swap3A = arith.constant 0 : index
    %swap3A_6 = arith.constant 0 : index
    %swap3A_7 = vector.load %arg3[%swap3A, %swap3A_6] : memref<1024x128xf32, #tpu.memory_space<vmem>>, vector<1024x128xf32>
    tpu.vector_store %arg3[%swap3A, %swap3A_6], %dot_general3A_5 {strides = array<i32>} : memref<1024x128xf32, #tpu.memory_space<vmem>>, vector<1024x128xf32>,
    return
  }
  func.func @transform_0(%arg0: i32) -> (i32, i32) {
    %c0_i32 = arith.constant 0 : i32
    %c0_i32_0 = arith.constant 0 : i32
    return %arg0, %c0_i32 : i32, i32
  }
  func.func @transform_1(%arg0: i32) -> (i32, i32) {
    %c0_i32 = arith.constant 0 : i32
    %c0_i32_0 = arith.constant 0 : i32
    %c0_i32_1 = arith.constant 0 : i32
    return %c0_i32, %c0_i32_0 : i32, i32
  }
  func.func @transform_2(%arg0: i32) -> (i32, i32) {
    %c0_i32 = arith.constant 0 : i32
    %c0_i32_0 = arith.constant 0 : i32
    return %arg0, %c0_i32 : i32, i32
  }
}

module attributes {stable_mosaic.version = 14 : i64} {
  func.func @_tc_mid_body(%arg0: i32, %arg1: memref<2x1024x128xf32, #tpu.memory_space<vmem>>, %arg2: memref<1024x128xf32, #tpu.memory_space<vmem>>, %arg3: memref<1024x128xf32, #tpu.memory_space<vmem>>, %arg4: memref<1x128xf32, #tpu.memory_space<vmem>>, %arg5: memref<128x128xf32, #tpu.memory_space<vmem>>, %arg6: memref<1024x128xf32, #tpu.memory_space<vmem>>) attributes {dimension_semantics = [#tpu.dimension_semantics<arbitrary>], iteration_bounds = array<i64: 10>, scalar_prefetch = 0 : i64, scratch_operands = 0 : i64, tpu.core_type = #tpu.core_type<tc>, window_params = [{transform_indices = @transform_0, window_bounds = array<i64: 2, 1024, 128>}, {transform_indices = @transform_1, window_bounds = array<i64: 1024, 128>}, {transform_indices = @transform_2, window_bounds = array<i64: 1024, 128>}, {pipeline_mode = #tpu.pipeline_mode<synchronous>, transform_indices = @transform_3, window_bounds = array<i64: 1, 128>}, {pipeline_mode = #tpu.pipeline_mode<synchronous>, transform_indices = @transform_4, window_bounds = array<i64: 128, 128>}, {transform_indices = @transform_5, window_bounds = array<i64: 1024, 128>}]} {
    %get3A = arith.constant 0 : index
    %get3A_0 = arith.constant 0 : index
    %get3A_1 = arith.constant 0 : index
    %get3A_2 = vector.load %arg1[%get3A, %get3A_0, %get3A_1] : memref<2x1024x128xf32, #tpu.memory_space<vmem>>, vector<1x1024x128xf32>
    %get3A_3 = vector.shape_cast %get3A_2 : vector<1x1024x128xf32> to vector<1024x128xf32>
    %get3A_4 = arith.constant 1 : index
    %get3A_5 = arith.constant 0 : index
    %get3A_6 = arith.constant 0 : index
    %get3A_7 = vector.load %arg1[%get3A_4, %get3A_5, %get3A_6] : memref<2x1024x128xf32, #tpu.memory_space<vmem>>, vector<1x1024x128xf32>
    %get3A_8 = vector.shape_cast %get3A_7 : vector<1x1024x128xf32> to vector<1024x128xf32>
    %add3A = arith.addf %get3A_3, %get3A_8 : vector<1024x128xf32>
    %get3A_9 = arith.constant 0 : index
    %get3A_10 = arith.constant 0 : index
    %get3A_11 = vector.load %arg2[%get3A_9, %get3A_10] : memref<1024x128xf32, #tpu.memory_space<vmem>>, vector<1024x128xf32>
    %add3A_12 = arith.addf %add3A, %get3A_11 : vector<1024x128xf32>
    %get3A_13 = arith.constant 0 : index
    %get3A_14 = arith.constant 0 : index
    %get3A_15 = vector.load %arg3[%get3A_13, %get3A_14] : memref<1024x128xf32, #tpu.memory_space<vmem>>, vector<1024x128xf32>
    %mul3A = arith.mulf %add3A_12, %get3A_15 : vector<1024x128xf32>
    %get3A_16 = arith.constant 0 : index
    %get3A_17 = arith.constant 0 : index
    %get3A_18 = vector.load %arg4[%get3A_16, %get3A_17] : memref<1x128xf32, #tpu.memory_space<vmem>>, vector<1x128xf32>
    %add3A_19 = vector.broadcast %get3A_18 : vector<1x128xf32> to vector<1024x128xf32>
    %add3A_20 = arith.addf %mul3A, %add3A_19 : vector<1024x128xf32>
    %max3A = arith.constant 0.000000e+00 : f32
    %max3A_21 = vector.broadcast %max3A : f32 to vector<1024x128xf32>
    %max3A_22 = arith.maximumf %add3A_20, %max3A_21 : vector<1024x128xf32>
    %get3A_23 = arith.constant 0 : index
    %get3A_24 = arith.constant 0 : index
    %get3A_25 = vector.load %arg5[%get3A_23, %get3A_24] : memref<128x128xf32, #tpu.memory_space<vmem>>, vector<128x128xf32>
    %dot_general3A = arith.constant dense<0.000000e+00> : vector<1024x128xf32>
    %dot_general3A_26 = tpu.matmul %max3A_22, %get3A_25, %dot_general3A {dimension_numbers = #tpu.dot_dimension_numbers<[1], [0], [0], [1], [0, 0, 1, 1], [], []>, precision = #tpu.contract_precision<fp32>, transpose_lhs_hint = false} : vector<1024x128xf32>, vector<128x128xf32>, vector<1024x128xf32> -> vector<1024x128xf32>
    %get3A_27 = arith.constant 0 : index
    %get3A_28 = arith.constant 0 : index
    %get3A_29 = vector.load %arg3[%get3A_27, %get3A_28] : memref<1024x128xf32, #tpu.memory_space<vmem>>, vector<1024x128xf32>
    %mul3A_30 = arith.mulf %dot_general3A_26, %get3A_29 : vector<1024x128xf32>
    %swap3A = arith.constant 0 : index
    %swap3A_31 = arith.constant 0 : index
    %swap3A_32 = vector.load %arg6[%swap3A, %swap3A_31] : memref<1024x128xf32, #tpu.memory_space<vmem>>, vector<1024x128xf32>
    tpu.vector_store %arg6[%swap3A, %swap3A_31], %mul3A_30 {strides = array<i32>} : memref<1024x128xf32, #tpu.memory_space<vmem>>, vector<1024x128xf32>,
    return
  }
  func.func @transform_0(%arg0: i32) -> (i32, i32, i32) {
    %c0_i32 = arith.constant 0 : i32
    %c0_i32_0 = arith.constant 0 : i32
    %c0_i32_1 = arith.constant 0 : i32
    return %c0_i32, %arg0, %c0_i32_0 : i32, i32, i32
  }
  func.func @transform_1(%arg0: i32) -> (i32, i32) {
    %c0_i32 = arith.constant 0 : i32
    %c0_i32_0 = arith.constant 0 : i32
    return %arg0, %c0_i32 : i32, i32
  }
  func.func @transform_2(%arg0: i32) -> (i32, i32) {
    %c0_i32 = arith.constant 0 : i32
    %c0_i32_0 = arith.constant 0 : i32
    return %arg0, %c0_i32 : i32, i32
  }
  func.func @transform_3(%arg0: i32) -> (i32, i32) {
    %c0_i32 = arith.constant 0 : i32
    %c0_i32_0 = arith.constant 0 : i32
    %c0_i32_1 = arith.constant 0 : i32
    return %c0_i32, %c0_i32_0 : i32, i32
  }
  func.func @transform_4(%arg0: i32) -> (i32, i32) {
    %c0_i32 = arith.constant 0 : i32
    %c0_i32_0 = arith.constant 0 : i32
    %c0_i32_1 = arith.constant 0 : i32
    return %c0_i32, %c0_i32_0 : i32, i32
  }
  func.func @transform_5(%arg0: i32) -> (i32, i32) {
    %c0_i32 = arith.constant 0 : i32
    %c0_i32_0 = arith.constant 0 : i32
    return %arg0, %c0_i32 : i32, i32
  }
}

module attributes {stable_mosaic.version = 14 : i64} {
  func.func @_tc_scale_body(%arg0: i32, %arg1: memref<2x8x128xf32, #tpu.memory_space<vmem>>, %arg2: memref<1024x128xf32, #tpu.memory_space<vmem>>, %arg3: memref<1024x128xf32, #tpu.memory_space<vmem>>, %arg4: memref<1024x128xf32, #tpu.memory_space<vmem>>) attributes {dimension_semantics = [#tpu.dimension_semantics<arbitrary>], iteration_bounds = array<i64: 10>, scalar_prefetch = 0 : i64, scratch_operands = 0 : i64, tpu.core_type = #tpu.core_type<tc>, window_params = [{transform_indices = @transform_0, window_bounds = array<i64: 2, 8, 128>}, {transform_indices = @transform_1, window_bounds = array<i64: 1024, 128>}, {transform_indices = @transform_2, window_bounds = array<i64: 1024, 128>}, {transform_indices = @transform_3, window_bounds = array<i64: 1024, 128>}]} {
    %get3A = arith.constant 0 : index
    %get3A_0 = arith.constant 0 : index
    %get3A_1 = arith.constant 0 : index
    %get3A_2 = vector.load %arg1[%get3A, %get3A_0, %get3A_1] : memref<2x8x128xf32, #tpu.memory_space<vmem>>, vector<1x8x128xf32>
    %get3A_3 = vector.shape_cast %get3A_2 : vector<1x8x128xf32> to vector<8x128xf32>
    %add3A = arith.constant 1.000000e+00 : f32
    %add3A_4 = vector.broadcast %add3A : f32 to vector<8x128xf32>
    %add3A_5 = arith.addf %add3A_4, %get3A_3 : vector<8x128xf32>
    %get3A_6 = arith.constant 1 : index
    %get3A_7 = arith.constant 0 : index
    %get3A_8 = arith.constant 0 : index
    %get3A_9 = vector.load %arg1[%get3A_6, %get3A_7, %get3A_8] : memref<2x8x128xf32, #tpu.memory_space<vmem>>, vector<1x8x128xf32>
    %get3A_10 = vector.shape_cast %get3A_9 : vector<1x8x128xf32> to vector<8x128xf32>
    %add3A_11 = arith.addf %add3A_5, %get3A_10 : vector<8x128xf32>
    %rsqrt3A = math.rsqrt %add3A_11 : vector<8x128xf32>
    %iota3A = tpu.iota {dimensions = array<i32: 0>} : vector<128x128xi32>
    %iota3A_12 = tpu.iota {dimensions = array<i32: 1>} : vector<128x128xi32>
    %eq3A = arith.cmpi eq, %iota3A, %iota3A_12 : vector<128x128xi32>
    %convert_element_type3A = arith.extui %eq3A : vector<128x128xi1> to vector<128x128xi32>
    %convert_element_type3A_13 = arith.sitofp %convert_element_type3A : vector<128x128xi32> to vector<128x128xf32>
    %broadcast_in_dim3A = vector.shape_cast %rsqrt3A : vector<8x128xf32> to vector<8x128x1xf32>
    %broadcast_in_dim3A_14 = vector.shape_cast %convert_element_type3A_13 : vector<128x128xf32> to vector<1x128x128xf32>
    %mul3A = vector.broadcast %broadcast_in_dim3A : vector<8x128x1xf32> to vector<8x128x128xf32>
    %mul3A_15 = vector.broadcast %broadcast_in_dim3A_14 : vector<1x128x128xf32> to vector<8x128x128xf32>
    %mul3A_16 = arith.mulf %mul3A, %mul3A_15 : vector<8x128x128xf32>
    %broadcast_in_dim3A_17 = arith.constant 1.000000e+00 : f32
    %broadcast_in_dim3A_18 = vector.broadcast %broadcast_in_dim3A_17 : f32 to vector<128x128xf32>
    %dot_general3A = arith.constant dense<0.000000e+00> : vector<8x128x128xf32>
    %dot_general3A_19 = tpu.matmul %mul3A_16, %broadcast_in_dim3A_18, %dot_general3A {dimension_numbers = #tpu.dot_dimension_numbers<[2], [0], [0, 1], [1], [0, 0, 0, 1, 1, 1], [], []>, precision = #tpu.contract_precision<fp32>, transpose_lhs_hint = false} : vector<8x128x128xf32>, vector<128x128xf32>, vector<8x128x128xf32> -> vector<8x128x128xf32>
    %reshape3A = vector.shape_cast %dot_general3A_19 : vector<8x128x128xf32> to vector<1024x128xf32>
    %get3A_20 = arith.constant 0 : index
    %get3A_21 = arith.constant 0 : index
    %get3A_22 = vector.load %arg2[%get3A_20, %get3A_21] : memref<1024x128xf32, #tpu.memory_space<vmem>>, vector<1024x128xf32>
    %mul3A_23 = arith.mulf %get3A_22, %reshape3A : vector<1024x128xf32>
    %swap3A = arith.constant 0 : index
    %swap3A_24 = arith.constant 0 : index
    %swap3A_25 = vector.load %arg3[%swap3A, %swap3A_24] : memref<1024x128xf32, #tpu.memory_space<vmem>>, vector<1024x128xf32>
    tpu.vector_store %arg3[%swap3A, %swap3A_24], %mul3A_23 {strides = array<i32>} : memref<1024x128xf32, #tpu.memory_space<vmem>>, vector<1024x128xf32>,
    %swap3A_26 = arith.constant 0 : index
    %swap3A_27 = arith.constant 0 : index
    %swap3A_28 = vector.load %arg4[%swap3A_26, %swap3A_27] : memref<1024x128xf32, #tpu.memory_space<vmem>>, vector<1024x128xf32>
    tpu.vector_store %arg4[%swap3A_26, %swap3A_27], %reshape3A {strides = array<i32>} : memref<1024x128xf32, #tpu.memory_space<vmem>>, vector<1024x128xf32>,
    return
  }
  func.func @transform_0(%arg0: i32) -> (i32, i32, i32) {
    %c0_i32 = arith.constant 0 : i32
    %c0_i32_0 = arith.constant 0 : i32
    %c0_i32_1 = arith.constant 0 : i32
    return %c0_i32, %arg0, %c0_i32_0 : i32, i32, i32
  }
  func.func @transform_1(%arg0: i32) -> (i32, i32) {
    %c0_i32 = arith.constant 0 : i32
    %c0_i32_0 = arith.constant 0 : i32
    return %arg0, %c0_i32 : i32, i32
  }
  func.func @transform_2(%arg0: i32) -> (i32, i32) {
    %c0_i32 = arith.constant 0 : i32
    %c0_i32_0 = arith.constant 0 : i32
    return %arg0, %c0_i32 : i32, i32
  }
  func.func @transform_3(%arg0: i32) -> (i32, i32) {
    %c0_i32 = arith.constant 0 : i32
    %c0_i32_0 = arith.constant 0 : i32
    return %arg0, %c0_i32 : i32, i32
  }
}

module attributes {stable_mosaic.version = 14 : i64} {
  func.func @_tc_fin_body(%arg0: i32, %arg1: memref<2x1024x128xf32, #tpu.memory_space<vmem>>, %arg2: memref<1024x128xf32, #tpu.memory_space<vmem>>, %arg3: memref<1024x128xf32, #tpu.memory_space<vmem>>, %arg4: memref<1x128xf32, #tpu.memory_space<vmem>>, %arg5: memref<1x1024xi32, #tpu.memory_space<vmem>>, %arg6: memref<64x128xf32, #tpu.memory_space<vmem>>, %arg7: memref<64x128xf32, #tpu.memory_space<vmem>>) attributes {dimension_semantics = [#tpu.dimension_semantics<arbitrary>], iteration_bounds = array<i64: 10>, scalar_prefetch = 0 : i64, scratch_operands = 1 : i64, tpu.core_type = #tpu.core_type<tc>, window_params = [{transform_indices = @transform_0, window_bounds = array<i64: 2, 1024, 128>}, {transform_indices = @transform_1, window_bounds = array<i64: 1024, 128>}, {transform_indices = @transform_2, window_bounds = array<i64: 1024, 128>}, {pipeline_mode = #tpu.pipeline_mode<synchronous>, transform_indices = @transform_3, window_bounds = array<i64: 1, 128>}, {transform_indices = @transform_4, window_bounds = array<i64: 1, 1024>}, {pipeline_mode = #tpu.pipeline_mode<synchronous>, transform_indices = @transform_5, window_bounds = array<i64: 64, 128>}]} {
    %get3A = arith.constant 0 : index
    %get3A_0 = arith.constant 0 : index
    %get3A_1 = arith.constant 0 : index
    %get3A_2 = vector.load %arg1[%get3A, %get3A_0, %get3A_1] : memref<2x1024x128xf32, #tpu.memory_space<vmem>>, vector<1x1024x128xf32>
    %get3A_3 = vector.shape_cast %get3A_2 : vector<1x1024x128xf32> to vector<1024x128xf32>
    %get3A_4 = arith.constant 1 : index
    %get3A_5 = arith.constant 0 : index
    %get3A_6 = arith.constant 0 : index
    %get3A_7 = vector.load %arg1[%get3A_4, %get3A_5, %get3A_6] : memref<2x1024x128xf32, #tpu.memory_space<vmem>>, vector<1x1024x128xf32>
    %get3A_8 = vector.shape_cast %get3A_7 : vector<1x1024x128xf32> to vector<1024x128xf32>
    %add3A = arith.addf %get3A_3, %get3A_8 : vector<1024x128xf32>
    %get3A_9 = arith.constant 0 : index
    %get3A_10 = arith.constant 0 : index
    %get3A_11 = vector.load %arg2[%get3A_9, %get3A_10] : memref<1024x128xf32, #tpu.memory_space<vmem>>, vector<1024x128xf32>
    %add3A_12 = arith.addf %add3A, %get3A_11 : vector<1024x128xf32>
    %get3A_13 = arith.constant 0 : index
    %get3A_14 = arith.constant 0 : index
    %get3A_15 = vector.load %arg3[%get3A_13, %get3A_14] : memref<1024x128xf32, #tpu.memory_space<vmem>>, vector<1024x128xf32>
    %mul3A = arith.mulf %add3A_12, %get3A_15 : vector<1024x128xf32>
    %get3A_16 = arith.constant 0 : index
    %get3A_17 = arith.constant 0 : index
    %get3A_18 = vector.load %arg4[%get3A_16, %get3A_17] : memref<1x128xf32, #tpu.memory_space<vmem>>, vector<1x128xf32>
    %add3A_19 = vector.broadcast %get3A_18 : vector<1x128xf32> to vector<1024x128xf32>
    %add3A_20 = arith.addf %mul3A, %add3A_19 : vector<1024x128xf32>
    %max3A = arith.constant 0.000000e+00 : f32
    %max3A_21 = vector.broadcast %max3A : f32 to vector<1024x128xf32>
    %max3A_22 = arith.maximumf %add3A_20, %max3A_21 : vector<1024x128xf32>
    %iota3A = tpu.iota {dimensions = array<i32: 0>} : vector<1024x128xi32>
    %mul3A_23 = arith.constant 1024 : i32
    %mul3A_24 = arith.muli %arg0, %mul3A_23 : i32
    %add3A_25 = vector.broadcast %mul3A_24 : i32 to vector<1024x128xi32>
    %add3A_26 = arith.addi %iota3A, %add3A_25 : vector<1024x128xi32>
    %lt3A = arith.constant 10000 : i32
    %lt3A_27 = vector.broadcast %lt3A : i32 to vector<1024x128xi32>
    %lt3A_28 = arith.cmpi slt, %add3A_26, %lt3A_27 : vector<1024x128xi32>
    %jit3A = arith.constant 0.000000e+00 : f32
    %broadcast_in_dim3A = vector.broadcast %jit3A : f32 to vector<1024x128xf32>
    %select_n3A = arith.select %lt3A_28, %max3A_22, %broadcast_in_dim3A : vector<1024x128xi1>, vector<1024x128xf32>
    %iota3A_29 = tpu.iota {dimensions = array<i32: 0>} : vector<64x1024xi32>
    %iota3A_30 = tpu.iota {dimensions = array<i32: 1>} : vector<64x1024xi32>
    %mul3A_31 = arith.constant 1024 : i32
    %mul3A_32 = arith.muli %arg0, %mul3A_31 : i32
    %add3A_33 = vector.broadcast %mul3A_32 : i32 to vector<64x1024xi32>
    %add3A_34 = arith.addi %iota3A_30, %add3A_33 : vector<64x1024xi32>
    %get3A_35 = arith.constant 0 : index
    %get3A_36 = arith.constant 0 : index
    %get3A_37 = vector.load %arg5[%get3A_35, %get3A_36] : memref<1x1024xi32, #tpu.memory_space<vmem>>, vector<1x1024xi32>
    %eq3A = vector.broadcast %get3A_37 : vector<1x1024xi32> to vector<64x1024xi32>
    %eq3A_38 = arith.cmpi eq, %eq3A, %iota3A_29 : vector<64x1024xi32>
    %lt3A_39 = arith.constant 10000 : i32
    %lt3A_40 = vector.broadcast %lt3A_39 : i32 to vector<64x1024xi32>
    %lt3A_41 = arith.cmpi slt, %add3A_34, %lt3A_40 : vector<64x1024xi32>
    %and3A = arith.andi %eq3A_38, %lt3A_41 : vector<64x1024xi1>
    %convert_element_type3A = arith.extui %and3A : vector<64x1024xi1> to vector<64x1024xi32>
    %convert_element_type3A_42 = arith.sitofp %convert_element_type3A : vector<64x1024xi32> to vector<64x1024xf32>
    %dot_general3A = arith.constant dense<0.000000e+00> : vector<64x128xf32>
    %dot_general3A_43 = tpu.matmul %convert_element_type3A_42, %select_n3A, %dot_general3A {dimension_numbers = #tpu.dot_dimension_numbers<[1], [0], [0], [1], [0, 0, 1, 1], [], []>, precision = #tpu.contract_precision<fp32>, transpose_lhs_hint = false} : vector<64x1024xf32>, vector<1024x128xf32>, vector<64x128xf32> -> vector<64x128xf32>
    %broadcast_in_dim3A_44 = arith.constant 1.000000e+00 : f32
    %broadcast_in_dim3A_45 = vector.broadcast %broadcast_in_dim3A_44 : f32 to vector<1024x128xf32>
    %dot_general3A_46 = arith.constant dense<0.000000e+00> : vector<64x128xf32>
    %dot_general3A_47 = tpu.matmul %convert_element_type3A_42, %broadcast_in_dim3A_45, %dot_general3A_46 {dimension_numbers = #tpu.dot_dimension_numbers<[1], [0], [0], [1], [0, 0, 1, 1], [], []>, precision = #tpu.contract_precision<fp32>, transpose_lhs_hint = false} : vector<64x1024xf32>, vector<1024x128xf32>, vector<64x128xf32> -> vector<64x128xf32>
    %eq3A_48 = arith.constant 0 : i32
    %eq3A_49 = arith.cmpi eq, %arg0, %eq3A_48 : i32
    %convert_element_type3A_50 = arith.extui %eq3A_49 : i1 to i32
    %cond3A = arith.constant 0 : i32
    %cond3A_51 = arith.cmpi ne, %convert_element_type3A_50, %cond3A : i32
    scf.if %cond3A_51 {
      %swap3A = arith.constant 0 : index
      %swap3A_61 = arith.constant 0 : index
      %swap3A_62 = vector.load %arg6[%swap3A, %swap3A_61] : memref<64x128xf32, #tpu.memory_space<vmem>>, vector<64x128xf32>
      tpu.vector_store %arg6[%swap3A, %swap3A_61], %dot_general3A_43 {strides = array<i32>} : memref<64x128xf32, #tpu.memory_space<vmem>>, vector<64x128xf32>,
      %swap3A_63 = arith.constant 0 : index
      %swap3A_64 = arith.constant 0 : index
      %swap3A_65 = vector.load %arg7[%swap3A_63, %swap3A_64] : memref<64x128xf32, #tpu.memory_space<vmem>>, vector<64x128xf32>
      tpu.vector_store %arg7[%swap3A_63, %swap3A_64], %dot_general3A_47 {strides = array<i32>} : memref<64x128xf32, #tpu.memory_space<vmem>>, vector<64x128xf32>,
    } else {
    }
    %gt3A = arith.constant 0 : i32
    %gt3A_52 = arith.cmpi sgt, %arg0, %gt3A : i32
    %convert_element_type3A_53 = arith.extui %gt3A_52 : i1 to i32
    %cond3A_54 = arith.constant 0 : i32
    %cond3A_55 = arith.cmpi ne, %convert_element_type3A_53, %cond3A_54 : i32
    scf.if %cond3A_55 {
      %get3A_61 = arith.constant 0 : index
      %get3A_62 = arith.constant 0 : index
      %get3A_63 = vector.load %arg6[%get3A_61, %get3A_62] : memref<64x128xf32, #tpu.memory_space<vmem>>, vector<64x128xf32>
      %add3A_64 = arith.addf %get3A_63, %dot_general3A_43 : vector<64x128xf32>
      %swap3A = arith.constant 0 : index
      %swap3A_65 = arith.constant 0 : index
      %swap3A_66 = vector.load %arg6[%swap3A, %swap3A_65] : memref<64x128xf32, #tpu.memory_space<vmem>>, vector<64x128xf32>
      tpu.vector_store %arg6[%swap3A, %swap3A_65], %add3A_64 {strides = array<i32>} : memref<64x128xf32, #tpu.memory_space<vmem>>, vector<64x128xf32>,
      %get3A_67 = arith.constant 0 : index
      %get3A_68 = arith.constant 0 : index
      %get3A_69 = vector.load %arg7[%get3A_67, %get3A_68] : memref<64x128xf32, #tpu.memory_space<vmem>>, vector<64x128xf32>
      %add3A_70 = arith.addf %get3A_69, %dot_general3A_47 : vector<64x128xf32>
      %swap3A_71 = arith.constant 0 : index
      %swap3A_72 = arith.constant 0 : index
      %swap3A_73 = vector.load %arg7[%swap3A_71, %swap3A_72] : memref<64x128xf32, #tpu.memory_space<vmem>>, vector<64x128xf32>
      tpu.vector_store %arg7[%swap3A_71, %swap3A_72], %add3A_70 {strides = array<i32>} : memref<64x128xf32, #tpu.memory_space<vmem>>, vector<64x128xf32>,
    } else {
    }
    %eq3A_56 = arith.constant 9 : i32
    %eq3A_57 = arith.cmpi eq, %arg0, %eq3A_56 : i32
    %convert_element_type3A_58 = arith.extui %eq3A_57 : i1 to i32
    %cond3A_59 = arith.constant 0 : i32
    %cond3A_60 = arith.cmpi ne, %convert_element_type3A_58, %cond3A_59 : i32
    scf.if %cond3A_60 {
      %get3A_61 = arith.constant 0 : index
      %get3A_62 = arith.constant 0 : index
      %get3A_63 = vector.load %arg6[%get3A_61, %get3A_62] : memref<64x128xf32, #tpu.memory_space<vmem>>, vector<64x128xf32>
      %get3A_64 = arith.constant 0 : index
      %get3A_65 = arith.constant 0 : index
      %get3A_66 = vector.load %arg7[%get3A_64, %get3A_65] : memref<64x128xf32, #tpu.memory_space<vmem>>, vector<64x128xf32>
      %max3A_67 = arith.constant 1.000000e+00 : f32
      %max3A_68 = vector.broadcast %max3A_67 : f32 to vector<64x128xf32>
      %max3A_69 = arith.maximumf %get3A_66, %max3A_68 : vector<64x128xf32>
      %div3A = arith.divf %get3A_63, %max3A_69 : vector<64x128xf32>
      %swap3A = arith.constant 0 : index
      %swap3A_70 = arith.constant 0 : index
      %swap3A_71 = vector.load %arg6[%swap3A, %swap3A_70] : memref<64x128xf32, #tpu.memory_space<vmem>>, vector<64x128xf32>
      tpu.vector_store %arg6[%swap3A, %swap3A_70], %div3A {strides = array<i32>} : memref<64x128xf32, #tpu.memory_space<vmem>>, vector<64x128xf32>,
    } else {
    }
    return
  }
  func.func @transform_0(%arg0: i32) -> (i32, i32, i32) {
    %c0_i32 = arith.constant 0 : i32
    %c0_i32_0 = arith.constant 0 : i32
    %c0_i32_1 = arith.constant 0 : i32
    return %c0_i32, %arg0, %c0_i32_0 : i32, i32, i32
  }
  func.func @transform_1(%arg0: i32) -> (i32, i32) {
    %c0_i32 = arith.constant 0 : i32
    %c0_i32_0 = arith.constant 0 : i32
    return %arg0, %c0_i32 : i32, i32
  }
  func.func @transform_2(%arg0: i32) -> (i32, i32) {
    %c0_i32 = arith.constant 0 : i32
    %c0_i32_0 = arith.constant 0 : i32
    return %arg0, %c0_i32 : i32, i32
  }
  func.func @transform_3(%arg0: i32) -> (i32, i32) {
    %c0_i32 = arith.constant 0 : i32
    %c0_i32_0 = arith.constant 0 : i32
    %c0_i32_1 = arith.constant 0 : i32
    return %c0_i32, %c0_i32_0 : i32, i32
  }
  func.func @transform_4(%arg0: i32) -> (i32, i32) {
    %c0_i32 = arith.constant 0 : i32
    %c0_i32_0 = arith.constant 0 : i32
    return %c0_i32, %arg0 : i32, i32
  }
  func.func @transform_5(%arg0: i32) -> (i32, i32) {
    %c0_i32 = arith.constant 0 : i32
    %c0_i32_0 = arith.constant 0 : i32
    %c0_i32_1 = arith.constant 0 : i32
    return %c0_i32, %c0_i32_0 : i32, i32
  }
}

</mosaic_0001>

<sc_bundles>
// kernel: kernel.11.cloned.1.call-start
scs
__scs_entry_jumppad:
0x0: {  	(pc) =	sbr.rel $0x88, $3  }
0x1: {  	(tag) =	ssettag $0x0;
	lr =	simm.s32 $0x1  }
0x2: {  	[smem:$0x3F98] =	sst lr;
	_ =	strace $0xD0000000  }
0x3: {  	_ = 	snop  }
0x4: {  	_ = 	snop  }
0x5: {  	_ = 	snop  }
0x6: {  	_ = 	snop  }
0x7: {  	_ = 	snop  }
__scs_overlays_trampoline_lowered:
0x8: {  	[smem:$0x3FA7] =	sst s0  }
0x9: {  	[smem:$0x3FA8] =	sst s1  }
0xa: {  	[smem:$0x3FA9] =	sst s2  }
0xb: {  	[smem:$0x3FAA] =	sst s3  }
0xc: {  	[smem:$0x3FAB] =	sst s4  }
0xd: {  	[smem:$0x3FAC] =	sst s5  }
0xe: {  	[smem:$0x3FAD] =	sst s6  }
0xf: {  	[smem:$0x3FAE] =	sst s7  }
0x10: {  	[smem:$0x3FAF] =	sst s8  }
0x11: {  	[smem:$0x3FB0] =	sst s9;
	s0 =	simm.s32 @!p0 $0x0  }
0x12: {  	s1 =	sld [smem:$0x3F96];
	s0 =	simm.s32 @p0 $0x1  }
0x13: {  	[smem:$0x3FB1] =	sst s0;
	s0 =	simm.s32 @!p1 $0x0  }
0x14: {  	s2 =	sld [smem:$0x3F95];
	s0 =	simm.s32 @p1 $0x1  }
0x15: {  	[smem:$0x3FB2] =	sst s0;
	s0 =	simm.s32 @!p2 $0x0  }
0x16: {  	s3 =	sld [smem:$0x3FDB];
	s0 =	simm.s32 @p2 $0x1  }
0x17: {  	s4 =	simm.s32 $0x1BF5;
	[smem:$0x3FB4] =	sst s0  }
0x18: {  	s0 =	sld [smem:$0x3F97];
	_ =	swait.ge [sflag:s4], $0x0  }
0x19: {  	s7 =	sld [smem:$0x3F98]  }
0x1a: {  	s8 =	sadd.s32 $0xFFFFE003, lr  }
0x1b: {  	s9 =	sadd.s32 $0xFFFFFEF7, lr;
	s5 =	simm.s32 $0xFFFFFFFF;
	p2 =	slt.u32 s8, $0xFFFFF086  }
0x1c: {  	p1 =	slt.u32 s9, $0xF7A;
	s5 =	simm.s32 @!p2 $0x0  }
0x1d: {  	s5 =	simm.s32 @p1 $0x1;
	p0 =	seq.s32 s7, s2  }
0x1e: {  	s7 =	smul.u32 @!p0 $0xF7A, s2;
	p2 =	seq.s32 @!p0 s5, $0x0  }
0x1f: {  	s9 =	smul.u32 $0xF7A, s1;
	s8 =	simm.s32 @!p0 $0x1BF5;
	p2 =	por !p2, p0  }
0x20: {  	[sflag:s8] =	ssyncset.s32 @!p0 $0xFFFFF086;
	s6 =	sadd.s32 @!p0 s3, s7;
	s7 =	simm.s32 @!p0 $0x108  }
0x21: {  	s3 =	sadd.s32 s3, s9;
	s6 =	sadd.s32 @!p0 $0x88, s6;
	s7 =	simm.s32 @p2 $0x1082  }
0x22: {  	[simem:s7], [sflag:s8] =	dma.local @!p0 [hbm:s6], $0xF7A  }
0x23: {  	s9 =	sor.u32 $0xD0000000, s2;
	s6 =	simm.s32 $0x108;
	_ =	swait.ge @!p0 [sflag:s8], $0x0  }
0x24: {  	s3 =	sadd.s32 $0x88, s3;
	s6 =	simm.s32 @!p1 $0x1082;
	[sflag:s4] =	ssyncset.s32 $0xFFFFF086  }
0x25: {  	[simem:s6], [sflag:s4] =	dma.local [hbm:s3], $0xF7A  }
0x26: {  	[smem:$0x3F98] =	sst s1;
	(tag) =	ssettag s2;
	_ =	strace s9  }
0x27: {  	s1 =	sld [smem:$0x3FA8]  }
0x28: {  	s2 =	sld [smem:$0x3FA9]  }
0x29: {  	s4 =	sld [smem:$0x3FAB]  }
0x2a: {  	p0 =	seq.s32 s5, $0x0;
	s5 =	sld [smem:$0x3FAC]  }
0x2b: {  	s6 =	sld [smem:$0x3FAD]  }
0x2c: {  	s7 =	sld [smem:$0x3FAE]  }
0x2d: {  	s3 =	simm.s32 $0x108;
	s8 =	sld [smem:$0x3FAF]  }
0x2e: {  	s3 =	simm.s32 @!p0 $0x1082;
	s9 =	sld [smem:$0x3FB0]  }
0x2f: {  	lr =	sadd.s32 s0, s3;
	s0 =	sld [smem:$0x3FA7]  }
0x30: {  	s3 =	sld [smem:$0x3FAA]  }
0x31: {  	[smem:$0x3FB3] =	sst s10  }
0x32: {  	s10 =	sld [smem:$0x3FB1];
	_ =	sdelay $0x3  }
0x33: {  	p0 =	seq.s32 s10, $0x1;
	s10 =	sld [smem:$0x3FB3];
	_ =	sdelay $0x3  }
0x34: {  	[smem:$0x3FB3] =	sst s10  }
0x35: {  	s10 =	sld [smem:$0x3FB2];
	_ =	sdelay $0x3  }
0x36: {  	p1 =	seq.s32 s10, $0x1;
	s10 =	sld [smem:$0x3FB3];
	_ =	sdelay $0x3  }
0x37: {  	[smem:$0x3FB3] =	sst s10  }
0x38: {  	s10 =	sld [smem:$0x3FB4]  }
0x39: {  	_ = 	snop;
	(pc) =	sbr.ind lr, $3  }
0x3a: {  	_ = 	snop  }
0x3b: {  	_ = 	snop  }
0x3c: {  	p2 =	seq.s32 s10, $0x1;
	s10 =	sld [smem:$0x3FB3]  }
0x3d: {  	_ =	shalt  }
0x3e: {  	_ =	shalt  }
0x3f: {  	_ =	shalt  }
0x40: {  	_ =	shalt  }
0x41: {  	_ =	shalt  }
0x42: {  	_ =	shalt  }
0x43: {  	_ =	shalt  }
0x44: {  	_ =	shalt  }
0x45: {  	_ =	shalt  }
0x46: {  	_ =	shalt  }
0x47: {  	_ =	shalt  }
0x48: {  	_ =	shalt  }
0x49: {  	_ =	shalt  }
0x4a: {  	_ =	shalt  }
0x4b: {  	_ =	shalt  }
0x4c: {  	_ =	shalt  }
0x4d: {  	_ =	shalt  }
0x4e: {  	_ =	shalt  }
0x4f: {  	_ =	shalt  }
0x50: {  	_ =	shalt  }
0x51: {  	_ =	shalt  }
0x52: {  	_ =	shalt  }
0x53: {  	_ =	shalt  }
0x54: {  	_ =	shalt  }
0x55: {  	_ =	shalt  }
0x56: {  	_ =	shalt  }
0x57: {  	_ =	shalt  }
0x58: {  	_ =	shalt  }
0x59: {  	_ =	shalt  }
0x5a: {  	_ =	shalt  }
0x5b: {  	_ =	shalt  }
0x5c: {  	_ =	shalt  }
0x5d: {  	_ =	shalt  }
0x5e: {  	_ =	shalt  }
0x5f: {  	_ =	shalt  }
0x60: {  	_ =	shalt  }
0x61: {  	_ =	shalt  }
0x62: {  	_ =	shalt  }
0x63: {  	_ =	shalt  }
0x64: {  	_ =	shalt  }
0x65: {  	_ =	shalt  }
0x66: {  	_ =	shalt  }
0x67: {  	_ =	shalt  }
0x68: {  	_ =	shalt  }
0x69: {  	_ =	shalt  }
0x6a: {  	_ =	shalt  }
0x6b: {  	_ =	shalt  }
0x6c: {  	_ =	shalt  }
0x6d: {  	_ =	shalt  }
0x6e: {  	_ =	shalt  }
0x6f: {  	_ =	shalt  }
0x70: {  	_ =	shalt  }
0x71: {  	_ =	shalt  }
0x72: {  	_ =	shalt  }
0x73: {  	_ =	shalt  }
0x74: {  	_ =	shalt  }
0x75: {  	_ =	shalt  }
0x76: {  	_ =	shalt  }
0x77: {  	_ =	shalt  }
0x78: {  	_ =	shalt  }
0x79: {  	_ =	shalt  }
0x7a: {  	_ =	shalt  }
0x7b: {  	_ =	shalt  }
0x7c: {  	_ =	shalt  }
0x7d: {  	_ =	shalt  }
0x7e: {  	_ =	shalt  }
0x7f: {  	_ =	shalt  }
0x80: {  	_ =	shalt  }
0x81: {  	_ =	shalt  }
0x82: {  	_ =	shalt  }
0x83: {  	_ =	shalt  }
0x84: {  	_ =	shalt  }
0x85: {  	_ =	shalt  }
0x86: {  	_ =	shalt  }
0x87: {  	_ =	shalt  }
.Lfunc_end0:
.L_simem_size_0:
called_computation_lowered:
.L_overlay_start_0:
0x88: {  	s2 =	sld [smem:$0x3FD9]  }
0x89: {  	s3 =	sld [smem:$0x3FFE];
	_ =	sdelay $0x1  }
0x8a: {  	s1 =	srdreg.scid  }
0x8b: {  	s0 =	sand.u32 $0x1, s1  }
0x8c: {  	s16 =	sshll.u32 s0, $0xA;
	s2 =	sadd.s32 s3, s2  }
0x8d: {  	s2 =	sadd.s32 s2, s16  }
0x8e: {  	[smem:$0x3FBF] =	sst s2  }
0x8f: {  	_ = 	snop  }
0x90: {  	(tm) =	ssettm $0x1  }
0x91: {  	s17 =	sld [smem:$0x3FFB];
	_ =	sdelay $0x3  }
0x92: {  	_ =	strace s17  }
0x93: {  	s2 =	sld [smem:$0x3FFC];
	_ =	sdelay $0x3  }
0x94: {  	_ =	strace s2  }
0x95: {  	s2 =	sld [smem:$0x3FFD];
	_ =	sdelay $0x3  }
0x96: {  	_ =	strace s2  }
0x97: {  	_ =	strace $0x8FFFFFFF  }
0x98: {  	s18 =	sld [smem:$0x3FDB];
	_ =	sdelay $0x1  }
0x99: {  	s19 =	simm.s32 $_scs_section_size  }
0x9a: {  	s4 =	simm.s32 $_size__tile_overlayer_lowered;
	s5 =	simm.s32 $_tile_overlayer_lowered  }
0x9b: {  	s22 =	simm.s32 $0x1BFF;
	s21 =	sshll.u32 s5, $0x1;
	s2 =	sadd.s32 s19, s18  }
0x9c: {  	s6 =	simm.s32 $0x0;
	s20 =	sshll.u32 s4, $0x1;
	s4 =	sadd.s32 s21, s2  }
0x9d: {  	[timem:s6], [sflag:s22] =	dma.local [hbm:s4], s20  }
0x9e: {  	_ =	swait.ge [sflag:s22], s20  }
0x9f: {  	s3 =	ssub.s32 $0x0, s20;
	[sflag:s22] =	ssyncset.done $0x0  }
0xa0: {  	[sflag:s22] =	ssyncadd.s32 s3;
	_ =	sdelay $0x1  }
0xa1: {  	s23 =	simm.s32 $0x1B8B  }
0xa2: {  	_ =	swait.ge [sflag:s23], $0x1  }
0xa3: {  	[sflag:s23] =	ssyncset.done $0x0  }
0xa4: {  	s25 =	simm.s32 $0x1B8E;
	s24 =	sld [smem:$0x3FFE];
	[sflag:s23] =	ssyncadd.s32 $0xFFFFFFFF  }
0xa5: {  	s26 =	simm.s32 $execute0_lowered;
	[smem:$0x3FD2] =	sst s25  }
0xa6: {  	s4 =	sshll.u32 s26, $0x1;
	_ =	strace $0x80000046;
	[dreg:$0x1] =	wrdreg $0xFFFFFFFF  }
0xa7: {  	s28 =	simm.s32 $_size_execute0_lowered;
	s2 =	sadd.s32 s2, s4;
	[dreg:$0x0] =	wrdreg $0x0  }
0xa8: {  	s4 =	sshll.u32 s28, $0x1;
	[dreg:$0x2] =	wrdreg s2  }
0xa9: {  	[dreg:$0x3] =	wrdreg s4  }
0xaa: {  	[dreg:$0x4] =	wrdreg $0xC0  }
0xab: {  	_ =	task [dreg:s6], $0x5FFFF  }
0xac: {  	[dreg:$0x1] =	wrdreg $0xFFFFFFFF  }
0xad: {  	[dreg:$0x0] =	wrdreg $0x60  }
0xae: {  	[dreg:$0x2] =	wrdreg s24  }
0xaf: {  	[dreg:$0x3] =	wrdreg $0x2A800  }
0xb0: {  	[dreg:$0x4] =	wrdreg $0x9  }
0xb1: {  	_ =	task.clear_ibuf [dreg:s6], $0x5FFFF;
	_ =	strace $0x90000046  }
0xb2: {  	s29 =	simm.s32 $0x9;
	_ =	strace $0x80000048  }
0xb3: {  	_ =	swait.ge [sflag:s29], $0x1  }
0xb4: {  	[sflag:s29] =	ssyncadd.s32 $0xFFFFFFFF  }
0xb5: {  	_ =	strace $0x90000048  }
0xb6: {  	_ =	sfence  }
0xb7: {  	s30 =	sld [smem:$0x0];
	_ =	sdelay $0x2  }
0xb8: {  	s31 =	sshll.u32 s1, $0xD;
	s1 =	sshrl.u32 s1, $0x2  }
0xb9: {  	s3 =	sand.u32 $0x4000, s31;
	s1 =	sadd.s32 s1, s30  }
0xba: {  	s0 =	sor.u32 s3, s0;
	s1 =	sshll.u32 s1, $0x11  }
0xbb: {  	s0 =	sor.u32 s1, s0  }
0xbc: {  	s0 =	sadd.s32 $0x8F2B, s0  }
0xbd: {  	[sflag:s0] =	ssyncadd.remote.s32 $0x1  }
0xbe: {  	_ =	sfence.sel $0xFFFF  }
0xbf: {  	[dreg:$0x0] =	wrdreg $0xFFFFFFFF;
	(pc) =	sbr.abs _section_cstart, $3  }
0xc0: {  	[dreg:$0x1] =	wrdreg $0xFFFFFFFF  }
0xc1: {  	_ =	task.clear_ibuf [dreg:s6], $0x2FFFF;
	_ =	strace $0x9FFFFFFF  }
0xc2: {  	(tm) =	ssettm $0x7FFFFFFF  }
0xc3: {  	_ =	shalt  }
tec
execute0_lowered:
.L_overlay_start_1:
0x0: {  	(tag) =	ssettag $0x1  }
0x1: {  	s1 =	srdreg.scid  }
0x2: {  	s0 =	stileid.u32;
	s4 =	rddreg [dreg:$0x0]  }
0x3: {  	s2 =	rddreg [dreg:$0x1];
	s3 =	simm.s32 $0x0;
	s10 =	simm.s32 $0x80  }
0x4: {  	s13 =	simm.s32 $0x20;
	s14 =	simm.s32 $0x10;
	s15 =	simm.s32 $0x0  }
0x5: {  	s5 =	sand.u32 $0x1, s1;
	s1 =	rddreg [dreg:$0x2];
	s7 =	smul.u32 $0x500, s0  }
0x6: {  	s30 =	sshll.u32 s0, $0x1;
	[smem:$0x7FF] =	sst s3;
	s9 =	smul.u32 $0xA00, s0  }
0x7: {  	s11 =	sshll.u32 s0, $0x6;
	s6 =	sor.u32 s5, s30;
	_ =	strace $0x80000047  }
0x8: {  	s8 =	sshll.u32 s5, $0x7;
	s5 =	ssub.s32 $0x2, s5;
	s11 =	sor.u32 $0x1C01, s11  }
0x9: {  	s6 =	smul.u32 $0x500, s6;
	s7 =	sor.u32 s8, s7;
	s31 =	sshrl.u32 s5, $0x1  }
0xa: {  	s9 =	sshrl.u32 s9, $0x2;
	s7 =	sshrl.u32 s7, $0x3;
	s8 =	ssub.s32 s5, s31  }
0xb: {  	s6 =	sadd.s32 s6, s4;
	s7 =	sadd.s32 s7, s4;
	s4 =	sadd.s32 s9, s2  }
0xc: {  	s9 =	simm.s32 $0x1;
	s5 =	sadd.s32 $0x3600, s6;
	s6 =	sadd.s32 $0x17600, s7  }
0xd: {  	v0 =	vimm.f32 $0.0e+00;
	v1 =	vimm.f32 $1.000000000e+00;
	s7 =	smax.u32 s8, $0x1;
	s8 =	simm.s32 $0x2800;
	s12 =	sshrl.u32 s4, $0x3  }
.LBB2_1:
0xe: {  	[tilespmem:$0x2800] =	vst v0  }
0xf: {  	[tilespmem:$0x2810] =	vst v0  }
0x10: {  	[tilespmem:$0x2820] =	vst v0  }
0x11: {  	[tilespmem:$0x2830] =	vst v0  }
0x12: {  	[tilespmem:$0x2840] =	vst v0  }
0x13: {  	[tilespmem:$0x2850] =	vst v0  }
0x14: {  	[tilespmem:$0x2860] =	vst v0  }
0x15: {  	[tilespmem:$0x2870] =	vst v0  }
0x16: {  	[tilespmem:$0x2880] =	vst v0  }
0x17: {  	[tilespmem:$0x2890] =	vst v0  }
0x18: {  	[tilespmem:$0x28A0] =	vst v0  }
0x19: {  	[tilespmem:$0x28B0] =	vst v0  }
0x1a: {  	[tilespmem:$0x28C0] =	vst v0  }
0x1b: {  	[tilespmem:$0x28D0] =	vst v0  }
0x1c: {  	[tilespmem:$0x28E0] =	vst v0  }
0x1d: {  	[tilespmem:$0x28F0] =	vst v0  }
0x1e: {  	[tilespmem:$0x2900] =	vst v0  }
0x1f: {  	[tilespmem:$0x2910] =	vst v0  }
0x20: {  	[tilespmem:$0x2920] =	vst v0  }
0x21: {  	[tilespmem:$0x2930] =	vst v0  }
0x22: {  	[tilespmem:$0x2940] =	vst v0  }
0x23: {  	[tilespmem:$0x2950] =	vst v0  }
0x24: {  	[tilespmem:$0x2960] =	vst v0  }
0x25: {  	[tilespmem:$0x2970] =	vst v0  }
0x26: {  	[tilespmem:$0x2980] =	vst v0  }
0x27: {  	[tilespmem:$0x2990] =	vst v0  }
0x28: {  	[tilespmem:$0x29A0] =	vst v0  }
0x29: {  	[tilespmem:$0x29B0] =	vst v0  }
0x2a: {  	[tilespmem:$0x29C0] =	vst v0  }
0x2b: {  	[tilespmem:$0x29D0] =	vst v0  }
0x2c: {  	[tilespmem:$0x29E0] =	vst v0  }
0x2d: {  	[tilespmem:$0x29F0] =	vst v0  }
0x2e: {  	[tilespmem:$0x2A00] =	vst v0  }
0x2f: {  	[tilespmem:$0x2A10] =	vst v0  }
0x30: {  	[tilespmem:$0x2A20] =	vst v0  }
0x31: {  	[tilespmem:$0x2A30] =	vst v0  }
0x32: {  	[tilespmem:$0x2A40] =	vst v0  }
0x33: {  	[tilespmem:$0x2A50] =	vst v0  }
0x34: {  	[tilespmem:$0x2A60] =	vst v0  }
0x35: {  	[tilespmem:$0x2A70] =	vst v0  }
0x36: {  	[spmem:s4] =	stream.linear.scatter [tilespmem:s8], [sflag:$0x1], $0x280, $0x38;
	[tilespmem:$0x2D00] =	vst v63  }
0x37: {  	_ =	swait.ge [sflag:s9], $0x280  }
0x38: {  	[sflag:s9] =	ssyncset.done $0x0  }
0x39: {  	[sflag:s9] =	ssyncadd.s32 $0xFFFFFD80  }
0x3a: {  	[tilespmem:$0x2800] =	vst v1  }
0x3b: {  	[tilespmem:$0x2810] =	vst v1  }
0x3c: {  	[tilespmem:$0x2820] =	vst v1  }
0x3d: {  	[tilespmem:$0x2830] =	vst v1  }
0x3e: {  	[tilespmem:$0x2840] =	vst v1  }
0x3f: {  	[tilespmem:$0x2850] =	vst v1  }
0x40: {  	[tilespmem:$0x2860] =	vst v1  }
0x41: {  	[tilespmem:$0x2870] =	vst v1  }
0x42: {  	[tilespmem:s3], [sflag:$0x1] =	stream.linear.gather [hbm4b:s5+s3], $0x2800, $0x38;
	[tilespmem:$0x2D00] =	vst v63  }
0x43: {  	_ =	swait.ge [sflag:s9], $0x2800  }
0x44: {  	[sflag:s9] =	ssyncset.done $0x0  }
0x45: {  	[sflag:s9] =	ssyncadd.s32 $0xFFFFD800  }
0x46: {  	s16 =	simm.s32 $0x0;
	[bflag:$0x0] =	sbarrier.arrive $0xFFFF  }
0x47: {  	[spmem:s2] =	stream.indirect.scatter.add.f32 [tilespmem:s8], [sflag:$0x1], $0x1, s16, s10, $0xb8;
	[tilespmem:$0x2D00] =	vst v63  }
0x48: {  	_ =	swait.ge [sflag:s9], $0x80  }
0x49: {  	s16 =	simm.s32 $0x200;
	[sflag:s9] =	ssyncset.done $0x0  }
.LBB2_2:
0x4a: {  	s17 =	sshra.s32 s16, $0x2;
	[sflag:s9] =	ssyncadd.s32 $0xFFFFFF80;
	p0 =	sne.s32 s16, $0x9E00  }
0x4b: {  	[spmem:s2] =	stream.indirect.scatter.add.f32 [tilespmem:s8], [sflag:$0x1], $0x1, s17, s10, $0xb8;
	[tilespmem:$0x2D00] =	vst v63  }
.Ltmp0:
0x4c: {  	_ = 	snop;
	(pc) =	sbr.rel @p0 .LBB2_2-.Ltmp0, $4  }
0x4d: {  	_ = 	snop  }
0x4e: {  	s16 =	sadd.s32 $0x200, s16  }
0x4f: {  	_ =	swait.ge [sflag:s9], $0x80  }
0x50: {  	[sflag:s9] =	ssyncset.done $0x0  }
0x51: {  	s15 =	sadd.s32 $0x1, s15  }
0x52: {  	[sflag:s9] =	ssyncadd.s32 $0xFFFFFF80;
	p0 =	sne.s32 s15, s7  }
.Ltmp1:
0x53: {  	[bflag:$0x0] =	sbarrier.arrive $0xFFFF;
	(pc) =	sbr.rel @p0 .LBB2_1-.Ltmp1, $4  }
0x54: {  	[hbm:s6@s13], [sflag:s11] =	dma.strided [spmem:s12@s14], $0x50, s9, $0x10   }
0x55: {  	_ =	swait.ge [sflag:s9], $0x50  }
0x56: {  	[sflag:s9] =	ssyncset.done $0x0  }
0x57: {  	[sflag:s9] =	ssyncadd.s32 $0xFFFFFFB0  }
0x58: {  	_ =	sfence.sel $0x180000  }
0x59: {  	[bflag:$0x0] =	sbarrier.arrive $0xFFFF  }
0x5a: {  	p0 =	sne.s32 s0, $0x0;
	_ =	strace $0x90000047  }
0x5b: {  	s0 =	sadd.s32 @!p0 $0x100000, s1;
	[bflag:$0x2] =	sbarrier.arrive $0xFFFF  }
0x5c: {  	[sflag:s0] =	ssyncadd.tile.s32 @!p0 $0x1;
	_ =	shalt  }
.Lfunc_end2:
_tile_overlayer_lowered:
.L_overlay_start_2:
0x5d: {  	(tag) =	ssettag $0x2  }
0x5e: {  	s0 =	rddreg [dreg:$0x0];
	s2 =	stileid.u32  }
0x5f: {  	s1 =	rddreg [dreg:$0x1];
	p0 =	sne.s32 s2, $0x0  }
0x60: {  	s3 =	rddreg [dreg:$0x2];
	[bflag:$0x3] =	sbarrier.arrive $0xFFFF;
	s2 =	simm.s32 @!p0 $0x1C01  }
0x61: {  	[timem:s3], [sflag:s2] =	dma.local @!p0 [hbm:s0], s1  }
0x62: {  	s0 =	simm.s32 @!p0 $0x1  }
0x63: {  	_ =	swait.ge @!p0 [sflag:s0], s1  }
0x64: {  	s1 =	ssub.s32 @!p0 $0x0, s1;
	[sflag:s0] =	ssyncset.done @!p0 $0x0  }
0x65: {  	[sflag:s0] =	ssyncadd.s32 @!p0 s1  }
0x66: {  	[bflag:$0x3] =	sbarrier.arrive $0xFFFF  }
0x67: {  	_ =	shalt  }

// kernel: kernel.14.cloned.1.call-start
scs
__scs_entry_jumppad:
0x0: {  	(pc) =	sbr.rel $0x88, $3  }
0x1: {  	(tag) =	ssettag $0x0;
	lr =	simm.s32 $0x1  }
0x2: {  	[smem:$0x3F98] =	sst lr;
	_ =	strace $0xD0000000  }
0x3: {  	_ = 	snop  }
0x4: {  	_ = 	snop  }
0x5: {  	_ = 	snop  }
0x6: {  	_ = 	snop  }
0x7: {  	_ = 	snop  }
__scs_overlays_trampoline_lowered:
0x8: {  	[smem:$0x3FA7] =	sst s0  }
0x9: {  	[smem:$0x3FA8] =	sst s1  }
0xa: {  	[smem:$0x3FA9] =	sst s2  }
0xb: {  	[smem:$0x3FAA] =	sst s3  }
0xc: {  	[smem:$0x3FAB] =	sst s4  }
0xd: {  	[smem:$0x3FAC] =	sst s5  }
0xe: {  	[smem:$0x3FAD] =	sst s6  }
0xf: {  	[smem:$0x3FAE] =	sst s7  }
0x10: {  	[smem:$0x3FAF] =	sst s8  }
0x11: {  	[smem:$0x3FB0] =	sst s9;
	s0 =	simm.s32 @!p0 $0x0  }
0x12: {  	s1 =	sld [smem:$0x3F96];
	s0 =	simm.s32 @p0 $0x1  }
0x13: {  	[smem:$0x3FB1] =	sst s0;
	s0 =	simm.s32 @!p1 $0x0  }
0x14: {  	s2 =	sld [smem:$0x3F95];
	s0 =	simm.s32 @p1 $0x1  }
0x15: {  	[smem:$0x3FB2] =	sst s0;
	s0 =	simm.s32 @!p2 $0x0  }
0x16: {  	s3 =	sld [smem:$0x3FDB];
	s0 =	simm.s32 @p2 $0x1  }
0x17: {  	s4 =	simm.s32 $0x1BF5;
	[smem:$0x3FB4] =	sst s0  }
0x18: {  	s0 =	sld [smem:$0x3F97];
	_ =	swait.ge [sflag:s4], $0x0  }
0x19: {  	s7 =	sld [smem:$0x3F98]  }
0x1a: {  	s8 =	sadd.s32 $0xFFFFE003, lr  }
0x1b: {  	s9 =	sadd.s32 $0xFFFFFEF7, lr;
	s5 =	simm.s32 $0xFFFFFFFF;
	p2 =	slt.u32 s8, $0xFFFFF086  }
0x1c: {  	p1 =	slt.u32 s9, $0xF7A;
	s5 =	simm.s32 @!p2 $0x0  }
0x1d: {  	s5 =	simm.s32 @p1 $0x1;
	p0 =	seq.s32 s7, s2  }
0x1e: {  	s7 =	smul.u32 @!p0 $0xF7A, s2;
	p2 =	seq.s32 @!p0 s5, $0x0  }
0x1f: {  	s9 =	smul.u32 $0xF7A, s1;
	s8 =	simm.s32 @!p0 $0x1BF5;
	p2 =	por !p2, p0  }
0x20: {  	[sflag:s8] =	ssyncset.s32 @!p0 $0xFFFFF086;
	s6 =	sadd.s32 @!p0 s3, s7;
	s7 =	simm.s32 @!p0 $0x108  }
0x21: {  	s3 =	sadd.s32 s3, s9;
	s6 =	sadd.s32 @!p0 $0x88, s6;
	s7 =	simm.s32 @p2 $0x1082  }
0x22: {  	[simem:s7], [sflag:s8] =	dma.local @!p0 [hbm:s6], $0xF7A  }
0x23: {  	s9 =	sor.u32 $0xD0000000, s2;
	s6 =	simm.s32 $0x108;
	_ =	swait.ge @!p0 [sflag:s8], $0x0  }
0x24: {  	s3 =	sadd.s32 $0x88, s3;
	s6 =	simm.s32 @!p1 $0x1082;
	[sflag:s4] =	ssyncset.s32 $0xFFFFF086  }
0x25: {  	[simem:s6], [sflag:s4] =	dma.local [hbm:s3], $0xF7A  }
0x26: {  	[smem:$0x3F98] =	sst s1;
	(tag) =	ssettag s2;
	_ =	strace s9  }
0x27: {  	s1 =	sld [smem:$0x3FA8]  }
0x28: {  	s2 =	sld [smem:$0x3FA9]  }
0x29: {  	s4 =	sld [smem:$0x3FAB]  }
0x2a: {  	p0 =	seq.s32 s5, $0x0;
	s5 =	sld [smem:$0x3FAC]  }
0x2b: {  	s6 =	sld [smem:$0x3FAD]  }
0x2c: {  	s7 =	sld [smem:$0x3FAE]  }
0x2d: {  	s3 =	simm.s32 $0x108;
	s8 =	sld [smem:$0x3FAF]  }
0x2e: {  	s3 =	simm.s32 @!p0 $0x1082;
	s9 =	sld [smem:$0x3FB0]  }
0x2f: {  	lr =	sadd.s32 s0, s3;
	s0 =	sld [smem:$0x3FA7]  }
0x30: {  	s3 =	sld [smem:$0x3FAA]  }
0x31: {  	[smem:$0x3FB3] =	sst s10  }
0x32: {  	s10 =	sld [smem:$0x3FB1];
	_ =	sdelay $0x3  }
0x33: {  	p0 =	seq.s32 s10, $0x1;
	s10 =	sld [smem:$0x3FB3];
	_ =	sdelay $0x3  }
0x34: {  	[smem:$0x3FB3] =	sst s10  }
0x35: {  	s10 =	sld [smem:$0x3FB2];
	_ =	sdelay $0x3  }
0x36: {  	p1 =	seq.s32 s10, $0x1;
	s10 =	sld [smem:$0x3FB3];
	_ =	sdelay $0x3  }
0x37: {  	[smem:$0x3FB3] =	sst s10  }
0x38: {  	s10 =	sld [smem:$0x3FB4]  }
0x39: {  	_ = 	snop;
	(pc) =	sbr.ind lr, $3  }
0x3a: {  	_ = 	snop  }
0x3b: {  	_ = 	snop  }
0x3c: {  	p2 =	seq.s32 s10, $0x1;
	s10 =	sld [smem:$0x3FB3]  }
0x3d: {  	_ =	shalt  }
0x3e: {  	_ =	shalt  }
0x3f: {  	_ =	shalt  }
0x40: {  	_ =	shalt  }
0x41: {  	_ =	shalt  }
0x42: {  	_ =	shalt  }
0x43: {  	_ =	shalt  }
0x44: {  	_ =	shalt  }
0x45: {  	_ =	shalt  }
0x46: {  	_ =	shalt  }
0x47: {  	_ =	shalt  }
0x48: {  	_ =	shalt  }
0x49: {  	_ =	shalt  }
0x4a: {  	_ =	shalt  }
0x4b: {  	_ =	shalt  }
0x4c: {  	_ =	shalt  }
0x4d: {  	_ =	shalt  }
0x4e: {  	_ =	shalt  }
0x4f: {  	_ =	shalt  }
0x50: {  	_ =	shalt  }
0x51: {  	_ =	shalt  }
0x52: {  	_ =	shalt  }
0x53: {  	_ =	shalt  }
0x54: {  	_ =	shalt  }
0x55: {  	_ =	shalt  }
0x56: {  	_ =	shalt  }
0x57: {  	_ =	shalt  }
0x58: {  	_ =	shalt  }
0x59: {  	_ =	shalt  }
0x5a: {  	_ =	shalt  }
0x5b: {  	_ =	shalt  }
0x5c: {  	_ =	shalt  }
0x5d: {  	_ =	shalt  }
0x5e: {  	_ =	shalt  }
0x5f: {  	_ =	shalt  }
0x60: {  	_ =	shalt  }
0x61: {  	_ =	shalt  }
0x62: {  	_ =	shalt  }
0x63: {  	_ =	shalt  }
0x64: {  	_ =	shalt  }
0x65: {  	_ =	shalt  }
0x66: {  	_ =	shalt  }
0x67: {  	_ =	shalt  }
0x68: {  	_ =	shalt  }
0x69: {  	_ =	shalt  }
0x6a: {  	_ =	shalt  }
0x6b: {  	_ =	shalt  }
0x6c: {  	_ =	shalt  }
0x6d: {  	_ =	shalt  }
0x6e: {  	_ =	shalt  }
0x6f: {  	_ =	shalt  }
0x70: {  	_ =	shalt  }
0x71: {  	_ =	shalt  }
0x72: {  	_ =	shalt  }
0x73: {  	_ =	shalt  }
0x74: {  	_ =	shalt  }
0x75: {  	_ =	shalt  }
0x76: {  	_ =	shalt  }
0x77: {  	_ =	shalt  }
0x78: {  	_ =	shalt  }
0x79: {  	_ =	shalt  }
0x7a: {  	_ =	shalt  }
0x7b: {  	_ =	shalt  }
0x7c: {  	_ =	shalt  }
0x7d: {  	_ =	shalt  }
0x7e: {  	_ =	shalt  }
0x7f: {  	_ =	shalt  }
0x80: {  	_ =	shalt  }
0x81: {  	_ =	shalt  }
0x82: {  	_ =	shalt  }
0x83: {  	_ =	shalt  }
0x84: {  	_ =	shalt  }
0x85: {  	_ =	shalt  }
0x86: {  	_ =	shalt  }
0x87: {  	_ =	shalt  }
.Lfunc_end0:
.L_simem_size_0:
called_computation.1_lowered:
.L_overlay_start_0:
0x88: {  	s2 =	sld [smem:$0x3FD9]  }
0x89: {  	s3 =	sld [smem:$0x3FFE];
	_ =	sdelay $0x1  }
0x8a: {  	s1 =	srdreg.scid  }
0x8b: {  	s0 =	sand.u32 $0x1, s1  }
0x8c: {  	s16 =	sshll.u32 s0, $0xA;
	s2 =	sadd.s32 s3, s2  }
0x8d: {  	s2 =	sadd.s32 s2, s16  }
0x8e: {  	[smem:$0x3FBF] =	sst s2  }
0x8f: {  	_ = 	snop  }
0x90: {  	(tm) =	ssettm $0x1  }
0x91: {  	s17 =	sld [smem:$0x3FFB];
	_ =	sdelay $0x3  }
0x92: {  	_ =	strace s17  }
0x93: {  	s2 =	sld [smem:$0x3FFC];
	_ =	sdelay $0x3  }
0x94: {  	_ =	strace s2  }
0x95: {  	s2 =	sld [smem:$0x3FFD];
	_ =	sdelay $0x3  }
0x96: {  	_ =	strace s2  }
0x97: {  	_ =	strace $0x8FFFFFFF  }
0x98: {  	s18 =	sld [smem:$0x3FDB];
	_ =	sdelay $0x1  }
0x99: {  	s19 =	simm.s32 $_scs_section_size  }
0x9a: {  	s4 =	simm.s32 $_size__tile_overlayer_lowered;
	s5 =	simm.s32 $_tile_overlayer_lowered  }
0x9b: {  	s22 =	simm.s32 $0x1BFF;
	s21 =	sshll.u32 s5, $0x1;
	s2 =	sadd.s32 s19, s18  }
0x9c: {  	s6 =	simm.s32 $0x0;
	s20 =	sshll.u32 s4, $0x1;
	s4 =	sadd.s32 s21, s2  }
0x9d: {  	[timem:s6], [sflag:s22] =	dma.local [hbm:s4], s20  }
0x9e: {  	_ =	swait.ge [sflag:s22], s20  }
0x9f: {  	s3 =	ssub.s32 $0x0, s20;
	[sflag:s22] =	ssyncset.done $0x0  }
0xa0: {  	[sflag:s22] =	ssyncadd.s32 s3;
	_ =	sdelay $0x1  }
0xa1: {  	s23 =	simm.s32 $0x1B8B  }
0xa2: {  	_ =	swait.ge [sflag:s23], $0x1  }
0xa3: {  	[sflag:s23] =	ssyncset.done $0x0  }
0xa4: {  	s25 =	simm.s32 $0x1B8E;
	s24 =	sld [smem:$0x3FFE];
	[sflag:s23] =	ssyncadd.s32 $0xFFFFFFFF  }
0xa5: {  	s26 =	simm.s32 $execute0_lowered;
	[smem:$0x3FD2] =	sst s25  }
0xa6: {  	s4 =	sshll.u32 s26, $0x1;
	_ =	strace $0x80000049;
	[dreg:$0x1] =	wrdreg $0xFFFFFFFF  }
0xa7: {  	s28 =	simm.s32 $_size_execute0_lowered;
	s2 =	sadd.s32 s2, s4;
	[dreg:$0x0] =	wrdreg $0x0  }
0xa8: {  	s4 =	sshll.u32 s28, $0x1;
	[dreg:$0x2] =	wrdreg s2  }
0xa9: {  	[dreg:$0x3] =	wrdreg s4  }
0xaa: {  	[dreg:$0x4] =	wrdreg $0xC0  }
0xab: {  	_ =	task [dreg:s6], $0x5FFFF  }
0xac: {  	[dreg:$0x1] =	wrdreg $0xFFFFFFFF  }
0xad: {  	[dreg:$0x0] =	wrdreg $0x60  }
0xae: {  	[dreg:$0x2] =	wrdreg s24  }
0xaf: {  	[dreg:$0x3] =	wrdreg $0xA9000  }
0xb0: {  	[dreg:$0x4] =	wrdreg $0x9  }
0xb1: {  	_ =	task.clear_ibuf [dreg:s6], $0x5FFFF;
	_ =	strace $0x90000049  }
0xb2: {  	s29 =	simm.s32 $0x9;
	_ =	strace $0x8000004B  }
0xb3: {  	_ =	swait.ge [sflag:s29], $0x1  }
0xb4: {  	[sflag:s29] =	ssyncadd.s32 $0xFFFFFFFF  }
0xb5: {  	_ =	strace $0x9000004B  }
0xb6: {  	_ =	sfence  }
0xb7: {  	s30 =	sld [smem:$0x0];
	_ =	sdelay $0x2  }
0xb8: {  	s31 =	sshll.u32 s1, $0xD;
	s1 =	sshrl.u32 s1, $0x2  }
0xb9: {  	s3 =	sand.u32 $0x4000, s31;
	s1 =	sadd.s32 s1, s30  }
0xba: {  	s0 =	sor.u32 s3, s0;
	s1 =	sshll.u32 s1, $0x11  }
0xbb: {  	s0 =	sor.u32 s1, s0  }
0xbc: {  	s0 =	sadd.s32 $0x8F2B, s0  }
0xbd: {  	[sflag:s0] =	ssyncadd.remote.s32 $0x1  }
0xbe: {  	_ =	sfence.sel $0xFFFF  }
0xbf: {  	[dreg:$0x0] =	wrdreg $0xFFFFFFFF;
	(pc) =	sbr.abs _section_cstart, $3  }
0xc0: {  	[dreg:$0x1] =	wrdreg $0xFFFFFFFF  }
0xc1: {  	_ =	task.clear_ibuf [dreg:s6], $0x2FFFF;
	_ =	strace $0x9FFFFFFF  }
0xc2: {  	(tm) =	ssettm $0x7FFFFFFF  }
0xc3: {  	_ =	shalt  }
tec
execute0_lowered:
.L_overlay_start_1:
0x0: {  	(tag) =	ssettag $0x1  }
0x1: {  	s0 =	srdreg.scid  }
0x2: {  	s10 =	stileid.u32;
	s1 =	rddreg [dreg:$0x0]  }
0x3: {  	s0 =	sand.u32 $0x1, s0;
	s3 =	sshll.u32 s10, $0x1;
	s8 =	smul.u32 $0x14000, s10  }
0x4: {  	s2 =	rddreg [dreg:$0x1];
	s4 =	sor.u32 s0, s3;
	s7 =	smul.u32 $0x140000, s0  }
0x5: {  	s5 =	sadd.s32 $0x17600, s1;
	s3 =	simm.s32 $0x0;
	s4 =	smul.u32 $0x2800, s4  }
0x6: {  	s6 =	sadd.s32 $0xD600, s1;
	s10 =	smul.u32 $0x50000, s10;
	[smem:$0x7FF] =	sst s3  }
0x7: {  	_ =	strace $0x8000004A;
	s7 =	sadd.s32 s8, s7;
	s9 =	sshrl.u32 s4, $0x3  }
0x8: {  	s8 =	sshrl.u32 s10, $0x2;
	s7 =	sshrl.u32 s7, $0x3;
	s12 =	sadd.s32 s9, s1  }
0x9: {  	s1 =	sadd.s32 s7, s1;
	s7 =	sadd.s32 s6, s9;
	s13 =	sadd.s32 $0x3600, s12  }
0xa: {  	s9 =	sadd.s32 s8, s2;
	s14 =	sadd.s32 $0x10, s7;
	[dreg:$0x3] =	wrdreg s13  }
0xb: {  	s31 =	simm.s32 $0x7;
	s15 =	sadd.s32 $0x1400, s9;
	[dreg:$0x4] =	wrdreg s14  }
0xc: {  	s0 =	ssub.s32 $0x2, s0;
	s16 =	sadd.s32 $0x2800, s9;
	[dreg:$0x5] =	wrdreg s15  }
0xd: {  	s11 =	sshrl.u32 s0, $0x1;
	s17 =	sadd.s32 $0x3C00, s9;
	[dreg:$0x6] =	wrdreg s16  }
0xe: {  	s0 =	ssub.s32 s0, s11;
	s18 =	sadd.s32 $0x5000, s9;
	[dreg:$0x7] =	wrdreg s17  }
0xf: {  	s10 =	simm.s32 $0x6900;
	s19 =	sadd.s32 $0x6400, s9;
	[dreg:$0x8] =	wrdreg s18  }
0x10: {  	s11 =	simm.s32 $0x6;
	s20 =	sadd.s32 $0x7800, s9;
	[dreg:$0x9] =	wrdreg s19  }
0x11: {  	s8 =	simm.s32 $0x2900;
	s21 =	sadd.s32 $0x8C00, s9;
	[dreg:$0xa] =	wrdreg s20  }
0x12: {  	s22 =	sadd.s32 $0xA000, s9;
	s23 =	sadd.s32 $0xB400, s9;
	[dreg:$0xb] =	wrdreg s21  }
0x13: {  	s24 =	sadd.s32 $0xC800, s9;
	s25 =	sadd.s32 $0xDC00, s9;
	[dreg:$0xc] =	wrdreg s22  }
0x14: {  	s26 =	sadd.s32 $0xF000, s9;
	s28 =	sadd.s32 $0x12C00, s9;
	[dreg:$0xd] =	wrdreg s23  }
0x15: {  	s29 =	sadd.s32 $0x20, s7;
	s30 =	sadd.s32 $0x30, s7;
	[dreg:$0xe] =	wrdreg s24  }
.Ltmp0:
0x16: {  	s12 =	simm.s32 $0x5;
	[dreg:$0xf] =	wrdreg s25;
	(pc) =	sbr.rel .LBB2_1-.Ltmp0, $4  }
0x17: {  	[dreg:$0x10] =	wrdreg s26;
	s23 =	sadd.s32 $0x10400, s9;
	s24 =	sadd.s32 $0x3E800, s1  }
0x18: {  	s25 =	smax.u32 s0, $0x1;
	s26 =	sadd.s32 $0x11800, s9;
	s1 =	simm.s32 $0x100  }
0x19: {  	s0 =	simm.s32 $0x80;
	s13 =	simm.s32 $0x1;
	s14 =	simm.s32 $0x3  }
0x1a: {  	v0 =	vimm.f32 $0.0e+00;
	s15 =	simm.s32 $0x2;
	s16 =	simm.s32 $0x4;
	s17 =	simm.s32 $0x0  }
.LBB2_6:
0x1b: {  	_ =	swait.ge [sflag:s16], $0x4000;
	s18 =	stileid.u32  }
0x1c: {  	s19 =	sshrl.u32 s9, $0x3;
	s17 =	sadd.s32 $0x1, s17;
	[sflag:s16] =	ssyncset.done $0x0  }
0x1d: {  	s18 =	sshll.u32 s18, $0x6;
	p0 =	sne.s32 s17, s25;
	[sflag:s16] =	ssyncadd.s32 $0xFFFFC000  }
.Ltmp1:
0x1e: {  	s18 =	sor.u32 $0x1C07, s18;
	[bflag:$0x0] =	sbarrier.arrive $0xFFFF;
	(pc) =	sbr.rel @!p0 .LBB2_7-.Ltmp1, $4  }
0x1f: {  	[hbm:s24], [sflag:s18] =	dma.local [spmem:s19], $0x2800  }
0x20: {  	_ =	swait.ge [sflag:s31], $0x2800  }
0x21: {  	[sflag:s31] =	ssyncset.done $0x0  }
0x22: {  	[sflag:s31] =	ssyncadd.s32 $0xFFFFD800  }
.LBB2_1:
0x23: {  	[tilespmem:s3], [sflag:$0x7] =	stream.linear.gather [hbm4b:s7+s3], $0x80, $0x38;
	[tilespmem:$0x1E900] =	vst v63  }
0x24: {  	_ =	swait.ge [sflag:s31], $0x80  }
0x25: {  	[sflag:s31] =	ssyncset.done $0x0  }
0x26: {  	s18 =	rddreg [dreg:$0x3];
	[sflag:s31] =	ssyncadd.s32 $0xFFFFFF80  }
0x27: {  	[tilespmem:s1], [sflag:$0x7] =	stream.linear.gather [hbm4b:s18+s3], $0x2800, $0x38;
	[tilespmem:$0x1E900] =	vst v63  }
0x28: {  	s22 =	sand.u32 $0x7E00, s3;
	_ =	swait.ge [sflag:s31], $0x2800  }
0x29: {  	s19 =	sand.u32 $0x70, s3;
	s20 =	sshrl.u32 s22, $0x2;
	[sflag:s31] =	ssyncset.done $0x0  }
0x2a: {  	s20 =	sor.u32 s19, s20;
	[sflag:s31] =	ssyncadd.s32 $0xFFFFD800  }
0x2b: {  	[tilespmem:s8], [sflag:$0x1] =	stream.indirect.gather [hbm4b:s5+s0], $0x80, s3, s0, $0xb8;
	[tilespmem:$0x1E900] =	vst v63  }
0x2c: {  	s19 =	simm.s32 $0x0;
	s18 =	simm.s32 $0x40;
	s21 =	rddreg [dreg:$0x4]  }
0x2d: {  	[tilespmem:s0], [sflag:$0x5] =	stream.linear.gather [hbm4b:s21+s3], $0x80, $0x38;
	[tilespmem:$0x1E900] =	vst v63  }
.LBB2_2:
0x2e: {  	p0 =	sne.s32 s18, $0x4FC0  }
0x2f: {  	[tilespmem:s20+$0x6900] =	vst v0;
	s19 =	sadd.s32 $0x10, s19;
	s20 =	smov.u32 s18;
	s18 =	sadd.s32 $0x40, s18  }
.Ltmp2:
0x30: {  	(pc) =	sbr.rel @p0 .LBB2_2-.Ltmp2, $4  }
0x31: {  	_ = 	snop  }
0x32: {  	s20 =	sand.u32 $0x7E00, s20  }
0x33: {  	s21 =	sand.u32 $0x70, s19;
	s20 =	sshrl.u32 s20, $0x2  }
0x34: {  	s20 =	sor.u32 s21, s20  }
0x35: {  	[tilespmem:s20+$0x6900] =	vst v0  }
0x36: {  	[spmem:s9] =	stream.linear.scatter [tilespmem:s10], [sflag:$0x6], $0x1400, $0x38;
	[tilespmem:$0x1E900] =	vst v63  }
0x37: {  	s18 =	rddreg [dreg:$0x5]  }
0x38: {  	[spmem:s18] =	stream.linear.scatter [tilespmem:s10], [sflag:$0x6], $0x1400, $0x38;
	[tilespmem:$0x1E900] =	vst v63  }
0x39: {  	s19 =	rddreg [dreg:$0x6]  }
0x3a: {  	[spmem:s19] =	stream.linear.scatter [tilespmem:s10], [sflag:$0x6], $0x1400, $0x38;
	[tilespmem:$0x1E900] =	vst v63  }
0x3b: {  	s20 =	rddreg [dreg:$0x7]  }
0x3c: {  	[spmem:s20] =	stream.linear.scatter [tilespmem:s10], [sflag:$0x6], $0x1400, $0x38;
	[tilespmem:$0x1E900] =	vst v63  }
0x3d: {  	s21 =	rddreg [dreg:$0x8]  }
0x3e: {  	[spmem:s21] =	stream.linear.scatter [tilespmem:s10], [sflag:$0x6], $0x1400, $0x38;
	[tilespmem:$0x1E900] =	vst v63  }
0x3f: {  	s22 =	rddreg [dreg:$0x9]  }
0x40: {  	[spmem:s22] =	stream.linear.scatter [tilespmem:s10], [sflag:$0x6], $0x1400, $0x38;
	[tilespmem:$0x1E900] =	vst v63  }
0x41: {  	s19 =	rddreg [dreg:$0xa]  }
0x42: {  	[spmem:s19] =	stream.linear.scatter [tilespmem:s10], [sflag:$0x6], $0x1400, $0x38;
	[tilespmem:$0x1E900] =	vst v63  }
0x43: {  	s20 =	rddreg [dreg:$0xb]  }
0x44: {  	[spmem:s20] =	stream.linear.scatter [tilespmem:s10], [sflag:$0x6], $0x1400, $0x38;
	[tilespmem:$0x1E900] =	vst v63  }
0x45: {  	s21 =	rddreg [dreg:$0xc]  }
0x46: {  	[spmem:s21] =	stream.linear.scatter [tilespmem:s10], [sflag:$0x6], $0x1400, $0x38;
	[tilespmem:$0x1E900] =	vst v63  }
0x47: {  	s22 =	rddreg [dreg:$0xd]  }
0x48: {  	[spmem:s22] =	stream.linear.scatter [tilespmem:s10], [sflag:$0x6], $0x1400, $0x38;
	[tilespmem:$0x1E900] =	vst v63  }
0x49: {  	s19 =	rddreg [dreg:$0xe]  }
0x4a: {  	[spmem:s19] =	stream.linear.scatter [tilespmem:s10], [sflag:$0x6], $0x1400, $0x38;
	[tilespmem:$0x1E900] =	vst v63  }
0x4b: {  	s20 =	rddreg [dreg:$0xf]  }
0x4c: {  	[spmem:s20] =	stream.linear.scatter [tilespmem:s10], [sflag:$0x6], $0x1400, $0x38;
	[tilespmem:$0x1E900] =	vst v63  }
0x4d: {  	s21 =	rddreg [dreg:$0x10]  }
0x4e: {  	[spmem:s21] =	stream.linear.scatter [tilespmem:s10], [sflag:$0x6], $0x1400, $0x38;
	[tilespmem:$0x1E900] =	vst v63  }
0x4f: {  	_ = 	snop  }
0x50: {  	[spmem:s23] =	stream.linear.scatter [tilespmem:s10], [sflag:$0x6], $0x1400, $0x38;
	[tilespmem:$0x1E900] =	vst v63  }
0x51: {  	_ = 	snop  }
0x52: {  	[spmem:s26] =	stream.linear.scatter [tilespmem:s10], [sflag:$0x6], $0x1400, $0x38;
	[tilespmem:$0x1E900] =	vst v63  }
0x53: {  	_ = 	snop  }
0x54: {  	[spmem:s28] =	stream.linear.scatter [tilespmem:s10], [sflag:$0x6], $0x1400, $0x38;
	[tilespmem:$0x1E900] =	vst v63  }
0x55: {  	_ =	swait.ge [sflag:s11], $0x1400  }
0x56: {  	[sflag:s11] =	ssyncset.done $0x0  }
0x57: {  	[sflag:s11] =	ssyncadd.s32 $0xFFFFEC00  }
0x58: {  	_ =	swait.ge [sflag:s11], $0x1400  }
0x59: {  	[sflag:s11] =	ssyncset.done $0x0  }
0x5a: {  	[sflag:s11] =	ssyncadd.s32 $0xFFFFEC00  }
0x5b: {  	_ =	swait.ge [sflag:s11], $0x1400  }
0x5c: {  	[sflag:s11] =	ssyncset.done $0x0  }
0x5d: {  	[sflag:s11] =	ssyncadd.s32 $0xFFFFEC00  }
0x5e: {  	_ =	swait.ge [sflag:s11], $0x1400  }
0x5f: {  	[sflag:s11] =	ssyncset.done $0x0  }
0x60: {  	[sflag:s11] =	ssyncadd.s32 $0xFFFFEC00  }
0x61: {  	_ =	swait.ge [sflag:s11], $0x1400  }
0x62: {  	[sflag:s11] =	ssyncset.done $0x0  }
0x63: {  	[sflag:s11] =	ssyncadd.s32 $0xFFFFEC00  }
0x64: {  	_ =	swait.ge [sflag:s11], $0x1400  }
0x65: {  	[sflag:s11] =	ssyncset.done $0x0  }
0x66: {  	[sflag:s11] =	ssyncadd.s32 $0xFFFFEC00  }
0x67: {  	_ =	swait.ge [sflag:s11], $0x1400  }
0x68: {  	[sflag:s11] =	ssyncset.done $0x0  }
0x69: {  	[sflag:s11] =	ssyncadd.s32 $0xFFFFEC00  }
0x6a: {  	_ =	swait.ge [sflag:s11], $0x1400  }
0x6b: {  	[sflag:s11] =	ssyncset.done $0x0  }
0x6c: {  	[sflag:s11] =	ssyncadd.s32 $0xFFFFEC00  }
0x6d: {  	_ =	swait.ge [sflag:s11], $0x1400  }
0x6e: {  	[sflag:s11] =	ssyncset.done $0x0  }
0x6f: {  	[sflag:s11] =	ssyncadd.s32 $0xFFFFEC00  }
0x70: {  	_ =	swait.ge [sflag:s11], $0x1400  }
0x71: {  	[sflag:s11] =	ssyncset.done $0x0  }
0x72: {  	[sflag:s11] =	ssyncadd.s32 $0xFFFFEC00  }
0x73: {  	_ =	swait.ge [sflag:s11], $0x1400  }
0x74: {  	[sflag:s11] =	ssyncset.done $0x0  }
0x75: {  	[sflag:s11] =	ssyncadd.s32 $0xFFFFEC00  }
0x76: {  	_ =	swait.ge [sflag:s11], $0x1400  }
0x77: {  	[sflag:s11] =	ssyncset.done $0x0  }
0x78: {  	[sflag:s11] =	ssyncadd.s32 $0xFFFFEC00  }
0x79: {  	_ =	swait.ge [sflag:s11], $0x1400  }
0x7a: {  	[sflag:s11] =	ssyncset.done $0x0  }
0x7b: {  	[sflag:s11] =	ssyncadd.s32 $0xFFFFEC00  }
0x7c: {  	_ =	swait.ge [sflag:s11], $0x1400  }
0x7d: {  	[sflag:s11] =	ssyncset.done $0x0  }
0x7e: {  	[sflag:s11] =	ssyncadd.s32 $0xFFFFEC00  }
0x7f: {  	_ =	swait.ge [sflag:s11], $0x1400  }
0x80: {  	[sflag:s11] =	ssyncset.done $0x0  }
0x81: {  	[sflag:s11] =	ssyncadd.s32 $0xFFFFEC00  }
0x82: {  	_ =	swait.ge [sflag:s11], $0x1400  }
0x83: {  	[sflag:s11] =	ssyncset.done $0x0  }
0x84: {  	[sflag:s11] =	ssyncadd.s32 $0xFFFFEC00  }
0x85: {  	[bflag:$0x0] =	sbarrier.arrive $0xFFFF  }
0x86: {  	_ =	swait.ge [sflag:s12], $0x80  }
0x87: {  	[sflag:s12] =	ssyncset.done $0x0  }
0x88: {  	[sflag:s12] =	ssyncadd.s32 $0xFFFFFF80  }
0x89: {  	[tilespmem:s10], [sflag:$0x2] =	stream.indirect.gather [hbm4b:s5+s0], $0x80, s0, s0, $0xb8;
	[tilespmem:$0x1E900] =	vst v63  }
0x8a: {  	_ =	swait.ge [sflag:s13], $0x4000  }
0x8b: {  	[sflag:s13] =	ssyncset.done $0x0  }
0x8c: {  	[sflag:s13] =	ssyncadd.s32 $0xFFFFC000  }
0x8d: {  	[spmem:s2] =	stream.indirect.scatter.add.f32 [tilespmem:s8], [sflag:$0x3], $0x80, s1, s0, $0xb8;
	[tilespmem:$0x1E900] =	vst v63  }
0x8e: {  	_ = 	snop  }
0x8f: {  	[tilespmem:s3], [sflag:$0x5] =	stream.linear.gather [hbm4b:s29+s3], $0x80, $0x38;
	[tilespmem:$0x1E900] =	vst v63  }
0x90: {  	_ =	swait.ge [sflag:s14], $0x4000  }
0x91: {  	[sflag:s14] =	ssyncset.done $0x0  }
0x92: {  	[sflag:s14] =	ssyncadd.s32 $0xFFFFC000  }
0x93: {  	_ =	swait.ge [sflag:s12], $0x80  }
0x94: {  	[sflag:s12] =	ssyncset.done $0x0  }
0x95: {  	[sflag:s12] =	ssyncadd.s32 $0xFFFFFF80  }
0x96: {  	[tilespmem:s8], [sflag:$0x1] =	stream.indirect.gather [hbm4b:s5+s0], $0x80, s3, s0, $0xb8;
	[tilespmem:$0x1E900] =	vst v63  }
0x97: {  	_ =	swait.ge [sflag:s15], $0x4000  }
0x98: {  	[sflag:s15] =	ssyncset.done $0x0  }
0x99: {  	s22 =	simm.s32 $0x180;
	[sflag:s15] =	ssyncadd.s32 $0xFFFFC000  }
0x9a: {  	[spmem:s2] =	stream.indirect.scatter.add.f32 [tilespmem:s10], [sflag:$0x4], $0x80, s22, s0, $0xb8;
	[tilespmem:$0x1E900] =	vst v63  }
0x9b: {  	s18 =	simm.s32 $0x280;
	s19 =	simm.s32 $0x280  }
0x9c: {  	[tilespmem:s0], [sflag:$0x5] =	stream.linear.gather [hbm4b:s30+s3], $0x80, $0x38;
	[tilespmem:$0x1E900] =	vst v63  }
.LBB2_4:
0x9d: {  	_ =	swait.ge [sflag:s16], $0x4000  }
0x9e: {  	[sflag:s16] =	ssyncset.done $0x0  }
0x9f: {  	[sflag:s16] =	ssyncadd.s32 $0xFFFFC000  }
0xa0: {  	_ =	swait.ge [sflag:s12], $0x80  }
0xa1: {  	[sflag:s12] =	ssyncset.done $0x0  }
0xa2: {  	[sflag:s12] =	ssyncadd.s32 $0xFFFFFF80  }
0xa3: {  	[tilespmem:s10], [sflag:$0x2] =	stream.indirect.gather [hbm4b:s5+s0], $0x80, s0, s0, $0xb8;
	[tilespmem:$0x1E900] =	vst v63  }
0xa4: {  	_ =	swait.ge [sflag:s13], $0x4000  }
0xa5: {  	[sflag:s13] =	ssyncset.done $0x0  }
0xa6: {  	s20 =	sadd.s32 $0xFFFFFF80, s19;
	p0 =	seq.s32 s18, $0x2880;
	[sflag:s13] =	ssyncadd.s32 $0xFFFFC000  }
0xa7: {  	[spmem:s2] =	stream.indirect.scatter.add.f32 [tilespmem:s8], [sflag:$0x3], $0x80, s20, s0, $0xb8;
	[tilespmem:$0x1E900] =	vst v63  }
0xa8: {  	s20 =	sadd.s32 @!p0 $0xFFFFFF80, s18  }
0xa9: {  	s21 =	sand.u32 @!p0 $0x7C00, s20  }
0xaa: {  	s22 =	simm.s32 @p0 $0x3;
	s20 =	sand.u32 @!p0 $0x300, s20;
	s21 =	sadd.s32 @!p0 s4, s21  }
0xab: {  	_ =	swait.ge @p0 [sflag:s22], $0x4000;
	s20 =	sor.u32 @!p0 s20, s21  }
0xac: {  	[sflag:s22] =	ssyncset.done @p0 $0x0;
	s20 =	sshrl.u32 @!p0 s20, $0x3  }
0xad: {  	[sflag:s22] =	ssyncadd.s32 @p0 $0xFFFFC000;
	s21 =	simm.s32 @!p0 $0x0;
	s20 =	sadd.s32 @!p0 s6, s20  }
0xae: {  	[tilespmem:s21], [sflag:$0x5] =	stream.linear.gather @!p0 [hbm4b:s20+s21], $0x80, $0x38;
	[tilespmem:$0x1E900] =	vst v63  }
0xaf: {  	s20 =	simm.s32 @!p0 $0x3  }
0xb0: {  	_ =	swait.ge @!p0 [sflag:s20], $0x4000  }
0xb1: {  	[sflag:s20] =	ssyncset.done @!p0 $0x0  }
0xb2: {  	[sflag:s20] =	ssyncadd.s32 @!p0 $0xFFFFC000;
	s20 =	simm.s32 @!p0 $0x5  }
0xb3: {  	_ =	swait.ge @!p0 [sflag:s20], $0x80  }
0xb4: {  	[sflag:s20] =	ssyncset.done @!p0 $0x0  }
0xb5: {  	s22 =	simm.s32 @!p0 $0x2900;
	[sflag:s20] =	ssyncadd.s32 @!p0 $0xFFFFFF80;
	s20 =	simm.s32 @!p0 $0x80  }
0xb6: {  	[tilespmem:s22], [sflag:$0x1] =	stream.indirect.gather @!p0 [hbm4b:s5+s20], $0x80, s21, s20, $0xb8;
	[tilespmem:$0x1E900] =	vst v63  }
.Ltmp3:
0xb7: {  	_ = 	snop;
	(pc) =	sbr.rel @p0 .LBB2_6-.Ltmp3, $4  }
0xb8: {  	_ =	swait.ge [sflag:s15], $0x4000  }
0xb9: {  	[sflag:s15] =	ssyncset.done $0x0  }
0xba: {  	[sflag:s15] =	ssyncadd.s32 $0xFFFFC000  }
0xbb: {  	[spmem:s2] =	stream.indirect.scatter.add.f32 [tilespmem:s10], [sflag:$0x4], $0x80, s19, s0, $0xb8;
	[tilespmem:$0x1E900] =	vst v63  }
0xbc: {  	s20 =	sand.u32 $0x7C00, s18  }
.Ltmp4:
0xbd: {  	s21 =	sand.u32 $0x380, s18;
	s20 =	sadd.s32 s4, s20;
	(pc) =	sbr.rel .LBB2_4-.Ltmp4, $4  }
0xbe: {  	s20 =	sor.u32 s21, s20  }
0xbf: {  	s20 =	sshrl.u32 s20, $0x3  }
0xc0: {  	s19 =	sadd.s32 $0x100, s19;
	s18 =	sadd.s32 $0x100, s18;
	s20 =	sadd.s32 s6, s20  }
0xc1: {  	[tilespmem:s0], [sflag:$0x5] =	stream.linear.gather [hbm4b:s20+s3], $0x80, $0x38;
	[tilespmem:$0x1E900] =	vst v63  }
.LBB2_7:
0xc2: {  	_ =	sfence.sel $0x180000  }
0xc3: {  	[bflag:$0x0] =	sbarrier.arrive $0xFFFF  }
0xc4: {  	_ =	strace $0x9000004A  }
0xc5: {  	s0 =	stileid.u32;
	[bflag:$0x2] =	sbarrier.arrive $0xFFFF  }
0xc6: {  	p0 =	sne.s32 s0, $0x0;
	s0 =	rddreg [dreg:$0x2]  }
0xc7: {  	s0 =	sadd.s32 @!p0 $0x100000, s0  }
0xc8: {  	[sflag:s0] =	ssyncadd.tile.s32 @!p0 $0x1;
	_ =	shalt  }
.Lfunc_end2:
_tile_overlayer_lowered:
.L_overlay_start_2:
0xc9: {  	(tag) =	ssettag $0x2  }
0xca: {  	s0 =	rddreg [dreg:$0x0];
	s2 =	stileid.u32  }
0xcb: {  	s1 =	rddreg [dreg:$0x1];
	p0 =	sne.s32 s2, $0x0  }
0xcc: {  	s3 =	rddreg [dreg:$0x2];
	[bflag:$0x3] =	sbarrier.arrive $0xFFFF;
	s2 =	simm.s32 @!p0 $0x1C07  }
0xcd: {  	[timem:s3], [sflag:s2] =	dma.local @!p0 [hbm:s0], s1  }
0xce: {  	s0 =	simm.s32 @!p0 $0x7  }
0xcf: {  	_ =	swait.ge @!p0 [sflag:s0], s1  }
0xd0: {  	s1 =	ssub.s32 @!p0 $0x0, s1;
	[sflag:s0] =	ssyncset.done @!p0 $0x0  }
0xd1: {  	[sflag:s0] =	ssyncadd.s32 @!p0 s1  }
0xd2: {  	[bflag:$0x3] =	sbarrier.arrive $0xFFFF  }
0xd3: {  	_ =	shalt  }

// kernel: kernel.17.cloned.1.call-start
scs
__scs_entry_jumppad:
0x0: {  	(pc) =	sbr.rel $0x88, $3  }
0x1: {  	(tag) =	ssettag $0x0;
	lr =	simm.s32 $0x1  }
0x2: {  	[smem:$0x3F98] =	sst lr;
	_ =	strace $0xD0000000  }
0x3: {  	_ = 	snop  }
0x4: {  	_ = 	snop  }
0x5: {  	_ = 	snop  }
0x6: {  	_ = 	snop  }
0x7: {  	_ = 	snop  }
__scs_overlays_trampoline_lowered:
0x8: {  	[smem:$0x3FA7] =	sst s0  }
0x9: {  	[smem:$0x3FA8] =	sst s1  }
0xa: {  	[smem:$0x3FA9] =	sst s2  }
0xb: {  	[smem:$0x3FAA] =	sst s3  }
0xc: {  	[smem:$0x3FAB] =	sst s4  }
0xd: {  	[smem:$0x3FAC] =	sst s5  }
0xe: {  	[smem:$0x3FAD] =	sst s6  }
0xf: {  	[smem:$0x3FAE] =	sst s7  }
0x10: {  	[smem:$0x3FAF] =	sst s8  }
0x11: {  	[smem:$0x3FB0] =	sst s9;
	s0 =	simm.s32 @!p0 $0x0  }
0x12: {  	s1 =	sld [smem:$0x3F96];
	s0 =	simm.s32 @p0 $0x1  }
0x13: {  	[smem:$0x3FB1] =	sst s0;
	s0 =	simm.s32 @!p1 $0x0  }
0x14: {  	s2 =	sld [smem:$0x3F95];
	s0 =	simm.s32 @p1 $0x1  }
0x15: {  	[smem:$0x3FB2] =	sst s0;
	s0 =	simm.s32 @!p2 $0x0  }
0x16: {  	s3 =	sld [smem:$0x3FDB];
	s0 =	simm.s32 @p2 $0x1  }
0x17: {  	s4 =	simm.s32 $0x1BF5;
	[smem:$0x3FB4] =	sst s0  }
0x18: {  	s0 =	sld [smem:$0x3F97];
	_ =	swait.ge [sflag:s4], $0x0  }
0x19: {  	s7 =	sld [smem:$0x3F98]  }
0x1a: {  	s8 =	sadd.s32 $0xFFFFE003, lr  }
0x1b: {  	s9 =	sadd.s32 $0xFFFFFEF7, lr;
	s5 =	simm.s32 $0xFFFFFFFF;
	p2 =	slt.u32 s8, $0xFFFFF086  }
0x1c: {  	p1 =	slt.u32 s9, $0xF7A;
	s5 =	simm.s32 @!p2 $0x0  }
0x1d: {  	s5 =	simm.s32 @p1 $0x1;
	p0 =	seq.s32 s7, s2  }
0x1e: {  	s7 =	smul.u32 @!p0 $0xF7A, s2;
	p2 =	seq.s32 @!p0 s5, $0x0  }
0x1f: {  	s9 =	smul.u32 $0xF7A, s1;
	s8 =	simm.s32 @!p0 $0x1BF5;
	p2 =	por !p2, p0  }
0x20: {  	[sflag:s8] =	ssyncset.s32 @!p0 $0xFFFFF086;
	s6 =	sadd.s32 @!p0 s3, s7;
	s7 =	simm.s32 @!p0 $0x108  }
0x21: {  	s3 =	sadd.s32 s3, s9;
	s6 =	sadd.s32 @!p0 $0x88, s6;
	s7 =	simm.s32 @p2 $0x1082  }
0x22: {  	[simem:s7], [sflag:s8] =	dma.local @!p0 [hbm:s6], $0xF7A  }
0x23: {  	s9 =	sor.u32 $0xD0000000, s2;
	s6 =	simm.s32 $0x108;
	_ =	swait.ge @!p0 [sflag:s8], $0x0  }
0x24: {  	s3 =	sadd.s32 $0x88, s3;
	s6 =	simm.s32 @!p1 $0x1082;
	[sflag:s4] =	ssyncset.s32 $0xFFFFF086  }
0x25: {  	[simem:s6], [sflag:s4] =	dma.local [hbm:s3], $0xF7A  }
0x26: {  	[smem:$0x3F98] =	sst s1;
	(tag) =	ssettag s2;
	_ =	strace s9  }
0x27: {  	s1 =	sld [smem:$0x3FA8]  }
0x28: {  	s2 =	sld [smem:$0x3FA9]  }
0x29: {  	s4 =	sld [smem:$0x3FAB]  }
0x2a: {  	p0 =	seq.s32 s5, $0x0;
	s5 =	sld [smem:$0x3FAC]  }
0x2b: {  	s6 =	sld [smem:$0x3FAD]  }
0x2c: {  	s7 =	sld [smem:$0x3FAE]  }
0x2d: {  	s3 =	simm.s32 $0x108;
	s8 =	sld [smem:$0x3FAF]  }
0x2e: {  	s3 =	simm.s32 @!p0 $0x1082;
	s9 =	sld [smem:$0x3FB0]  }
0x2f: {  	lr =	sadd.s32 s0, s3;
	s0 =	sld [smem:$0x3FA7]  }
0x30: {  	s3 =	sld [smem:$0x3FAA]  }
0x31: {  	[smem:$0x3FB3] =	sst s10  }
0x32: {  	s10 =	sld [smem:$0x3FB1];
	_ =	sdelay $0x3  }
0x33: {  	p0 =	seq.s32 s10, $0x1;
	s10 =	sld [smem:$0x3FB3];
	_ =	sdelay $0x3  }
0x34: {  	[smem:$0x3FB3] =	sst s10  }
0x35: {  	s10 =	sld [smem:$0x3FB2];
	_ =	sdelay $0x3  }
0x36: {  	p1 =	seq.s32 s10, $0x1;
	s10 =	sld [smem:$0x3FB3];
	_ =	sdelay $0x3  }
0x37: {  	[smem:$0x3FB3] =	sst s10  }
0x38: {  	s10 =	sld [smem:$0x3FB4]  }
0x39: {  	_ = 	snop;
	(pc) =	sbr.ind lr, $3  }
0x3a: {  	_ = 	snop  }
0x3b: {  	_ = 	snop  }
0x3c: {  	p2 =	seq.s32 s10, $0x1;
	s10 =	sld [smem:$0x3FB3]  }
0x3d: {  	_ =	shalt  }
0x3e: {  	_ =	shalt  }
0x3f: {  	_ =	shalt  }
0x40: {  	_ =	shalt  }
0x41: {  	_ =	shalt  }
0x42: {  	_ =	shalt  }
0x43: {  	_ =	shalt  }
0x44: {  	_ =	shalt  }
0x45: {  	_ =	shalt  }
0x46: {  	_ =	shalt  }
0x47: {  	_ =	shalt  }
0x48: {  	_ =	shalt  }
0x49: {  	_ =	shalt  }
0x4a: {  	_ =	shalt  }
0x4b: {  	_ =	shalt  }
0x4c: {  	_ =	shalt  }
0x4d: {  	_ =	shalt  }
0x4e: {  	_ =	shalt  }
0x4f: {  	_ =	shalt  }
0x50: {  	_ =	shalt  }
0x51: {  	_ =	shalt  }
0x52: {  	_ =	shalt  }
0x53: {  	_ =	shalt  }
0x54: {  	_ =	shalt  }
0x55: {  	_ =	shalt  }
0x56: {  	_ =	shalt  }
0x57: {  	_ =	shalt  }
0x58: {  	_ =	shalt  }
0x59: {  	_ =	shalt  }
0x5a: {  	_ =	shalt  }
0x5b: {  	_ =	shalt  }
0x5c: {  	_ =	shalt  }
0x5d: {  	_ =	shalt  }
0x5e: {  	_ =	shalt  }
0x5f: {  	_ =	shalt  }
0x60: {  	_ =	shalt  }
0x61: {  	_ =	shalt  }
0x62: {  	_ =	shalt  }
0x63: {  	_ =	shalt  }
0x64: {  	_ =	shalt  }
0x65: {  	_ =	shalt  }
0x66: {  	_ =	shalt  }
0x67: {  	_ =	shalt  }
0x68: {  	_ =	shalt  }
0x69: {  	_ =	shalt  }
0x6a: {  	_ =	shalt  }
0x6b: {  	_ =	shalt  }
0x6c: {  	_ =	shalt  }
0x6d: {  	_ =	shalt  }
0x6e: {  	_ =	shalt  }
0x6f: {  	_ =	shalt  }
0x70: {  	_ =	shalt  }
0x71: {  	_ =	shalt  }
0x72: {  	_ =	shalt  }
0x73: {  	_ =	shalt  }
0x74: {  	_ =	shalt  }
0x75: {  	_ =	shalt  }
0x76: {  	_ =	shalt  }
0x77: {  	_ =	shalt  }
0x78: {  	_ =	shalt  }
0x79: {  	_ =	shalt  }
0x7a: {  	_ =	shalt  }
0x7b: {  	_ =	shalt  }
0x7c: {  	_ =	shalt  }
0x7d: {  	_ =	shalt  }
0x7e: {  	_ =	shalt  }
0x7f: {  	_ =	shalt  }
0x80: {  	_ =	shalt  }
0x81: {  	_ =	shalt  }
0x82: {  	_ =	shalt  }
0x83: {  	_ =	shalt  }
0x84: {  	_ =	shalt  }
0x85: {  	_ =	shalt  }
0x86: {  	_ =	shalt  }
0x87: {  	_ =	shalt  }
.Lfunc_end0:
.L_simem_size_0:
called_computation.2_lowered:
.L_overlay_start_0:
0x88: {  	s2 =	sld [smem:$0x3FD9]  }
0x89: {  	s3 =	sld [smem:$0x3FFE];
	_ =	sdelay $0x1  }
0x8a: {  	s1 =	srdreg.scid  }
0x8b: {  	s0 =	sand.u32 $0x1, s1  }
0x8c: {  	s16 =	sshll.u32 s0, $0xA;
	s2 =	sadd.s32 s3, s2  }
0x8d: {  	s2 =	sadd.s32 s2, s16  }
0x8e: {  	[smem:$0x3FBF] =	sst s2  }
0x8f: {  	_ = 	snop  }
0x90: {  	(tm) =	ssettm $0x1  }
0x91: {  	s17 =	sld [smem:$0x3FFB];
	_ =	sdelay $0x3  }
0x92: {  	_ =	strace s17  }
0x93: {  	s2 =	sld [smem:$0x3FFC];
	_ =	sdelay $0x3  }
0x94: {  	_ =	strace s2  }
0x95: {  	s2 =	sld [smem:$0x3FFD];
	_ =	sdelay $0x3  }
0x96: {  	_ =	strace s2  }
0x97: {  	_ =	strace $0x8FFFFFFF  }
0x98: {  	s18 =	sld [smem:$0x3FDB];
	_ =	sdelay $0x1  }
0x99: {  	s19 =	simm.s32 $_scs_section_size  }
0x9a: {  	s4 =	simm.s32 $_size__tile_overlayer_lowered;
	s5 =	simm.s32 $_tile_overlayer_lowered  }
0x9b: {  	s22 =	simm.s32 $0x1BFF;
	s21 =	sshll.u32 s5, $0x1;
	s2 =	sadd.s32 s19, s18  }
0x9c: {  	s6 =	simm.s32 $0x0;
	s20 =	sshll.u32 s4, $0x1;
	s4 =	sadd.s32 s21, s2  }
0x9d: {  	[timem:s6], [sflag:s22] =	dma.local [hbm:s4], s20  }
0x9e: {  	_ =	swait.ge [sflag:s22], s20  }
0x9f: {  	s3 =	ssub.s32 $0x0, s20;
	[sflag:s22] =	ssyncset.done $0x0  }
0xa0: {  	[sflag:s22] =	ssyncadd.s32 s3;
	_ =	sdelay $0x1  }
0xa1: {  	s23 =	simm.s32 $0x1B8B  }
0xa2: {  	_ =	swait.ge [sflag:s23], $0x1  }
0xa3: {  	[sflag:s23] =	ssyncset.done $0x0  }
0xa4: {  	s25 =	simm.s32 $0x1B8E;
	s24 =	sld [smem:$0x3FFE];
	[sflag:s23] =	ssyncadd.s32 $0xFFFFFFFF  }
0xa5: {  	s26 =	simm.s32 $execute0_lowered;
	[smem:$0x3FD2] =	sst s25  }
0xa6: {  	s4 =	sshll.u32 s26, $0x1;
	_ =	strace $0x8000004C;
	[dreg:$0x1] =	wrdreg $0xFFFFFFFF  }
0xa7: {  	s28 =	simm.s32 $_size_execute0_lowered;
	s2 =	sadd.s32 s2, s4;
	[dreg:$0x0] =	wrdreg $0x0  }
0xa8: {  	s4 =	sshll.u32 s28, $0x1;
	[dreg:$0x2] =	wrdreg s2  }
0xa9: {  	[dreg:$0x3] =	wrdreg s4  }
0xaa: {  	[dreg:$0x4] =	wrdreg $0xC0  }
0xab: {  	_ =	task [dreg:s6], $0x5FFFF  }
0xac: {  	[dreg:$0x1] =	wrdreg $0xFFFFFFFF  }
0xad: {  	[dreg:$0x0] =	wrdreg $0x60  }
0xae: {  	[dreg:$0x2] =	wrdreg s24  }
0xaf: {  	[dreg:$0x3] =	wrdreg $0xA9000  }
0xb0: {  	[dreg:$0x4] =	wrdreg $0x9  }
0xb1: {  	_ =	task.clear_ibuf [dreg:s6], $0x5FFFF;
	_ =	strace $0x9000004C  }
0xb2: {  	s29 =	simm.s32 $0x9;
	_ =	strace $0x8000004E  }
0xb3: {  	_ =	swait.ge [sflag:s29], $0x1  }
0xb4: {  	[sflag:s29] =	ssyncadd.s32 $0xFFFFFFFF  }
0xb5: {  	_ =	strace $0x9000004E  }
0xb6: {  	_ =	sfence  }
0xb7: {  	s30 =	sld [smem:$0x0];
	_ =	sdelay $0x2  }
0xb8: {  	s31 =	sshll.u32 s1, $0xD;
	s1 =	sshrl.u32 s1, $0x2  }
0xb9: {  	s3 =	sand.u32 $0x4000, s31;
	s1 =	sadd.s32 s1, s30  }
0xba: {  	s0 =	sor.u32 s3, s0;
	s1 =	sshll.u32 s1, $0x11  }
0xbb: {  	s0 =	sor.u32 s1, s0  }
0xbc: {  	s0 =	sadd.s32 $0x8F2B, s0  }
0xbd: {  	[sflag:s0] =	ssyncadd.remote.s32 $0x1  }
0xbe: {  	_ =	sfence.sel $0xFFFF  }
0xbf: {  	[dreg:$0x0] =	wrdreg $0xFFFFFFFF;
	(pc) =	sbr.abs _section_cstart, $3  }
0xc0: {  	[dreg:$0x1] =	wrdreg $0xFFFFFFFF  }
0xc1: {  	_ =	task.clear_ibuf [dreg:s6], $0x2FFFF;
	_ =	strace $0x9FFFFFFF  }
0xc2: {  	(tm) =	ssettm $0x7FFFFFFF  }
0xc3: {  	_ =	shalt  }
tec
execute0_lowered:
.L_overlay_start_1:
0x0: {  	(tag) =	ssettag $0x1  }
0x1: {  	s0 =	srdreg.scid  }
0x2: {  	s10 =	stileid.u32;
	s1 =	rddreg [dreg:$0x0]  }
0x3: {  	s0 =	sand.u32 $0x1, s0;
	s3 =	sshll.u32 s10, $0x1;
	s8 =	smul.u32 $0x14000, s10  }
0x4: {  	s2 =	rddreg [dreg:$0x1];
	s4 =	sor.u32 s0, s3;
	s7 =	smul.u32 $0x140000, s0  }
0x5: {  	s5 =	sadd.s32 $0x17600, s1;
	s3 =	simm.s32 $0x0;
	s4 =	smul.u32 $0x2800, s4  }
0x6: {  	s6 =	sadd.s32 $0xD600, s1;
	s10 =	smul.u32 $0x50000, s10;
	[smem:$0x7FF] =	sst s3  }
0x7: {  	_ =	strace $0x8000004D;
	s7 =	sadd.s32 s8, s7;
	s9 =	sshrl.u32 s4, $0x3  }
0x8: {  	s8 =	sshrl.u32 s10, $0x2;
	s7 =	sshrl.u32 s7, $0x3;
	s12 =	sadd.s32 s9, s1  }
0x9: {  	s1 =	sadd.s32 s7, s1;
	s7 =	sadd.s32 s6, s9;
	s13 =	sadd.s32 $0x3600, s12  }
0xa: {  	s9 =	sadd.s32 s8, s2;
	s14 =	sadd.s32 $0x10, s7;
	[dreg:$0x3] =	wrdreg s13  }
0xb: {  	s31 =	simm.s32 $0x7;
	s15 =	sadd.s32 $0x1400, s9;
	[dreg:$0x4] =	wrdreg s14  }
0xc: {  	s0 =	ssub.s32 $0x2, s0;
	s16 =	sadd.s32 $0x2800, s9;
	[dreg:$0x5] =	wrdreg s15  }
0xd: {  	s11 =	sshrl.u32 s0, $0x1;
	s17 =	sadd.s32 $0x3C00, s9;
	[dreg:$0x6] =	wrdreg s16  }
0xe: {  	s0 =	ssub.s32 s0, s11;
	s18 =	sadd.s32 $0x5000, s9;
	[dreg:$0x7] =	wrdreg s17  }
0xf: {  	s10 =	simm.s32 $0x6900;
	s19 =	sadd.s32 $0x6400, s9;
	[dreg:$0x8] =	wrdreg s18  }
0x10: {  	s11 =	simm.s32 $0x6;
	s20 =	sadd.s32 $0x7800, s9;
	[dreg:$0x9] =	wrdreg s19  }
0x11: {  	s8 =	simm.s32 $0x2900;
	s21 =	sadd.s32 $0x8C00, s9;
	[dreg:$0xa] =	wrdreg s20  }
0x12: {  	s22 =	sadd.s32 $0xA000, s9;
	s23 =	sadd.s32 $0xB400, s9;
	[dreg:$0xb] =	wrdreg s21  }
0x13: {  	s24 =	sadd.s32 $0xC800, s9;
	s25 =	sadd.s32 $0xDC00, s9;
	[dreg:$0xc] =	wrdreg s22  }
0x14: {  	s26 =	sadd.s32 $0xF000, s9;
	s28 =	sadd.s32 $0x12C00, s9;
	[dreg:$0xd] =	wrdreg s23  }
0x15: {  	s29 =	sadd.s32 $0x20, s7;
	s30 =	sadd.s32 $0x30, s7;
	[dreg:$0xe] =	wrdreg s24  }
.Ltmp0:
0x16: {  	s12 =	simm.s32 $0x5;
	[dreg:$0xf] =	wrdreg s25;
	(pc) =	sbr.rel .LBB2_1-.Ltmp0, $4  }
0x17: {  	[dreg:$0x10] =	wrdreg s26;
	s23 =	sadd.s32 $0x10400, s9;
	s24 =	sadd.s32 $0x3E800, s1  }
0x18: {  	s25 =	smax.u32 s0, $0x1;
	s26 =	sadd.s32 $0x11800, s9;
	s1 =	simm.s32 $0x100  }
0x19: {  	s0 =	simm.s32 $0x80;
	s13 =	simm.s32 $0x1;
	s14 =	simm.s32 $0x3  }
0x1a: {  	v0 =	vimm.f32 $0.0e+00;
	s15 =	simm.s32 $0x2;
	s16 =	simm.s32 $0x4;
	s17 =	simm.s32 $0x0  }
.LBB2_6:
0x1b: {  	_ =	swait.ge [sflag:s16], $0x4000;
	s18 =	stileid.u32  }
0x1c: {  	s19 =	sshrl.u32 s9, $0x3;
	s17 =	sadd.s32 $0x1, s17;
	[sflag:s16] =	ssyncset.done $0x0  }
0x1d: {  	s18 =	sshll.u32 s18, $0x6;
	p0 =	sne.s32 s17, s25;
	[sflag:s16] =	ssyncadd.s32 $0xFFFFC000  }
.Ltmp1:
0x1e: {  	s18 =	sor.u32 $0x1C07, s18;
	[bflag:$0x0] =	sbarrier.arrive $0xFFFF;
	(pc) =	sbr.rel @!p0 .LBB2_7-.Ltmp1, $4  }
0x1f: {  	[hbm:s24], [sflag:s18] =	dma.local [spmem:s19], $0x2800  }
0x20: {  	_ =	swait.ge [sflag:s31], $0x2800  }
0x21: {  	[sflag:s31] =	ssyncset.done $0x0  }
0x22: {  	[sflag:s31] =	ssyncadd.s32 $0xFFFFD800  }
.LBB2_1:
0x23: {  	[tilespmem:s3], [sflag:$0x7] =	stream.linear.gather [hbm4b:s7+s3], $0x80, $0x38;
	[tilespmem:$0x1E900] =	vst v63  }
0x24: {  	_ =	swait.ge [sflag:s31], $0x80  }
0x25: {  	[sflag:s31] =	ssyncset.done $0x0  }
0x26: {  	s18 =	rddreg [dreg:$0x3];
	[sflag:s31] =	ssyncadd.s32 $0xFFFFFF80  }
0x27: {  	[tilespmem:s1], [sflag:$0x7] =	stream.linear.gather [hbm4b:s18+s3], $0x2800, $0x38;
	[tilespmem:$0x1E900] =	vst v63  }
0x28: {  	s22 =	sand.u32 $0x7E00, s3;
	_ =	swait.ge [sflag:s31], $0x2800  }
0x29: {  	s19 =	sand.u32 $0x70, s3;
	s20 =	sshrl.u32 s22, $0x2;
	[sflag:s31] =	ssyncset.done $0x0  }
0x2a: {  	s20 =	sor.u32 s19, s20;
	[sflag:s31] =	ssyncadd.s32 $0xFFFFD800  }
0x2b: {  	[tilespmem:s8], [sflag:$0x1] =	stream.indirect.gather [hbm4b:s5+s0], $0x80, s3, s0, $0xb8;
	[tilespmem:$0x1E900] =	vst v63  }
0x2c: {  	s19 =	simm.s32 $0x0;
	s18 =	simm.s32 $0x40;
	s21 =	rddreg [dreg:$0x4]  }
0x2d: {  	[tilespmem:s0], [sflag:$0x5] =	stream.linear.gather [hbm4b:s21+s3], $0x80, $0x38;
	[tilespmem:$0x1E900] =	vst v63  }
.LBB2_2:
0x2e: {  	p0 =	sne.s32 s18, $0x4FC0  }
0x2f: {  	[tilespmem:s20+$0x6900] =	vst v0;
	s19 =	sadd.s32 $0x10, s19;
	s20 =	smov.u32 s18;
	s18 =	sadd.s32 $0x40, s18  }
.Ltmp2:
0x30: {  	(pc) =	sbr.rel @p0 .LBB2_2-.Ltmp2, $4  }
0x31: {  	_ = 	snop  }
0x32: {  	s20 =	sand.u32 $0x7E00, s20  }
0x33: {  	s21 =	sand.u32 $0x70, s19;
	s20 =	sshrl.u32 s20, $0x2  }
0x34: {  	s20 =	sor.u32 s21, s20  }
0x35: {  	[tilespmem:s20+$0x6900] =	vst v0  }
0x36: {  	[spmem:s9] =	stream.linear.scatter [tilespmem:s10], [sflag:$0x6], $0x1400, $0x38;
	[tilespmem:$0x1E900] =	vst v63  }
0x37: {  	s18 =	rddreg [dreg:$0x5]  }
0x38: {  	[spmem:s18] =	stream.linear.scatter [tilespmem:s10], [sflag:$0x6], $0x1400, $0x38;
	[tilespmem:$0x1E900] =	vst v63  }
0x39: {  	s19 =	rddreg [dreg:$0x6]  }
0x3a: {  	[spmem:s19] =	stream.linear.scatter [tilespmem:s10], [sflag:$0x6], $0x1400, $0x38;
	[tilespmem:$0x1E900] =	vst v63  }
0x3b: {  	s20 =	rddreg [dreg:$0x7]  }
0x3c: {  	[spmem:s20] =	stream.linear.scatter [tilespmem:s10], [sflag:$0x6], $0x1400, $0x38;
	[tilespmem:$0x1E900] =	vst v63  }
0x3d: {  	s21 =	rddreg [dreg:$0x8]  }
0x3e: {  	[spmem:s21] =	stream.linear.scatter [tilespmem:s10], [sflag:$0x6], $0x1400, $0x38;
	[tilespmem:$0x1E900] =	vst v63  }
0x3f: {  	s22 =	rddreg [dreg:$0x9]  }
0x40: {  	[spmem:s22] =	stream.linear.scatter [tilespmem:s10], [sflag:$0x6], $0x1400, $0x38;
	[tilespmem:$0x1E900] =	vst v63  }
0x41: {  	s19 =	rddreg [dreg:$0xa]  }
0x42: {  	[spmem:s19] =	stream.linear.scatter [tilespmem:s10], [sflag:$0x6], $0x1400, $0x38;
	[tilespmem:$0x1E900] =	vst v63  }
0x43: {  	s20 =	rddreg [dreg:$0xb]  }
0x44: {  	[spmem:s20] =	stream.linear.scatter [tilespmem:s10], [sflag:$0x6], $0x1400, $0x38;
	[tilespmem:$0x1E900] =	vst v63  }
0x45: {  	s21 =	rddreg [dreg:$0xc]  }
0x46: {  	[spmem:s21] =	stream.linear.scatter [tilespmem:s10], [sflag:$0x6], $0x1400, $0x38;
	[tilespmem:$0x1E900] =	vst v63  }
0x47: {  	s22 =	rddreg [dreg:$0xd]  }
0x48: {  	[spmem:s22] =	stream.linear.scatter [tilespmem:s10], [sflag:$0x6], $0x1400, $0x38;
	[tilespmem:$0x1E900] =	vst v63  }
0x49: {  	s19 =	rddreg [dreg:$0xe]  }
0x4a: {  	[spmem:s19] =	stream.linear.scatter [tilespmem:s10], [sflag:$0x6], $0x1400, $0x38;
	[tilespmem:$0x1E900] =	vst v63  }
0x4b: {  	s20 =	rddreg [dreg:$0xf]  }
0x4c: {  	[spmem:s20] =	stream.linear.scatter [tilespmem:s10], [sflag:$0x6], $0x1400, $0x38;
	[tilespmem:$0x1E900] =	vst v63  }
0x4d: {  	s21 =	rddreg [dreg:$0x10]  }
0x4e: {  	[spmem:s21] =	stream.linear.scatter [tilespmem:s10], [sflag:$0x6], $0x1400, $0x38;
	[tilespmem:$0x1E900] =	vst v63  }
0x4f: {  	_ = 	snop  }
0x50: {  	[spmem:s23] =	stream.linear.scatter [tilespmem:s10], [sflag:$0x6], $0x1400, $0x38;
	[tilespmem:$0x1E900] =	vst v63  }
0x51: {  	_ = 	snop  }
0x52: {  	[spmem:s26] =	stream.linear.scatter [tilespmem:s10], [sflag:$0x6], $0x1400, $0x38;
	[tilespmem:$0x1E900] =	vst v63  }
0x53: {  	_ = 	snop  }
0x54: {  	[spmem:s28] =	stream.linear.scatter [tilespmem:s10], [sflag:$0x6], $0x1400, $0x38;
	[tilespmem:$0x1E900] =	vst v63  }
0x55: {  	_ =	swait.ge [sflag:s11], $0x1400  }
0x56: {  	[sflag:s11] =	ssyncset.done $0x0  }
0x57: {  	[sflag:s11] =	ssyncadd.s32 $0xFFFFEC00  }
0x58: {  	_ =	swait.ge [sflag:s11], $0x1400  }
0x59: {  	[sflag:s11] =	ssyncset.done $0x0  }
0x5a: {  	[sflag:s11] =	ssyncadd.s32 $0xFFFFEC00  }
0x5b: {  	_ =	swait.ge [sflag:s11], $0x1400  }
0x5c: {  	[sflag:s11] =	ssyncset.done $0x0  }
0x5d: {  	[sflag:s11] =	ssyncadd.s32 $0xFFFFEC00  }
0x5e: {  	_ =	swait.ge [sflag:s11], $0x1400  }
0x5f: {  	[sflag:s11] =	ssyncset.done $0x0  }
0x60: {  	[sflag:s11] =	ssyncadd.s32 $0xFFFFEC00  }
0x61: {  	_ =	swait.ge [sflag:s11], $0x1400  }
0x62: {  	[sflag:s11] =	ssyncset.done $0x0  }
0x63: {  	[sflag:s11] =	ssyncadd.s32 $0xFFFFEC00  }
0x64: {  	_ =	swait.ge [sflag:s11], $0x1400  }
0x65: {  	[sflag:s11] =	ssyncset.done $0x0  }
0x66: {  	[sflag:s11] =	ssyncadd.s32 $0xFFFFEC00  }
0x67: {  	_ =	swait.ge [sflag:s11], $0x1400  }
0x68: {  	[sflag:s11] =	ssyncset.done $0x0  }
0x69: {  	[sflag:s11] =	ssyncadd.s32 $0xFFFFEC00  }
0x6a: {  	_ =	swait.ge [sflag:s11], $0x1400  }
0x6b: {  	[sflag:s11] =	ssyncset.done $0x0  }
0x6c: {  	[sflag:s11] =	ssyncadd.s32 $0xFFFFEC00  }
0x6d: {  	_ =	swait.ge [sflag:s11], $0x1400  }
0x6e: {  	[sflag:s11] =	ssyncset.done $0x0  }
0x6f: {  	[sflag:s11] =	ssyncadd.s32 $0xFFFFEC00  }
0x70: {  	_ =	swait.ge [sflag:s11], $0x1400  }
0x71: {  	[sflag:s11] =	ssyncset.done $0x0  }
0x72: {  	[sflag:s11] =	ssyncadd.s32 $0xFFFFEC00  }
0x73: {  	_ =	swait.ge [sflag:s11], $0x1400  }
0x74: {  	[sflag:s11] =	ssyncset.done $0x0  }
0x75: {  	[sflag:s11] =	ssyncadd.s32 $0xFFFFEC00  }
0x76: {  	_ =	swait.ge [sflag:s11], $0x1400  }
0x77: {  	[sflag:s11] =	ssyncset.done $0x0  }
0x78: {  	[sflag:s11] =	ssyncadd.s32 $0xFFFFEC00  }
0x79: {  	_ =	swait.ge [sflag:s11], $0x1400  }
0x7a: {  	[sflag:s11] =	ssyncset.done $0x0  }
0x7b: {  	[sflag:s11] =	ssyncadd.s32 $0xFFFFEC00  }
0x7c: {  	_ =	swait.ge [sflag:s11], $0x1400  }
0x7d: {  	[sflag:s11] =	ssyncset.done $0x0  }
0x7e: {  	[sflag:s11] =	ssyncadd.s32 $0xFFFFEC00  }
0x7f: {  	_ =	swait.ge [sflag:s11], $0x1400  }
0x80: {  	[sflag:s11] =	ssyncset.done $0x0  }
0x81: {  	[sflag:s11] =	ssyncadd.s32 $0xFFFFEC00  }
0x82: {  	_ =	swait.ge [sflag:s11], $0x1400  }
0x83: {  	[sflag:s11] =	ssyncset.done $0x0  }
0x84: {  	[sflag:s11] =	ssyncadd.s32 $0xFFFFEC00  }
0x85: {  	[bflag:$0x0] =	sbarrier.arrive $0xFFFF  }
0x86: {  	_ =	swait.ge [sflag:s12], $0x80  }
0x87: {  	[sflag:s12] =	ssyncset.done $0x0  }
0x88: {  	[sflag:s12] =	ssyncadd.s32 $0xFFFFFF80  }
0x89: {  	[tilespmem:s10], [sflag:$0x2] =	stream.indirect.gather [hbm4b:s5+s0], $0x80, s0, s0, $0xb8;
	[tilespmem:$0x1E900] =	vst v63  }
0x8a: {  	_ =	swait.ge [sflag:s13], $0x4000  }
0x8b: {  	[sflag:s13] =	ssyncset.done $0x0  }
0x8c: {  	[sflag:s13] =	ssyncadd.s32 $0xFFFFC000  }
0x8d: {  	[spmem:s2] =	stream.indirect.scatter.add.f32 [tilespmem:s8], [sflag:$0x3], $0x80, s1, s0, $0xb8;
	[tilespmem:$0x1E900] =	vst v63  }
0x8e: {  	_ = 	snop  }
0x8f: {  	[tilespmem:s3], [sflag:$0x5] =	stream.linear.gather [hbm4b:s29+s3], $0x80, $0x38;
	[tilespmem:$0x1E900] =	vst v63  }
0x90: {  	_ =	swait.ge [sflag:s14], $0x4000  }
0x91: {  	[sflag:s14] =	ssyncset.done $0x0  }
0x92: {  	[sflag:s14] =	ssyncadd.s32 $0xFFFFC000  }
0x93: {  	_ =	swait.ge [sflag:s12], $0x80  }
0x94: {  	[sflag:s12] =	ssyncset.done $0x0  }
0x95: {  	[sflag:s12] =	ssyncadd.s32 $0xFFFFFF80  }
0x96: {  	[tilespmem:s8], [sflag:$0x1] =	stream.indirect.gather [hbm4b:s5+s0], $0x80, s3, s0, $0xb8;
	[tilespmem:$0x1E900] =	vst v63  }
0x97: {  	_ =	swait.ge [sflag:s15], $0x4000  }
0x98: {  	[sflag:s15] =	ssyncset.done $0x0  }
0x99: {  	s22 =	simm.s32 $0x180;
	[sflag:s15] =	ssyncadd.s32 $0xFFFFC000  }
0x9a: {  	[spmem:s2] =	stream.indirect.scatter.add.f32 [tilespmem:s10], [sflag:$0x4], $0x80, s22, s0, $0xb8;
	[tilespmem:$0x1E900] =	vst v63  }
0x9b: {  	s18 =	simm.s32 $0x280;
	s19 =	simm.s32 $0x280  }
0x9c: {  	[tilespmem:s0], [sflag:$0x5] =	stream.linear.gather [hbm4b:s30+s3], $0x80, $0x38;
	[tilespmem:$0x1E900] =	vst v63  }
.LBB2_4:
0x9d: {  	_ =	swait.ge [sflag:s16], $0x4000  }
0x9e: {  	[sflag:s16] =	ssyncset.done $0x0  }
0x9f: {  	[sflag:s16] =	ssyncadd.s32 $0xFFFFC000  }
0xa0: {  	_ =	swait.ge [sflag:s12], $0x80  }
0xa1: {  	[sflag:s12] =	ssyncset.done $0x0  }
0xa2: {  	[sflag:s12] =	ssyncadd.s32 $0xFFFFFF80  }
0xa3: {  	[tilespmem:s10], [sflag:$0x2] =	stream.indirect.gather [hbm4b:s5+s0], $0x80, s0, s0, $0xb8;
	[tilespmem:$0x1E900] =	vst v63  }
0xa4: {  	_ =	swait.ge [sflag:s13], $0x4000  }
0xa5: {  	[sflag:s13] =	ssyncset.done $0x0  }
0xa6: {  	s20 =	sadd.s32 $0xFFFFFF80, s19;
	p0 =	seq.s32 s18, $0x2880;
	[sflag:s13] =	ssyncadd.s32 $0xFFFFC000  }
0xa7: {  	[spmem:s2] =	stream.indirect.scatter.add.f32 [tilespmem:s8], [sflag:$0x3], $0x80, s20, s0, $0xb8;
	[tilespmem:$0x1E900] =	vst v63  }
0xa8: {  	s20 =	sadd.s32 @!p0 $0xFFFFFF80, s18  }
0xa9: {  	s21 =	sand.u32 @!p0 $0x7C00, s20  }
0xaa: {  	s22 =	simm.s32 @p0 $0x3;
	s20 =	sand.u32 @!p0 $0x300, s20;
	s21 =	sadd.s32 @!p0 s4, s21  }
0xab: {  	_ =	swait.ge @p0 [sflag:s22], $0x4000;
	s20 =	sor.u32 @!p0 s20, s21  }
0xac: {  	[sflag:s22] =	ssyncset.done @p0 $0x0;
	s20 =	sshrl.u32 @!p0 s20, $0x3  }
0xad: {  	[sflag:s22] =	ssyncadd.s32 @p0 $0xFFFFC000;
	s21 =	simm.s32 @!p0 $0x0;
	s20 =	sadd.s32 @!p0 s6, s20  }
0xae: {  	[tilespmem:s21], [sflag:$0x5] =	stream.linear.gather @!p0 [hbm4b:s20+s21], $0x80, $0x38;
	[tilespmem:$0x1E900] =	vst v63  }
0xaf: {  	s20 =	simm.s32 @!p0 $0x3  }
0xb0: {  	_ =	swait.ge @!p0 [sflag:s20], $0x4000  }
0xb1: {  	[sflag:s20] =	ssyncset.done @!p0 $0x0  }
0xb2: {  	[sflag:s20] =	ssyncadd.s32 @!p0 $0xFFFFC000;
	s20 =	simm.s32 @!p0 $0x5  }
0xb3: {  	_ =	swait.ge @!p0 [sflag:s20], $0x80  }
0xb4: {  	[sflag:s20] =	ssyncset.done @!p0 $0x0  }
0xb5: {  	s22 =	simm.s32 @!p0 $0x2900;
	[sflag:s20] =	ssyncadd.s32 @!p0 $0xFFFFFF80;
	s20 =	simm.s32 @!p0 $0x80  }
0xb6: {  	[tilespmem:s22], [sflag:$0x1] =	stream.indirect.gather @!p0 [hbm4b:s5+s20], $0x80, s21, s20, $0xb8;
	[tilespmem:$0x1E900] =	vst v63  }
.Ltmp3:
0xb7: {  	_ = 	snop;
	(pc) =	sbr.rel @p0 .LBB2_6-.Ltmp3, $4  }
0xb8: {  	_ =	swait.ge [sflag:s15], $0x4000  }
0xb9: {  	[sflag:s15] =	ssyncset.done $0x0  }
0xba: {  	[sflag:s15] =	ssyncadd.s32 $0xFFFFC000  }
0xbb: {  	[spmem:s2] =	stream.indirect.scatter.add.f32 [tilespmem:s10], [sflag:$0x4], $0x80, s19, s0, $0xb8;
	[tilespmem:$0x1E900] =	vst v63  }
0xbc: {  	s20 =	sand.u32 $0x7C00, s18  }
.Ltmp4:
0xbd: {  	s21 =	sand.u32 $0x380, s18;
	s20 =	sadd.s32 s4, s20;
	(pc) =	sbr.rel .LBB2_4-.Ltmp4, $4  }
0xbe: {  	s20 =	sor.u32 s21, s20  }
0xbf: {  	s20 =	sshrl.u32 s20, $0x3  }
0xc0: {  	s19 =	sadd.s32 $0x100, s19;
	s18 =	sadd.s32 $0x100, s18;
	s20 =	sadd.s32 s6, s20  }
0xc1: {  	[tilespmem:s0], [sflag:$0x5] =	stream.linear.gather [hbm4b:s20+s3], $0x80, $0x38;
	[tilespmem:$0x1E900] =	vst v63  }
.LBB2_7:
0xc2: {  	_ =	sfence.sel $0x180000  }
0xc3: {  	[bflag:$0x0] =	sbarrier.arrive $0xFFFF  }
0xc4: {  	_ =	strace $0x9000004D  }
0xc5: {  	s0 =	stileid.u32;
	[bflag:$0x2] =	sbarrier.arrive $0xFFFF  }
0xc6: {  	p0 =	sne.s32 s0, $0x0;
	s0 =	rddreg [dreg:$0x2]  }
0xc7: {  	s0 =	sadd.s32 @!p0 $0x100000, s0  }
0xc8: {  	[sflag:s0] =	ssyncadd.tile.s32 @!p0 $0x1;
	_ =	shalt  }
.Lfunc_end2:
_tile_overlayer_lowered:
.L_overlay_start_2:
0xc9: {  	(tag) =	ssettag $0x2  }
0xca: {  	s0 =	rddreg [dreg:$0x0];
	s2 =	stileid.u32  }
0xcb: {  	s1 =	rddreg [dreg:$0x1];
	p0 =	sne.s32 s2, $0x0  }
0xcc: {  	s3 =	rddreg [dreg:$0x2];
	[bflag:$0x3] =	sbarrier.arrive $0xFFFF;
	s2 =	simm.s32 @!p0 $0x1C07  }
0xcd: {  	[timem:s3], [sflag:s2] =	dma.local @!p0 [hbm:s0], s1  }
0xce: {  	s0 =	simm.s32 @!p0 $0x7  }
0xcf: {  	_ =	swait.ge @!p0 [sflag:s0], s1  }
0xd0: {  	s1 =	ssub.s32 @!p0 $0x0, s1;
	[sflag:s0] =	ssyncset.done @!p0 $0x0  }
0xd1: {  	[sflag:s0] =	ssyncadd.s32 @!p0 s1  }
0xd2: {  	[bflag:$0x3] =	sbarrier.arrive $0xFFFF  }
0xd3: {  	_ =	shalt  }

// kernel: kernel.20.cloned.1.call-start
scs
__scs_entry_jumppad:
0x0: {  	(pc) =	sbr.rel $0x88, $3  }
0x1: {  	(tag) =	ssettag $0x0;
	lr =	simm.s32 $0x1  }
0x2: {  	[smem:$0x3F98] =	sst lr;
	_ =	strace $0xD0000000  }
0x3: {  	_ = 	snop  }
0x4: {  	_ = 	snop  }
0x5: {  	_ = 	snop  }
0x6: {  	_ = 	snop  }
0x7: {  	_ = 	snop  }
__scs_overlays_trampoline_lowered:
0x8: {  	[smem:$0x3FA7] =	sst s0  }
0x9: {  	[smem:$0x3FA8] =	sst s1  }
0xa: {  	[smem:$0x3FA9] =	sst s2  }
0xb: {  	[smem:$0x3FAA] =	sst s3  }
0xc: {  	[smem:$0x3FAB] =	sst s4  }
0xd: {  	[smem:$0x3FAC] =	sst s5  }
0xe: {  	[smem:$0x3FAD] =	sst s6  }
0xf: {  	[smem:$0x3FAE] =	sst s7  }
0x10: {  	[smem:$0x3FAF] =	sst s8  }
0x11: {  	[smem:$0x3FB0] =	sst s9;
	s0 =	simm.s32 @!p0 $0x0  }
0x12: {  	s1 =	sld [smem:$0x3F96];
	s0 =	simm.s32 @p0 $0x1  }
0x13: {  	[smem:$0x3FB1] =	sst s0;
	s0 =	simm.s32 @!p1 $0x0  }
0x14: {  	s2 =	sld [smem:$0x3F95];
	s0 =	simm.s32 @p1 $0x1  }
0x15: {  	[smem:$0x3FB2] =	sst s0;
	s0 =	simm.s32 @!p2 $0x0  }
0x16: {  	s3 =	sld [smem:$0x3FDB];
	s0 =	simm.s32 @p2 $0x1  }
0x17: {  	s4 =	simm.s32 $0x1BF5;
	[smem:$0x3FB4] =	sst s0  }
0x18: {  	s0 =	sld [smem:$0x3F97];
	_ =	swait.ge [sflag:s4], $0x0  }
0x19: {  	s7 =	sld [smem:$0x3F98]  }
0x1a: {  	s8 =	sadd.s32 $0xFFFFE003, lr  }
0x1b: {  	s9 =	sadd.s32 $0xFFFFFEF7, lr;
	s5 =	simm.s32 $0xFFFFFFFF;
	p2 =	slt.u32 s8, $0xFFFFF086  }
0x1c: {  	p1 =	slt.u32 s9, $0xF7A;
	s5 =	simm.s32 @!p2 $0x0  }
0x1d: {  	s5 =	simm.s32 @p1 $0x1;
	p0 =	seq.s32 s7, s2  }
0x1e: {  	s7 =	smul.u32 @!p0 $0xF7A, s2;
	p2 =	seq.s32 @!p0 s5, $0x0  }
0x1f: {  	s9 =	smul.u32 $0xF7A, s1;
	s8 =	simm.s32 @!p0 $0x1BF5;
	p2 =	por !p2, p0  }
0x20: {  	[sflag:s8] =	ssyncset.s32 @!p0 $0xFFFFF086;
	s6 =	sadd.s32 @!p0 s3, s7;
	s7 =	simm.s32 @!p0 $0x108  }
0x21: {  	s3 =	sadd.s32 s3, s9;
	s6 =	sadd.s32 @!p0 $0x88, s6;
	s7 =	simm.s32 @p2 $0x1082  }
0x22: {  	[simem:s7], [sflag:s8] =	dma.local @!p0 [hbm:s6], $0xF7A  }
0x23: {  	s9 =	sor.u32 $0xD0000000, s2;
	s6 =	simm.s32 $0x108;
	_ =	swait.ge @!p0 [sflag:s8], $0x0  }
0x24: {  	s3 =	sadd.s32 $0x88, s3;
	s6 =	simm.s32 @!p1 $0x1082;
	[sflag:s4] =	ssyncset.s32 $0xFFFFF086  }
0x25: {  	[simem:s6], [sflag:s4] =	dma.local [hbm:s3], $0xF7A  }
0x26: {  	[smem:$0x3F98] =	sst s1;
	(tag) =	ssettag s2;
	_ =	strace s9  }
0x27: {  	s1 =	sld [smem:$0x3FA8]  }
0x28: {  	s2 =	sld [smem:$0x3FA9]  }
0x29: {  	s4 =	sld [smem:$0x3FAB]  }
0x2a: {  	p0 =	seq.s32 s5, $0x0;
	s5 =	sld [smem:$0x3FAC]  }
0x2b: {  	s6 =	sld [smem:$0x3FAD]  }
0x2c: {  	s7 =	sld [smem:$0x3FAE]  }
0x2d: {  	s3 =	simm.s32 $0x108;
	s8 =	sld [smem:$0x3FAF]  }
0x2e: {  	s3 =	simm.s32 @!p0 $0x1082;
	s9 =	sld [smem:$0x3FB0]  }
0x2f: {  	lr =	sadd.s32 s0, s3;
	s0 =	sld [smem:$0x3FA7]  }
0x30: {  	s3 =	sld [smem:$0x3FAA]  }
0x31: {  	[smem:$0x3FB3] =	sst s10  }
0x32: {  	s10 =	sld [smem:$0x3FB1];
	_ =	sdelay $0x3  }
0x33: {  	p0 =	seq.s32 s10, $0x1;
	s10 =	sld [smem:$0x3FB3];
	_ =	sdelay $0x3  }
0x34: {  	[smem:$0x3FB3] =	sst s10  }
0x35: {  	s10 =	sld [smem:$0x3FB2];
	_ =	sdelay $0x3  }
0x36: {  	p1 =	seq.s32 s10, $0x1;
	s10 =	sld [smem:$0x3FB3];
	_ =	sdelay $0x3  }
0x37: {  	[smem:$0x3FB3] =	sst s10  }
0x38: {  	s10 =	sld [smem:$0x3FB4]  }
0x39: {  	_ = 	snop;
	(pc) =	sbr.ind lr, $3  }
0x3a: {  	_ = 	snop  }
0x3b: {  	_ = 	snop  }
0x3c: {  	p2 =	seq.s32 s10, $0x1;
	s10 =	sld [smem:$0x3FB3]  }
0x3d: {  	_ =	shalt  }
0x3e: {  	_ =	shalt  }
0x3f: {  	_ =	shalt  }
0x40: {  	_ =	shalt  }
0x41: {  	_ =	shalt  }
0x42: {  	_ =	shalt  }
0x43: {  	_ =	shalt  }
0x44: {  	_ =	shalt  }
0x45: {  	_ =	shalt  }
0x46: {  	_ =	shalt  }
0x47: {  	_ =	shalt  }
0x48: {  	_ =	shalt  }
0x49: {  	_ =	shalt  }
0x4a: {  	_ =	shalt  }
0x4b: {  	_ =	shalt  }
0x4c: {  	_ =	shalt  }
0x4d: {  	_ =	shalt  }
0x4e: {  	_ =	shalt  }
0x4f: {  	_ =	shalt  }
0x50: {  	_ =	shalt  }
0x51: {  	_ =	shalt  }
0x52: {  	_ =	shalt  }
0x53: {  	_ =	shalt  }
0x54: {  	_ =	shalt  }
0x55: {  	_ =	shalt  }
0x56: {  	_ =	shalt  }
0x57: {  	_ =	shalt  }
0x58: {  	_ =	shalt  }
0x59: {  	_ =	shalt  }
0x5a: {  	_ =	shalt  }
0x5b: {  	_ =	shalt  }
0x5c: {  	_ =	shalt  }
0x5d: {  	_ =	shalt  }
0x5e: {  	_ =	shalt  }
0x5f: {  	_ =	shalt  }
0x60: {  	_ =	shalt  }
0x61: {  	_ =	shalt  }
0x62: {  	_ =	shalt  }
0x63: {  	_ =	shalt  }
0x64: {  	_ =	shalt  }
0x65: {  	_ =	shalt  }
0x66: {  	_ =	shalt  }
0x67: {  	_ =	shalt  }
0x68: {  	_ =	shalt  }
0x69: {  	_ =	shalt  }
0x6a: {  	_ =	shalt  }
0x6b: {  	_ =	shalt  }
0x6c: {  	_ =	shalt  }
0x6d: {  	_ =	shalt  }
0x6e: {  	_ =	shalt  }
0x6f: {  	_ =	shalt  }
0x70: {  	_ =	shalt  }
0x71: {  	_ =	shalt  }
0x72: {  	_ =	shalt  }
0x73: {  	_ =	shalt  }
0x74: {  	_ =	shalt  }
0x75: {  	_ =	shalt  }
0x76: {  	_ =	shalt  }
0x77: {  	_ =	shalt  }
0x78: {  	_ =	shalt  }
0x79: {  	_ =	shalt  }
0x7a: {  	_ =	shalt  }
0x7b: {  	_ =	shalt  }
0x7c: {  	_ =	shalt  }
0x7d: {  	_ =	shalt  }
0x7e: {  	_ =	shalt  }
0x7f: {  	_ =	shalt  }
0x80: {  	_ =	shalt  }
0x81: {  	_ =	shalt  }
0x82: {  	_ =	shalt  }
0x83: {  	_ =	shalt  }
0x84: {  	_ =	shalt  }
0x85: {  	_ =	shalt  }
0x86: {  	_ =	shalt  }
0x87: {  	_ =	shalt  }
.Lfunc_end0:
.L_simem_size_0:
called_computation.3_lowered:
.L_overlay_start_0:
0x88: {  	s2 =	sld [smem:$0x3FD9]  }
0x89: {  	s3 =	sld [smem:$0x3FFE];
	_ =	sdelay $0x1  }
0x8a: {  	s1 =	srdreg.scid  }
0x8b: {  	s0 =	sand.u32 $0x1, s1  }
0x8c: {  	s16 =	sshll.u32 s0, $0xA;
	s2 =	sadd.s32 s3, s2  }
0x8d: {  	s2 =	sadd.s32 s2, s16  }
0x8e: {  	[smem:$0x3FBF] =	sst s2  }
0x8f: {  	_ = 	snop  }
0x90: {  	(tm) =	ssettm $0x1  }
0x91: {  	s17 =	sld [smem:$0x3FFB];
	_ =	sdelay $0x3  }
0x92: {  	_ =	strace s17  }
0x93: {  	s2 =	sld [smem:$0x3FFC];
	_ =	sdelay $0x3  }
0x94: {  	_ =	strace s2  }
0x95: {  	s2 =	sld [smem:$0x3FFD];
	_ =	sdelay $0x3  }
0x96: {  	_ =	strace s2  }
0x97: {  	_ =	strace $0x8FFFFFFF  }
0x98: {  	s18 =	sld [smem:$0x3FDB];
	_ =	sdelay $0x1  }
0x99: {  	s19 =	simm.s32 $_scs_section_size  }
0x9a: {  	s4 =	simm.s32 $_size__tile_overlayer_lowered;
	s5 =	simm.s32 $_tile_overlayer_lowered  }
0x9b: {  	s22 =	simm.s32 $0x1BFF;
	s21 =	sshll.u32 s5, $0x1;
	s2 =	sadd.s32 s19, s18  }
0x9c: {  	s6 =	simm.s32 $0x0;
	s20 =	sshll.u32 s4, $0x1;
	s4 =	sadd.s32 s21, s2  }
0x9d: {  	[timem:s6], [sflag:s22] =	dma.local [hbm:s4], s20  }
0x9e: {  	_ =	swait.ge [sflag:s22], s20  }
0x9f: {  	s3 =	ssub.s32 $0x0, s20;
	[sflag:s22] =	ssyncset.done $0x0  }
0xa0: {  	[sflag:s22] =	ssyncadd.s32 s3;
	_ =	sdelay $0x1  }
0xa1: {  	s23 =	simm.s32 $0x1B8B  }
0xa2: {  	_ =	swait.ge [sflag:s23], $0x1  }
0xa3: {  	[sflag:s23] =	ssyncset.done $0x0  }
0xa4: {  	s25 =	simm.s32 $0x1B8E;
	s24 =	sld [smem:$0x3FFE];
	[sflag:s23] =	ssyncadd.s32 $0xFFFFFFFF  }
0xa5: {  	s26 =	simm.s32 $execute0_lowered;
	[smem:$0x3FD2] =	sst s25  }
0xa6: {  	s4 =	sshll.u32 s26, $0x1;
	_ =	strace $0x8000004F;
	[dreg:$0x1] =	wrdreg $0xFFFFFFFF  }
0xa7: {  	s28 =	simm.s32 $_size_execute0_lowered;
	s2 =	sadd.s32 s2, s4;
	[dreg:$0x0] =	wrdreg $0x0  }
0xa8: {  	s4 =	sshll.u32 s28, $0x1;
	[dreg:$0x2] =	wrdreg s2  }
0xa9: {  	[dreg:$0x3] =	wrdreg s4  }
0xaa: {  	[dreg:$0x4] =	wrdreg $0xC0  }
0xab: {  	_ =	task [dreg:s6], $0x5FFFF  }
0xac: {  	[dreg:$0x1] =	wrdreg $0xFFFFFFFF  }
0xad: {  	[dreg:$0x0] =	wrdreg $0x60  }
0xae: {  	[dreg:$0x2] =	wrdreg s24  }
0xaf: {  	[dreg:$0x3] =	wrdreg $0xA9000  }
0xb0: {  	[dreg:$0x4] =	wrdreg $0x9  }
0xb1: {  	_ =	task.clear_ibuf [dreg:s6], $0x5FFFF;
	_ =	strace $0x9000004F  }
0xb2: {  	s29 =	simm.s32 $0x9;
	_ =	strace $0x80000051  }
0xb3: {  	_ =	swait.ge [sflag:s29], $0x1  }
0xb4: {  	[sflag:s29] =	ssyncadd.s32 $0xFFFFFFFF  }
0xb5: {  	_ =	strace $0x90000051  }
0xb6: {  	_ =	sfence  }
0xb7: {  	s30 =	sld [smem:$0x0];
	_ =	sdelay $0x2  }
0xb8: {  	s31 =	sshll.u32 s1, $0xD;
	s1 =	sshrl.u32 s1, $0x2  }
0xb9: {  	s3 =	sand.u32 $0x4000, s31;
	s1 =	sadd.s32 s1, s30  }
0xba: {  	s0 =	sor.u32 s3, s0;
	s1 =	sshll.u32 s1, $0x11  }
0xbb: {  	s0 =	sor.u32 s1, s0  }
0xbc: {  	s0 =	sadd.s32 $0x8F2B, s0  }
0xbd: {  	[sflag:s0] =	ssyncadd.remote.s32 $0x1  }
0xbe: {  	_ =	sfence.sel $0xFFFF  }
0xbf: {  	[dreg:$0x0] =	wrdreg $0xFFFFFFFF;
	(pc) =	sbr.abs _section_cstart, $3  }
0xc0: {  	[dreg:$0x1] =	wrdreg $0xFFFFFFFF  }
0xc1: {  	_ =	task.clear_ibuf [dreg:s6], $0x2FFFF;
	_ =	strace $0x9FFFFFFF  }
0xc2: {  	(tm) =	ssettm $0x7FFFFFFF  }
0xc3: {  	_ =	shalt  }
tec
execute0_lowered:
.L_overlay_start_1:
0x0: {  	(tag) =	ssettag $0x1  }
0x1: {  	s0 =	srdreg.scid  }
0x2: {  	s10 =	stileid.u32;
	s1 =	rddreg [dreg:$0x0]  }
0x3: {  	s0 =	sand.u32 $0x1, s0;
	s3 =	sshll.u32 s10, $0x1;
	s8 =	smul.u32 $0x14000, s10  }
0x4: {  	s2 =	rddreg [dreg:$0x1];
	s4 =	sor.u32 s0, s3;
	s7 =	smul.u32 $0x140000, s0  }
0x5: {  	s5 =	sadd.s32 $0x17600, s1;
	s3 =	simm.s32 $0x0;
	s4 =	smul.u32 $0x2800, s4  }
0x6: {  	s6 =	sadd.s32 $0xD600, s1;
	s10 =	smul.u32 $0x50000, s10;
	[smem:$0x7FF] =	sst s3  }
0x7: {  	_ =	strace $0x80000050;
	s7 =	sadd.s32 s8, s7;
	s9 =	sshrl.u32 s4, $0x3  }
0x8: {  	s8 =	sshrl.u32 s10, $0x2;
	s7 =	sshrl.u32 s7, $0x3;
	s12 =	sadd.s32 s9, s1  }
0x9: {  	s1 =	sadd.s32 s7, s1;
	s7 =	sadd.s32 s6, s9;
	s13 =	sadd.s32 $0x3600, s12  }
0xa: {  	s9 =	sadd.s32 s8, s2;
	s14 =	sadd.s32 $0x10, s7;
	[dreg:$0x3] =	wrdreg s13  }
0xb: {  	s31 =	simm.s32 $0x7;
	s15 =	sadd.s32 $0x1400, s9;
	[dreg:$0x4] =	wrdreg s14  }
0xc: {  	s0 =	ssub.s32 $0x2, s0;
	s16 =	sadd.s32 $0x2800, s9;
	[dreg:$0x5] =	wrdreg s15  }
0xd: {  	s11 =	sshrl.u32 s0, $0x1;
	s17 =	sadd.s32 $0x3C00, s9;
	[dreg:$0x6] =	wrdreg s16  }
0xe: {  	s0 =	ssub.s32 s0, s11;
	s18 =	sadd.s32 $0x5000, s9;
	[dreg:$0x7] =	wrdreg s17  }
0xf: {  	s10 =	simm.s32 $0x6900;
	s19 =	sadd.s32 $0x6400, s9;
	[dreg:$0x8] =	wrdreg s18  }
0x10: {  	s11 =	simm.s32 $0x6;
	s20 =	sadd.s32 $0x7800, s9;
	[dreg:$0x9] =	wrdreg s19  }
0x11: {  	s8 =	simm.s32 $0x2900;
	s21 =	sadd.s32 $0x8C00, s9;
	[dreg:$0xa] =	wrdreg s20  }
0x12: {  	s22 =	sadd.s32 $0xA000, s9;
	s23 =	sadd.s32 $0xB400, s9;
	[dreg:$0xb] =	wrdreg s21  }
0x13: {  	s24 =	sadd.s32 $0xC800, s9;
	s25 =	sadd.s32 $0xDC00, s9;
	[dreg:$0xc] =	wrdreg s22  }
0x14: {  	s26 =	sadd.s32 $0xF000, s9;
	s28 =	sadd.s32 $0x12C00, s9;
	[dreg:$0xd] =	wrdreg s23  }
0x15: {  	s29 =	sadd.s32 $0x20, s7;
	s30 =	sadd.s32 $0x30, s7;
	[dreg:$0xe] =	wrdreg s24  }
.Ltmp0:
0x16: {  	s12 =	simm.s32 $0x5;
	[dreg:$0xf] =	wrdreg s25;
	(pc) =	sbr.rel .LBB2_1-.Ltmp0, $4  }
0x17: {  	[dreg:$0x10] =	wrdreg s26;
	s23 =	sadd.s32 $0x10400, s9;
	s24 =	sadd.s32 $0x3E800, s1  }
0x18: {  	s25 =	smax.u32 s0, $0x1;
	s26 =	sadd.s32 $0x11800, s9;
	s1 =	simm.s32 $0x100  }
0x19: {  	s0 =	simm.s32 $0x80;
	s13 =	simm.s32 $0x1;
	s14 =	simm.s32 $0x3  }
0x1a: {  	v0 =	vimm.f32 $0.0e+00;
	s15 =	simm.s32 $0x2;
	s16 =	simm.s32 $0x4;
	s17 =	simm.s32 $0x0  }
.LBB2_6:
0x1b: {  	_ =	swait.ge [sflag:s16], $0x4000;
	s18 =	stileid.u32  }
0x1c: {  	s19 =	sshrl.u32 s9, $0x3;
	s17 =	sadd.s32 $0x1, s17;
	[sflag:s16] =	ssyncset.done $0x0  }
0x1d: {  	s18 =	sshll.u32 s18, $0x6;
	p0 =	sne.s32 s17, s25;
	[sflag:s16] =	ssyncadd.s32 $0xFFFFC000  }
.Ltmp1:
0x1e: {  	s18 =	sor.u32 $0x1C07, s18;
	[bflag:$0x0] =	sbarrier.arrive $0xFFFF;
	(pc) =	sbr.rel @!p0 .LBB2_7-.Ltmp1, $4  }
0x1f: {  	[hbm:s24], [sflag:s18] =	dma.local [spmem:s19], $0x2800  }
0x20: {  	_ =	swait.ge [sflag:s31], $0x2800  }
0x21: {  	[sflag:s31] =	ssyncset.done $0x0  }
0x22: {  	[sflag:s31] =	ssyncadd.s32 $0xFFFFD800  }
.LBB2_1:
0x23: {  	[tilespmem:s3], [sflag:$0x7] =	stream.linear.gather [hbm4b:s7+s3], $0x80, $0x38;
	[tilespmem:$0x1E900] =	vst v63  }
0x24: {  	_ =	swait.ge [sflag:s31], $0x80  }
0x25: {  	[sflag:s31] =	ssyncset.done $0x0  }
0x26: {  	s18 =	rddreg [dreg:$0x3];
	[sflag:s31] =	ssyncadd.s32 $0xFFFFFF80  }
0x27: {  	[tilespmem:s1], [sflag:$0x7] =	stream.linear.gather [hbm4b:s18+s3], $0x2800, $0x38;
	[tilespmem:$0x1E900] =	vst v63  }
0x28: {  	s22 =	sand.u32 $0x7E00, s3;
	_ =	swait.ge [sflag:s31], $0x2800  }
0x29: {  	s19 =	sand.u32 $0x70, s3;
	s20 =	sshrl.u32 s22, $0x2;
	[sflag:s31] =	ssyncset.done $0x0  }
0x2a: {  	s20 =	sor.u32 s19, s20;
	[sflag:s31] =	ssyncadd.s32 $0xFFFFD800  }
0x2b: {  	[tilespmem:s8], [sflag:$0x1] =	stream.indirect.gather [hbm4b:s5+s0], $0x80, s3, s0, $0xb8;
	[tilespmem:$0x1E900] =	vst v63  }
0x2c: {  	s19 =	simm.s32 $0x0;
	s18 =	simm.s32 $0x40;
	s21 =	rddreg [dreg:$0x4]  }
0x2d: {  	[tilespmem:s0], [sflag:$0x5] =	stream.linear.gather [hbm4b:s21+s3], $0x80, $0x38;
	[tilespmem:$0x1E900] =	vst v63  }
.LBB2_2:
0x2e: {  	p0 =	sne.s32 s18, $0x4FC0  }
0x2f: {  	[tilespmem:s20+$0x6900] =	vst v0;
	s19 =	sadd.s32 $0x10, s19;
	s20 =	smov.u32 s18;
	s18 =	sadd.s32 $0x40, s18  }
.Ltmp2:
0x30: {  	(pc) =	sbr.rel @p0 .LBB2_2-.Ltmp2, $4  }
0x31: {  	_ = 	snop  }
0x32: {  	s20 =	sand.u32 $0x7E00, s20  }
0x33: {  	s21 =	sand.u32 $0x70, s19;
	s20 =	sshrl.u32 s20, $0x2  }
0x34: {  	s20 =	sor.u32 s21, s20  }
0x35: {  	[tilespmem:s20+$0x6900] =	vst v0  }
0x36: {  	[spmem:s9] =	stream.linear.scatter [tilespmem:s10], [sflag:$0x6], $0x1400, $0x38;
	[tilespmem:$0x1E900] =	vst v63  }
0x37: {  	s18 =	rddreg [dreg:$0x5]  }
0x38: {  	[spmem:s18] =	stream.linear.scatter [tilespmem:s10], [sflag:$0x6], $0x1400, $0x38;
	[tilespmem:$0x1E900] =	vst v63  }
0x39: {  	s19 =	rddreg [dreg:$0x6]  }
0x3a: {  	[spmem:s19] =	stream.linear.scatter [tilespmem:s10], [sflag:$0x6], $0x1400, $0x38;
	[tilespmem:$0x1E900] =	vst v63  }
0x3b: {  	s20 =	rddreg [dreg:$0x7]  }
0x3c: {  	[spmem:s20] =	stream.linear.scatter [tilespmem:s10], [sflag:$0x6], $0x1400, $0x38;
	[tilespmem:$0x1E900] =	vst v63  }
0x3d: {  	s21 =	rddreg [dreg:$0x8]  }
0x3e: {  	[spmem:s21] =	stream.linear.scatter [tilespmem:s10], [sflag:$0x6], $0x1400, $0x38;
	[tilespmem:$0x1E900] =	vst v63  }
0x3f: {  	s22 =	rddreg [dreg:$0x9]  }
0x40: {  	[spmem:s22] =	stream.linear.scatter [tilespmem:s10], [sflag:$0x6], $0x1400, $0x38;
	[tilespmem:$0x1E900] =	vst v63  }
0x41: {  	s19 =	rddreg [dreg:$0xa]  }
0x42: {  	[spmem:s19] =	stream.linear.scatter [tilespmem:s10], [sflag:$0x6], $0x1400, $0x38;
	[tilespmem:$0x1E900] =	vst v63  }
0x43: {  	s20 =	rddreg [dreg:$0xb]  }
0x44: {  	[spmem:s20] =	stream.linear.scatter [tilespmem:s10], [sflag:$0x6], $0x1400, $0x38;
	[tilespmem:$0x1E900] =	vst v63  }
0x45: {  	s21 =	rddreg [dreg:$0xc]  }
0x46: {  	[spmem:s21] =	stream.linear.scatter [tilespmem:s10], [sflag:$0x6], $0x1400, $0x38;
	[tilespmem:$0x1E900] =	vst v63  }
0x47: {  	s22 =	rddreg [dreg:$0xd]  }
0x48: {  	[spmem:s22] =	stream.linear.scatter [tilespmem:s10], [sflag:$0x6], $0x1400, $0x38;
	[tilespmem:$0x1E900] =	vst v63  }
0x49: {  	s19 =	rddreg [dreg:$0xe]  }
0x4a: {  	[spmem:s19] =	stream.linear.scatter [tilespmem:s10], [sflag:$0x6], $0x1400, $0x38;
	[tilespmem:$0x1E900] =	vst v63  }
0x4b: {  	s20 =	rddreg [dreg:$0xf]  }
0x4c: {  	[spmem:s20] =	stream.linear.scatter [tilespmem:s10], [sflag:$0x6], $0x1400, $0x38;
	[tilespmem:$0x1E900] =	vst v63  }
0x4d: {  	s21 =	rddreg [dreg:$0x10]  }
0x4e: {  	[spmem:s21] =	stream.linear.scatter [tilespmem:s10], [sflag:$0x6], $0x1400, $0x38;
	[tilespmem:$0x1E900] =	vst v63  }
0x4f: {  	_ = 	snop  }
0x50: {  	[spmem:s23] =	stream.linear.scatter [tilespmem:s10], [sflag:$0x6], $0x1400, $0x38;
	[tilespmem:$0x1E900] =	vst v63  }
0x51: {  	_ = 	snop  }
0x52: {  	[spmem:s26] =	stream.linear.scatter [tilespmem:s10], [sflag:$0x6], $0x1400, $0x38;
	[tilespmem:$0x1E900] =	vst v63  }
0x53: {  	_ = 	snop  }
0x54: {  	[spmem:s28] =	stream.linear.scatter [tilespmem:s10], [sflag:$0x6], $0x1400, $0x38;
	[tilespmem:$0x1E900] =	vst v63  }
0x55: {  	_ =	swait.ge [sflag:s11], $0x1400  }
0x56: {  	[sflag:s11] =	ssyncset.done $0x0  }
0x57: {  	[sflag:s11] =	ssyncadd.s32 $0xFFFFEC00  }
0x58: {  	_ =	swait.ge [sflag:s11], $0x1400  }
0x59: {  	[sflag:s11] =	ssyncset.done $0x0  }
0x5a: {  	[sflag:s11] =	ssyncadd.s32 $0xFFFFEC00  }
0x5b: {  	_ =	swait.ge [sflag:s11], $0x1400  }
0x5c: {  	[sflag:s11] =	ssyncset.done $0x0  }
0x5d: {  	[sflag:s11] =	ssyncadd.s32 $0xFFFFEC00  }
0x5e: {  	_ =	swait.ge [sflag:s11], $0x1400  }
0x5f: {  	[sflag:s11] =	ssyncset.done $0x0  }
0x60: {  	[sflag:s11] =	ssyncadd.s32 $0xFFFFEC00  }
0x61: {  	_ =	swait.ge [sflag:s11], $0x1400  }
0x62: {  	[sflag:s11] =	ssyncset.done $0x0  }
0x63: {  	[sflag:s11] =	ssyncadd.s32 $0xFFFFEC00  }
0x64: {  	_ =	swait.ge [sflag:s11], $0x1400  }
0x65: {  	[sflag:s11] =	ssyncset.done $0x0  }
0x66: {  	[sflag:s11] =	ssyncadd.s32 $0xFFFFEC00  }
0x67: {  	_ =	swait.ge [sflag:s11], $0x1400  }
0x68: {  	[sflag:s11] =	ssyncset.done $0x0  }
0x69: {  	[sflag:s11] =	ssyncadd.s32 $0xFFFFEC00  }
0x6a: {  	_ =	swait.ge [sflag:s11], $0x1400  }
0x6b: {  	[sflag:s11] =	ssyncset.done $0x0  }
0x6c: {  	[sflag:s11] =	ssyncadd.s32 $0xFFFFEC00  }
0x6d: {  	_ =	swait.ge [sflag:s11], $0x1400  }
0x6e: {  	[sflag:s11] =	ssyncset.done $0x0  }
0x6f: {  	[sflag:s11] =	ssyncadd.s32 $0xFFFFEC00  }
0x70: {  	_ =	swait.ge [sflag:s11], $0x1400  }
0x71: {  	[sflag:s11] =	ssyncset.done $0x0  }
0x72: {  	[sflag:s11] =	ssyncadd.s32 $0xFFFFEC00  }
0x73: {  	_ =	swait.ge [sflag:s11], $0x1400  }
0x74: {  	[sflag:s11] =	ssyncset.done $0x0  }
0x75: {  	[sflag:s11] =	ssyncadd.s32 $0xFFFFEC00  }
0x76: {  	_ =	swait.ge [sflag:s11], $0x1400  }
0x77: {  	[sflag:s11] =	ssyncset.done $0x0  }
0x78: {  	[sflag:s11] =	ssyncadd.s32 $0xFFFFEC00  }
0x79: {  	_ =	swait.ge [sflag:s11], $0x1400  }
0x7a: {  	[sflag:s11] =	ssyncset.done $0x0  }
0x7b: {  	[sflag:s11] =	ssyncadd.s32 $0xFFFFEC00  }
0x7c: {  	_ =	swait.ge [sflag:s11], $0x1400  }
0x7d: {  	[sflag:s11] =	ssyncset.done $0x0  }
0x7e: {  	[sflag:s11] =	ssyncadd.s32 $0xFFFFEC00  }
0x7f: {  	_ =	swait.ge [sflag:s11], $0x1400  }
0x80: {  	[sflag:s11] =	ssyncset.done $0x0  }
0x81: {  	[sflag:s11] =	ssyncadd.s32 $0xFFFFEC00  }
0x82: {  	_ =	swait.ge [sflag:s11], $0x1400  }
0x83: {  	[sflag:s11] =	ssyncset.done $0x0  }
0x84: {  	[sflag:s11] =	ssyncadd.s32 $0xFFFFEC00  }
0x85: {  	[bflag:$0x0] =	sbarrier.arrive $0xFFFF  }
0x86: {  	_ =	swait.ge [sflag:s12], $0x80  }
0x87: {  	[sflag:s12] =	ssyncset.done $0x0  }
0x88: {  	[sflag:s12] =	ssyncadd.s32 $0xFFFFFF80  }
0x89: {  	[tilespmem:s10], [sflag:$0x2] =	stream.indirect.gather [hbm4b:s5+s0], $0x80, s0, s0, $0xb8;
	[tilespmem:$0x1E900] =	vst v63  }
0x8a: {  	_ =	swait.ge [sflag:s13], $0x4000  }
0x8b: {  	[sflag:s13] =	ssyncset.done $0x0  }
0x8c: {  	[sflag:s13] =	ssyncadd.s32 $0xFFFFC000  }
0x8d: {  	[spmem:s2] =	stream.indirect.scatter.add.f32 [tilespmem:s8], [sflag:$0x3], $0x80, s1, s0, $0xb8;
	[tilespmem:$0x1E900] =	vst v63  }
0x8e: {  	_ = 	snop  }
0x8f: {  	[tilespmem:s3], [sflag:$0x5] =	stream.linear.gather [hbm4b:s29+s3], $0x80, $0x38;
	[tilespmem:$0x1E900] =	vst v63  }
0x90: {  	_ =	swait.ge [sflag:s14], $0x4000  }
0x91: {  	[sflag:s14] =	ssyncset.done $0x0  }
0x92: {  	[sflag:s14] =	ssyncadd.s32 $0xFFFFC000  }
0x93: {  	_ =	swait.ge [sflag:s12], $0x80  }
0x94: {  	[sflag:s12] =	ssyncset.done $0x0  }
0x95: {  	[sflag:s12] =	ssyncadd.s32 $0xFFFFFF80  }
0x96: {  	[tilespmem:s8], [sflag:$0x1] =	stream.indirect.gather [hbm4b:s5+s0], $0x80, s3, s0, $0xb8;
	[tilespmem:$0x1E900] =	vst v63  }
0x97: {  	_ =	swait.ge [sflag:s15], $0x4000  }
0x98: {  	[sflag:s15] =	ssyncset.done $0x0  }
0x99: {  	s22 =	simm.s32 $0x180;
	[sflag:s15] =	ssyncadd.s32 $0xFFFFC000  }
0x9a: {  	[spmem:s2] =	stream.indirect.scatter.add.f32 [tilespmem:s10], [sflag:$0x4], $0x80, s22, s0, $0xb8;
	[tilespmem:$0x1E900] =	vst v63  }
0x9b: {  	s18 =	simm.s32 $0x280;
	s19 =	simm.s32 $0x280  }
0x9c: {  	[tilespmem:s0], [sflag:$0x5] =	stream.linear.gather [hbm4b:s30+s3], $0x80, $0x38;
	[tilespmem:$0x1E900] =	vst v63  }
.LBB2_4:
0x9d: {  	_ =	swait.ge [sflag:s16], $0x4000  }
0x9e: {  	[sflag:s16] =	ssyncset.done $0x0  }
0x9f: {  	[sflag:s16] =	ssyncadd.s32 $0xFFFFC000  }
0xa0: {  	_ =	swait.ge [sflag:s12], $0x80  }
0xa1: {  	[sflag:s12] =	ssyncset.done $0x0  }
0xa2: {  	[sflag:s12] =	ssyncadd.s32 $0xFFFFFF80  }
0xa3: {  	[tilespmem:s10], [sflag:$0x2] =	stream.indirect.gather [hbm4b:s5+s0], $0x80, s0, s0, $0xb8;
	[tilespmem:$0x1E900] =	vst v63  }
0xa4: {  	_ =	swait.ge [sflag:s13], $0x4000  }
0xa5: {  	[sflag:s13] =	ssyncset.done $0x0  }
0xa6: {  	s20 =	sadd.s32 $0xFFFFFF80, s19;
	p0 =	seq.s32 s18, $0x2880;
	[sflag:s13] =	ssyncadd.s32 $0xFFFFC000  }
0xa7: {  	[spmem:s2] =	stream.indirect.scatter.add.f32 [tilespmem:s8], [sflag:$0x3], $0x80, s20, s0, $0xb8;
	[tilespmem:$0x1E900] =	vst v63  }
0xa8: {  	s20 =	sadd.s32 @!p0 $0xFFFFFF80, s18  }
0xa9: {  	s21 =	sand.u32 @!p0 $0x7C00, s20  }
0xaa: {  	s22 =	simm.s32 @p0 $0x3;
	s20 =	sand.u32 @!p0 $0x300, s20;
	s21 =	sadd.s32 @!p0 s4, s21  }
0xab: {  	_ =	swait.ge @p0 [sflag:s22], $0x4000;
	s20 =	sor.u32 @!p0 s20, s21  }
0xac: {  	[sflag:s22] =	ssyncset.done @p0 $0x0;
	s20 =	sshrl.u32 @!p0 s20, $0x3  }
0xad: {  	[sflag:s22] =	ssyncadd.s32 @p0 $0xFFFFC000;
	s21 =	simm.s32 @!p0 $0x0;
	s20 =	sadd.s32 @!p0 s6, s20  }
0xae: {  	[tilespmem:s21], [sflag:$0x5] =	stream.linear.gather @!p0 [hbm4b:s20+s21], $0x80, $0x38;
	[tilespmem:$0x1E900] =	vst v63  }
0xaf: {  	s20 =	simm.s32 @!p0 $0x3  }
0xb0: {  	_ =	swait.ge @!p0 [sflag:s20], $0x4000  }
0xb1: {  	[sflag:s20] =	ssyncset.done @!p0 $0x0  }
0xb2: {  	[sflag:s20] =	ssyncadd.s32 @!p0 $0xFFFFC000;
	s20 =	simm.s32 @!p0 $0x5  }
0xb3: {  	_ =	swait.ge @!p0 [sflag:s20], $0x80  }
0xb4: {  	[sflag:s20] =	ssyncset.done @!p0 $0x0  }
0xb5: {  	s22 =	simm.s32 @!p0 $0x2900;
	[sflag:s20] =	ssyncadd.s32 @!p0 $0xFFFFFF80;
	s20 =	simm.s32 @!p0 $0x80  }
0xb6: {  	[tilespmem:s22], [sflag:$0x1] =	stream.indirect.gather @!p0 [hbm4b:s5+s20], $0x80, s21, s20, $0xb8;
	[tilespmem:$0x1E900] =	vst v63  }
.Ltmp3:
0xb7: {  	_ = 	snop;
	(pc) =	sbr.rel @p0 .LBB2_6-.Ltmp3, $4  }
0xb8: {  	_ =	swait.ge [sflag:s15], $0x4000  }
0xb9: {  	[sflag:s15] =	ssyncset.done $0x0  }
0xba: {  	[sflag:s15] =	ssyncadd.s32 $0xFFFFC000  }
0xbb: {  	[spmem:s2] =	stream.indirect.scatter.add.f32 [tilespmem:s10], [sflag:$0x4], $0x80, s19, s0, $0xb8;
	[tilespmem:$0x1E900] =	vst v63  }
0xbc: {  	s20 =	sand.u32 $0x7C00, s18  }
.Ltmp4:
0xbd: {  	s21 =	sand.u32 $0x380, s18;
	s20 =	sadd.s32 s4, s20;
	(pc) =	sbr.rel .LBB2_4-.Ltmp4, $4  }
0xbe: {  	s20 =	sor.u32 s21, s20  }
0xbf: {  	s20 =	sshrl.u32 s20, $0x3  }
0xc0: {  	s19 =	sadd.s32 $0x100, s19;
	s18 =	sadd.s32 $0x100, s18;
	s20 =	sadd.s32 s6, s20  }
0xc1: {  	[tilespmem:s0], [sflag:$0x5] =	stream.linear.gather [hbm4b:s20+s3], $0x80, $0x38;
	[tilespmem:$0x1E900] =	vst v63  }
.LBB2_7:
0xc2: {  	_ =	sfence.sel $0x180000  }
0xc3: {  	[bflag:$0x0] =	sbarrier.arrive $0xFFFF  }
0xc4: {  	_ =	strace $0x90000050  }
0xc5: {  	s0 =	stileid.u32;
	[bflag:$0x2] =	sbarrier.arrive $0xFFFF  }
0xc6: {  	p0 =	sne.s32 s0, $0x0;
	s0 =	rddreg [dreg:$0x2]  }
0xc7: {  	s0 =	sadd.s32 @!p0 $0x100000, s0  }
0xc8: {  	[sflag:s0] =	ssyncadd.tile.s32 @!p0 $0x1;
	_ =	shalt  }
.Lfunc_end2:
_tile_overlayer_lowered:
.L_overlay_start_2:
0xc9: {  	(tag) =	ssettag $0x2  }
0xca: {  	s0 =	rddreg [dreg:$0x0];
	s2 =	stileid.u32  }
0xcb: {  	s1 =	rddreg [dreg:$0x1];
	p0 =	sne.s32 s2, $0x0  }
0xcc: {  	s3 =	rddreg [dreg:$0x2];
	[bflag:$0x3] =	sbarrier.arrive $0xFFFF;
	s2 =	simm.s32 @!p0 $0x1C07  }
0xcd: {  	[timem:s3], [sflag:s2] =	dma.local @!p0 [hbm:s0], s1  }
0xce: {  	s0 =	simm.s32 @!p0 $0x7  }
0xcf: {  	_ =	swait.ge @!p0 [sflag:s0], s1  }
0xd0: {  	s1 =	ssub.s32 @!p0 $0x0, s1;
	[sflag:s0] =	ssyncset.done @!p0 $0x0  }
0xd1: {  	[sflag:s0] =	ssyncadd.s32 @!p0 s1  }
0xd2: {  	[bflag:$0x3] =	sbarrier.arrive $0xFFFF  }
0xd3: {  	_ =	shalt  }

</sc_bundles>
